<compile_context>
chip_gen: v7x
topology: tpu7x:2x2x1
jax: 0.10.2.dev20260603
libtpu: 0.0.44.dev20260713+nightly
codegen_flags: <defaults>
</compile_context>

<pallas_src>
import functools

import jax
import jax.numpy as jnp
from jax import lax
from jax.experimental import pallas as pl
from jax.experimental.pallas import tpu as pltpu
from jax.experimental.pallas import tpu_sc as plsc

N_BINS = 15
C = 14
BATCH = 8
H = 512
W = 512
TOTAL = BATCH * H * W
NC, NS, L = 2, 16, 16
NW = NC * NS

RG = H // 8
CG = W // 128
TPI = RG * CG
NTILES = BATCH * TPI
VPT = (8 * 128) // L
UNROLL = 2

TC_ROWS = 128
TC_CPB = H // TC_ROWS
TC_PIX = TC_ROWS * W

SC_TILES = 1024
TPW = SC_TILES // NW
TC_TILE0 = SC_TILES // (TPI // TC_CPB)
TC_STEPS = (NTILES - SC_TILES) // (TPI // TC_CPB)


def _sc_histogram(inp, tgt):
    mesh = plsc.VectorSubcoreMesh(core_axis_name="c", subcore_axis_name="s")

    @functools.partial(
        pl.kernel,
        mesh=mesh,
        out_type=jax.ShapeDtypeStruct((3, NW, L), jnp.float32),
        scratch_types=[
            pltpu.VMEM((2, C, 8, 128), jnp.float32),
            pltpu.VMEM((2, C, 8, 128), jnp.float32),
            pltpu.VMEM((N_BINS * L,), jnp.float32),
            pltpu.VMEM((N_BINS * L,), jnp.float32),
            pltpu.VMEM((N_BINS * L,), jnp.float32),
            pltpu.VMEM((L,), jnp.float32),
            pltpu.SemaphoreType.DMA,
            pltpu.SemaphoreType.DMA,
        ],
        compiler_params=pltpu.CompilerParams(
            needs_layout_passes=False, use_tc_tiling_on_sc=True),
    )
    def k(inp_hbm, tgt_hbm, out_hbm, ibuf, tbuf, hcnt, hconf, hacc, ostage,
          sem0, sem1):
        cid = lax.axis_index("c")
        sid = lax.axis_index("s")
        wid = sid * NC + cid
        g0 = wid * TPW
        sems = (sem0, sem1)

        def copies(r, p):
            g = g0 + r
            b = g // TPI
            rr = g % TPI
            rg = rr // CG
            cg = rr % CG
            rows = pl.ds(pl.multiple_of(rg * 8, 8), 8)
            cols = pl.ds(pl.multiple_of(cg * 128, 128), 128)
            return (
                pltpu.make_async_copy(
                    inp_hbm.at[b, :, rows, cols], ibuf.at[p], sems[p]),
                pltpu.make_async_copy(
                    tgt_hbm.at[b, :, rows, cols], tbuf.at[p], sems[p]),
            )

        def issue(r, p):
            for cp in copies(r, p):
                cp.start()

        def wait(r, p):
            for cp in copies(r, p):
                cp.wait()

        zero = jnp.zeros((L,), jnp.float32)
        for i in range(N_BINS):
            hcnt[pl.ds(i * L, L)] = zero
            hconf[pl.ds(i * L, L)] = zero
            hacc[pl.ds(i * L, L)] = zero

        lane = lax.iota(jnp.int32, L)
        ones = jnp.ones((L,), jnp.float32)

        issue(0, 0)

        def tree(vals, f):
            while len(vals) > 1:
                nxt = [f(vals[a], vals[a + 1])
                       for a in range(0, len(vals) - 1, 2)]
                if len(vals) % 2:
                    nxt.append(vals[-1])
                vals = nxt
            return vals[0]

        def argmax_pair(a, b):
            g = b[0] > a[0]
            return (jnp.where(g, b[0], a[0]), jnp.where(g, b[1], a[1]))

        def process(p, q, o):
            oo = pl.multiple_of(o, L)
            xs = [ibuf[p, c, q, pl.ds(oo, L)] for c in range(C)]
            ts = [tbuf[p, c, q, pl.ds(oo, L)] for c in range(C)]
            m = tree(xs, jnp.maximum)
            s = tree([jnp.exp(x) for x in xs], jnp.add)
            _, ti = tree(list(zip(ts, xs)), argmax_pair)
            conf = jnp.exp(m) / s
            acc = jnp.where(ti == m, 1.0, 0.0).astype(jnp.float32)
            bi = jnp.minimum((conf * jnp.float32(N_BINS)).astype(jnp.int32),
                             N_BINS - 1)
            idx = bi * L + lane
            plsc.addupdate_scatter(hcnt, [idx], ones)
            plsc.addupdate_scatter(hconf, [idx], conf)
            plsc.addupdate_scatter(hacc, [idx], acc)

        def chunk_body(p):
            @plsc.parallel_loop(0, VPT, 1, unroll=UNROLL)
            def vbody(j):
                process(p, j // 8, (j % 8) * L)

        def round_body(i, carry):
            r0 = i * 2
            issue(r0 + 1, 1)
            wait(r0, 0)
            chunk_body(0)

            @pl.when(r0 + 2 < TPW)
            def _():
                issue(r0 + 2, 0)

            wait(r0 + 1, 1)
            chunk_body(1)
            return carry

        lax.fori_loop(0, TPW // 2, round_body, 0)

        for stat, href in enumerate((hcnt, hconf, hacc)):
            outv = zero
            for bi in range(N_BINS):
                v = href[pl.ds(bi * L, L)]
                sval = jnp.sum(v)
                outv = jnp.where(lane == bi, sval, outv)
            ostage[...] = outv
            pltpu.sync_copy(ostage, out_hbm.at[stat, wid])

    return k(inp, tgt)


def _tc_histogram(inp, tgt):
    def body(x_ref, t_ref, o_ref):
        first = pl.program_id(0) == 0

        @pl.when(first)
        def _():
            o_ref[...] = jnp.zeros((3, L), jnp.float32)

        x = x_ref[0]
        t = t_ref[0]
        m = jnp.max(x, axis=0)
        s = jnp.sum(jnp.exp(x), axis=0)
        conf = jnp.exp(m) / s
        tm = jnp.max(t, axis=0)
        acc = jnp.any((t == tm[None]) & (x == m[None]), axis=0)
        accf = acc.astype(jnp.float32)
        bi = jnp.minimum((conf * jnp.float32(N_BINS)).astype(jnp.int32),
                         N_BINS - 1)
        row = lax.broadcasted_iota(jnp.int32, (3, L), 0)
        col = lax.broadcasted_iota(jnp.int32, (3, L), 1)
        out = jnp.zeros((3, L), jnp.float32)
        for b in range(N_BINS):
            msk = (bi == b).astype(jnp.float32)
            cb = jnp.sum(msk)
            sb = jnp.sum(conf * msk)
            ab = jnp.sum(accf * msk)
            val = jnp.where(row == 0, cb, jnp.where(row == 1, sb, ab))
            out = out + jnp.where(col == b, val, 0.0)
        o_ref[...] += out

    return pl.pallas_call(
        body,
        grid=(TC_STEPS,),
        in_specs=[
            pl.BlockSpec((1, C, TC_ROWS, W),
                         lambda i: ((TC_TILE0 + i) // TC_CPB, 0,
                                    (TC_TILE0 + i) % TC_CPB, 0)),
            pl.BlockSpec((1, C, TC_ROWS, W),
                         lambda i: ((TC_TILE0 + i) // TC_CPB, 0,
                                    (TC_TILE0 + i) % TC_CPB, 0)),
        ],
        out_specs=pl.BlockSpec((3, L), lambda i: (0, 0)),
        out_shape=jax.ShapeDtypeStruct((3, L), jnp.float32),
    )(inp, tgt)


def _finish(sc_part, tc_part):
    def body(p_ref, q_ref, o_ref):
        tot = jnp.sum(p_ref[...], axis=1) + q_ref[...]
        count = tot[0]
        conf_sum = tot[1]
        acc_sum = tot[2]
        prop = count * jnp.float32(1.0 / TOTAL)
        denom = jnp.maximum(count, 1.0)
        ece = jnp.sum(jnp.abs(acc_sum / denom - conf_sum / denom) * prop)
        o_ref[...] = jnp.full((1, 1), ece, jnp.float32)

    return pl.pallas_call(
        body,
        out_shape=jax.ShapeDtypeStruct((1, 1), jnp.float32),
    )(sc_part, tc_part)


def kernel(input, target):
    sc_part = _sc_histogram(input, target)
    tc_part = _tc_histogram(input, target)
    res = _finish(sc_part, tc_part)
    metric = res[0, 0]
    return (metric, metric)

# --- scband reference (transcript-rebuilt; emitter-appended) ---
"""Pipeline reference for scband-ece-metric-41609643163880 (READ-ONLY COPY).

The authoritative reference and input builder live on the scoring server;
editing this copy changes nothing except your own understanding.
"""

import jax, jax.numpy as jnp
import numpy as np

N_BINS = 15
NUM_CLASSES = 14

def setup_inputs(seed: int = 0) -> dict:
    key = jax.random.key(seed)
    k1, k2 = jax.random.split(key)
    inp = jax.random.normal(k1, (8, NUM_CLASSES, 512, 512), dtype=jnp.float32)
    tgt = jax.random.normal(k2, (8, NUM_CLASSES, 512, 512), dtype=jnp.float32)
    return {"input": inp, "target": tgt}

def _ece_l1(probs, label, n_bins):
    # probs: [N, C], label: [N]
    conf = jnp.max(probs, axis=1)
    pred = jnp.argmax(probs, axis=1)
    acc = (pred == label).astype(jnp.float32)
    # equal-width bins on [0, 1] (torchmetrics MulticlassCalibrationError binning)
    bin_idx = jnp.clip(jnp.floor(conf * n_bins).astype(jnp.int32), 0, n_bins - 1)
    count = jnp.zeros((n_bins,), jnp.float32).at[bin_idx].add(1.0)
    conf_sum = jnp.zeros((n_bins,), jnp.float32).at[bin_idx].add(conf)
    acc_sum = jnp.zeros((n_bins,), jnp.float32).at[bin_idx].add(acc)
    prop = count / conf.shape[0]
    denom = jnp.maximum(count, 1.0)
    conf_bin = conf_sum / denom
    acc_bin = acc_sum / denom
    ece = jnp.sum(jnp.abs(acc_bin - conf_bin) * prop)
    return ece

def reference(input, target):
    bs = input.shape[0]
    class_num = input.shape[1]
    probabilities = jax.nn.softmax(input, axis=1)
    label = jnp.argmax(target, axis=1)  # [B, H, W]
    # no mask path: flatten to per-pixel [N, C]
    probabilities = probabilities.reshape(bs, class_num, -1)
    probabilities = jnp.transpose(probabilities, (0, 2, 1))
    probabilities = probabilities.reshape(-1, class_num)
    label = label.reshape(-1)
    metric = _ece_l1(probabilities, label, N_BINS)
    # original returns (metric, metric_track); metric_track is just the detached value
    return (metric, metric)

if __name__ == "__main__":
    import jax
    _d = setup_inputs()
    print(jax.jit(kernel)(*tuple(_d.values())))

</pallas_src>

<mosaic_0001>
#map = affine_map<(d0, d1) -> (0, 0, 0, 0)>
#map1 = affine_map<(d0, d1) -> (0, 0, 0)>
module attributes {stable_mosaic.version = 14 : i64} {
  func.func @k(%arg0: i32, %arg1: i32, %arg2: memref<8x14x512x512xf32, #tpu.memory_space<hbm>>, %arg3: memref<8x14x512x512xf32, #tpu.memory_space<hbm>>, %arg4: memref<3x32x16xf32, #tpu.memory_space<hbm>>, %arg5: memref<2x14x8x128xf32, #tpu.memory_space<vmem>>, %arg6: memref<2x14x8x128xf32, #tpu.memory_space<vmem>>, %arg7: memref<240xf32, #tpu.memory_space<vmem>>, %arg8: memref<240xf32, #tpu.memory_space<vmem>>, %arg9: memref<240xf32, #tpu.memory_space<vmem>>, %arg10: memref<16xf32, #tpu.memory_space<vmem>>, %arg11: memref<!tpu.dma_semaphore, #tpu.memory_space<semaphore_mem>>, %arg12: memref<!tpu.dma_semaphore, #tpu.memory_space<semaphore_mem>>) attributes {dimension_semantics = [#tpu.dimension_semantics<core_parallel>, #tpu.dimension_semantics<subcore_parallel>], iteration_bounds = array<i64: 2, 16>, scalar_prefetch = 0 : i64, scratch_operands = 8 : i64, tpu.core_type = #tpu.core_type<sc_vector_subcore>, window_params = [{transform_indices = #map}, {transform_indices = #map}, {transform_indices = #map1}]} {
    %mul3A = arith.constant 2 : i32
    %mul3A_0 = arith.muli %arg1, %mul3A : i32
    %add3A = arith.addi %mul3A_0, %arg0 : i32
    %mul3A_1 = arith.constant 32 : i32
    %mul3A_2 = arith.muli %add3A, %mul3A_1 : i32
    %broadcast_in_dim3A = arith.constant 0.000000e+00 : f32
    %broadcast_in_dim3A_3 = vector.broadcast %broadcast_in_dim3A : f32 to vector<16xf32>
    %swap3A = arith.constant 0 : index
    %swap3A_4 = tpu.vector_load %arg7[%swap3A] {strides = array<i32>} : memref<240xf32, #tpu.memory_space<vmem>>, vector<16xf32>,
    tpu.vector_store %arg7[%swap3A], %broadcast_in_dim3A_3 {strides = array<i32>} : memref<240xf32, #tpu.memory_space<vmem>>, vector<16xf32>,
    %swap3A_5 = arith.constant 0 : index
    %swap3A_6 = tpu.vector_load %arg8[%swap3A_5] {strides = array<i32>} : memref<240xf32, #tpu.memory_space<vmem>>, vector<16xf32>,
    tpu.vector_store %arg8[%swap3A_5], %broadcast_in_dim3A_3 {strides = array<i32>} : memref<240xf32, #tpu.memory_space<vmem>>, vector<16xf32>,
    %swap3A_7 = arith.constant 0 : index
    %swap3A_8 = tpu.vector_load %arg9[%swap3A_7] {strides = array<i32>} : memref<240xf32, #tpu.memory_space<vmem>>, vector<16xf32>,
    tpu.vector_store %arg9[%swap3A_7], %broadcast_in_dim3A_3 {strides = array<i32>} : memref<240xf32, #tpu.memory_space<vmem>>, vector<16xf32>,
    %swap3A_9 = arith.constant 16 : index
    %swap3A_10 = tpu.vector_load %arg7[%swap3A_9] {strides = array<i32>} : memref<240xf32, #tpu.memory_space<vmem>>, vector<16xf32>,
    tpu.vector_store %arg7[%swap3A_9], %broadcast_in_dim3A_3 {strides = array<i32>} : memref<240xf32, #tpu.memory_space<vmem>>, vector<16xf32>,
    %swap3A_11 = arith.constant 16 : index
    %swap3A_12 = tpu.vector_load %arg8[%swap3A_11] {strides = array<i32>} : memref<240xf32, #tpu.memory_space<vmem>>, vector<16xf32>,
    tpu.vector_store %arg8[%swap3A_11], %broadcast_in_dim3A_3 {strides = array<i32>} : memref<240xf32, #tpu.memory_space<vmem>>, vector<16xf32>,
    %swap3A_13 = arith.constant 16 : index
    %swap3A_14 = tpu.vector_load %arg9[%swap3A_13] {strides = array<i32>} : memref<240xf32, #tpu.memory_space<vmem>>, vector<16xf32>,
    tpu.vector_store %arg9[%swap3A_13], %broadcast_in_dim3A_3 {strides = array<i32>} : memref<240xf32, #tpu.memory_space<vmem>>, vector<16xf32>,
    %swap3A_15 = arith.constant 32 : index
    %swap3A_16 = tpu.vector_load %arg7[%swap3A_15] {strides = array<i32>} : memref<240xf32, #tpu.memory_space<vmem>>, vector<16xf32>,
    tpu.vector_store %arg7[%swap3A_15], %broadcast_in_dim3A_3 {strides = array<i32>} : memref<240xf32, #tpu.memory_space<vmem>>, vector<16xf32>,
    %swap3A_17 = arith.constant 32 : index
    %swap3A_18 = tpu.vector_load %arg8[%swap3A_17] {strides = array<i32>} : memref<240xf32, #tpu.memory_space<vmem>>, vector<16xf32>,
    tpu.vector_store %arg8[%swap3A_17], %broadcast_in_dim3A_3 {strides = array<i32>} : memref<240xf32, #tpu.memory_space<vmem>>, vector<16xf32>,
    %swap3A_19 = arith.constant 32 : index
    %swap3A_20 = tpu.vector_load %arg9[%swap3A_19] {strides = array<i32>} : memref<240xf32, #tpu.memory_space<vmem>>, vector<16xf32>,
    tpu.vector_store %arg9[%swap3A_19], %broadcast_in_dim3A_3 {strides = array<i32>} : memref<240xf32, #tpu.memory_space<vmem>>, vector<16xf32>,
    %swap3A_21 = arith.constant 48 : index
    %swap3A_22 = tpu.vector_load %arg7[%swap3A_21] {strides = array<i32>} : memref<240xf32, #tpu.memory_space<vmem>>, vector<16xf32>,
    tpu.vector_store %arg7[%swap3A_21], %broadcast_in_dim3A_3 {strides = array<i32>} : memref<240xf32, #tpu.memory_space<vmem>>, vector<16xf32>,
    %swap3A_23 = arith.constant 48 : index
    %swap3A_24 = tpu.vector_load %arg8[%swap3A_23] {strides = array<i32>} : memref<240xf32, #tpu.memory_space<vmem>>, vector<16xf32>,
    tpu.vector_store %arg8[%swap3A_23], %broadcast_in_dim3A_3 {strides = array<i32>} : memref<240xf32, #tpu.memory_space<vmem>>, vector<16xf32>,
    %swap3A_25 = arith.constant 48 : index
    %swap3A_26 = tpu.vector_load %arg9[%swap3A_25] {strides = array<i32>} : memref<240xf32, #tpu.memory_space<vmem>>, vector<16xf32>,
    tpu.vector_store %arg9[%swap3A_25], %broadcast_in_dim3A_3 {strides = array<i32>} : memref<240xf32, #tpu.memory_space<vmem>>, vector<16xf32>,
    %swap3A_27 = arith.constant 64 : index
    %swap3A_28 = tpu.vector_load %arg7[%swap3A_27] {strides = array<i32>} : memref<240xf32, #tpu.memory_space<vmem>>, vector<16xf32>,
    tpu.vector_store %arg7[%swap3A_27], %broadcast_in_dim3A_3 {strides = array<i32>} : memref<240xf32, #tpu.memory_space<vmem>>, vector<16xf32>,
    %swap3A_29 = arith.constant 64 : index
    %swap3A_30 = tpu.vector_load %arg8[%swap3A_29] {strides = array<i32>} : memref<240xf32, #tpu.memory_space<vmem>>, vector<16xf32>,
    tpu.vector_store %arg8[%swap3A_29], %broadcast_in_dim3A_3 {strides = array<i32>} : memref<240xf32, #tpu.memory_space<vmem>>, vector<16xf32>,
    %swap3A_31 = arith.constant 64 : index
    %swap3A_32 = tpu.vector_load %arg9[%swap3A_31] {strides = array<i32>} : memref<240xf32, #tpu.memory_space<vmem>>, vector<16xf32>,
    tpu.vector_store %arg9[%swap3A_31], %broadcast_in_dim3A_3 {strides = array<i32>} : memref<240xf32, #tpu.memory_space<vmem>>, vector<16xf32>,
    %swap3A_33 = arith.constant 80 : index
    %swap3A_34 = tpu.vector_load %arg7[%swap3A_33] {strides = array<i32>} : memref<240xf32, #tpu.memory_space<vmem>>, vector<16xf32>,
    tpu.vector_store %arg7[%swap3A_33], %broadcast_in_dim3A_3 {strides = array<i32>} : memref<240xf32, #tpu.memory_space<vmem>>, vector<16xf32>,
    %swap3A_35 = arith.constant 80 : index
    %swap3A_36 = tpu.vector_load %arg8[%swap3A_35] {strides = array<i32>} : memref<240xf32, #tpu.memory_space<vmem>>, vector<16xf32>,
    tpu.vector_store %arg8[%swap3A_35], %broadcast_in_dim3A_3 {strides = array<i32>} : memref<240xf32, #tpu.memory_space<vmem>>, vector<16xf32>,
    %swap3A_37 = arith.constant 80 : index
    %swap3A_38 = tpu.vector_load %arg9[%swap3A_37] {strides = array<i32>} : memref<240xf32, #tpu.memory_space<vmem>>, vector<16xf32>,
    tpu.vector_store %arg9[%swap3A_37], %broadcast_in_dim3A_3 {strides = array<i32>} : memref<240xf32, #tpu.memory_space<vmem>>, vector<16xf32>,
    %swap3A_39 = arith.constant 96 : index
    %swap3A_40 = tpu.vector_load %arg7[%swap3A_39] {strides = array<i32>} : memref<240xf32, #tpu.memory_space<vmem>>, vector<16xf32>,
    tpu.vector_store %arg7[%swap3A_39], %broadcast_in_dim3A_3 {strides = array<i32>} : memref<240xf32, #tpu.memory_space<vmem>>, vector<16xf32>,
    %swap3A_41 = arith.constant 96 : index
    %swap3A_42 = tpu.vector_load %arg8[%swap3A_41] {strides = array<i32>} : memref<240xf32, #tpu.memory_space<vmem>>, vector<16xf32>,
    tpu.vector_store %arg8[%swap3A_41], %broadcast_in_dim3A_3 {strides = array<i32>} : memref<240xf32, #tpu.memory_space<vmem>>, vector<16xf32>,
    %swap3A_43 = arith.constant 96 : index
    %swap3A_44 = tpu.vector_load %arg9[%swap3A_43] {strides = array<i32>} : memref<240xf32, #tpu.memory_space<vmem>>, vector<16xf32>,
    tpu.vector_store %arg9[%swap3A_43], %broadcast_in_dim3A_3 {strides = array<i32>} : memref<240xf32, #tpu.memory_space<vmem>>, vector<16xf32>,
    %swap3A_45 = arith.constant 112 : index
    %swap3A_46 = tpu.vector_load %arg7[%swap3A_45] {strides = array<i32>} : memref<240xf32, #tpu.memory_space<vmem>>, vector<16xf32>,
    tpu.vector_store %arg7[%swap3A_45], %broadcast_in_dim3A_3 {strides = array<i32>} : memref<240xf32, #tpu.memory_space<vmem>>, vector<16xf32>,
    %swap3A_47 = arith.constant 112 : index
    %swap3A_48 = tpu.vector_load %arg8[%swap3A_47] {strides = array<i32>} : memref<240xf32, #tpu.memory_space<vmem>>, vector<16xf32>,
    tpu.vector_store %arg8[%swap3A_47], %broadcast_in_dim3A_3 {strides = array<i32>} : memref<240xf32, #tpu.memory_space<vmem>>, vector<16xf32>,
    %swap3A_49 = arith.constant 112 : index
    %swap3A_50 = tpu.vector_load %arg9[%swap3A_49] {strides = array<i32>} : memref<240xf32, #tpu.memory_space<vmem>>, vector<16xf32>,
    tpu.vector_store %arg9[%swap3A_49], %broadcast_in_dim3A_3 {strides = array<i32>} : memref<240xf32, #tpu.memory_space<vmem>>, vector<16xf32>,
    %swap3A_51 = arith.constant 128 : index
    %swap3A_52 = tpu.vector_load %arg7[%swap3A_51] {strides = array<i32>} : memref<240xf32, #tpu.memory_space<vmem>>, vector<16xf32>,
    tpu.vector_store %arg7[%swap3A_51], %broadcast_in_dim3A_3 {strides = array<i32>} : memref<240xf32, #tpu.memory_space<vmem>>, vector<16xf32>,
    %swap3A_53 = arith.constant 128 : index
    %swap3A_54 = tpu.vector_load %arg8[%swap3A_53] {strides = array<i32>} : memref<240xf32, #tpu.memory_space<vmem>>, vector<16xf32>,
    tpu.vector_store %arg8[%swap3A_53], %broadcast_in_dim3A_3 {strides = array<i32>} : memref<240xf32, #tpu.memory_space<vmem>>, vector<16xf32>,
    %swap3A_55 = arith.constant 128 : index
    %swap3A_56 = tpu.vector_load %arg9[%swap3A_55] {strides = array<i32>} : memref<240xf32, #tpu.memory_space<vmem>>, vector<16xf32>,
    tpu.vector_store %arg9[%swap3A_55], %broadcast_in_dim3A_3 {strides = array<i32>} : memref<240xf32, #tpu.memory_space<vmem>>, vector<16xf32>,
    %swap3A_57 = arith.constant 144 : index
    %swap3A_58 = tpu.vector_load %arg7[%swap3A_57] {strides = array<i32>} : memref<240xf32, #tpu.memory_space<vmem>>, vector<16xf32>,
    tpu.vector_store %arg7[%swap3A_57], %broadcast_in_dim3A_3 {strides = array<i32>} : memref<240xf32, #tpu.memory_space<vmem>>, vector<16xf32>,
    %swap3A_59 = arith.constant 144 : index
    %swap3A_60 = tpu.vector_load %arg8[%swap3A_59] {strides = array<i32>} : memref<240xf32, #tpu.memory_space<vmem>>, vector<16xf32>,
    tpu.vector_store %arg8[%swap3A_59], %broadcast_in_dim3A_3 {strides = array<i32>} : memref<240xf32, #tpu.memory_space<vmem>>, vector<16xf32>,
    %swap3A_61 = arith.constant 144 : index
    %swap3A_62 = tpu.vector_load %arg9[%swap3A_61] {strides = array<i32>} : memref<240xf32, #tpu.memory_space<vmem>>, vector<16xf32>,
    tpu.vector_store %arg9[%swap3A_61], %broadcast_in_dim3A_3 {strides = array<i32>} : memref<240xf32, #tpu.memory_space<vmem>>, vector<16xf32>,
    %swap3A_63 = arith.constant 160 : index
    %swap3A_64 = tpu.vector_load %arg7[%swap3A_63] {strides = array<i32>} : memref<240xf32, #tpu.memory_space<vmem>>, vector<16xf32>,
    tpu.vector_store %arg7[%swap3A_63], %broadcast_in_dim3A_3 {strides = array<i32>} : memref<240xf32, #tpu.memory_space<vmem>>, vector<16xf32>,
    %swap3A_65 = arith.constant 160 : index
    %swap3A_66 = tpu.vector_load %arg8[%swap3A_65] {strides = array<i32>} : memref<240xf32, #tpu.memory_space<vmem>>, vector<16xf32>,
    tpu.vector_store %arg8[%swap3A_65], %broadcast_in_dim3A_3 {strides = array<i32>} : memref<240xf32, #tpu.memory_space<vmem>>, vector<16xf32>,
    %swap3A_67 = arith.constant 160 : index
    %swap3A_68 = tpu.vector_load %arg9[%swap3A_67] {strides = array<i32>} : memref<240xf32, #tpu.memory_space<vmem>>, vector<16xf32>,
    tpu.vector_store %arg9[%swap3A_67], %broadcast_in_dim3A_3 {strides = array<i32>} : memref<240xf32, #tpu.memory_space<vmem>>, vector<16xf32>,
    %swap3A_69 = arith.constant 176 : index
    %swap3A_70 = tpu.vector_load %arg7[%swap3A_69] {strides = array<i32>} : memref<240xf32, #tpu.memory_space<vmem>>, vector<16xf32>,
    tpu.vector_store %arg7[%swap3A_69], %broadcast_in_dim3A_3 {strides = array<i32>} : memref<240xf32, #tpu.memory_space<vmem>>, vector<16xf32>,
    %swap3A_71 = arith.constant 176 : index
    %swap3A_72 = tpu.vector_load %arg8[%swap3A_71] {strides = array<i32>} : memref<240xf32, #tpu.memory_space<vmem>>, vector<16xf32>,
    tpu.vector_store %arg8[%swap3A_71], %broadcast_in_dim3A_3 {strides = array<i32>} : memref<240xf32, #tpu.memory_space<vmem>>, vector<16xf32>,
    %swap3A_73 = arith.constant 176 : index
    %swap3A_74 = tpu.vector_load %arg9[%swap3A_73] {strides = array<i32>} : memref<240xf32, #tpu.memory_space<vmem>>, vector<16xf32>,
    tpu.vector_store %arg9[%swap3A_73], %broadcast_in_dim3A_3 {strides = array<i32>} : memref<240xf32, #tpu.memory_space<vmem>>, vector<16xf32>,
    %swap3A_75 = arith.constant 192 : index
    %swap3A_76 = tpu.vector_load %arg7[%swap3A_75] {strides = array<i32>} : memref<240xf32, #tpu.memory_space<vmem>>, vector<16xf32>,
    tpu.vector_store %arg7[%swap3A_75], %broadcast_in_dim3A_3 {strides = array<i32>} : memref<240xf32, #tpu.memory_space<vmem>>, vector<16xf32>,
    %swap3A_77 = arith.constant 192 : index
    %swap3A_78 = tpu.vector_load %arg8[%swap3A_77] {strides = array<i32>} : memref<240xf32, #tpu.memory_space<vmem>>, vector<16xf32>,
    tpu.vector_store %arg8[%swap3A_77], %broadcast_in_dim3A_3 {strides = array<i32>} : memref<240xf32, #tpu.memory_space<vmem>>, vector<16xf32>,
    %swap3A_79 = arith.constant 192 : index
    %swap3A_80 = tpu.vector_load %arg9[%swap3A_79] {strides = array<i32>} : memref<240xf32, #tpu.memory_space<vmem>>, vector<16xf32>,
    tpu.vector_store %arg9[%swap3A_79], %broadcast_in_dim3A_3 {strides = array<i32>} : memref<240xf32, #tpu.memory_space<vmem>>, vector<16xf32>,
    %swap3A_81 = arith.constant 208 : index
    %swap3A_82 = tpu.vector_load %arg7[%swap3A_81] {strides = array<i32>} : memref<240xf32, #tpu.memory_space<vmem>>, vector<16xf32>,
    tpu.vector_store %arg7[%swap3A_81], %broadcast_in_dim3A_3 {strides = array<i32>} : memref<240xf32, #tpu.memory_space<vmem>>, vector<16xf32>,
    %swap3A_83 = arith.constant 208 : index
    %swap3A_84 = tpu.vector_load %arg8[%swap3A_83] {strides = array<i32>} : memref<240xf32, #tpu.memory_space<vmem>>, vector<16xf32>,
    tpu.vector_store %arg8[%swap3A_83], %broadcast_in_dim3A_3 {strides = array<i32>} : memref<240xf32, #tpu.memory_space<vmem>>, vector<16xf32>,
    %swap3A_85 = arith.constant 208 : index
    %swap3A_86 = tpu.vector_load %arg9[%swap3A_85] {strides = array<i32>} : memref<240xf32, #tpu.memory_space<vmem>>, vector<16xf32>,
    tpu.vector_store %arg9[%swap3A_85], %broadcast_in_dim3A_3 {strides = array<i32>} : memref<240xf32, #tpu.memory_space<vmem>>, vector<16xf32>,
    %swap3A_87 = arith.constant 224 : index
    %swap3A_88 = tpu.vector_load %arg7[%swap3A_87] {strides = array<i32>} : memref<240xf32, #tpu.memory_space<vmem>>, vector<16xf32>,
    tpu.vector_store %arg7[%swap3A_87], %broadcast_in_dim3A_3 {strides = array<i32>} : memref<240xf32, #tpu.memory_space<vmem>>, vector<16xf32>,
    %swap3A_89 = arith.constant 224 : index
    %swap3A_90 = tpu.vector_load %arg8[%swap3A_89] {strides = array<i32>} : memref<240xf32, #tpu.memory_space<vmem>>, vector<16xf32>,
    tpu.vector_store %arg8[%swap3A_89], %broadcast_in_dim3A_3 {strides = array<i32>} : memref<240xf32, #tpu.memory_space<vmem>>, vector<16xf32>,
    %swap3A_91 = arith.constant 224 : index
    %swap3A_92 = tpu.vector_load %arg9[%swap3A_91] {strides = array<i32>} : memref<240xf32, #tpu.memory_space<vmem>>, vector<16xf32>,
    tpu.vector_store %arg9[%swap3A_91], %broadcast_in_dim3A_3 {strides = array<i32>} : memref<240xf32, #tpu.memory_space<vmem>>, vector<16xf32>,
    %iota3A = tpu.iota {dimensions = array<i32: 0>} : vector<16xi32>
    %broadcast_in_dim3A_93 = arith.constant 1.000000e+00 : f32
    %broadcast_in_dim3A_94 = vector.broadcast %broadcast_in_dim3A_93 : f32 to vector<16xf32>
    %add3A_95 = arith.constant 0 : i32
    %add3A_96 = arith.addi %mul3A_2, %add3A_95 : i32
    %jit3A = arith.constant 256 : i32
    %div3A = arith.divsi %add3A_96, %jit3A : i32
    %sign3A = arith.constant 0 : i32
    %sign3A_97 = arith.cmpi sgt, %add3A_96, %sign3A : i32
    %sign3A_98 = arith.extui %sign3A_97 : i1 to i32
    %sign3A_99 = arith.constant 0 : i32
    %sign3A_100 = arith.cmpi slt, %add3A_96, %sign3A_99 : i32
    %sign3A_101 = arith.extui %sign3A_100 : i1 to i32
    %sign3A_102 = arith.subi %sign3A_98, %sign3A_101 : i32
    %sign3A_103 = arith.constant 0 : i32
    %sign3A_104 = arith.cmpi sgt, %jit3A, %sign3A_103 : i32
    %sign3A_105 = arith.extui %sign3A_104 : i1 to i32
    %sign3A_106 = arith.constant 0 : i32
    %sign3A_107 = arith.cmpi slt, %jit3A, %sign3A_106 : i32
    %sign3A_108 = arith.extui %sign3A_107 : i1 to i32
    %sign3A_109 = arith.subi %sign3A_105, %sign3A_108 : i32
    %ne3A = arith.cmpi ne, %sign3A_102, %sign3A_109 : i32
    %rem3A = arith.remsi %add3A_96, %jit3A : i32
    %ne3A_110 = arith.constant 0 : i32
    %ne3A_111 = arith.cmpi ne, %rem3A, %ne3A_110 : i32
    %and3A = arith.andi %ne3A, %ne3A_111 : i1
    %sub3A = arith.constant 1 : i32
    %sub3A_112 = arith.subi %div3A, %sub3A : i32
    %select_n3A = arith.select %and3A, %sub3A_112, %div3A : i32
    %jit3A_113 = arith.constant 256 : i32
    %eq3A = arith.constant 0 : i32
    %eq3A_114 = arith.cmpi eq, %jit3A_113, %eq3A : i32
    %jit3A_115 = arith.constant 1 : i32
    %select_n3A_116 = arith.select %eq3A_114, %jit3A_115, %jit3A_113 : i32
    %rem3A_117 = arith.remsi %add3A_96, %select_n3A_116 : i32
    %ne3A_118 = arith.constant 0 : i32
    %ne3A_119 = arith.cmpi ne, %rem3A_117, %ne3A_118 : i32
    %lt3A = arith.constant 0 : i32
    %lt3A_120 = arith.cmpi slt, %rem3A_117, %lt3A : i32
    %lt3A_121 = arith.constant 0 : i32
    %lt3A_122 = arith.cmpi slt, %select_n3A_116, %lt3A_121 : i32
    %ne3A_123 = arith.xori %lt3A_120, %lt3A_122 : i1
    %and3A_124 = arith.andi %ne3A_123, %ne3A_119 : i1
    %add3A_125 = arith.addi %rem3A_117, %select_n3A_116 : i32
    %select_n3A_126 = arith.select %and3A_124, %add3A_125, %rem3A_117 : i32
    %jit3A_127 = arith.constant 4 : i32
    %div3A_128 = arith.divsi %select_n3A_126, %jit3A_127 : i32
    %sign3A_129 = arith.constant 0 : i32
    %sign3A_130 = arith.cmpi sgt, %select_n3A_126, %sign3A_129 : i32
    %sign3A_131 = arith.extui %sign3A_130 : i1 to i32
    %sign3A_132 = arith.constant 0 : i32
    %sign3A_133 = arith.cmpi slt, %select_n3A_126, %sign3A_132 : i32
    %sign3A_134 = arith.extui %sign3A_133 : i1 to i32
    %sign3A_135 = arith.subi %sign3A_131, %sign3A_134 : i32
    %sign3A_136 = arith.constant 0 : i32
    %sign3A_137 = arith.cmpi sgt, %jit3A_127, %sign3A_136 : i32
    %sign3A_138 = arith.extui %sign3A_137 : i1 to i32
    %sign3A_139 = arith.constant 0 : i32
    %sign3A_140 = arith.cmpi slt, %jit3A_127, %sign3A_139 : i32
    %sign3A_141 = arith.extui %sign3A_140 : i1 to i32
    %sign3A_142 = arith.subi %sign3A_138, %sign3A_141 : i32
    %ne3A_143 = arith.cmpi ne, %sign3A_135, %sign3A_142 : i32
    %rem3A_144 = arith.remsi %select_n3A_126, %jit3A_127 : i32
    %ne3A_145 = arith.constant 0 : i32
    %ne3A_146 = arith.cmpi ne, %rem3A_144, %ne3A_145 : i32
    %and3A_147 = arith.andi %ne3A_143, %ne3A_146 : i1
    %sub3A_148 = arith.constant 1 : i32
    %sub3A_149 = arith.subi %div3A_128, %sub3A_148 : i32
    %select_n3A_150 = arith.select %and3A_147, %sub3A_149, %div3A_128 : i32
    %jit3A_151 = arith.constant 4 : i32
    %eq3A_152 = arith.constant 0 : i32
    %eq3A_153 = arith.cmpi eq, %jit3A_151, %eq3A_152 : i32
    %jit3A_154 = arith.constant 1 : i32
    %select_n3A_155 = arith.select %eq3A_153, %jit3A_154, %jit3A_151 : i32
    %rem3A_156 = arith.remsi %select_n3A_126, %select_n3A_155 : i32
    %ne3A_157 = arith.constant 0 : i32
    %ne3A_158 = arith.cmpi ne, %rem3A_156, %ne3A_157 : i32
    %lt3A_159 = arith.constant 0 : i32
    %lt3A_160 = arith.cmpi slt, %rem3A_156, %lt3A_159 : i32
    %lt3A_161 = arith.constant 0 : i32
    %lt3A_162 = arith.cmpi slt, %select_n3A_155, %lt3A_161 : i32
    %ne3A_163 = arith.xori %lt3A_160, %lt3A_162 : i1
    %and3A_164 = arith.andi %ne3A_163, %ne3A_158 : i1
    %add3A_165 = arith.addi %rem3A_156, %select_n3A_155 : i32
    %select_n3A_166 = arith.select %and3A_164, %add3A_165, %rem3A_156 : i32
    %mul3A_167 = arith.constant 8 : i32
    %mul3A_168 = arith.muli %select_n3A_150, %mul3A_167 : i32
    %multiple_of3A = tpu.assume_multiple %mul3A_168, 8 : i32
    %mul3A_169 = arith.constant 128 : i32
    %mul3A_170 = arith.muli %select_n3A_166, %mul3A_169 : i32
    %multiple_of3A_171 = tpu.assume_multiple %mul3A_170, 128 : i32
    %dma_start3A = arith.constant 0 : i32
    %dma_start3A_172 = arith.constant 0 : i32
    %dma_start3A_173 = arith.constant 0 : i32
    %dma_start3A_174 = arith.constant 0 : i32
    %dma_start3A_175 = tpu.memref_slice %arg5[%dma_start3A, %dma_start3A_172, %dma_start3A_173, %dma_start3A_174] : memref<2x14x8x128xf32, #tpu.memory_space<vmem>> -> memref<1x14x8x128xf32, #tpu.memory_space<vmem>>
    %dma_start3A_176 = tpu.memref_squeeze %dma_start3A_175 : memref<1x14x8x128xf32, #tpu.memory_space<vmem>> -> memref<14x8x128xf32, #tpu.memory_space<vmem>>
    %dma_start3A_177 = arith.constant 0 : i32
    %dma_start3A_178 = tpu.memref_slice %arg2[%select_n3A, %dma_start3A_177, %multiple_of3A, %multiple_of3A_171] : memref<8x14x512x512xf32, #tpu.memory_space<hbm>> -> memref<1x14x8x128xf32, #tpu.memory_space<hbm>>
    %dma_start3A_179 = tpu.memref_squeeze %dma_start3A_178 : memref<1x14x8x128xf32, #tpu.memory_space<hbm>> -> memref<14x8x128xf32, #tpu.memory_space<hbm>>
    %dma_start3A_180 = arith.constant 0 : i32
    %dma_start3A_181 = arith.constant 0 : i32
    %dma_start3A_182 = arith.constant 0 : i32
    %dma_start3A_183 = tpu.memref_slice %arg5[%dma_start3A, %dma_start3A_180, %dma_start3A_181, %dma_start3A_182] : memref<2x14x8x128xf32, #tpu.memory_space<vmem>> -> memref<1x14x8x128xf32, #tpu.memory_space<vmem>>
    %dma_start3A_184 = tpu.memref_squeeze %dma_start3A_183 : memref<1x14x8x128xf32, #tpu.memory_space<vmem>> -> memref<14x8x128xf32, #tpu.memory_space<vmem>>
    %dma_start3A_185 = arith.constant 0 : i32
    %dma_start3A_186 = tpu.memref_slice %arg2[%select_n3A, %dma_start3A_185, %multiple_of3A, %multiple_of3A_171] : memref<8x14x512x512xf32, #tpu.memory_space<hbm>> -> memref<1x14x8x128xf32, #tpu.memory_space<hbm>>
    %dma_start3A_187 = tpu.memref_squeeze %dma_start3A_186 : memref<1x14x8x128xf32, #tpu.memory_space<hbm>> -> memref<14x8x128xf32, #tpu.memory_space<hbm>>
    tpu.enqueue_dma source(%dma_start3A_187 : memref<14x8x128xf32, #tpu.memory_space<hbm>>) target(%dma_start3A_184 : memref<14x8x128xf32, #tpu.memory_space<vmem>>) target_semaphore(%arg11 : memref<!tpu.dma_semaphore, #tpu.memory_space<semaphore_mem>>)
    %dma_start3A_188 = arith.constant 0 : i32
    %dma_start3A_189 = arith.constant 0 : i32
    %dma_start3A_190 = arith.constant 0 : i32
    %dma_start3A_191 = arith.constant 0 : i32
    %dma_start3A_192 = tpu.memref_slice %arg6[%dma_start3A_188, %dma_start3A_189, %dma_start3A_190, %dma_start3A_191] : memref<2x14x8x128xf32, #tpu.memory_space<vmem>> -> memref<1x14x8x128xf32, #tpu.memory_space<vmem>>
    %dma_start3A_193 = tpu.memref_squeeze %dma_start3A_192 : memref<1x14x8x128xf32, #tpu.memory_space<vmem>> -> memref<14x8x128xf32, #tpu.memory_space<vmem>>
    %dma_start3A_194 = arith.constant 0 : i32
    %dma_start3A_195 = tpu.memref_slice %arg3[%select_n3A, %dma_start3A_194, %multiple_of3A, %multiple_of3A_171] : memref<8x14x512x512xf32, #tpu.memory_space<hbm>> -> memref<1x14x8x128xf32, #tpu.memory_space<hbm>>
    %dma_start3A_196 = tpu.memref_squeeze %dma_start3A_195 : memref<1x14x8x128xf32, #tpu.memory_space<hbm>> -> memref<14x8x128xf32, #tpu.memory_space<hbm>>
    %dma_start3A_197 = arith.constant 0 : i32
    %dma_start3A_198 = arith.constant 0 : i32
    %dma_start3A_199 = arith.constant 0 : i32
    %dma_start3A_200 = tpu.memref_slice %arg6[%dma_start3A_188, %dma_start3A_197, %dma_start3A_198, %dma_start3A_199] : memref<2x14x8x128xf32, #tpu.memory_space<vmem>> -> memref<1x14x8x128xf32, #tpu.memory_space<vmem>>
    %dma_start3A_201 = tpu.memref_squeeze %dma_start3A_200 : memref<1x14x8x128xf32, #tpu.memory_space<vmem>> -> memref<14x8x128xf32, #tpu.memory_space<vmem>>
    %dma_start3A_202 = arith.constant 0 : i32
    %dma_start3A_203 = tpu.memref_slice %arg3[%select_n3A, %dma_start3A_202, %multiple_of3A, %multiple_of3A_171] : memref<8x14x512x512xf32, #tpu.memory_space<hbm>> -> memref<1x14x8x128xf32, #tpu.memory_space<hbm>>
    %dma_start3A_204 = tpu.memref_squeeze %dma_start3A_203 : memref<1x14x8x128xf32, #tpu.memory_space<hbm>> -> memref<14x8x128xf32, #tpu.memory_space<hbm>>
    tpu.enqueue_dma source(%dma_start3A_204 : memref<14x8x128xf32, #tpu.memory_space<hbm>>) target(%dma_start3A_201 : memref<14x8x128xf32, #tpu.memory_space<vmem>>) target_semaphore(%arg11 : memref<!tpu.dma_semaphore, #tpu.memory_space<semaphore_mem>>)
    %scan3A = arith.constant 0 : i32
    %scan3A_205 = arith.constant 0 : i32
    %scan3A_206 = arith.constant 16 : i32
    %scan3A_207 = arith.addi %scan3A_205, %scan3A_206 : i32
    %scan3A_208 = arith.constant 1 : i32
    scf.for %scan3A_711 = %scan3A_205 to %scan3A_207 step %scan3A_208  : i32 {
      %mul3A_712 = arith.constant 2 : i32
      %mul3A_713 = arith.muli %scan3A_711, %mul3A_712 : i32
      %add3A_714 = arith.constant 1 : i32
      %add3A_715 = arith.addi %mul3A_713, %add3A_714 : i32
      %add3A_716 = arith.addi %mul3A_2, %add3A_715 : i32
      %jit3A_717 = arith.constant 256 : i32
      %div3A_718 = arith.divsi %add3A_716, %jit3A_717 : i32
      %sign3A_719 = arith.constant 0 : i32
      %sign3A_720 = arith.cmpi sgt, %add3A_716, %sign3A_719 : i32
      %sign3A_721 = arith.extui %sign3A_720 : i1 to i32
      %sign3A_722 = arith.constant 0 : i32
      %sign3A_723 = arith.cmpi slt, %add3A_716, %sign3A_722 : i32
      %sign3A_724 = arith.extui %sign3A_723 : i1 to i32
      %sign3A_725 = arith.subi %sign3A_721, %sign3A_724 : i32
      %sign3A_726 = arith.constant 0 : i32
      %sign3A_727 = arith.cmpi sgt, %jit3A_717, %sign3A_726 : i32
      %sign3A_728 = arith.extui %sign3A_727 : i1 to i32
      %sign3A_729 = arith.constant 0 : i32
      %sign3A_730 = arith.cmpi slt, %jit3A_717, %sign3A_729 : i32
      %sign3A_731 = arith.extui %sign3A_730 : i1 to i32
      %sign3A_732 = arith.subi %sign3A_728, %sign3A_731 : i32
      %ne3A_733 = arith.cmpi ne, %sign3A_725, %sign3A_732 : i32
      %rem3A_734 = arith.remsi %add3A_716, %jit3A_717 : i32
      %ne3A_735 = arith.constant 0 : i32
      %ne3A_736 = arith.cmpi ne, %rem3A_734, %ne3A_735 : i32
      %and3A_737 = arith.andi %ne3A_733, %ne3A_736 : i1
      %sub3A_738 = arith.constant 1 : i32
      %sub3A_739 = arith.subi %div3A_718, %sub3A_738 : i32
      %select_n3A_740 = arith.select %and3A_737, %sub3A_739, %div3A_718 : i32
      %jit3A_741 = arith.constant 256 : i32
      %eq3A_742 = arith.constant 0 : i32
      %eq3A_743 = arith.cmpi eq, %jit3A_741, %eq3A_742 : i32
      %jit3A_744 = arith.constant 1 : i32
      %select_n3A_745 = arith.select %eq3A_743, %jit3A_744, %jit3A_741 : i32
      %rem3A_746 = arith.remsi %add3A_716, %select_n3A_745 : i32
      %ne3A_747 = arith.constant 0 : i32
      %ne3A_748 = arith.cmpi ne, %rem3A_746, %ne3A_747 : i32
      %lt3A_749 = arith.constant 0 : i32
      %lt3A_750 = arith.cmpi slt, %rem3A_746, %lt3A_749 : i32
      %lt3A_751 = arith.constant 0 : i32
      %lt3A_752 = arith.cmpi slt, %select_n3A_745, %lt3A_751 : i32
      %ne3A_753 = arith.xori %lt3A_750, %lt3A_752 : i1
      %and3A_754 = arith.andi %ne3A_753, %ne3A_748 : i1
      %add3A_755 = arith.addi %rem3A_746, %select_n3A_745 : i32
      %select_n3A_756 = arith.select %and3A_754, %add3A_755, %rem3A_746 : i32
      %jit3A_757 = arith.constant 4 : i32
      %div3A_758 = arith.divsi %select_n3A_756, %jit3A_757 : i32
      %sign3A_759 = arith.constant 0 : i32
      %sign3A_760 = arith.cmpi sgt, %select_n3A_756, %sign3A_759 : i32
      %sign3A_761 = arith.extui %sign3A_760 : i1 to i32
      %sign3A_762 = arith.constant 0 : i32
      %sign3A_763 = arith.cmpi slt, %select_n3A_756, %sign3A_762 : i32
      %sign3A_764 = arith.extui %sign3A_763 : i1 to i32
      %sign3A_765 = arith.subi %sign3A_761, %sign3A_764 : i32
      %sign3A_766 = arith.constant 0 : i32
      %sign3A_767 = arith.cmpi sgt, %jit3A_757, %sign3A_766 : i32
      %sign3A_768 = arith.extui %sign3A_767 : i1 to i32
      %sign3A_769 = arith.constant 0 : i32
      %sign3A_770 = arith.cmpi slt, %jit3A_757, %sign3A_769 : i32
      %sign3A_771 = arith.extui %sign3A_770 : i1 to i32
      %sign3A_772 = arith.subi %sign3A_768, %sign3A_771 : i32
      %ne3A_773 = arith.cmpi ne, %sign3A_765, %sign3A_772 : i32
      %rem3A_774 = arith.remsi %select_n3A_756, %jit3A_757 : i32
      %ne3A_775 = arith.constant 0 : i32
      %ne3A_776 = arith.cmpi ne, %rem3A_774, %ne3A_775 : i32
      %and3A_777 = arith.andi %ne3A_773, %ne3A_776 : i1
      %sub3A_778 = arith.constant 1 : i32
      %sub3A_779 = arith.subi %div3A_758, %sub3A_778 : i32
      %select_n3A_780 = arith.select %and3A_777, %sub3A_779, %div3A_758 : i32
      %jit3A_781 = arith.constant 4 : i32
      %eq3A_782 = arith.constant 0 : i32
      %eq3A_783 = arith.cmpi eq, %jit3A_781, %eq3A_782 : i32
      %jit3A_784 = arith.constant 1 : i32
      %select_n3A_785 = arith.select %eq3A_783, %jit3A_784, %jit3A_781 : i32
      %rem3A_786 = arith.remsi %select_n3A_756, %select_n3A_785 : i32
      %ne3A_787 = arith.constant 0 : i32
      %ne3A_788 = arith.cmpi ne, %rem3A_786, %ne3A_787 : i32
      %lt3A_789 = arith.constant 0 : i32
      %lt3A_790 = arith.cmpi slt, %rem3A_786, %lt3A_789 : i32
      %lt3A_791 = arith.constant 0 : i32
      %lt3A_792 = arith.cmpi slt, %select_n3A_785, %lt3A_791 : i32
      %ne3A_793 = arith.xori %lt3A_790, %lt3A_792 : i1
      %and3A_794 = arith.andi %ne3A_793, %ne3A_788 : i1
      %add3A_795 = arith.addi %rem3A_786, %select_n3A_785 : i32
      %select_n3A_796 = arith.select %and3A_794, %add3A_795, %rem3A_786 : i32
      %mul3A_797 = arith.constant 8 : i32
      %mul3A_798 = arith.muli %select_n3A_780, %mul3A_797 : i32
      %multiple_of3A_799 = tpu.assume_multiple %mul3A_798, 8 : i32
      %mul3A_800 = arith.constant 128 : i32
      %mul3A_801 = arith.muli %select_n3A_796, %mul3A_800 : i32
      %multiple_of3A_802 = tpu.assume_multiple %mul3A_801, 128 : i32
      %dma_start3A_803 = arith.constant 1 : i32
      %dma_start3A_804 = arith.constant 0 : i32
      %dma_start3A_805 = arith.constant 0 : i32
      %dma_start3A_806 = arith.constant 0 : i32
      %dma_start3A_807 = tpu.memref_slice %arg5[%dma_start3A_803, %dma_start3A_804, %dma_start3A_805, %dma_start3A_806] : memref<2x14x8x128xf32, #tpu.memory_space<vmem>> -> memref<1x14x8x128xf32, #tpu.memory_space<vmem>>
      %dma_start3A_808 = tpu.memref_squeeze %dma_start3A_807 : memref<1x14x8x128xf32, #tpu.memory_space<vmem>> -> memref<14x8x128xf32, #tpu.memory_space<vmem>>
      %dma_start3A_809 = arith.constant 0 : i32
      %dma_start3A_810 = tpu.memref_slice %arg2[%select_n3A_740, %dma_start3A_809, %multiple_of3A_799, %multiple_of3A_802] : memref<8x14x512x512xf32, #tpu.memory_space<hbm>> -> memref<1x14x8x128xf32, #tpu.memory_space<hbm>>
      %dma_start3A_811 = tpu.memref_squeeze %dma_start3A_810 : memref<1x14x8x128xf32, #tpu.memory_space<hbm>> -> memref<14x8x128xf32, #tpu.memory_space<hbm>>
      %dma_start3A_812 = arith.constant 0 : i32
      %dma_start3A_813 = arith.constant 0 : i32
      %dma_start3A_814 = arith.constant 0 : i32
      %dma_start3A_815 = tpu.memref_slice %arg5[%dma_start3A_803, %dma_start3A_812, %dma_start3A_813, %dma_start3A_814] : memref<2x14x8x128xf32, #tpu.memory_space<vmem>> -> memref<1x14x8x128xf32, #tpu.memory_space<vmem>>
      %dma_start3A_816 = tpu.memref_squeeze %dma_start3A_815 : memref<1x14x8x128xf32, #tpu.memory_space<vmem>> -> memref<14x8x128xf32, #tpu.memory_space<vmem>>
      %dma_start3A_817 = arith.constant 0 : i32
      %dma_start3A_818 = tpu.memref_slice %arg2[%select_n3A_740, %dma_start3A_817, %multiple_of3A_799, %multiple_of3A_802] : memref<8x14x512x512xf32, #tpu.memory_space<hbm>> -> memref<1x14x8x128xf32, #tpu.memory_space<hbm>>
      %dma_start3A_819 = tpu.memref_squeeze %dma_start3A_818 : memref<1x14x8x128xf32, #tpu.memory_space<hbm>> -> memref<14x8x128xf32, #tpu.memory_space<hbm>>
      tpu.enqueue_dma source(%dma_start3A_819 : memref<14x8x128xf32, #tpu.memory_space<hbm>>) target(%dma_start3A_816 : memref<14x8x128xf32, #tpu.memory_space<vmem>>) target_semaphore(%arg12 : memref<!tpu.dma_semaphore, #tpu.memory_space<semaphore_mem>>)
      %dma_start3A_820 = arith.constant 1 : i32
      %dma_start3A_821 = arith.constant 0 : i32
      %dma_start3A_822 = arith.constant 0 : i32
      %dma_start3A_823 = arith.constant 0 : i32
      %dma_start3A_824 = tpu.memref_slice %arg6[%dma_start3A_820, %dma_start3A_821, %dma_start3A_822, %dma_start3A_823] : memref<2x14x8x128xf32, #tpu.memory_space<vmem>> -> memref<1x14x8x128xf32, #tpu.memory_space<vmem>>
      %dma_start3A_825 = tpu.memref_squeeze %dma_start3A_824 : memref<1x14x8x128xf32, #tpu.memory_space<vmem>> -> memref<14x8x128xf32, #tpu.memory_space<vmem>>
      %dma_start3A_826 = arith.constant 0 : i32
      %dma_start3A_827 = tpu.memref_slice %arg3[%select_n3A_740, %dma_start3A_826, %multiple_of3A_799, %multiple_of3A_802] : memref<8x14x512x512xf32, #tpu.memory_space<hbm>> -> memref<1x14x8x128xf32, #tpu.memory_space<hbm>>
      %dma_start3A_828 = tpu.memref_squeeze %dma_start3A_827 : memref<1x14x8x128xf32, #tpu.memory_space<hbm>> -> memref<14x8x128xf32, #tpu.memory_space<hbm>>
      %dma_start3A_829 = arith.constant 0 : i32
      %dma_start3A_830 = arith.constant 0 : i32
      %dma_start3A_831 = arith.constant 0 : i32
      %dma_start3A_832 = tpu.memref_slice %arg6[%dma_start3A_820, %dma_start3A_829, %dma_start3A_830, %dma_start3A_831] : memref<2x14x8x128xf32, #tpu.memory_space<vmem>> -> memref<1x14x8x128xf32, #tpu.memory_space<vmem>>
      %dma_start3A_833 = tpu.memref_squeeze %dma_start3A_832 : memref<1x14x8x128xf32, #tpu.memory_space<vmem>> -> memref<14x8x128xf32, #tpu.memory_space<vmem>>
      %dma_start3A_834 = arith.constant 0 : i32
      %dma_start3A_835 = tpu.memref_slice %arg3[%select_n3A_740, %dma_start3A_834, %multiple_of3A_799, %multiple_of3A_802] : memref<8x14x512x512xf32, #tpu.memory_space<hbm>> -> memref<1x14x8x128xf32, #tpu.memory_space<hbm>>
      %dma_start3A_836 = tpu.memref_squeeze %dma_start3A_835 : memref<1x14x8x128xf32, #tpu.memory_space<hbm>> -> memref<14x8x128xf32, #tpu.memory_space<hbm>>
      tpu.enqueue_dma source(%dma_start3A_836 : memref<14x8x128xf32, #tpu.memory_space<hbm>>) target(%dma_start3A_833 : memref<14x8x128xf32, #tpu.memory_space<vmem>>) target_semaphore(%arg12 : memref<!tpu.dma_semaphore, #tpu.memory_space<semaphore_mem>>)
      %add3A_837 = arith.addi %mul3A_2, %mul3A_713 : i32
      %jit3A_838 = arith.constant 256 : i32
      %div3A_839 = arith.divsi %add3A_837, %jit3A_838 : i32
      %sign3A_840 = arith.constant 0 : i32
      %sign3A_841 = arith.cmpi sgt, %add3A_837, %sign3A_840 : i32
      %sign3A_842 = arith.extui %sign3A_841 : i1 to i32
      %sign3A_843 = arith.constant 0 : i32
      %sign3A_844 = arith.cmpi slt, %add3A_837, %sign3A_843 : i32
      %sign3A_845 = arith.extui %sign3A_844 : i1 to i32
      %sign3A_846 = arith.subi %sign3A_842, %sign3A_845 : i32
      %sign3A_847 = arith.constant 0 : i32
      %sign3A_848 = arith.cmpi sgt, %jit3A_838, %sign3A_847 : i32
      %sign3A_849 = arith.extui %sign3A_848 : i1 to i32
      %sign3A_850 = arith.constant 0 : i32
      %sign3A_851 = arith.cmpi slt, %jit3A_838, %sign3A_850 : i32
      %sign3A_852 = arith.extui %sign3A_851 : i1 to i32
      %sign3A_853 = arith.subi %sign3A_849, %sign3A_852 : i32
      %ne3A_854 = arith.cmpi ne, %sign3A_846, %sign3A_853 : i32
      %rem3A_855 = arith.remsi %add3A_837, %jit3A_838 : i32
      %ne3A_856 = arith.constant 0 : i32
      %ne3A_857 = arith.cmpi ne, %rem3A_855, %ne3A_856 : i32
      %and3A_858 = arith.andi %ne3A_854, %ne3A_857 : i1
      %sub3A_859 = arith.constant 1 : i32
      %sub3A_860 = arith.subi %div3A_839, %sub3A_859 : i32
      %select_n3A_861 = arith.select %and3A_858, %sub3A_860, %div3A_839 : i32
      %jit3A_862 = arith.constant 256 : i32
      %eq3A_863 = arith.constant 0 : i32
      %eq3A_864 = arith.cmpi eq, %jit3A_862, %eq3A_863 : i32
      %jit3A_865 = arith.constant 1 : i32
      %select_n3A_866 = arith.select %eq3A_864, %jit3A_865, %jit3A_862 : i32
      %rem3A_867 = arith.remsi %add3A_837, %select_n3A_866 : i32
      %ne3A_868 = arith.constant 0 : i32
      %ne3A_869 = arith.cmpi ne, %rem3A_867, %ne3A_868 : i32
      %lt3A_870 = arith.constant 0 : i32
      %lt3A_871 = arith.cmpi slt, %rem3A_867, %lt3A_870 : i32
      %lt3A_872 = arith.constant 0 : i32
      %lt3A_873 = arith.cmpi slt, %select_n3A_866, %lt3A_872 : i32
      %ne3A_874 = arith.xori %lt3A_871, %lt3A_873 : i1
      %and3A_875 = arith.andi %ne3A_874, %ne3A_869 : i1
      %add3A_876 = arith.addi %rem3A_867, %select_n3A_866 : i32
      %select_n3A_877 = arith.select %and3A_875, %add3A_876, %rem3A_867 : i32
      %jit3A_878 = arith.constant 4 : i32
      %div3A_879 = arith.divsi %select_n3A_877, %jit3A_878 : i32
      %sign3A_880 = arith.constant 0 : i32
      %sign3A_881 = arith.cmpi sgt, %select_n3A_877, %sign3A_880 : i32
      %sign3A_882 = arith.extui %sign3A_881 : i1 to i32
      %sign3A_883 = arith.constant 0 : i32
      %sign3A_884 = arith.cmpi slt, %select_n3A_877, %sign3A_883 : i32
      %sign3A_885 = arith.extui %sign3A_884 : i1 to i32
      %sign3A_886 = arith.subi %sign3A_882, %sign3A_885 : i32
      %sign3A_887 = arith.constant 0 : i32
      %sign3A_888 = arith.cmpi sgt, %jit3A_878, %sign3A_887 : i32
      %sign3A_889 = arith.extui %sign3A_888 : i1 to i32
      %sign3A_890 = arith.constant 0 : i32
      %sign3A_891 = arith.cmpi slt, %jit3A_878, %sign3A_890 : i32
      %sign3A_892 = arith.extui %sign3A_891 : i1 to i32
      %sign3A_893 = arith.subi %sign3A_889, %sign3A_892 : i32
      %ne3A_894 = arith.cmpi ne, %sign3A_886, %sign3A_893 : i32
      %rem3A_895 = arith.remsi %select_n3A_877, %jit3A_878 : i32
      %ne3A_896 = arith.constant 0 : i32
      %ne3A_897 = arith.cmpi ne, %rem3A_895, %ne3A_896 : i32
      %and3A_898 = arith.andi %ne3A_894, %ne3A_897 : i1
      %sub3A_899 = arith.constant 1 : i32
      %sub3A_900 = arith.subi %div3A_879, %sub3A_899 : i32
      %select_n3A_901 = arith.select %and3A_898, %sub3A_900, %div3A_879 : i32
      %jit3A_902 = arith.constant 4 : i32
      %eq3A_903 = arith.constant 0 : i32
      %eq3A_904 = arith.cmpi eq, %jit3A_902, %eq3A_903 : i32
      %jit3A_905 = arith.constant 1 : i32
      %select_n3A_906 = arith.select %eq3A_904, %jit3A_905, %jit3A_902 : i32
      %rem3A_907 = arith.remsi %select_n3A_877, %select_n3A_906 : i32
      %ne3A_908 = arith.constant 0 : i32
      %ne3A_909 = arith.cmpi ne, %rem3A_907, %ne3A_908 : i32
      %lt3A_910 = arith.constant 0 : i32
      %lt3A_911 = arith.cmpi slt, %rem3A_907, %lt3A_910 : i32
      %lt3A_912 = arith.constant 0 : i32
      %lt3A_913 = arith.cmpi slt, %select_n3A_906, %lt3A_912 : i32
      %ne3A_914 = arith.xori %lt3A_911, %lt3A_913 : i1
      %and3A_915 = arith.andi %ne3A_914, %ne3A_909 : i1
      %add3A_916 = arith.addi %rem3A_907, %select_n3A_906 : i32
      %select_n3A_917 = arith.select %and3A_915, %add3A_916, %rem3A_907 : i32
      %mul3A_918 = arith.constant 8 : i32
      %mul3A_919 = arith.muli %select_n3A_901, %mul3A_918 : i32
      %multiple_of3A_920 = tpu.assume_multiple %mul3A_919, 8 : i32
      %mul3A_921 = arith.constant 128 : i32
      %mul3A_922 = arith.muli %select_n3A_917, %mul3A_921 : i32
      %multiple_of3A_923 = tpu.assume_multiple %mul3A_922, 128 : i32
      %dma_wait3A = arith.constant 0 : i32
      %dma_wait3A_924 = arith.constant 0 : i32
      %dma_wait3A_925 = arith.constant 0 : i32
      %dma_wait3A_926 = arith.constant 0 : i32
      %dma_wait3A_927 = tpu.memref_slice %arg5[%dma_wait3A, %dma_wait3A_924, %dma_wait3A_925, %dma_wait3A_926] : memref<2x14x8x128xf32, #tpu.memory_space<vmem>> -> memref<1x14x8x128xf32, #tpu.memory_space<vmem>>
      %dma_wait3A_928 = tpu.memref_squeeze %dma_wait3A_927 : memref<1x14x8x128xf32, #tpu.memory_space<vmem>> -> memref<14x8x128xf32, #tpu.memory_space<vmem>>
      %dma_wait3A_929 = arith.constant 0 : i32
      %dma_wait3A_930 = tpu.memref_slice %arg2[%select_n3A_861, %dma_wait3A_929, %multiple_of3A_920, %multiple_of3A_923] : memref<8x14x512x512xf32, #tpu.memory_space<hbm>> -> memref<1x14x8x128xf32, #tpu.memory_space<hbm>>
      %dma_wait3A_931 = tpu.memref_squeeze %dma_wait3A_930 : memref<1x14x8x128xf32, #tpu.memory_space<hbm>> -> memref<14x8x128xf32, #tpu.memory_space<hbm>>
      %dma_wait3A_932 = arith.constant 0 : i32
      %dma_wait3A_933 = arith.constant 0 : i32
      %dma_wait3A_934 = arith.constant 0 : i32
      %dma_wait3A_935 = tpu.memref_slice %arg5[%dma_wait3A, %dma_wait3A_932, %dma_wait3A_933, %dma_wait3A_934] : memref<2x14x8x128xf32, #tpu.memory_space<vmem>> -> memref<1x14x8x128xf32, #tpu.memory_space<vmem>>
      %dma_wait3A_936 = tpu.memref_squeeze %dma_wait3A_935 : memref<1x14x8x128xf32, #tpu.memory_space<vmem>> -> memref<14x8x128xf32, #tpu.memory_space<vmem>>
      %dma_wait3A_937 = arith.constant 0 : i32
      %dma_wait3A_938 = tpu.memref_slice %arg2[%select_n3A_861, %dma_wait3A_937, %multiple_of3A_920, %multiple_of3A_923] : memref<8x14x512x512xf32, #tpu.memory_space<hbm>> -> memref<1x14x8x128xf32, #tpu.memory_space<hbm>>
      %dma_wait3A_939 = tpu.memref_squeeze %dma_wait3A_938 : memref<1x14x8x128xf32, #tpu.memory_space<hbm>> -> memref<14x8x128xf32, #tpu.memory_space<hbm>>
      tpu.wait_dma2 semaphore(%arg11 : memref<!tpu.dma_semaphore, #tpu.memory_space<semaphore_mem>>) src(%dma_wait3A_939 : memref<14x8x128xf32, #tpu.memory_space<hbm>>) dst(%dma_wait3A_936 : memref<14x8x128xf32, #tpu.memory_space<vmem>>)
      %dma_wait3A_940 = arith.constant 0 : i32
      %dma_wait3A_941 = arith.constant 0 : i32
      %dma_wait3A_942 = arith.constant 0 : i32
      %dma_wait3A_943 = arith.constant 0 : i32
      %dma_wait3A_944 = tpu.memref_slice %arg6[%dma_wait3A_940, %dma_wait3A_941, %dma_wait3A_942, %dma_wait3A_943] : memref<2x14x8x128xf32, #tpu.memory_space<vmem>> -> memref<1x14x8x128xf32, #tpu.memory_space<vmem>>
      %dma_wait3A_945 = tpu.memref_squeeze %dma_wait3A_944 : memref<1x14x8x128xf32, #tpu.memory_space<vmem>> -> memref<14x8x128xf32, #tpu.memory_space<vmem>>
      %dma_wait3A_946 = arith.constant 0 : i32
      %dma_wait3A_947 = tpu.memref_slice %arg3[%select_n3A_861, %dma_wait3A_946, %multiple_of3A_920, %multiple_of3A_923] : memref<8x14x512x512xf32, #tpu.memory_space<hbm>> -> memref<1x14x8x128xf32, #tpu.memory_space<hbm>>
      %dma_wait3A_948 = tpu.memref_squeeze %dma_wait3A_947 : memref<1x14x8x128xf32, #tpu.memory_space<hbm>> -> memref<14x8x128xf32, #tpu.memory_space<hbm>>
      %dma_wait3A_949 = arith.constant 0 : i32
      %dma_wait3A_950 = arith.constant 0 : i32
      %dma_wait3A_951 = arith.constant 0 : i32
      %dma_wait3A_952 = tpu.memref_slice %arg6[%dma_wait3A_940, %dma_wait3A_949, %dma_wait3A_950, %dma_wait3A_951] : memref<2x14x8x128xf32, #tpu.memory_space<vmem>> -> memref<1x14x8x128xf32, #tpu.memory_space<vmem>>
      %dma_wait3A_953 = tpu.memref_squeeze %dma_wait3A_952 : memref<1x14x8x128xf32, #tpu.memory_space<vmem>> -> memref<14x8x128xf32, #tpu.memory_space<vmem>>
      %dma_wait3A_954 = arith.constant 0 : i32
      %dma_wait3A_955 = tpu.memref_slice %arg3[%select_n3A_861, %dma_wait3A_954, %multiple_of3A_920, %multiple_of3A_923] : memref<8x14x512x512xf32, #tpu.memory_space<hbm>> -> memref<1x14x8x128xf32, #tpu.memory_space<hbm>>
      %dma_wait3A_956 = tpu.memref_squeeze %dma_wait3A_955 : memref<1x14x8x128xf32, #tpu.memory_space<hbm>> -> memref<14x8x128xf32, #tpu.memory_space<hbm>>
      tpu.wait_dma2 semaphore(%arg11 : memref<!tpu.dma_semaphore, #tpu.memory_space<semaphore_mem>>) src(%dma_wait3A_956 : memref<14x8x128xf32, #tpu.memory_space<hbm>>) dst(%dma_wait3A_953 : memref<14x8x128xf32, #tpu.memory_space<vmem>>)
      %parallel_loop3A = arith.constant 0 : i32
      %parallel_loop3A_957 = arith.constant 64 : i32
      %parallel_loop3A_958 = arith.constant 1 : i32
      scf.for %parallel_loop3A_1090 = %parallel_loop3A to %parallel_loop3A_957 step %parallel_loop3A_958  : i32 {
        %parallel_loop3A_1091 = arith.constant 8 : i32
        %parallel_loop3A_1092 = arith.divsi %parallel_loop3A_1090, %parallel_loop3A_1091 : i32
        %parallel_loop3A_1093 = arith.constant 0 : i32
        %parallel_loop3A_1094 = arith.cmpi sgt, %parallel_loop3A_1090, %parallel_loop3A_1093 : i32
        %parallel_loop3A_1095 = arith.extui %parallel_loop3A_1094 : i1 to i32
        %parallel_loop3A_1096 = arith.constant 0 : i32
        %parallel_loop3A_1097 = arith.cmpi slt, %parallel_loop3A_1090, %parallel_loop3A_1096 : i32
        %parallel_loop3A_1098 = arith.extui %parallel_loop3A_1097 : i1 to i32
        %parallel_loop3A_1099 = arith.subi %parallel_loop3A_1095, %parallel_loop3A_1098 : i32
        %parallel_loop3A_1100 = arith.constant 0 : i32
        %parallel_loop3A_1101 = arith.cmpi sgt, %parallel_loop3A_1091, %parallel_loop3A_1100 : i32
        %parallel_loop3A_1102 = arith.extui %parallel_loop3A_1101 : i1 to i32
        %parallel_loop3A_1103 = arith.constant 0 : i32
        %parallel_loop3A_1104 = arith.cmpi slt, %parallel_loop3A_1091, %parallel_loop3A_1103 : i32
        %parallel_loop3A_1105 = arith.extui %parallel_loop3A_1104 : i1 to i32
        %parallel_loop3A_1106 = arith.subi %parallel_loop3A_1102, %parallel_loop3A_1105 : i32
        %parallel_loop3A_1107 = arith.cmpi ne, %parallel_loop3A_1099, %parallel_loop3A_1106 : i32
        %parallel_loop3A_1108 = arith.remsi %parallel_loop3A_1090, %parallel_loop3A_1091 : i32
        %parallel_loop3A_1109 = arith.constant 0 : i32
        %parallel_loop3A_1110 = arith.cmpi ne, %parallel_loop3A_1108, %parallel_loop3A_1109 : i32
        %parallel_loop3A_1111 = arith.andi %parallel_loop3A_1107, %parallel_loop3A_1110 : i1
        %parallel_loop3A_1112 = arith.constant 1 : i32
        %parallel_loop3A_1113 = arith.subi %parallel_loop3A_1092, %parallel_loop3A_1112 : i32
        %parallel_loop3A_1114 = arith.select %parallel_loop3A_1111, %parallel_loop3A_1113, %parallel_loop3A_1092 : i32
        %parallel_loop3A_1115 = arith.constant 8 : i32
        %parallel_loop3A_1116 = arith.constant 0 : i32
        %parallel_loop3A_1117 = arith.cmpi eq, %parallel_loop3A_1115, %parallel_loop3A_1116 : i32
        %parallel_loop3A_1118 = arith.constant 1 : i32
        %parallel_loop3A_1119 = arith.select %parallel_loop3A_1117, %parallel_loop3A_1118, %parallel_loop3A_1115 : i32
        %parallel_loop3A_1120 = arith.remsi %parallel_loop3A_1090, %parallel_loop3A_1119 : i32
        %parallel_loop3A_1121 = arith.constant 0 : i32
        %parallel_loop3A_1122 = arith.cmpi ne, %parallel_loop3A_1120, %parallel_loop3A_1121 : i32
        %parallel_loop3A_1123 = arith.constant 0 : i32
        %parallel_loop3A_1124 = arith.cmpi slt, %parallel_loop3A_1120, %parallel_loop3A_1123 : i32
        %parallel_loop3A_1125 = arith.constant 0 : i32
        %parallel_loop3A_1126 = arith.cmpi slt, %parallel_loop3A_1119, %parallel_loop3A_1125 : i32
        %parallel_loop3A_1127 = arith.xori %parallel_loop3A_1124, %parallel_loop3A_1126 : i1
        %parallel_loop3A_1128 = arith.andi %parallel_loop3A_1127, %parallel_loop3A_1122 : i1
        %parallel_loop3A_1129 = arith.addi %parallel_loop3A_1120, %parallel_loop3A_1119 : i32
        %parallel_loop3A_1130 = arith.select %parallel_loop3A_1128, %parallel_loop3A_1129, %parallel_loop3A_1120 : i32
        %parallel_loop3A_1131 = arith.constant 16 : i32
        %parallel_loop3A_1132 = arith.muli %parallel_loop3A_1130, %parallel_loop3A_1131 : i32
        %parallel_loop3A_1133 = tpu.assume_multiple %parallel_loop3A_1132, 16 : i32
        %parallel_loop3A_1134 = arith.constant 0 : i32
        %parallel_loop3A_1135 = arith.constant 0 : i32
        %parallel_loop3A_1136 = arith.index_cast %parallel_loop3A_1134 : i32 to index
        %parallel_loop3A_1137 = arith.index_cast %parallel_loop3A_1135 : i32 to index
        %parallel_loop3A_1138 = arith.index_cast %parallel_loop3A_1114 : i32 to index
        %parallel_loop3A_1139 = arith.index_cast %parallel_loop3A_1133 : i32 to index
        %parallel_loop3A_1140 = tpu.vector_load %arg5[%parallel_loop3A_1136, %parallel_loop3A_1137, %parallel_loop3A_1138, %parallel_loop3A_1139] {strides = array<i32>} : memref<2x14x8x128xf32, #tpu.memory_space<vmem>>, vector<16xf32>,
        %parallel_loop3A_1141 = arith.constant 0 : i32
        %parallel_loop3A_1142 = arith.constant 1 : i32
        %parallel_loop3A_1143 = arith.index_cast %parallel_loop3A_1141 : i32 to index
        %parallel_loop3A_1144 = arith.index_cast %parallel_loop3A_1142 : i32 to index
        %parallel_loop3A_1145 = arith.index_cast %parallel_loop3A_1114 : i32 to index
        %parallel_loop3A_1146 = arith.index_cast %parallel_loop3A_1133 : i32 to index
        %parallel_loop3A_1147 = tpu.vector_load %arg5[%parallel_loop3A_1143, %parallel_loop3A_1144, %parallel_loop3A_1145, %parallel_loop3A_1146] {strides = array<i32>} : memref<2x14x8x128xf32, #tpu.memory_space<vmem>>, vector<16xf32>,
        %parallel_loop3A_1148 = arith.constant 0 : i32
        %parallel_loop3A_1149 = arith.constant 2 : i32
        %parallel_loop3A_1150 = arith.index_cast %parallel_loop3A_1148 : i32 to index
        %parallel_loop3A_1151 = arith.index_cast %parallel_loop3A_1149 : i32 to index
        %parallel_loop3A_1152 = arith.index_cast %parallel_loop3A_1114 : i32 to index
        %parallel_loop3A_1153 = arith.index_cast %parallel_loop3A_1133 : i32 to index
        %parallel_loop3A_1154 = tpu.vector_load %arg5[%parallel_loop3A_1150, %parallel_loop3A_1151, %parallel_loop3A_1152, %parallel_loop3A_1153] {strides = array<i32>} : memref<2x14x8x128xf32, #tpu.memory_space<vmem>>, vector<16xf32>,
        %parallel_loop3A_1155 = arith.constant 0 : i32
        %parallel_loop3A_1156 = arith.constant 3 : i32
        %parallel_loop3A_1157 = arith.index_cast %parallel_loop3A_1155 : i32 to index
        %parallel_loop3A_1158 = arith.index_cast %parallel_loop3A_1156 : i32 to index
        %parallel_loop3A_1159 = arith.index_cast %parallel_loop3A_1114 : i32 to index
        %parallel_loop3A_1160 = arith.index_cast %parallel_loop3A_1133 : i32 to index
        %parallel_loop3A_1161 = tpu.vector_load %arg5[%parallel_loop3A_1157, %parallel_loop3A_1158, %parallel_loop3A_1159, %parallel_loop3A_1160] {strides = array<i32>} : memref<2x14x8x128xf32, #tpu.memory_space<vmem>>, vector<16xf32>,
        %parallel_loop3A_1162 = arith.constant 0 : i32
        %parallel_loop3A_1163 = arith.constant 4 : i32
        %parallel_loop3A_1164 = arith.index_cast %parallel_loop3A_1162 : i32 to index
        %parallel_loop3A_1165 = arith.index_cast %parallel_loop3A_1163 : i32 to index
        %parallel_loop3A_1166 = arith.index_cast %parallel_loop3A_1114 : i32 to index
        %parallel_loop3A_1167 = arith.index_cast %parallel_loop3A_1133 : i32 to index
        %parallel_loop3A_1168 = tpu.vector_load %arg5[%parallel_loop3A_1164, %parallel_loop3A_1165, %parallel_loop3A_1166, %parallel_loop3A_1167] {strides = array<i32>} : memref<2x14x8x128xf32, #tpu.memory_space<vmem>>, vector<16xf32>,
        %parallel_loop3A_1169 = arith.constant 0 : i32
        %parallel_loop3A_1170 = arith.constant 5 : i32
        %parallel_loop3A_1171 = arith.index_cast %parallel_loop3A_1169 : i32 to index
        %parallel_loop3A_1172 = arith.index_cast %parallel_loop3A_1170 : i32 to index
        %parallel_loop3A_1173 = arith.index_cast %parallel_loop3A_1114 : i32 to index
        %parallel_loop3A_1174 = arith.index_cast %parallel_loop3A_1133 : i32 to index
        %parallel_loop3A_1175 = tpu.vector_load %arg5[%parallel_loop3A_1171, %parallel_loop3A_1172, %parallel_loop3A_1173, %parallel_loop3A_1174] {strides = array<i32>} : memref<2x14x8x128xf32, #tpu.memory_space<vmem>>, vector<16xf32>,
        %parallel_loop3A_1176 = arith.constant 0 : i32
        %parallel_loop3A_1177 = arith.constant 6 : i32
        %parallel_loop3A_1178 = arith.index_cast %parallel_loop3A_1176 : i32 to index
        %parallel_loop3A_1179 = arith.index_cast %parallel_loop3A_1177 : i32 to index
        %parallel_loop3A_1180 = arith.index_cast %parallel_loop3A_1114 : i32 to index
        %parallel_loop3A_1181 = arith.index_cast %parallel_loop3A_1133 : i32 to index
        %parallel_loop3A_1182 = tpu.vector_load %arg5[%parallel_loop3A_1178, %parallel_loop3A_1179, %parallel_loop3A_1180, %parallel_loop3A_1181] {strides = array<i32>} : memref<2x14x8x128xf32, #tpu.memory_space<vmem>>, vector<16xf32>,
        %parallel_loop3A_1183 = arith.constant 0 : i32
        %parallel_loop3A_1184 = arith.constant 7 : i32
        %parallel_loop3A_1185 = arith.index_cast %parallel_loop3A_1183 : i32 to index
        %parallel_loop3A_1186 = arith.index_cast %parallel_loop3A_1184 : i32 to index
        %parallel_loop3A_1187 = arith.index_cast %parallel_loop3A_1114 : i32 to index
        %parallel_loop3A_1188 = arith.index_cast %parallel_loop3A_1133 : i32 to index
        %parallel_loop3A_1189 = tpu.vector_load %arg5[%parallel_loop3A_1185, %parallel_loop3A_1186, %parallel_loop3A_1187, %parallel_loop3A_1188] {strides = array<i32>} : memref<2x14x8x128xf32, #tpu.memory_space<vmem>>, vector<16xf32>,
        %parallel_loop3A_1190 = arith.constant 0 : i32
        %parallel_loop3A_1191 = arith.constant 8 : i32
        %parallel_loop3A_1192 = arith.index_cast %parallel_loop3A_1190 : i32 to index
        %parallel_loop3A_1193 = arith.index_cast %parallel_loop3A_1191 : i32 to index
        %parallel_loop3A_1194 = arith.index_cast %parallel_loop3A_1114 : i32 to index
        %parallel_loop3A_1195 = arith.index_cast %parallel_loop3A_1133 : i32 to index
        %parallel_loop3A_1196 = tpu.vector_load %arg5[%parallel_loop3A_1192, %parallel_loop3A_1193, %parallel_loop3A_1194, %parallel_loop3A_1195] {strides = array<i32>} : memref<2x14x8x128xf32, #tpu.memory_space<vmem>>, vector<16xf32>,
        %parallel_loop3A_1197 = arith.constant 0 : i32
        %parallel_loop3A_1198 = arith.constant 9 : i32
        %parallel_loop3A_1199 = arith.index_cast %parallel_loop3A_1197 : i32 to index
        %parallel_loop3A_1200 = arith.index_cast %parallel_loop3A_1198 : i32 to index
        %parallel_loop3A_1201 = arith.index_cast %parallel_loop3A_1114 : i32 to index
        %parallel_loop3A_1202 = arith.index_cast %parallel_loop3A_1133 : i32 to index
        %parallel_loop3A_1203 = tpu.vector_load %arg5[%parallel_loop3A_1199, %parallel_loop3A_1200, %parallel_loop3A_1201, %parallel_loop3A_1202] {strides = array<i32>} : memref<2x14x8x128xf32, #tpu.memory_space<vmem>>, vector<16xf32>,
        %parallel_loop3A_1204 = arith.constant 0 : i32
        %parallel_loop3A_1205 = arith.constant 10 : i32
        %parallel_loop3A_1206 = arith.index_cast %parallel_loop3A_1204 : i32 to index
        %parallel_loop3A_1207 = arith.index_cast %parallel_loop3A_1205 : i32 to index
        %parallel_loop3A_1208 = arith.index_cast %parallel_loop3A_1114 : i32 to index
        %parallel_loop3A_1209 = arith.index_cast %parallel_loop3A_1133 : i32 to index
        %parallel_loop3A_1210 = tpu.vector_load %arg5[%parallel_loop3A_1206, %parallel_loop3A_1207, %parallel_loop3A_1208, %parallel_loop3A_1209] {strides = array<i32>} : memref<2x14x8x128xf32, #tpu.memory_space<vmem>>, vector<16xf32>,
        %parallel_loop3A_1211 = arith.constant 0 : i32
        %parallel_loop3A_1212 = arith.constant 11 : i32
        %parallel_loop3A_1213 = arith.index_cast %parallel_loop3A_1211 : i32 to index
        %parallel_loop3A_1214 = arith.index_cast %parallel_loop3A_1212 : i32 to index
        %parallel_loop3A_1215 = arith.index_cast %parallel_loop3A_1114 : i32 to index
        %parallel_loop3A_1216 = arith.index_cast %parallel_loop3A_1133 : i32 to index
        %parallel_loop3A_1217 = tpu.vector_load %arg5[%parallel_loop3A_1213, %parallel_loop3A_1214, %parallel_loop3A_1215, %parallel_loop3A_1216] {strides = array<i32>} : memref<2x14x8x128xf32, #tpu.memory_space<vmem>>, vector<16xf32>,
        %parallel_loop3A_1218 = arith.constant 0 : i32
        %parallel_loop3A_1219 = arith.constant 12 : i32
        %parallel_loop3A_1220 = arith.index_cast %parallel_loop3A_1218 : i32 to index
        %parallel_loop3A_1221 = arith.index_cast %parallel_loop3A_1219 : i32 to index
        %parallel_loop3A_1222 = arith.index_cast %parallel_loop3A_1114 : i32 to index
        %parallel_loop3A_1223 = arith.index_cast %parallel_loop3A_1133 : i32 to index
        %parallel_loop3A_1224 = tpu.vector_load %arg5[%parallel_loop3A_1220, %parallel_loop3A_1221, %parallel_loop3A_1222, %parallel_loop3A_1223] {strides = array<i32>} : memref<2x14x8x128xf32, #tpu.memory_space<vmem>>, vector<16xf32>,
        %parallel_loop3A_1225 = arith.constant 0 : i32
        %parallel_loop3A_1226 = arith.constant 13 : i32
        %parallel_loop3A_1227 = arith.index_cast %parallel_loop3A_1225 : i32 to index
        %parallel_loop3A_1228 = arith.index_cast %parallel_loop3A_1226 : i32 to index
        %parallel_loop3A_1229 = arith.index_cast %parallel_loop3A_1114 : i32 to index
        %parallel_loop3A_1230 = arith.index_cast %parallel_loop3A_1133 : i32 to index
        %parallel_loop3A_1231 = tpu.vector_load %arg5[%parallel_loop3A_1227, %parallel_loop3A_1228, %parallel_loop3A_1229, %parallel_loop3A_1230] {strides = array<i32>} : memref<2x14x8x128xf32, #tpu.memory_space<vmem>>, vector<16xf32>,
        %parallel_loop3A_1232 = arith.constant 0 : i32
        %parallel_loop3A_1233 = arith.constant 0 : i32
        %parallel_loop3A_1234 = arith.index_cast %parallel_loop3A_1232 : i32 to index
        %parallel_loop3A_1235 = arith.index_cast %parallel_loop3A_1233 : i32 to index
        %parallel_loop3A_1236 = arith.index_cast %parallel_loop3A_1114 : i32 to index
        %parallel_loop3A_1237 = arith.index_cast %parallel_loop3A_1133 : i32 to index
        %parallel_loop3A_1238 = tpu.vector_load %arg6[%parallel_loop3A_1234, %parallel_loop3A_1235, %parallel_loop3A_1236, %parallel_loop3A_1237] {strides = array<i32>} : memref<2x14x8x128xf32, #tpu.memory_space<vmem>>, vector<16xf32>,
        %parallel_loop3A_1239 = arith.constant 0 : i32
        %parallel_loop3A_1240 = arith.constant 1 : i32
        %parallel_loop3A_1241 = arith.index_cast %parallel_loop3A_1239 : i32 to index
        %parallel_loop3A_1242 = arith.index_cast %parallel_loop3A_1240 : i32 to index
        %parallel_loop3A_1243 = arith.index_cast %parallel_loop3A_1114 : i32 to index
        %parallel_loop3A_1244 = arith.index_cast %parallel_loop3A_1133 : i32 to index
        %parallel_loop3A_1245 = tpu.vector_load %arg6[%parallel_loop3A_1241, %parallel_loop3A_1242, %parallel_loop3A_1243, %parallel_loop3A_1244] {strides = array<i32>} : memref<2x14x8x128xf32, #tpu.memory_space<vmem>>, vector<16xf32>,
        %parallel_loop3A_1246 = arith.constant 0 : i32
        %parallel_loop3A_1247 = arith.constant 2 : i32
        %parallel_loop3A_1248 = arith.index_cast %parallel_loop3A_1246 : i32 to index
        %parallel_loop3A_1249 = arith.index_cast %parallel_loop3A_1247 : i32 to index
        %parallel_loop3A_1250 = arith.index_cast %parallel_loop3A_1114 : i32 to index
        %parallel_loop3A_1251 = arith.index_cast %parallel_loop3A_1133 : i32 to index
        %parallel_loop3A_1252 = tpu.vector_load %arg6[%parallel_loop3A_1248, %parallel_loop3A_1249, %parallel_loop3A_1250, %parallel_loop3A_1251] {strides = array<i32>} : memref<2x14x8x128xf32, #tpu.memory_space<vmem>>, vector<16xf32>,
        %parallel_loop3A_1253 = arith.constant 0 : i32
        %parallel_loop3A_1254 = arith.constant 3 : i32
        %parallel_loop3A_1255 = arith.index_cast %parallel_loop3A_1253 : i32 to index
        %parallel_loop3A_1256 = arith.index_cast %parallel_loop3A_1254 : i32 to index
        %parallel_loop3A_1257 = arith.index_cast %parallel_loop3A_1114 : i32 to index
        %parallel_loop3A_1258 = arith.index_cast %parallel_loop3A_1133 : i32 to index
        %parallel_loop3A_1259 = tpu.vector_load %arg6[%parallel_loop3A_1255, %parallel_loop3A_1256, %parallel_loop3A_1257, %parallel_loop3A_1258] {strides = array<i32>} : memref<2x14x8x128xf32, #tpu.memory_space<vmem>>, vector<16xf32>,
        %parallel_loop3A_1260 = arith.constant 0 : i32
        %parallel_loop3A_1261 = arith.constant 4 : i32
        %parallel_loop3A_1262 = arith.index_cast %parallel_loop3A_1260 : i32 to index
        %parallel_loop3A_1263 = arith.index_cast %parallel_loop3A_1261 : i32 to index
        %parallel_loop3A_1264 = arith.index_cast %parallel_loop3A_1114 : i32 to index
        %parallel_loop3A_1265 = arith.index_cast %parallel_loop3A_1133 : i32 to index
        %parallel_loop3A_1266 = tpu.vector_load %arg6[%parallel_loop3A_1262, %parallel_loop3A_1263, %parallel_loop3A_1264, %parallel_loop3A_1265] {strides = array<i32>} : memref<2x14x8x128xf32, #tpu.memory_space<vmem>>, vector<16xf32>,
        %parallel_loop3A_1267 = arith.constant 0 : i32
        %parallel_loop3A_1268 = arith.constant 5 : i32
        %parallel_loop3A_1269 = arith.index_cast %parallel_loop3A_1267 : i32 to index
        %parallel_loop3A_1270 = arith.index_cast %parallel_loop3A_1268 : i32 to index
        %parallel_loop3A_1271 = arith.index_cast %parallel_loop3A_1114 : i32 to index
        %parallel_loop3A_1272 = arith.index_cast %parallel_loop3A_1133 : i32 to index
        %parallel_loop3A_1273 = tpu.vector_load %arg6[%parallel_loop3A_1269, %parallel_loop3A_1270, %parallel_loop3A_1271, %parallel_loop3A_1272] {strides = array<i32>} : memref<2x14x8x128xf32, #tpu.memory_space<vmem>>, vector<16xf32>,
        %parallel_loop3A_1274 = arith.constant 0 : i32
        %parallel_loop3A_1275 = arith.constant 6 : i32
        %parallel_loop3A_1276 = arith.index_cast %parallel_loop3A_1274 : i32 to index
        %parallel_loop3A_1277 = arith.index_cast %parallel_loop3A_1275 : i32 to index
        %parallel_loop3A_1278 = arith.index_cast %parallel_loop3A_1114 : i32 to index
        %parallel_loop3A_1279 = arith.index_cast %parallel_loop3A_1133 : i32 to index
        %parallel_loop3A_1280 = tpu.vector_load %arg6[%parallel_loop3A_1276, %parallel_loop3A_1277, %parallel_loop3A_1278, %parallel_loop3A_1279] {strides = array<i32>} : memref<2x14x8x128xf32, #tpu.memory_space<vmem>>, vector<16xf32>,
        %parallel_loop3A_1281 = arith.constant 0 : i32
        %parallel_loop3A_1282 = arith.constant 7 : i32
        %parallel_loop3A_1283 = arith.index_cast %parallel_loop3A_1281 : i32 to index
        %parallel_loop3A_1284 = arith.index_cast %parallel_loop3A_1282 : i32 to index
        %parallel_loop3A_1285 = arith.index_cast %parallel_loop3A_1114 : i32 to index
        %parallel_loop3A_1286 = arith.index_cast %parallel_loop3A_1133 : i32 to index
        %parallel_loop3A_1287 = tpu.vector_load %arg6[%parallel_loop3A_1283, %parallel_loop3A_1284, %parallel_loop3A_1285, %parallel_loop3A_1286] {strides = array<i32>} : memref<2x14x8x128xf32, #tpu.memory_space<vmem>>, vector<16xf32>,
        %parallel_loop3A_1288 = arith.constant 0 : i32
        %parallel_loop3A_1289 = arith.constant 8 : i32
        %parallel_loop3A_1290 = arith.index_cast %parallel_loop3A_1288 : i32 to index
        %parallel_loop3A_1291 = arith.index_cast %parallel_loop3A_1289 : i32 to index
        %parallel_loop3A_1292 = arith.index_cast %parallel_loop3A_1114 : i32 to index
        %parallel_loop3A_1293 = arith.index_cast %parallel_loop3A_1133 : i32 to index
        %parallel_loop3A_1294 = tpu.vector_load %arg6[%parallel_loop3A_1290, %parallel_loop3A_1291, %parallel_loop3A_1292, %parallel_loop3A_1293] {strides = array<i32>} : memref<2x14x8x128xf32, #tpu.memory_space<vmem>>, vector<16xf32>,
        %parallel_loop3A_1295 = arith.constant 0 : i32
        %parallel_loop3A_1296 = arith.constant 9 : i32
        %parallel_loop3A_1297 = arith.index_cast %parallel_loop3A_1295 : i32 to index
        %parallel_loop3A_1298 = arith.index_cast %parallel_loop3A_1296 : i32 to index
        %parallel_loop3A_1299 = arith.index_cast %parallel_loop3A_1114 : i32 to index
        %parallel_loop3A_1300 = arith.index_cast %parallel_loop3A_1133 : i32 to index
        %parallel_loop3A_1301 = tpu.vector_load %arg6[%parallel_loop3A_1297, %parallel_loop3A_1298, %parallel_loop3A_1299, %parallel_loop3A_1300] {strides = array<i32>} : memref<2x14x8x128xf32, #tpu.memory_space<vmem>>, vector<16xf32>,
        %parallel_loop3A_1302 = arith.constant 0 : i32
        %parallel_loop3A_1303 = arith.constant 10 : i32
        %parallel_loop3A_1304 = arith.index_cast %parallel_loop3A_1302 : i32 to index
        %parallel_loop3A_1305 = arith.index_cast %parallel_loop3A_1303 : i32 to index
        %parallel_loop3A_1306 = arith.index_cast %parallel_loop3A_1114 : i32 to index
        %parallel_loop3A_1307 = arith.index_cast %parallel_loop3A_1133 : i32 to index
        %parallel_loop3A_1308 = tpu.vector_load %arg6[%parallel_loop3A_1304, %parallel_loop3A_1305, %parallel_loop3A_1306, %parallel_loop3A_1307] {strides = array<i32>} : memref<2x14x8x128xf32, #tpu.memory_space<vmem>>, vector<16xf32>,
        %parallel_loop3A_1309 = arith.constant 0 : i32
        %parallel_loop3A_1310 = arith.constant 11 : i32
        %parallel_loop3A_1311 = arith.index_cast %parallel_loop3A_1309 : i32 to index
        %parallel_loop3A_1312 = arith.index_cast %parallel_loop3A_1310 : i32 to index
        %parallel_loop3A_1313 = arith.index_cast %parallel_loop3A_1114 : i32 to index
        %parallel_loop3A_1314 = arith.index_cast %parallel_loop3A_1133 : i32 to index
        %parallel_loop3A_1315 = tpu.vector_load %arg6[%parallel_loop3A_1311, %parallel_loop3A_1312, %parallel_loop3A_1313, %parallel_loop3A_1314] {strides = array<i32>} : memref<2x14x8x128xf32, #tpu.memory_space<vmem>>, vector<16xf32>,
        %parallel_loop3A_1316 = arith.constant 0 : i32
        %parallel_loop3A_1317 = arith.constant 12 : i32
        %parallel_loop3A_1318 = arith.index_cast %parallel_loop3A_1316 : i32 to index
        %parallel_loop3A_1319 = arith.index_cast %parallel_loop3A_1317 : i32 to index
        %parallel_loop3A_1320 = arith.index_cast %parallel_loop3A_1114 : i32 to index
        %parallel_loop3A_1321 = arith.index_cast %parallel_loop3A_1133 : i32 to index
        %parallel_loop3A_1322 = tpu.vector_load %arg6[%parallel_loop3A_1318, %parallel_loop3A_1319, %parallel_loop3A_1320, %parallel_loop3A_1321] {strides = array<i32>} : memref<2x14x8x128xf32, #tpu.memory_space<vmem>>, vector<16xf32>,
        %parallel_loop3A_1323 = arith.constant 0 : i32
        %parallel_loop3A_1324 = arith.constant 13 : i32
        %parallel_loop3A_1325 = arith.index_cast %parallel_loop3A_1323 : i32 to index
        %parallel_loop3A_1326 = arith.index_cast %parallel_loop3A_1324 : i32 to index
        %parallel_loop3A_1327 = arith.index_cast %parallel_loop3A_1114 : i32 to index
        %parallel_loop3A_1328 = arith.index_cast %parallel_loop3A_1133 : i32 to index
        %parallel_loop3A_1329 = tpu.vector_load %arg6[%parallel_loop3A_1325, %parallel_loop3A_1326, %parallel_loop3A_1327, %parallel_loop3A_1328] {strides = array<i32>} : memref<2x14x8x128xf32, #tpu.memory_space<vmem>>, vector<16xf32>,
        %parallel_loop3A_1330 = arith.maximumf %parallel_loop3A_1140, %parallel_loop3A_1147 : vector<16xf32>
        %parallel_loop3A_1331 = arith.maximumf %parallel_loop3A_1154, %parallel_loop3A_1161 : vector<16xf32>
        %parallel_loop3A_1332 = arith.maximumf %parallel_loop3A_1168, %parallel_loop3A_1175 : vector<16xf32>
        %parallel_loop3A_1333 = arith.maximumf %parallel_loop3A_1182, %parallel_loop3A_1189 : vector<16xf32>
        %parallel_loop3A_1334 = arith.maximumf %parallel_loop3A_1196, %parallel_loop3A_1203 : vector<16xf32>
        %parallel_loop3A_1335 = arith.maximumf %parallel_loop3A_1210, %parallel_loop3A_1217 : vector<16xf32>
        %parallel_loop3A_1336 = arith.maximumf %parallel_loop3A_1224, %parallel_loop3A_1231 : vector<16xf32>
        %parallel_loop3A_1337 = arith.maximumf %parallel_loop3A_1330, %parallel_loop3A_1331 : vector<16xf32>
        %parallel_loop3A_1338 = arith.maximumf %parallel_loop3A_1332, %parallel_loop3A_1333 : vector<16xf32>
        %parallel_loop3A_1339 = arith.maximumf %parallel_loop3A_1334, %parallel_loop3A_1335 : vector<16xf32>
        %parallel_loop3A_1340 = arith.maximumf %parallel_loop3A_1337, %parallel_loop3A_1338 : vector<16xf32>
        %parallel_loop3A_1341 = arith.maximumf %parallel_loop3A_1339, %parallel_loop3A_1336 : vector<16xf32>
        %parallel_loop3A_1342 = arith.maximumf %parallel_loop3A_1340, %parallel_loop3A_1341 : vector<16xf32>
        %parallel_loop3A_1343 = math.exp %parallel_loop3A_1140 : vector<16xf32>
        %parallel_loop3A_1344 = math.exp %parallel_loop3A_1147 : vector<16xf32>
        %parallel_loop3A_1345 = math.exp %parallel_loop3A_1154 : vector<16xf32>
        %parallel_loop3A_1346 = math.exp %parallel_loop3A_1161 : vector<16xf32>
        %parallel_loop3A_1347 = math.exp %parallel_loop3A_1168 : vector<16xf32>
        %parallel_loop3A_1348 = math.exp %parallel_loop3A_1175 : vector<16xf32>
        %parallel_loop3A_1349 = math.exp %parallel_loop3A_1182 : vector<16xf32>
        %parallel_loop3A_1350 = math.exp %parallel_loop3A_1189 : vector<16xf32>
        %parallel_loop3A_1351 = math.exp %parallel_loop3A_1196 : vector<16xf32>
        %parallel_loop3A_1352 = math.exp %parallel_loop3A_1203 : vector<16xf32>
        %parallel_loop3A_1353 = math.exp %parallel_loop3A_1210 : vector<16xf32>
        %parallel_loop3A_1354 = math.exp %parallel_loop3A_1217 : vector<16xf32>
        %parallel_loop3A_1355 = math.exp %parallel_loop3A_1224 : vector<16xf32>
        %parallel_loop3A_1356 = math.exp %parallel_loop3A_1231 : vector<16xf32>
        %parallel_loop3A_1357 = arith.addf %parallel_loop3A_1343, %parallel_loop3A_1344 : vector<16xf32>
        %parallel_loop3A_1358 = arith.addf %parallel_loop3A_1345, %parallel_loop3A_1346 : vector<16xf32>
        %parallel_loop3A_1359 = arith.addf %parallel_loop3A_1347, %parallel_loop3A_1348 : vector<16xf32>
        %parallel_loop3A_1360 = arith.addf %parallel_loop3A_1349, %parallel_loop3A_1350 : vector<16xf32>
        %parallel_loop3A_1361 = arith.addf %parallel_loop3A_1351, %parallel_loop3A_1352 : vector<16xf32>
        %parallel_loop3A_1362 = arith.addf %parallel_loop3A_1353, %parallel_loop3A_1354 : vector<16xf32>
        %parallel_loop3A_1363 = arith.addf %parallel_loop3A_1355, %parallel_loop3A_1356 : vector<16xf32>
        %parallel_loop3A_1364 = arith.addf %parallel_loop3A_1357, %parallel_loop3A_1358 : vector<16xf32>
        %parallel_loop3A_1365 = arith.addf %parallel_loop3A_1359, %parallel_loop3A_1360 : vector<16xf32>
        %parallel_loop3A_1366 = arith.addf %parallel_loop3A_1361, %parallel_loop3A_1362 : vector<16xf32>
        %parallel_loop3A_1367 = arith.addf %parallel_loop3A_1364, %parallel_loop3A_1365 : vector<16xf32>
        %parallel_loop3A_1368 = arith.addf %parallel_loop3A_1366, %parallel_loop3A_1363 : vector<16xf32>
        %parallel_loop3A_1369 = arith.addf %parallel_loop3A_1367, %parallel_loop3A_1368 : vector<16xf32>
        %parallel_loop3A_1370 = arith.cmpf ogt, %parallel_loop3A_1245, %parallel_loop3A_1238 : vector<16xf32>
        %parallel_loop3A_1371 = arith.select %parallel_loop3A_1370, %parallel_loop3A_1245, %parallel_loop3A_1238 : vector<16xi1>, vector<16xf32>
        %parallel_loop3A_1372 = arith.select %parallel_loop3A_1370, %parallel_loop3A_1147, %parallel_loop3A_1140 : vector<16xi1>, vector<16xf32>
        %parallel_loop3A_1373 = arith.cmpf ogt, %parallel_loop3A_1259, %parallel_loop3A_1252 : vector<16xf32>
        %parallel_loop3A_1374 = arith.select %parallel_loop3A_1373, %parallel_loop3A_1259, %parallel_loop3A_1252 : vector<16xi1>, vector<16xf32>
        %parallel_loop3A_1375 = arith.select %parallel_loop3A_1373, %parallel_loop3A_1161, %parallel_loop3A_1154 : vector<16xi1>, vector<16xf32>
        %parallel_loop3A_1376 = arith.cmpf ogt, %parallel_loop3A_1273, %parallel_loop3A_1266 : vector<16xf32>
        %parallel_loop3A_1377 = arith.select %parallel_loop3A_1376, %parallel_loop3A_1273, %parallel_loop3A_1266 : vector<16xi1>, vector<16xf32>
        %parallel_loop3A_1378 = arith.select %parallel_loop3A_1376, %parallel_loop3A_1175, %parallel_loop3A_1168 : vector<16xi1>, vector<16xf32>
        %parallel_loop3A_1379 = arith.cmpf ogt, %parallel_loop3A_1287, %parallel_loop3A_1280 : vector<16xf32>
        %parallel_loop3A_1380 = arith.select %parallel_loop3A_1379, %parallel_loop3A_1287, %parallel_loop3A_1280 : vector<16xi1>, vector<16xf32>
        %parallel_loop3A_1381 = arith.select %parallel_loop3A_1379, %parallel_loop3A_1189, %parallel_loop3A_1182 : vector<16xi1>, vector<16xf32>
        %parallel_loop3A_1382 = arith.cmpf ogt, %parallel_loop3A_1301, %parallel_loop3A_1294 : vector<16xf32>
        %parallel_loop3A_1383 = arith.select %parallel_loop3A_1382, %parallel_loop3A_1301, %parallel_loop3A_1294 : vector<16xi1>, vector<16xf32>
        %parallel_loop3A_1384 = arith.select %parallel_loop3A_1382, %parallel_loop3A_1203, %parallel_loop3A_1196 : vector<16xi1>, vector<16xf32>
        %parallel_loop3A_1385 = arith.cmpf ogt, %parallel_loop3A_1315, %parallel_loop3A_1308 : vector<16xf32>
        %parallel_loop3A_1386 = arith.select %parallel_loop3A_1385, %parallel_loop3A_1315, %parallel_loop3A_1308 : vector<16xi1>, vector<16xf32>
        %parallel_loop3A_1387 = arith.select %parallel_loop3A_1385, %parallel_loop3A_1217, %parallel_loop3A_1210 : vector<16xi1>, vector<16xf32>
        %parallel_loop3A_1388 = arith.cmpf ogt, %parallel_loop3A_1329, %parallel_loop3A_1322 : vector<16xf32>
        %parallel_loop3A_1389 = arith.select %parallel_loop3A_1388, %parallel_loop3A_1329, %parallel_loop3A_1322 : vector<16xi1>, vector<16xf32>
        %parallel_loop3A_1390 = arith.select %parallel_loop3A_1388, %parallel_loop3A_1231, %parallel_loop3A_1224 : vector<16xi1>, vector<16xf32>
        %parallel_loop3A_1391 = arith.cmpf ogt, %parallel_loop3A_1374, %parallel_loop3A_1371 : vector<16xf32>
        %parallel_loop3A_1392 = arith.select %parallel_loop3A_1391, %parallel_loop3A_1374, %parallel_loop3A_1371 : vector<16xi1>, vector<16xf32>
        %parallel_loop3A_1393 = arith.select %parallel_loop3A_1391, %parallel_loop3A_1375, %parallel_loop3A_1372 : vector<16xi1>, vector<16xf32>
        %parallel_loop3A_1394 = arith.cmpf ogt, %parallel_loop3A_1380, %parallel_loop3A_1377 : vector<16xf32>
        %parallel_loop3A_1395 = arith.select %parallel_loop3A_1394, %parallel_loop3A_1380, %parallel_loop3A_1377 : vector<16xi1>, vector<16xf32>
        %parallel_loop3A_1396 = arith.select %parallel_loop3A_1394, %parallel_loop3A_1381, %parallel_loop3A_1378 : vector<16xi1>, vector<16xf32>
        %parallel_loop3A_1397 = arith.cmpf ogt, %parallel_loop3A_1386, %parallel_loop3A_1383 : vector<16xf32>
        %parallel_loop3A_1398 = arith.select %parallel_loop3A_1397, %parallel_loop3A_1386, %parallel_loop3A_1383 : vector<16xi1>, vector<16xf32>
        %parallel_loop3A_1399 = arith.select %parallel_loop3A_1397, %parallel_loop3A_1387, %parallel_loop3A_1384 : vector<16xi1>, vector<16xf32>
        %parallel_loop3A_1400 = arith.cmpf ogt, %parallel_loop3A_1395, %parallel_loop3A_1392 : vector<16xf32>
        %parallel_loop3A_1401 = arith.select %parallel_loop3A_1400, %parallel_loop3A_1395, %parallel_loop3A_1392 : vector<16xi1>, vector<16xf32>
        %parallel_loop3A_1402 = arith.select %parallel_loop3A_1400, %parallel_loop3A_1396, %parallel_loop3A_1393 : vector<16xi1>, vector<16xf32>
        %parallel_loop3A_1403 = arith.cmpf ogt, %parallel_loop3A_1389, %parallel_loop3A_1398 : vector<16xf32>
        %parallel_loop3A_1404 = arith.select %parallel_loop3A_1403, %parallel_loop3A_1389, %parallel_loop3A_1398 : vector<16xi1>, vector<16xf32>
        %parallel_loop3A_1405 = arith.select %parallel_loop3A_1403, %parallel_loop3A_1390, %parallel_loop3A_1399 : vector<16xi1>, vector<16xf32>
        %parallel_loop3A_1406 = arith.cmpf ogt, %parallel_loop3A_1404, %parallel_loop3A_1401 : vector<16xf32>
        %parallel_loop3A_1407 = arith.select %parallel_loop3A_1406, %parallel_loop3A_1404, %parallel_loop3A_1401 : vector<16xi1>, vector<16xf32>
        %parallel_loop3A_1408 = arith.select %parallel_loop3A_1406, %parallel_loop3A_1405, %parallel_loop3A_1402 : vector<16xi1>, vector<16xf32>
        %parallel_loop3A_1409 = math.exp %parallel_loop3A_1342 : vector<16xf32>
        %parallel_loop3A_1410 = arith.divf %parallel_loop3A_1409, %parallel_loop3A_1369 : vector<16xf32>
        %parallel_loop3A_1411 = arith.cmpf oeq, %parallel_loop3A_1408, %parallel_loop3A_1342 : vector<16xf32>
        %parallel_loop3A_1412 = arith.constant 1.000000e+00 : f32
        %parallel_loop3A_1413 = arith.constant 0.000000e+00 : f32
        %parallel_loop3A_1414 = vector.broadcast %parallel_loop3A_1412 : f32 to vector<16xf32>
        %parallel_loop3A_1415 = vector.broadcast %parallel_loop3A_1413 : f32 to vector<16xf32>
        %parallel_loop3A_1416 = arith.select %parallel_loop3A_1411, %parallel_loop3A_1414, %parallel_loop3A_1415 : vector<16xi1>, vector<16xf32>
        %parallel_loop3A_1417 = arith.constant 1.500000e+01 : f32
        %parallel_loop3A_1418 = vector.broadcast %parallel_loop3A_1417 : f32 to vector<16xf32>
        %parallel_loop3A_1419 = arith.mulf %parallel_loop3A_1410, %parallel_loop3A_1418 : vector<16xf32>
        %parallel_loop3A_1420 = arith.fptosi %parallel_loop3A_1419 : vector<16xf32> to vector<16xi32>
        %parallel_loop3A_1421 = arith.constant 14 : i32
        %parallel_loop3A_1422 = vector.broadcast %parallel_loop3A_1421 : i32 to vector<16xi32>
        %parallel_loop3A_1423 = arith.minsi %parallel_loop3A_1420, %parallel_loop3A_1422 : vector<16xi32>
        %parallel_loop3A_1424 = arith.constant 16 : i32
        %parallel_loop3A_1425 = vector.broadcast %parallel_loop3A_1424 : i32 to vector<16xi32>
        %parallel_loop3A_1426 = arith.muli %parallel_loop3A_1423, %parallel_loop3A_1425 : vector<16xi32>
        %parallel_loop3A_1427 = arith.addi %parallel_loop3A_1426, %iota3A : vector<16xi32>
        tpu.vector_store_idx %arg7[%parallel_loop3A_1427], %broadcast_in_dim3A_94 {add = true} : memref<240xf32, #tpu.memory_space<vmem>>[vector<16xi32>], vector<16xf32>,
        tpu.vector_store_idx %arg8[%parallel_loop3A_1427], %parallel_loop3A_1410 {add = true} : memref<240xf32, #tpu.memory_space<vmem>>[vector<16xi32>], vector<16xf32>,
        tpu.vector_store_idx %arg9[%parallel_loop3A_1427], %parallel_loop3A_1416 {add = true} : memref<240xf32, #tpu.memory_space<vmem>>[vector<16xi32>], vector<16xf32>,
      } {sc.loop_unroll_factor = 2 : i64, sc.parallel_access}
      %add3A_959 = arith.constant 2 : i32
      %add3A_960 = arith.addi %mul3A_713, %add3A_959 : i32
      %lt3A_961 = arith.constant 32 : i32
      %lt3A_962 = arith.cmpi slt, %add3A_960, %lt3A_961 : i32
      %convert_element_type3A = arith.extui %lt3A_962 : i1 to i32
      %cond3A = arith.constant 0 : i32
      %cond3A_963 = arith.cmpi ne, %convert_element_type3A, %cond3A : i32
      scf.if %cond3A_963 {
        %add3A_1090 = arith.constant 2 : i32
        %add3A_1091 = arith.addi %mul3A_713, %add3A_1090 : i32
        %add3A_1092 = arith.addi %mul3A_2, %add3A_1091 : i32
        %jit3A_1093 = arith.constant 256 : i32
        %div3A_1094 = arith.divsi %add3A_1092, %jit3A_1093 : i32
        %sign3A_1095 = arith.constant 0 : i32
        %sign3A_1096 = arith.cmpi sgt, %add3A_1092, %sign3A_1095 : i32
        %sign3A_1097 = arith.extui %sign3A_1096 : i1 to i32
        %sign3A_1098 = arith.constant 0 : i32
        %sign3A_1099 = arith.cmpi slt, %add3A_1092, %sign3A_1098 : i32
        %sign3A_1100 = arith.extui %sign3A_1099 : i1 to i32
        %sign3A_1101 = arith.subi %sign3A_1097, %sign3A_1100 : i32
        %sign3A_1102 = arith.constant 0 : i32
        %sign3A_1103 = arith.cmpi sgt, %jit3A_1093, %sign3A_1102 : i32
        %sign3A_1104 = arith.extui %sign3A_1103 : i1 to i32
        %sign3A_1105 = arith.constant 0 : i32
        %sign3A_1106 = arith.cmpi slt, %jit3A_1093, %sign3A_1105 : i32
        %sign3A_1107 = arith.extui %sign3A_1106 : i1 to i32
        %sign3A_1108 = arith.subi %sign3A_1104, %sign3A_1107 : i32
        %ne3A_1109 = arith.cmpi ne, %sign3A_1101, %sign3A_1108 : i32
        %rem3A_1110 = arith.remsi %add3A_1092, %jit3A_1093 : i32
        %ne3A_1111 = arith.constant 0 : i32
        %ne3A_1112 = arith.cmpi ne, %rem3A_1110, %ne3A_1111 : i32
        %and3A_1113 = arith.andi %ne3A_1109, %ne3A_1112 : i1
        %sub3A_1114 = arith.constant 1 : i32
        %sub3A_1115 = arith.subi %div3A_1094, %sub3A_1114 : i32
        %select_n3A_1116 = arith.select %and3A_1113, %sub3A_1115, %div3A_1094 : i32
        %jit3A_1117 = arith.constant 256 : i32
        %eq3A_1118 = arith.constant 0 : i32
        %eq3A_1119 = arith.cmpi eq, %jit3A_1117, %eq3A_1118 : i32
        %jit3A_1120 = arith.constant 1 : i32
        %select_n3A_1121 = arith.select %eq3A_1119, %jit3A_1120, %jit3A_1117 : i32
        %rem3A_1122 = arith.remsi %add3A_1092, %select_n3A_1121 : i32
        %ne3A_1123 = arith.constant 0 : i32
        %ne3A_1124 = arith.cmpi ne, %rem3A_1122, %ne3A_1123 : i32
        %lt3A_1125 = arith.constant 0 : i32
        %lt3A_1126 = arith.cmpi slt, %rem3A_1122, %lt3A_1125 : i32
        %lt3A_1127 = arith.constant 0 : i32
        %lt3A_1128 = arith.cmpi slt, %select_n3A_1121, %lt3A_1127 : i32
        %ne3A_1129 = arith.xori %lt3A_1126, %lt3A_1128 : i1
        %and3A_1130 = arith.andi %ne3A_1129, %ne3A_1124 : i1
        %add3A_1131 = arith.addi %rem3A_1122, %select_n3A_1121 : i32
        %select_n3A_1132 = arith.select %and3A_1130, %add3A_1131, %rem3A_1122 : i32
        %jit3A_1133 = arith.constant 4 : i32
        %div3A_1134 = arith.divsi %select_n3A_1132, %jit3A_1133 : i32
        %sign3A_1135 = arith.constant 0 : i32
        %sign3A_1136 = arith.cmpi sgt, %select_n3A_1132, %sign3A_1135 : i32
        %sign3A_1137 = arith.extui %sign3A_1136 : i1 to i32
        %sign3A_1138 = arith.constant 0 : i32
        %sign3A_1139 = arith.cmpi slt, %select_n3A_1132, %sign3A_1138 : i32
        %sign3A_1140 = arith.extui %sign3A_1139 : i1 to i32
        %sign3A_1141 = arith.subi %sign3A_1137, %sign3A_1140 : i32
        %sign3A_1142 = arith.constant 0 : i32
        %sign3A_1143 = arith.cmpi sgt, %jit3A_1133, %sign3A_1142 : i32
        %sign3A_1144 = arith.extui %sign3A_1143 : i1 to i32
        %sign3A_1145 = arith.constant 0 : i32
        %sign3A_1146 = arith.cmpi slt, %jit3A_1133, %sign3A_1145 : i32
        %sign3A_1147 = arith.extui %sign3A_1146 : i1 to i32
        %sign3A_1148 = arith.subi %sign3A_1144, %sign3A_1147 : i32
        %ne3A_1149 = arith.cmpi ne, %sign3A_1141, %sign3A_1148 : i32
        %rem3A_1150 = arith.remsi %select_n3A_1132, %jit3A_1133 : i32
        %ne3A_1151 = arith.constant 0 : i32
        %ne3A_1152 = arith.cmpi ne, %rem3A_1150, %ne3A_1151 : i32
        %and3A_1153 = arith.andi %ne3A_1149, %ne3A_1152 : i1
        %sub3A_1154 = arith.constant 1 : i32
        %sub3A_1155 = arith.subi %div3A_1134, %sub3A_1154 : i32
        %select_n3A_1156 = arith.select %and3A_1153, %sub3A_1155, %div3A_1134 : i32
        %jit3A_1157 = arith.constant 4 : i32
        %eq3A_1158 = arith.constant 0 : i32
        %eq3A_1159 = arith.cmpi eq, %jit3A_1157, %eq3A_1158 : i32
        %jit3A_1160 = arith.constant 1 : i32
        %select_n3A_1161 = arith.select %eq3A_1159, %jit3A_1160, %jit3A_1157 : i32
        %rem3A_1162 = arith.remsi %select_n3A_1132, %select_n3A_1161 : i32
        %ne3A_1163 = arith.constant 0 : i32
        %ne3A_1164 = arith.cmpi ne, %rem3A_1162, %ne3A_1163 : i32
        %lt3A_1165 = arith.constant 0 : i32
        %lt3A_1166 = arith.cmpi slt, %rem3A_1162, %lt3A_1165 : i32
        %lt3A_1167 = arith.constant 0 : i32
        %lt3A_1168 = arith.cmpi slt, %select_n3A_1161, %lt3A_1167 : i32
        %ne3A_1169 = arith.xori %lt3A_1166, %lt3A_1168 : i1
        %and3A_1170 = arith.andi %ne3A_1169, %ne3A_1164 : i1
        %add3A_1171 = arith.addi %rem3A_1162, %select_n3A_1161 : i32
        %select_n3A_1172 = arith.select %and3A_1170, %add3A_1171, %rem3A_1162 : i32
        %mul3A_1173 = arith.constant 8 : i32
        %mul3A_1174 = arith.muli %select_n3A_1156, %mul3A_1173 : i32
        %multiple_of3A_1175 = tpu.assume_multiple %mul3A_1174, 8 : i32
        %mul3A_1176 = arith.constant 128 : i32
        %mul3A_1177 = arith.muli %select_n3A_1172, %mul3A_1176 : i32
        %multiple_of3A_1178 = tpu.assume_multiple %mul3A_1177, 128 : i32
        %dma_start3A_1179 = arith.constant 0 : i32
        %dma_start3A_1180 = arith.constant 0 : i32
        %dma_start3A_1181 = arith.constant 0 : i32
        %dma_start3A_1182 = arith.constant 0 : i32
        %dma_start3A_1183 = tpu.memref_slice %arg5[%dma_start3A_1179, %dma_start3A_1180, %dma_start3A_1181, %dma_start3A_1182] : memref<2x14x8x128xf32, #tpu.memory_space<vmem>> -> memref<1x14x8x128xf32, #tpu.memory_space<vmem>>
        %dma_start3A_1184 = tpu.memref_squeeze %dma_start3A_1183 : memref<1x14x8x128xf32, #tpu.memory_space<vmem>> -> memref<14x8x128xf32, #tpu.memory_space<vmem>>
        %dma_start3A_1185 = arith.constant 0 : i32
        %dma_start3A_1186 = tpu.memref_slice %arg2[%select_n3A_1116, %dma_start3A_1185, %multiple_of3A_1175, %multiple_of3A_1178] : memref<8x14x512x512xf32, #tpu.memory_space<hbm>> -> memref<1x14x8x128xf32, #tpu.memory_space<hbm>>
        %dma_start3A_1187 = tpu.memref_squeeze %dma_start3A_1186 : memref<1x14x8x128xf32, #tpu.memory_space<hbm>> -> memref<14x8x128xf32, #tpu.memory_space<hbm>>
        %dma_start3A_1188 = arith.constant 0 : i32
        %dma_start3A_1189 = arith.constant 0 : i32
        %dma_start3A_1190 = arith.constant 0 : i32
        %dma_start3A_1191 = tpu.memref_slice %arg5[%dma_start3A_1179, %dma_start3A_1188, %dma_start3A_1189, %dma_start3A_1190] : memref<2x14x8x128xf32, #tpu.memory_space<vmem>> -> memref<1x14x8x128xf32, #tpu.memory_space<vmem>>
        %dma_start3A_1192 = tpu.memref_squeeze %dma_start3A_1191 : memref<1x14x8x128xf32, #tpu.memory_space<vmem>> -> memref<14x8x128xf32, #tpu.memory_space<vmem>>
        %dma_start3A_1193 = arith.constant 0 : i32
        %dma_start3A_1194 = tpu.memref_slice %arg2[%select_n3A_1116, %dma_start3A_1193, %multiple_of3A_1175, %multiple_of3A_1178] : memref<8x14x512x512xf32, #tpu.memory_space<hbm>> -> memref<1x14x8x128xf32, #tpu.memory_space<hbm>>
        %dma_start3A_1195 = tpu.memref_squeeze %dma_start3A_1194 : memref<1x14x8x128xf32, #tpu.memory_space<hbm>> -> memref<14x8x128xf32, #tpu.memory_space<hbm>>
        tpu.enqueue_dma source(%dma_start3A_1195 : memref<14x8x128xf32, #tpu.memory_space<hbm>>) target(%dma_start3A_1192 : memref<14x8x128xf32, #tpu.memory_space<vmem>>) target_semaphore(%arg11 : memref<!tpu.dma_semaphore, #tpu.memory_space<semaphore_mem>>)
        %dma_start3A_1196 = arith.constant 0 : i32
        %dma_start3A_1197 = arith.constant 0 : i32
        %dma_start3A_1198 = arith.constant 0 : i32
        %dma_start3A_1199 = arith.constant 0 : i32
        %dma_start3A_1200 = tpu.memref_slice %arg6[%dma_start3A_1196, %dma_start3A_1197, %dma_start3A_1198, %dma_start3A_1199] : memref<2x14x8x128xf32, #tpu.memory_space<vmem>> -> memref<1x14x8x128xf32, #tpu.memory_space<vmem>>
        %dma_start3A_1201 = tpu.memref_squeeze %dma_start3A_1200 : memref<1x14x8x128xf32, #tpu.memory_space<vmem>> -> memref<14x8x128xf32, #tpu.memory_space<vmem>>
        %dma_start3A_1202 = arith.constant 0 : i32
        %dma_start3A_1203 = tpu.memref_slice %arg3[%select_n3A_1116, %dma_start3A_1202, %multiple_of3A_1175, %multiple_of3A_1178] : memref<8x14x512x512xf32, #tpu.memory_space<hbm>> -> memref<1x14x8x128xf32, #tpu.memory_space<hbm>>
        %dma_start3A_1204 = tpu.memref_squeeze %dma_start3A_1203 : memref<1x14x8x128xf32, #tpu.memory_space<hbm>> -> memref<14x8x128xf32, #tpu.memory_space<hbm>>
        %dma_start3A_1205 = arith.constant 0 : i32
        %dma_start3A_1206 = arith.constant 0 : i32
        %dma_start3A_1207 = arith.constant 0 : i32
        %dma_start3A_1208 = tpu.memref_slice %arg6[%dma_start3A_1196, %dma_start3A_1205, %dma_start3A_1206, %dma_start3A_1207] : memref<2x14x8x128xf32, #tpu.memory_space<vmem>> -> memref<1x14x8x128xf32, #tpu.memory_space<vmem>>
        %dma_start3A_1209 = tpu.memref_squeeze %dma_start3A_1208 : memref<1x14x8x128xf32, #tpu.memory_space<vmem>> -> memref<14x8x128xf32, #tpu.memory_space<vmem>>
        %dma_start3A_1210 = arith.constant 0 : i32
        %dma_start3A_1211 = tpu.memref_slice %arg3[%select_n3A_1116, %dma_start3A_1210, %multiple_of3A_1175, %multiple_of3A_1178] : memref<8x14x512x512xf32, #tpu.memory_space<hbm>> -> memref<1x14x8x128xf32, #tpu.memory_space<hbm>>
        %dma_start3A_1212 = tpu.memref_squeeze %dma_start3A_1211 : memref<1x14x8x128xf32, #tpu.memory_space<hbm>> -> memref<14x8x128xf32, #tpu.memory_space<hbm>>
        tpu.enqueue_dma source(%dma_start3A_1212 : memref<14x8x128xf32, #tpu.memory_space<hbm>>) target(%dma_start3A_1209 : memref<14x8x128xf32, #tpu.memory_space<vmem>>) target_semaphore(%arg11 : memref<!tpu.dma_semaphore, #tpu.memory_space<semaphore_mem>>)
      } else {
      }
      %add3A_964 = arith.constant 1 : i32
      %add3A_965 = arith.addi %mul3A_713, %add3A_964 : i32
      %add3A_966 = arith.addi %mul3A_2, %add3A_965 : i32
      %jit3A_967 = arith.constant 256 : i32
      %div3A_968 = arith.divsi %add3A_966, %jit3A_967 : i32
      %sign3A_969 = arith.constant 0 : i32
      %sign3A_970 = arith.cmpi sgt, %add3A_966, %sign3A_969 : i32
      %sign3A_971 = arith.extui %sign3A_970 : i1 to i32
      %sign3A_972 = arith.constant 0 : i32
      %sign3A_973 = arith.cmpi slt, %add3A_966, %sign3A_972 : i32
      %sign3A_974 = arith.extui %sign3A_973 : i1 to i32
      %sign3A_975 = arith.subi %sign3A_971, %sign3A_974 : i32
      %sign3A_976 = arith.constant 0 : i32
      %sign3A_977 = arith.cmpi sgt, %jit3A_967, %sign3A_976 : i32
      %sign3A_978 = arith.extui %sign3A_977 : i1 to i32
      %sign3A_979 = arith.constant 0 : i32
      %sign3A_980 = arith.cmpi slt, %jit3A_967, %sign3A_979 : i32
      %sign3A_981 = arith.extui %sign3A_980 : i1 to i32
      %sign3A_982 = arith.subi %sign3A_978, %sign3A_981 : i32
      %ne3A_983 = arith.cmpi ne, %sign3A_975, %sign3A_982 : i32
      %rem3A_984 = arith.remsi %add3A_966, %jit3A_967 : i32
      %ne3A_985 = arith.constant 0 : i32
      %ne3A_986 = arith.cmpi ne, %rem3A_984, %ne3A_985 : i32
      %and3A_987 = arith.andi %ne3A_983, %ne3A_986 : i1
      %sub3A_988 = arith.constant 1 : i32
      %sub3A_989 = arith.subi %div3A_968, %sub3A_988 : i32
      %select_n3A_990 = arith.select %and3A_987, %sub3A_989, %div3A_968 : i32
      %jit3A_991 = arith.constant 256 : i32
      %eq3A_992 = arith.constant 0 : i32
      %eq3A_993 = arith.cmpi eq, %jit3A_991, %eq3A_992 : i32
      %jit3A_994 = arith.constant 1 : i32
      %select_n3A_995 = arith.select %eq3A_993, %jit3A_994, %jit3A_991 : i32
      %rem3A_996 = arith.remsi %add3A_966, %select_n3A_995 : i32
      %ne3A_997 = arith.constant 0 : i32
      %ne3A_998 = arith.cmpi ne, %rem3A_996, %ne3A_997 : i32
      %lt3A_999 = arith.constant 0 : i32
      %lt3A_1000 = arith.cmpi slt, %rem3A_996, %lt3A_999 : i32
      %lt3A_1001 = arith.constant 0 : i32
      %lt3A_1002 = arith.cmpi slt, %select_n3A_995, %lt3A_1001 : i32
      %ne3A_1003 = arith.xori %lt3A_1000, %lt3A_1002 : i1
      %and3A_1004 = arith.andi %ne3A_1003, %ne3A_998 : i1
      %add3A_1005 = arith.addi %rem3A_996, %select_n3A_995 : i32
      %select_n3A_1006 = arith.select %and3A_1004, %add3A_1005, %rem3A_996 : i32
      %jit3A_1007 = arith.constant 4 : i32
      %div3A_1008 = arith.divsi %select_n3A_1006, %jit3A_1007 : i32
      %sign3A_1009 = arith.constant 0 : i32
      %sign3A_1010 = arith.cmpi sgt, %select_n3A_1006, %sign3A_1009 : i32
      %sign3A_1011 = arith.extui %sign3A_1010 : i1 to i32
      %sign3A_1012 = arith.constant 0 : i32
      %sign3A_1013 = arith.cmpi slt, %select_n3A_1006, %sign3A_1012 : i32
      %sign3A_1014 = arith.extui %sign3A_1013 : i1 to i32
      %sign3A_1015 = arith.subi %sign3A_1011, %sign3A_1014 : i32
      %sign3A_1016 = arith.constant 0 : i32
      %sign3A_1017 = arith.cmpi sgt, %jit3A_1007, %sign3A_1016 : i32
      %sign3A_1018 = arith.extui %sign3A_1017 : i1 to i32
      %sign3A_1019 = arith.constant 0 : i32
      %sign3A_1020 = arith.cmpi slt, %jit3A_1007, %sign3A_1019 : i32
      %sign3A_1021 = arith.extui %sign3A_1020 : i1 to i32
      %sign3A_1022 = arith.subi %sign3A_1018, %sign3A_1021 : i32
      %ne3A_1023 = arith.cmpi ne, %sign3A_1015, %sign3A_1022 : i32
      %rem3A_1024 = arith.remsi %select_n3A_1006, %jit3A_1007 : i32
      %ne3A_1025 = arith.constant 0 : i32
      %ne3A_1026 = arith.cmpi ne, %rem3A_1024, %ne3A_1025 : i32
      %and3A_1027 = arith.andi %ne3A_1023, %ne3A_1026 : i1
      %sub3A_1028 = arith.constant 1 : i32
      %sub3A_1029 = arith.subi %div3A_1008, %sub3A_1028 : i32
      %select_n3A_1030 = arith.select %and3A_1027, %sub3A_1029, %div3A_1008 : i32
      %jit3A_1031 = arith.constant 4 : i32
      %eq3A_1032 = arith.constant 0 : i32
      %eq3A_1033 = arith.cmpi eq, %jit3A_1031, %eq3A_1032 : i32
      %jit3A_1034 = arith.constant 1 : i32
      %select_n3A_1035 = arith.select %eq3A_1033, %jit3A_1034, %jit3A_1031 : i32
      %rem3A_1036 = arith.remsi %select_n3A_1006, %select_n3A_1035 : i32
      %ne3A_1037 = arith.constant 0 : i32
      %ne3A_1038 = arith.cmpi ne, %rem3A_1036, %ne3A_1037 : i32
      %lt3A_1039 = arith.constant 0 : i32
      %lt3A_1040 = arith.cmpi slt, %rem3A_1036, %lt3A_1039 : i32
      %lt3A_1041 = arith.constant 0 : i32
      %lt3A_1042 = arith.cmpi slt, %select_n3A_1035, %lt3A_1041 : i32
      %ne3A_1043 = arith.xori %lt3A_1040, %lt3A_1042 : i1
      %and3A_1044 = arith.andi %ne3A_1043, %ne3A_1038 : i1
      %add3A_1045 = arith.addi %rem3A_1036, %select_n3A_1035 : i32
      %select_n3A_1046 = arith.select %and3A_1044, %add3A_1045, %rem3A_1036 : i32
      %mul3A_1047 = arith.constant 8 : i32
      %mul3A_1048 = arith.muli %select_n3A_1030, %mul3A_1047 : i32
      %multiple_of3A_1049 = tpu.assume_multiple %mul3A_1048, 8 : i32
      %mul3A_1050 = arith.constant 128 : i32
      %mul3A_1051 = arith.muli %select_n3A_1046, %mul3A_1050 : i32
      %multiple_of3A_1052 = tpu.assume_multiple %mul3A_1051, 128 : i32
      %dma_wait3A_1053 = arith.constant 1 : i32
      %dma_wait3A_1054 = arith.constant 0 : i32
      %dma_wait3A_1055 = arith.constant 0 : i32
      %dma_wait3A_1056 = arith.constant 0 : i32
      %dma_wait3A_1057 = tpu.memref_slice %arg5[%dma_wait3A_1053, %dma_wait3A_1054, %dma_wait3A_1055, %dma_wait3A_1056] : memref<2x14x8x128xf32, #tpu.memory_space<vmem>> -> memref<1x14x8x128xf32, #tpu.memory_space<vmem>>
      %dma_wait3A_1058 = tpu.memref_squeeze %dma_wait3A_1057 : memref<1x14x8x128xf32, #tpu.memory_space<vmem>> -> memref<14x8x128xf32, #tpu.memory_space<vmem>>
      %dma_wait3A_1059 = arith.constant 0 : i32
      %dma_wait3A_1060 = tpu.memref_slice %arg2[%select_n3A_990, %dma_wait3A_1059, %multiple_of3A_1049, %multiple_of3A_1052] : memref<8x14x512x512xf32, #tpu.memory_space<hbm>> -> memref<1x14x8x128xf32, #tpu.memory_space<hbm>>
      %dma_wait3A_1061 = tpu.memref_squeeze %dma_wait3A_1060 : memref<1x14x8x128xf32, #tpu.memory_space<hbm>> -> memref<14x8x128xf32, #tpu.memory_space<hbm>>
      %dma_wait3A_1062 = arith.constant 0 : i32
      %dma_wait3A_1063 = arith.constant 0 : i32
      %dma_wait3A_1064 = arith.constant 0 : i32
      %dma_wait3A_1065 = tpu.memref_slice %arg5[%dma_wait3A_1053, %dma_wait3A_1062, %dma_wait3A_1063, %dma_wait3A_1064] : memref<2x14x8x128xf32, #tpu.memory_space<vmem>> -> memref<1x14x8x128xf32, #tpu.memory_space<vmem>>
      %dma_wait3A_1066 = tpu.memref_squeeze %dma_wait3A_1065 : memref<1x14x8x128xf32, #tpu.memory_space<vmem>> -> memref<14x8x128xf32, #tpu.memory_space<vmem>>
      %dma_wait3A_1067 = arith.constant 0 : i32
      %dma_wait3A_1068 = tpu.memref_slice %arg2[%select_n3A_990, %dma_wait3A_1067, %multiple_of3A_1049, %multiple_of3A_1052] : memref<8x14x512x512xf32, #tpu.memory_space<hbm>> -> memref<1x14x8x128xf32, #tpu.memory_space<hbm>>
      %dma_wait3A_1069 = tpu.memref_squeeze %dma_wait3A_1068 : memref<1x14x8x128xf32, #tpu.memory_space<hbm>> -> memref<14x8x128xf32, #tpu.memory_space<hbm>>
      tpu.wait_dma2 semaphore(%arg12 : memref<!tpu.dma_semaphore, #tpu.memory_space<semaphore_mem>>) src(%dma_wait3A_1069 : memref<14x8x128xf32, #tpu.memory_space<hbm>>) dst(%dma_wait3A_1066 : memref<14x8x128xf32, #tpu.memory_space<vmem>>)
      %dma_wait3A_1070 = arith.constant 1 : i32
      %dma_wait3A_1071 = arith.constant 0 : i32
      %dma_wait3A_1072 = arith.constant 0 : i32
      %dma_wait3A_1073 = arith.constant 0 : i32
      %dma_wait3A_1074 = tpu.memref_slice %arg6[%dma_wait3A_1070, %dma_wait3A_1071, %dma_wait3A_1072, %dma_wait3A_1073] : memref<2x14x8x128xf32, #tpu.memory_space<vmem>> -> memref<1x14x8x128xf32, #tpu.memory_space<vmem>>
      %dma_wait3A_1075 = tpu.memref_squeeze %dma_wait3A_1074 : memref<1x14x8x128xf32, #tpu.memory_space<vmem>> -> memref<14x8x128xf32, #tpu.memory_space<vmem>>
      %dma_wait3A_1076 = arith.constant 0 : i32
      %dma_wait3A_1077 = tpu.memref_slice %arg3[%select_n3A_990, %dma_wait3A_1076, %multiple_of3A_1049, %multiple_of3A_1052] : memref<8x14x512x512xf32, #tpu.memory_space<hbm>> -> memref<1x14x8x128xf32, #tpu.memory_space<hbm>>
      %dma_wait3A_1078 = tpu.memref_squeeze %dma_wait3A_1077 : memref<1x14x8x128xf32, #tpu.memory_space<hbm>> -> memref<14x8x128xf32, #tpu.memory_space<hbm>>
      %dma_wait3A_1079 = arith.constant 0 : i32
      %dma_wait3A_1080 = arith.constant 0 : i32
      %dma_wait3A_1081 = arith.constant 0 : i32
      %dma_wait3A_1082 = tpu.memref_slice %arg6[%dma_wait3A_1070, %dma_wait3A_1079, %dma_wait3A_1080, %dma_wait3A_1081] : memref<2x14x8x128xf32, #tpu.memory_space<vmem>> -> memref<1x14x8x128xf32, #tpu.memory_space<vmem>>
      %dma_wait3A_1083 = tpu.memref_squeeze %dma_wait3A_1082 : memref<1x14x8x128xf32, #tpu.memory_space<vmem>> -> memref<14x8x128xf32, #tpu.memory_space<vmem>>
      %dma_wait3A_1084 = arith.constant 0 : i32
      %dma_wait3A_1085 = tpu.memref_slice %arg3[%select_n3A_990, %dma_wait3A_1084, %multiple_of3A_1049, %multiple_of3A_1052] : memref<8x14x512x512xf32, #tpu.memory_space<hbm>> -> memref<1x14x8x128xf32, #tpu.memory_space<hbm>>
      %dma_wait3A_1086 = tpu.memref_squeeze %dma_wait3A_1085 : memref<1x14x8x128xf32, #tpu.memory_space<hbm>> -> memref<14x8x128xf32, #tpu.memory_space<hbm>>
      tpu.wait_dma2 semaphore(%arg12 : memref<!tpu.dma_semaphore, #tpu.memory_space<semaphore_mem>>) src(%dma_wait3A_1086 : memref<14x8x128xf32, #tpu.memory_space<hbm>>) dst(%dma_wait3A_1083 : memref<14x8x128xf32, #tpu.memory_space<vmem>>)
      %parallel_loop3A_1087 = arith.constant 0 : i32
      %parallel_loop3A_1088 = arith.constant 64 : i32
      %parallel_loop3A_1089 = arith.constant 1 : i32
      scf.for %parallel_loop3A_1090 = %parallel_loop3A_1087 to %parallel_loop3A_1088 step %parallel_loop3A_1089  : i32 {
        %parallel_loop3A_1091 = arith.constant 8 : i32
        %parallel_loop3A_1092 = arith.divsi %parallel_loop3A_1090, %parallel_loop3A_1091 : i32
        %parallel_loop3A_1093 = arith.constant 0 : i32
        %parallel_loop3A_1094 = arith.cmpi sgt, %parallel_loop3A_1090, %parallel_loop3A_1093 : i32
        %parallel_loop3A_1095 = arith.extui %parallel_loop3A_1094 : i1 to i32
        %parallel_loop3A_1096 = arith.constant 0 : i32
        %parallel_loop3A_1097 = arith.cmpi slt, %parallel_loop3A_1090, %parallel_loop3A_1096 : i32
        %parallel_loop3A_1098 = arith.extui %parallel_loop3A_1097 : i1 to i32
        %parallel_loop3A_1099 = arith.subi %parallel_loop3A_1095, %parallel_loop3A_1098 : i32
        %parallel_loop3A_1100 = arith.constant 0 : i32
        %parallel_loop3A_1101 = arith.cmpi sgt, %parallel_loop3A_1091, %parallel_loop3A_1100 : i32
        %parallel_loop3A_1102 = arith.extui %parallel_loop3A_1101 : i1 to i32
        %parallel_loop3A_1103 = arith.constant 0 : i32
        %parallel_loop3A_1104 = arith.cmpi slt, %parallel_loop3A_1091, %parallel_loop3A_1103 : i32
        %parallel_loop3A_1105 = arith.extui %parallel_loop3A_1104 : i1 to i32
        %parallel_loop3A_1106 = arith.subi %parallel_loop3A_1102, %parallel_loop3A_1105 : i32
        %parallel_loop3A_1107 = arith.cmpi ne, %parallel_loop3A_1099, %parallel_loop3A_1106 : i32
        %parallel_loop3A_1108 = arith.remsi %parallel_loop3A_1090, %parallel_loop3A_1091 : i32
        %parallel_loop3A_1109 = arith.constant 0 : i32
        %parallel_loop3A_1110 = arith.cmpi ne, %parallel_loop3A_1108, %parallel_loop3A_1109 : i32
        %parallel_loop3A_1111 = arith.andi %parallel_loop3A_1107, %parallel_loop3A_1110 : i1
        %parallel_loop3A_1112 = arith.constant 1 : i32
        %parallel_loop3A_1113 = arith.subi %parallel_loop3A_1092, %parallel_loop3A_1112 : i32
        %parallel_loop3A_1114 = arith.select %parallel_loop3A_1111, %parallel_loop3A_1113, %parallel_loop3A_1092 : i32
        %parallel_loop3A_1115 = arith.constant 8 : i32
        %parallel_loop3A_1116 = arith.constant 0 : i32
        %parallel_loop3A_1117 = arith.cmpi eq, %parallel_loop3A_1115, %parallel_loop3A_1116 : i32
        %parallel_loop3A_1118 = arith.constant 1 : i32
        %parallel_loop3A_1119 = arith.select %parallel_loop3A_1117, %parallel_loop3A_1118, %parallel_loop3A_1115 : i32
        %parallel_loop3A_1120 = arith.remsi %parallel_loop3A_1090, %parallel_loop3A_1119 : i32
        %parallel_loop3A_1121 = arith.constant 0 : i32
        %parallel_loop3A_1122 = arith.cmpi ne, %parallel_loop3A_1120, %parallel_loop3A_1121 : i32
        %parallel_loop3A_1123 = arith.constant 0 : i32
        %parallel_loop3A_1124 = arith.cmpi slt, %parallel_loop3A_1120, %parallel_loop3A_1123 : i32
        %parallel_loop3A_1125 = arith.constant 0 : i32
        %parallel_loop3A_1126 = arith.cmpi slt, %parallel_loop3A_1119, %parallel_loop3A_1125 : i32
        %parallel_loop3A_1127 = arith.xori %parallel_loop3A_1124, %parallel_loop3A_1126 : i1
        %parallel_loop3A_1128 = arith.andi %parallel_loop3A_1127, %parallel_loop3A_1122 : i1
        %parallel_loop3A_1129 = arith.addi %parallel_loop3A_1120, %parallel_loop3A_1119 : i32
        %parallel_loop3A_1130 = arith.select %parallel_loop3A_1128, %parallel_loop3A_1129, %parallel_loop3A_1120 : i32
        %parallel_loop3A_1131 = arith.constant 16 : i32
        %parallel_loop3A_1132 = arith.muli %parallel_loop3A_1130, %parallel_loop3A_1131 : i32
        %parallel_loop3A_1133 = tpu.assume_multiple %parallel_loop3A_1132, 16 : i32
        %parallel_loop3A_1134 = arith.constant 1 : i32
        %parallel_loop3A_1135 = arith.constant 0 : i32
        %parallel_loop3A_1136 = arith.index_cast %parallel_loop3A_1134 : i32 to index
        %parallel_loop3A_1137 = arith.index_cast %parallel_loop3A_1135 : i32 to index
        %parallel_loop3A_1138 = arith.index_cast %parallel_loop3A_1114 : i32 to index
        %parallel_loop3A_1139 = arith.index_cast %parallel_loop3A_1133 : i32 to index
        %parallel_loop3A_1140 = tpu.vector_load %arg5[%parallel_loop3A_1136, %parallel_loop3A_1137, %parallel_loop3A_1138, %parallel_loop3A_1139] {strides = array<i32>} : memref<2x14x8x128xf32, #tpu.memory_space<vmem>>, vector<16xf32>,
        %parallel_loop3A_1141 = arith.constant 1 : i32
        %parallel_loop3A_1142 = arith.constant 1 : i32
        %parallel_loop3A_1143 = arith.index_cast %parallel_loop3A_1141 : i32 to index
        %parallel_loop3A_1144 = arith.index_cast %parallel_loop3A_1142 : i32 to index
        %parallel_loop3A_1145 = arith.index_cast %parallel_loop3A_1114 : i32 to index
        %parallel_loop3A_1146 = arith.index_cast %parallel_loop3A_1133 : i32 to index
        %parallel_loop3A_1147 = tpu.vector_load %arg5[%parallel_loop3A_1143, %parallel_loop3A_1144, %parallel_loop3A_1145, %parallel_loop3A_1146] {strides = array<i32>} : memref<2x14x8x128xf32, #tpu.memory_space<vmem>>, vector<16xf32>,
        %parallel_loop3A_1148 = arith.constant 1 : i32
        %parallel_loop3A_1149 = arith.constant 2 : i32
        %parallel_loop3A_1150 = arith.index_cast %parallel_loop3A_1148 : i32 to index
        %parallel_loop3A_1151 = arith.index_cast %parallel_loop3A_1149 : i32 to index
        %parallel_loop3A_1152 = arith.index_cast %parallel_loop3A_1114 : i32 to index
        %parallel_loop3A_1153 = arith.index_cast %parallel_loop3A_1133 : i32 to index
        %parallel_loop3A_1154 = tpu.vector_load %arg5[%parallel_loop3A_1150, %parallel_loop3A_1151, %parallel_loop3A_1152, %parallel_loop3A_1153] {strides = array<i32>} : memref<2x14x8x128xf32, #tpu.memory_space<vmem>>, vector<16xf32>,
        %parallel_loop3A_1155 = arith.constant 1 : i32
        %parallel_loop3A_1156 = arith.constant 3 : i32
        %parallel_loop3A_1157 = arith.index_cast %parallel_loop3A_1155 : i32 to index
        %parallel_loop3A_1158 = arith.index_cast %parallel_loop3A_1156 : i32 to index
        %parallel_loop3A_1159 = arith.index_cast %parallel_loop3A_1114 : i32 to index
        %parallel_loop3A_1160 = arith.index_cast %parallel_loop3A_1133 : i32 to index
        %parallel_loop3A_1161 = tpu.vector_load %arg5[%parallel_loop3A_1157, %parallel_loop3A_1158, %parallel_loop3A_1159, %parallel_loop3A_1160] {strides = array<i32>} : memref<2x14x8x128xf32, #tpu.memory_space<vmem>>, vector<16xf32>,
        %parallel_loop3A_1162 = arith.constant 1 : i32
        %parallel_loop3A_1163 = arith.constant 4 : i32
        %parallel_loop3A_1164 = arith.index_cast %parallel_loop3A_1162 : i32 to index
        %parallel_loop3A_1165 = arith.index_cast %parallel_loop3A_1163 : i32 to index
        %parallel_loop3A_1166 = arith.index_cast %parallel_loop3A_1114 : i32 to index
        %parallel_loop3A_1167 = arith.index_cast %parallel_loop3A_1133 : i32 to index
        %parallel_loop3A_1168 = tpu.vector_load %arg5[%parallel_loop3A_1164, %parallel_loop3A_1165, %parallel_loop3A_1166, %parallel_loop3A_1167] {strides = array<i32>} : memref<2x14x8x128xf32, #tpu.memory_space<vmem>>, vector<16xf32>,
        %parallel_loop3A_1169 = arith.constant 1 : i32
        %parallel_loop3A_1170 = arith.constant 5 : i32
        %parallel_loop3A_1171 = arith.index_cast %parallel_loop3A_1169 : i32 to index
        %parallel_loop3A_1172 = arith.index_cast %parallel_loop3A_1170 : i32 to index
        %parallel_loop3A_1173 = arith.index_cast %parallel_loop3A_1114 : i32 to index
        %parallel_loop3A_1174 = arith.index_cast %parallel_loop3A_1133 : i32 to index
        %parallel_loop3A_1175 = tpu.vector_load %arg5[%parallel_loop3A_1171, %parallel_loop3A_1172, %parallel_loop3A_1173, %parallel_loop3A_1174] {strides = array<i32>} : memref<2x14x8x128xf32, #tpu.memory_space<vmem>>, vector<16xf32>,
        %parallel_loop3A_1176 = arith.constant 1 : i32
        %parallel_loop3A_1177 = arith.constant 6 : i32
        %parallel_loop3A_1178 = arith.index_cast %parallel_loop3A_1176 : i32 to index
        %parallel_loop3A_1179 = arith.index_cast %parallel_loop3A_1177 : i32 to index
        %parallel_loop3A_1180 = arith.index_cast %parallel_loop3A_1114 : i32 to index
        %parallel_loop3A_1181 = arith.index_cast %parallel_loop3A_1133 : i32 to index
        %parallel_loop3A_1182 = tpu.vector_load %arg5[%parallel_loop3A_1178, %parallel_loop3A_1179, %parallel_loop3A_1180, %parallel_loop3A_1181] {strides = array<i32>} : memref<2x14x8x128xf32, #tpu.memory_space<vmem>>, vector<16xf32>,
        %parallel_loop3A_1183 = arith.constant 1 : i32
        %parallel_loop3A_1184 = arith.constant 7 : i32
        %parallel_loop3A_1185 = arith.index_cast %parallel_loop3A_1183 : i32 to index
        %parallel_loop3A_1186 = arith.index_cast %parallel_loop3A_1184 : i32 to index
        %parallel_loop3A_1187 = arith.index_cast %parallel_loop3A_1114 : i32 to index
        %parallel_loop3A_1188 = arith.index_cast %parallel_loop3A_1133 : i32 to index
        %parallel_loop3A_1189 = tpu.vector_load %arg5[%parallel_loop3A_1185, %parallel_loop3A_1186, %parallel_loop3A_1187, %parallel_loop3A_1188] {strides = array<i32>} : memref<2x14x8x128xf32, #tpu.memory_space<vmem>>, vector<16xf32>,
        %parallel_loop3A_1190 = arith.constant 1 : i32
        %parallel_loop3A_1191 = arith.constant 8 : i32
        %parallel_loop3A_1192 = arith.index_cast %parallel_loop3A_1190 : i32 to index
        %parallel_loop3A_1193 = arith.index_cast %parallel_loop3A_1191 : i32 to index
        %parallel_loop3A_1194 = arith.index_cast %parallel_loop3A_1114 : i32 to index
        %parallel_loop3A_1195 = arith.index_cast %parallel_loop3A_1133 : i32 to index
        %parallel_loop3A_1196 = tpu.vector_load %arg5[%parallel_loop3A_1192, %parallel_loop3A_1193, %parallel_loop3A_1194, %parallel_loop3A_1195] {strides = array<i32>} : memref<2x14x8x128xf32, #tpu.memory_space<vmem>>, vector<16xf32>,
        %parallel_loop3A_1197 = arith.constant 1 : i32
        %parallel_loop3A_1198 = arith.constant 9 : i32
        %parallel_loop3A_1199 = arith.index_cast %parallel_loop3A_1197 : i32 to index
        %parallel_loop3A_1200 = arith.index_cast %parallel_loop3A_1198 : i32 to index
        %parallel_loop3A_1201 = arith.index_cast %parallel_loop3A_1114 : i32 to index
        %parallel_loop3A_1202 = arith.index_cast %parallel_loop3A_1133 : i32 to index
        %parallel_loop3A_1203 = tpu.vector_load %arg5[%parallel_loop3A_1199, %parallel_loop3A_1200, %parallel_loop3A_1201, %parallel_loop3A_1202] {strides = array<i32>} : memref<2x14x8x128xf32, #tpu.memory_space<vmem>>, vector<16xf32>,
        %parallel_loop3A_1204 = arith.constant 1 : i32
        %parallel_loop3A_1205 = arith.constant 10 : i32
        %parallel_loop3A_1206 = arith.index_cast %parallel_loop3A_1204 : i32 to index
        %parallel_loop3A_1207 = arith.index_cast %parallel_loop3A_1205 : i32 to index
        %parallel_loop3A_1208 = arith.index_cast %parallel_loop3A_1114 : i32 to index
        %parallel_loop3A_1209 = arith.index_cast %parallel_loop3A_1133 : i32 to index
        %parallel_loop3A_1210 = tpu.vector_load %arg5[%parallel_loop3A_1206, %parallel_loop3A_1207, %parallel_loop3A_1208, %parallel_loop3A_1209] {strides = array<i32>} : memref<2x14x8x128xf32, #tpu.memory_space<vmem>>, vector<16xf32>,
        %parallel_loop3A_1211 = arith.constant 1 : i32
        %parallel_loop3A_1212 = arith.constant 11 : i32
        %parallel_loop3A_1213 = arith.index_cast %parallel_loop3A_1211 : i32 to index
        %parallel_loop3A_1214 = arith.index_cast %parallel_loop3A_1212 : i32 to index
        %parallel_loop3A_1215 = arith.index_cast %parallel_loop3A_1114 : i32 to index
        %parallel_loop3A_1216 = arith.index_cast %parallel_loop3A_1133 : i32 to index
        %parallel_loop3A_1217 = tpu.vector_load %arg5[%parallel_loop3A_1213, %parallel_loop3A_1214, %parallel_loop3A_1215, %parallel_loop3A_1216] {strides = array<i32>} : memref<2x14x8x128xf32, #tpu.memory_space<vmem>>, vector<16xf32>,
        %parallel_loop3A_1218 = arith.constant 1 : i32
        %parallel_loop3A_1219 = arith.constant 12 : i32
        %parallel_loop3A_1220 = arith.index_cast %parallel_loop3A_1218 : i32 to index
        %parallel_loop3A_1221 = arith.index_cast %parallel_loop3A_1219 : i32 to index
        %parallel_loop3A_1222 = arith.index_cast %parallel_loop3A_1114 : i32 to index
        %parallel_loop3A_1223 = arith.index_cast %parallel_loop3A_1133 : i32 to index
        %parallel_loop3A_1224 = tpu.vector_load %arg5[%parallel_loop3A_1220, %parallel_loop3A_1221, %parallel_loop3A_1222, %parallel_loop3A_1223] {strides = array<i32>} : memref<2x14x8x128xf32, #tpu.memory_space<vmem>>, vector<16xf32>,
        %parallel_loop3A_1225 = arith.constant 1 : i32
        %parallel_loop3A_1226 = arith.constant 13 : i32
        %parallel_loop3A_1227 = arith.index_cast %parallel_loop3A_1225 : i32 to index
        %parallel_loop3A_1228 = arith.index_cast %parallel_loop3A_1226 : i32 to index
        %parallel_loop3A_1229 = arith.index_cast %parallel_loop3A_1114 : i32 to index
        %parallel_loop3A_1230 = arith.index_cast %parallel_loop3A_1133 : i32 to index
        %parallel_loop3A_1231 = tpu.vector_load %arg5[%parallel_loop3A_1227, %parallel_loop3A_1228, %parallel_loop3A_1229, %parallel_loop3A_1230] {strides = array<i32>} : memref<2x14x8x128xf32, #tpu.memory_space<vmem>>, vector<16xf32>,
        %parallel_loop3A_1232 = arith.constant 1 : i32
        %parallel_loop3A_1233 = arith.constant 0 : i32
        %parallel_loop3A_1234 = arith.index_cast %parallel_loop3A_1232 : i32 to index
        %parallel_loop3A_1235 = arith.index_cast %parallel_loop3A_1233 : i32 to index
        %parallel_loop3A_1236 = arith.index_cast %parallel_loop3A_1114 : i32 to index
        %parallel_loop3A_1237 = arith.index_cast %parallel_loop3A_1133 : i32 to index
        %parallel_loop3A_1238 = tpu.vector_load %arg6[%parallel_loop3A_1234, %parallel_loop3A_1235, %parallel_loop3A_1236, %parallel_loop3A_1237] {strides = array<i32>} : memref<2x14x8x128xf32, #tpu.memory_space<vmem>>, vector<16xf32>,
        %parallel_loop3A_1239 = arith.constant 1 : i32
        %parallel_loop3A_1240 = arith.constant 1 : i32
        %parallel_loop3A_1241 = arith.index_cast %parallel_loop3A_1239 : i32 to index
        %parallel_loop3A_1242 = arith.index_cast %parallel_loop3A_1240 : i32 to index
        %parallel_loop3A_1243 = arith.index_cast %parallel_loop3A_1114 : i32 to index
        %parallel_loop3A_1244 = arith.index_cast %parallel_loop3A_1133 : i32 to index
        %parallel_loop3A_1245 = tpu.vector_load %arg6[%parallel_loop3A_1241, %parallel_loop3A_1242, %parallel_loop3A_1243, %parallel_loop3A_1244] {strides = array<i32>} : memref<2x14x8x128xf32, #tpu.memory_space<vmem>>, vector<16xf32>,
        %parallel_loop3A_1246 = arith.constant 1 : i32
        %parallel_loop3A_1247 = arith.constant 2 : i32
        %parallel_loop3A_1248 = arith.index_cast %parallel_loop3A_1246 : i32 to index
        %parallel_loop3A_1249 = arith.index_cast %parallel_loop3A_1247 : i32 to index
        %parallel_loop3A_1250 = arith.index_cast %parallel_loop3A_1114 : i32 to index
        %parallel_loop3A_1251 = arith.index_cast %parallel_loop3A_1133 : i32 to index
        %parallel_loop3A_1252 = tpu.vector_load %arg6[%parallel_loop3A_1248, %parallel_loop3A_1249, %parallel_loop3A_1250, %parallel_loop3A_1251] {strides = array<i32>} : memref<2x14x8x128xf32, #tpu.memory_space<vmem>>, vector<16xf32>,
        %parallel_loop3A_1253 = arith.constant 1 : i32
        %parallel_loop3A_1254 = arith.constant 3 : i32
        %parallel_loop3A_1255 = arith.index_cast %parallel_loop3A_1253 : i32 to index
        %parallel_loop3A_1256 = arith.index_cast %parallel_loop3A_1254 : i32 to index
        %parallel_loop3A_1257 = arith.index_cast %parallel_loop3A_1114 : i32 to index
        %parallel_loop3A_1258 = arith.index_cast %parallel_loop3A_1133 : i32 to index
        %parallel_loop3A_1259 = tpu.vector_load %arg6[%parallel_loop3A_1255, %parallel_loop3A_1256, %parallel_loop3A_1257, %parallel_loop3A_1258] {strides = array<i32>} : memref<2x14x8x128xf32, #tpu.memory_space<vmem>>, vector<16xf32>,
        %parallel_loop3A_1260 = arith.constant 1 : i32
        %parallel_loop3A_1261 = arith.constant 4 : i32
        %parallel_loop3A_1262 = arith.index_cast %parallel_loop3A_1260 : i32 to index
        %parallel_loop3A_1263 = arith.index_cast %parallel_loop3A_1261 : i32 to index
        %parallel_loop3A_1264 = arith.index_cast %parallel_loop3A_1114 : i32 to index
        %parallel_loop3A_1265 = arith.index_cast %parallel_loop3A_1133 : i32 to index
        %parallel_loop3A_1266 = tpu.vector_load %arg6[%parallel_loop3A_1262, %parallel_loop3A_1263, %parallel_loop3A_1264, %parallel_loop3A_1265] {strides = array<i32>} : memref<2x14x8x128xf32, #tpu.memory_space<vmem>>, vector<16xf32>,
        %parallel_loop3A_1267 = arith.constant 1 : i32
        %parallel_loop3A_1268 = arith.constant 5 : i32
        %parallel_loop3A_1269 = arith.index_cast %parallel_loop3A_1267 : i32 to index
        %parallel_loop3A_1270 = arith.index_cast %parallel_loop3A_1268 : i32 to index
        %parallel_loop3A_1271 = arith.index_cast %parallel_loop3A_1114 : i32 to index
        %parallel_loop3A_1272 = arith.index_cast %parallel_loop3A_1133 : i32 to index
        %parallel_loop3A_1273 = tpu.vector_load %arg6[%parallel_loop3A_1269, %parallel_loop3A_1270, %parallel_loop3A_1271, %parallel_loop3A_1272] {strides = array<i32>} : memref<2x14x8x128xf32, #tpu.memory_space<vmem>>, vector<16xf32>,
        %parallel_loop3A_1274 = arith.constant 1 : i32
        %parallel_loop3A_1275 = arith.constant 6 : i32
        %parallel_loop3A_1276 = arith.index_cast %parallel_loop3A_1274 : i32 to index
        %parallel_loop3A_1277 = arith.index_cast %parallel_loop3A_1275 : i32 to index
        %parallel_loop3A_1278 = arith.index_cast %parallel_loop3A_1114 : i32 to index
        %parallel_loop3A_1279 = arith.index_cast %parallel_loop3A_1133 : i32 to index
        %parallel_loop3A_1280 = tpu.vector_load %arg6[%parallel_loop3A_1276, %parallel_loop3A_1277, %parallel_loop3A_1278, %parallel_loop3A_1279] {strides = array<i32>} : memref<2x14x8x128xf32, #tpu.memory_space<vmem>>, vector<16xf32>,
        %parallel_loop3A_1281 = arith.constant 1 : i32
        %parallel_loop3A_1282 = arith.constant 7 : i32
        %parallel_loop3A_1283 = arith.index_cast %parallel_loop3A_1281 : i32 to index
        %parallel_loop3A_1284 = arith.index_cast %parallel_loop3A_1282 : i32 to index
        %parallel_loop3A_1285 = arith.index_cast %parallel_loop3A_1114 : i32 to index
        %parallel_loop3A_1286 = arith.index_cast %parallel_loop3A_1133 : i32 to index
        %parallel_loop3A_1287 = tpu.vector_load %arg6[%parallel_loop3A_1283, %parallel_loop3A_1284, %parallel_loop3A_1285, %parallel_loop3A_1286] {strides = array<i32>} : memref<2x14x8x128xf32, #tpu.memory_space<vmem>>, vector<16xf32>,
        %parallel_loop3A_1288 = arith.constant 1 : i32
        %parallel_loop3A_1289 = arith.constant 8 : i32
        %parallel_loop3A_1290 = arith.index_cast %parallel_loop3A_1288 : i32 to index
        %parallel_loop3A_1291 = arith.index_cast %parallel_loop3A_1289 : i32 to index
        %parallel_loop3A_1292 = arith.index_cast %parallel_loop3A_1114 : i32 to index
        %parallel_loop3A_1293 = arith.index_cast %parallel_loop3A_1133 : i32 to index
        %parallel_loop3A_1294 = tpu.vector_load %arg6[%parallel_loop3A_1290, %parallel_loop3A_1291, %parallel_loop3A_1292, %parallel_loop3A_1293] {strides = array<i32>} : memref<2x14x8x128xf32, #tpu.memory_space<vmem>>, vector<16xf32>,
        %parallel_loop3A_1295 = arith.constant 1 : i32
        %parallel_loop3A_1296 = arith.constant 9 : i32
        %parallel_loop3A_1297 = arith.index_cast %parallel_loop3A_1295 : i32 to index
        %parallel_loop3A_1298 = arith.index_cast %parallel_loop3A_1296 : i32 to index
        %parallel_loop3A_1299 = arith.index_cast %parallel_loop3A_1114 : i32 to index
        %parallel_loop3A_1300 = arith.index_cast %parallel_loop3A_1133 : i32 to index
        %parallel_loop3A_1301 = tpu.vector_load %arg6[%parallel_loop3A_1297, %parallel_loop3A_1298, %parallel_loop3A_1299, %parallel_loop3A_1300] {strides = array<i32>} : memref<2x14x8x128xf32, #tpu.memory_space<vmem>>, vector<16xf32>,
        %parallel_loop3A_1302 = arith.constant 1 : i32
        %parallel_loop3A_1303 = arith.constant 10 : i32
        %parallel_loop3A_1304 = arith.index_cast %parallel_loop3A_1302 : i32 to index
        %parallel_loop3A_1305 = arith.index_cast %parallel_loop3A_1303 : i32 to index
        %parallel_loop3A_1306 = arith.index_cast %parallel_loop3A_1114 : i32 to index
        %parallel_loop3A_1307 = arith.index_cast %parallel_loop3A_1133 : i32 to index
        %parallel_loop3A_1308 = tpu.vector_load %arg6[%parallel_loop3A_1304, %parallel_loop3A_1305, %parallel_loop3A_1306, %parallel_loop3A_1307] {strides = array<i32>} : memref<2x14x8x128xf32, #tpu.memory_space<vmem>>, vector<16xf32>,
        %parallel_loop3A_1309 = arith.constant 1 : i32
        %parallel_loop3A_1310 = arith.constant 11 : i32
        %parallel_loop3A_1311 = arith.index_cast %parallel_loop3A_1309 : i32 to index
        %parallel_loop3A_1312 = arith.index_cast %parallel_loop3A_1310 : i32 to index
        %parallel_loop3A_1313 = arith.index_cast %parallel_loop3A_1114 : i32 to index
        %parallel_loop3A_1314 = arith.index_cast %parallel_loop3A_1133 : i32 to index
        %parallel_loop3A_1315 = tpu.vector_load %arg6[%parallel_loop3A_1311, %parallel_loop3A_1312, %parallel_loop3A_1313, %parallel_loop3A_1314] {strides = array<i32>} : memref<2x14x8x128xf32, #tpu.memory_space<vmem>>, vector<16xf32>,
        %parallel_loop3A_1316 = arith.constant 1 : i32
        %parallel_loop3A_1317 = arith.constant 12 : i32
        %parallel_loop3A_1318 = arith.index_cast %parallel_loop3A_1316 : i32 to index
        %parallel_loop3A_1319 = arith.index_cast %parallel_loop3A_1317 : i32 to index
        %parallel_loop3A_1320 = arith.index_cast %parallel_loop3A_1114 : i32 to index
        %parallel_loop3A_1321 = arith.index_cast %parallel_loop3A_1133 : i32 to index
        %parallel_loop3A_1322 = tpu.vector_load %arg6[%parallel_loop3A_1318, %parallel_loop3A_1319, %parallel_loop3A_1320, %parallel_loop3A_1321] {strides = array<i32>} : memref<2x14x8x128xf32, #tpu.memory_space<vmem>>, vector<16xf32>,
        %parallel_loop3A_1323 = arith.constant 1 : i32
        %parallel_loop3A_1324 = arith.constant 13 : i32
        %parallel_loop3A_1325 = arith.index_cast %parallel_loop3A_1323 : i32 to index
        %parallel_loop3A_1326 = arith.index_cast %parallel_loop3A_1324 : i32 to index
        %parallel_loop3A_1327 = arith.index_cast %parallel_loop3A_1114 : i32 to index
        %parallel_loop3A_1328 = arith.index_cast %parallel_loop3A_1133 : i32 to index
        %parallel_loop3A_1329 = tpu.vector_load %arg6[%parallel_loop3A_1325, %parallel_loop3A_1326, %parallel_loop3A_1327, %parallel_loop3A_1328] {strides = array<i32>} : memref<2x14x8x128xf32, #tpu.memory_space<vmem>>, vector<16xf32>,
        %parallel_loop3A_1330 = arith.maximumf %parallel_loop3A_1140, %parallel_loop3A_1147 : vector<16xf32>
        %parallel_loop3A_1331 = arith.maximumf %parallel_loop3A_1154, %parallel_loop3A_1161 : vector<16xf32>
        %parallel_loop3A_1332 = arith.maximumf %parallel_loop3A_1168, %parallel_loop3A_1175 : vector<16xf32>
        %parallel_loop3A_1333 = arith.maximumf %parallel_loop3A_1182, %parallel_loop3A_1189 : vector<16xf32>
        %parallel_loop3A_1334 = arith.maximumf %parallel_loop3A_1196, %parallel_loop3A_1203 : vector<16xf32>
        %parallel_loop3A_1335 = arith.maximumf %parallel_loop3A_1210, %parallel_loop3A_1217 : vector<16xf32>
        %parallel_loop3A_1336 = arith.maximumf %parallel_loop3A_1224, %parallel_loop3A_1231 : vector<16xf32>
        %parallel_loop3A_1337 = arith.maximumf %parallel_loop3A_1330, %parallel_loop3A_1331 : vector<16xf32>
        %parallel_loop3A_1338 = arith.maximumf %parallel_loop3A_1332, %parallel_loop3A_1333 : vector<16xf32>
        %parallel_loop3A_1339 = arith.maximumf %parallel_loop3A_1334, %parallel_loop3A_1335 : vector<16xf32>
        %parallel_loop3A_1340 = arith.maximumf %parallel_loop3A_1337, %parallel_loop3A_1338 : vector<16xf32>
        %parallel_loop3A_1341 = arith.maximumf %parallel_loop3A_1339, %parallel_loop3A_1336 : vector<16xf32>
        %parallel_loop3A_1342 = arith.maximumf %parallel_loop3A_1340, %parallel_loop3A_1341 : vector<16xf32>
        %parallel_loop3A_1343 = math.exp %parallel_loop3A_1140 : vector<16xf32>
        %parallel_loop3A_1344 = math.exp %parallel_loop3A_1147 : vector<16xf32>
        %parallel_loop3A_1345 = math.exp %parallel_loop3A_1154 : vector<16xf32>
        %parallel_loop3A_1346 = math.exp %parallel_loop3A_1161 : vector<16xf32>
        %parallel_loop3A_1347 = math.exp %parallel_loop3A_1168 : vector<16xf32>
        %parallel_loop3A_1348 = math.exp %parallel_loop3A_1175 : vector<16xf32>
        %parallel_loop3A_1349 = math.exp %parallel_loop3A_1182 : vector<16xf32>
        %parallel_loop3A_1350 = math.exp %parallel_loop3A_1189 : vector<16xf32>
        %parallel_loop3A_1351 = math.exp %parallel_loop3A_1196 : vector<16xf32>
        %parallel_loop3A_1352 = math.exp %parallel_loop3A_1203 : vector<16xf32>
        %parallel_loop3A_1353 = math.exp %parallel_loop3A_1210 : vector<16xf32>
        %parallel_loop3A_1354 = math.exp %parallel_loop3A_1217 : vector<16xf32>
        %parallel_loop3A_1355 = math.exp %parallel_loop3A_1224 : vector<16xf32>
        %parallel_loop3A_1356 = math.exp %parallel_loop3A_1231 : vector<16xf32>
        %parallel_loop3A_1357 = arith.addf %parallel_loop3A_1343, %parallel_loop3A_1344 : vector<16xf32>
        %parallel_loop3A_1358 = arith.addf %parallel_loop3A_1345, %parallel_loop3A_1346 : vector<16xf32>
        %parallel_loop3A_1359 = arith.addf %parallel_loop3A_1347, %parallel_loop3A_1348 : vector<16xf32>
        %parallel_loop3A_1360 = arith.addf %parallel_loop3A_1349, %parallel_loop3A_1350 : vector<16xf32>
        %parallel_loop3A_1361 = arith.addf %parallel_loop3A_1351, %parallel_loop3A_1352 : vector<16xf32>
        %parallel_loop3A_1362 = arith.addf %parallel_loop3A_1353, %parallel_loop3A_1354 : vector<16xf32>
        %parallel_loop3A_1363 = arith.addf %parallel_loop3A_1355, %parallel_loop3A_1356 : vector<16xf32>
        %parallel_loop3A_1364 = arith.addf %parallel_loop3A_1357, %parallel_loop3A_1358 : vector<16xf32>
        %parallel_loop3A_1365 = arith.addf %parallel_loop3A_1359, %parallel_loop3A_1360 : vector<16xf32>
        %parallel_loop3A_1366 = arith.addf %parallel_loop3A_1361, %parallel_loop3A_1362 : vector<16xf32>
        %parallel_loop3A_1367 = arith.addf %parallel_loop3A_1364, %parallel_loop3A_1365 : vector<16xf32>
        %parallel_loop3A_1368 = arith.addf %parallel_loop3A_1366, %parallel_loop3A_1363 : vector<16xf32>
        %parallel_loop3A_1369 = arith.addf %parallel_loop3A_1367, %parallel_loop3A_1368 : vector<16xf32>
        %parallel_loop3A_1370 = arith.cmpf ogt, %parallel_loop3A_1245, %parallel_loop3A_1238 : vector<16xf32>
        %parallel_loop3A_1371 = arith.select %parallel_loop3A_1370, %parallel_loop3A_1245, %parallel_loop3A_1238 : vector<16xi1>, vector<16xf32>
        %parallel_loop3A_1372 = arith.select %parallel_loop3A_1370, %parallel_loop3A_1147, %parallel_loop3A_1140 : vector<16xi1>, vector<16xf32>
        %parallel_loop3A_1373 = arith.cmpf ogt, %parallel_loop3A_1259, %parallel_loop3A_1252 : vector<16xf32>
        %parallel_loop3A_1374 = arith.select %parallel_loop3A_1373, %parallel_loop3A_1259, %parallel_loop3A_1252 : vector<16xi1>, vector<16xf32>
        %parallel_loop3A_1375 = arith.select %parallel_loop3A_1373, %parallel_loop3A_1161, %parallel_loop3A_1154 : vector<16xi1>, vector<16xf32>
        %parallel_loop3A_1376 = arith.cmpf ogt, %parallel_loop3A_1273, %parallel_loop3A_1266 : vector<16xf32>
        %parallel_loop3A_1377 = arith.select %parallel_loop3A_1376, %parallel_loop3A_1273, %parallel_loop3A_1266 : vector<16xi1>, vector<16xf32>
        %parallel_loop3A_1378 = arith.select %parallel_loop3A_1376, %parallel_loop3A_1175, %parallel_loop3A_1168 : vector<16xi1>, vector<16xf32>
        %parallel_loop3A_1379 = arith.cmpf ogt, %parallel_loop3A_1287, %parallel_loop3A_1280 : vector<16xf32>
        %parallel_loop3A_1380 = arith.select %parallel_loop3A_1379, %parallel_loop3A_1287, %parallel_loop3A_1280 : vector<16xi1>, vector<16xf32>
        %parallel_loop3A_1381 = arith.select %parallel_loop3A_1379, %parallel_loop3A_1189, %parallel_loop3A_1182 : vector<16xi1>, vector<16xf32>
        %parallel_loop3A_1382 = arith.cmpf ogt, %parallel_loop3A_1301, %parallel_loop3A_1294 : vector<16xf32>
        %parallel_loop3A_1383 = arith.select %parallel_loop3A_1382, %parallel_loop3A_1301, %parallel_loop3A_1294 : vector<16xi1>, vector<16xf32>
        %parallel_loop3A_1384 = arith.select %parallel_loop3A_1382, %parallel_loop3A_1203, %parallel_loop3A_1196 : vector<16xi1>, vector<16xf32>
        %parallel_loop3A_1385 = arith.cmpf ogt, %parallel_loop3A_1315, %parallel_loop3A_1308 : vector<16xf32>
        %parallel_loop3A_1386 = arith.select %parallel_loop3A_1385, %parallel_loop3A_1315, %parallel_loop3A_1308 : vector<16xi1>, vector<16xf32>
        %parallel_loop3A_1387 = arith.select %parallel_loop3A_1385, %parallel_loop3A_1217, %parallel_loop3A_1210 : vector<16xi1>, vector<16xf32>
        %parallel_loop3A_1388 = arith.cmpf ogt, %parallel_loop3A_1329, %parallel_loop3A_1322 : vector<16xf32>
        %parallel_loop3A_1389 = arith.select %parallel_loop3A_1388, %parallel_loop3A_1329, %parallel_loop3A_1322 : vector<16xi1>, vector<16xf32>
        %parallel_loop3A_1390 = arith.select %parallel_loop3A_1388, %parallel_loop3A_1231, %parallel_loop3A_1224 : vector<16xi1>, vector<16xf32>
        %parallel_loop3A_1391 = arith.cmpf ogt, %parallel_loop3A_1374, %parallel_loop3A_1371 : vector<16xf32>
        %parallel_loop3A_1392 = arith.select %parallel_loop3A_1391, %parallel_loop3A_1374, %parallel_loop3A_1371 : vector<16xi1>, vector<16xf32>
        %parallel_loop3A_1393 = arith.select %parallel_loop3A_1391, %parallel_loop3A_1375, %parallel_loop3A_1372 : vector<16xi1>, vector<16xf32>
        %parallel_loop3A_1394 = arith.cmpf ogt, %parallel_loop3A_1380, %parallel_loop3A_1377 : vector<16xf32>
        %parallel_loop3A_1395 = arith.select %parallel_loop3A_1394, %parallel_loop3A_1380, %parallel_loop3A_1377 : vector<16xi1>, vector<16xf32>
        %parallel_loop3A_1396 = arith.select %parallel_loop3A_1394, %parallel_loop3A_1381, %parallel_loop3A_1378 : vector<16xi1>, vector<16xf32>
        %parallel_loop3A_1397 = arith.cmpf ogt, %parallel_loop3A_1386, %parallel_loop3A_1383 : vector<16xf32>
        %parallel_loop3A_1398 = arith.select %parallel_loop3A_1397, %parallel_loop3A_1386, %parallel_loop3A_1383 : vector<16xi1>, vector<16xf32>
        %parallel_loop3A_1399 = arith.select %parallel_loop3A_1397, %parallel_loop3A_1387, %parallel_loop3A_1384 : vector<16xi1>, vector<16xf32>
        %parallel_loop3A_1400 = arith.cmpf ogt, %parallel_loop3A_1395, %parallel_loop3A_1392 : vector<16xf32>
        %parallel_loop3A_1401 = arith.select %parallel_loop3A_1400, %parallel_loop3A_1395, %parallel_loop3A_1392 : vector<16xi1>, vector<16xf32>
        %parallel_loop3A_1402 = arith.select %parallel_loop3A_1400, %parallel_loop3A_1396, %parallel_loop3A_1393 : vector<16xi1>, vector<16xf32>
        %parallel_loop3A_1403 = arith.cmpf ogt, %parallel_loop3A_1389, %parallel_loop3A_1398 : vector<16xf32>
        %parallel_loop3A_1404 = arith.select %parallel_loop3A_1403, %parallel_loop3A_1389, %parallel_loop3A_1398 : vector<16xi1>, vector<16xf32>
        %parallel_loop3A_1405 = arith.select %parallel_loop3A_1403, %parallel_loop3A_1390, %parallel_loop3A_1399 : vector<16xi1>, vector<16xf32>
        %parallel_loop3A_1406 = arith.cmpf ogt, %parallel_loop3A_1404, %parallel_loop3A_1401 : vector<16xf32>
        %parallel_loop3A_1407 = arith.select %parallel_loop3A_1406, %parallel_loop3A_1404, %parallel_loop3A_1401 : vector<16xi1>, vector<16xf32>
        %parallel_loop3A_1408 = arith.select %parallel_loop3A_1406, %parallel_loop3A_1405, %parallel_loop3A_1402 : vector<16xi1>, vector<16xf32>
        %parallel_loop3A_1409 = math.exp %parallel_loop3A_1342 : vector<16xf32>
        %parallel_loop3A_1410 = arith.divf %parallel_loop3A_1409, %parallel_loop3A_1369 : vector<16xf32>
        %parallel_loop3A_1411 = arith.cmpf oeq, %parallel_loop3A_1408, %parallel_loop3A_1342 : vector<16xf32>
        %parallel_loop3A_1412 = arith.constant 1.000000e+00 : f32
        %parallel_loop3A_1413 = arith.constant 0.000000e+00 : f32
        %parallel_loop3A_1414 = vector.broadcast %parallel_loop3A_1412 : f32 to vector<16xf32>
        %parallel_loop3A_1415 = vector.broadcast %parallel_loop3A_1413 : f32 to vector<16xf32>
        %parallel_loop3A_1416 = arith.select %parallel_loop3A_1411, %parallel_loop3A_1414, %parallel_loop3A_1415 : vector<16xi1>, vector<16xf32>
        %parallel_loop3A_1417 = arith.constant 1.500000e+01 : f32
        %parallel_loop3A_1418 = vector.broadcast %parallel_loop3A_1417 : f32 to vector<16xf32>
        %parallel_loop3A_1419 = arith.mulf %parallel_loop3A_1410, %parallel_loop3A_1418 : vector<16xf32>
        %parallel_loop3A_1420 = arith.fptosi %parallel_loop3A_1419 : vector<16xf32> to vector<16xi32>
        %parallel_loop3A_1421 = arith.constant 14 : i32
        %parallel_loop3A_1422 = vector.broadcast %parallel_loop3A_1421 : i32 to vector<16xi32>
        %parallel_loop3A_1423 = arith.minsi %parallel_loop3A_1420, %parallel_loop3A_1422 : vector<16xi32>
        %parallel_loop3A_1424 = arith.constant 16 : i32
        %parallel_loop3A_1425 = vector.broadcast %parallel_loop3A_1424 : i32 to vector<16xi32>
        %parallel_loop3A_1426 = arith.muli %parallel_loop3A_1423, %parallel_loop3A_1425 : vector<16xi32>
        %parallel_loop3A_1427 = arith.addi %parallel_loop3A_1426, %iota3A : vector<16xi32>
        tpu.vector_store_idx %arg7[%parallel_loop3A_1427], %broadcast_in_dim3A_94 {add = true} : memref<240xf32, #tpu.memory_space<vmem>>[vector<16xi32>], vector<16xf32>,
        tpu.vector_store_idx %arg8[%parallel_loop3A_1427], %parallel_loop3A_1410 {add = true} : memref<240xf32, #tpu.memory_space<vmem>>[vector<16xi32>], vector<16xf32>,
        tpu.vector_store_idx %arg9[%parallel_loop3A_1427], %parallel_loop3A_1416 {add = true} : memref<240xf32, #tpu.memory_space<vmem>>[vector<16xi32>], vector<16xf32>,
      } {sc.loop_unroll_factor = 2 : i64, sc.parallel_access}
    }
    %scan3A_209 = arith.constant 16 : i32
    %get3A = arith.constant 0 : index
    %get3A_210 = tpu.vector_load %arg7[%get3A] {strides = array<i32>} : memref<240xf32, #tpu.memory_space<vmem>>, vector<16xf32>,
    %reduce_sum3A = arith.constant true
    %reduce_sum3A_211 = vector.broadcast %reduce_sum3A : i1 to vector<16xi1>
    %reduce_sum3A_212 = tpu.scan <sum>, %get3A_210 masked %reduce_sum3A_211 : vector<16xf32>, vector<16xi1> -> vector<16xf32>
    %reduce_sum3A_213 = vector.extract %reduce_sum3A_212[15] : f32 from vector<16xf32>
    %eq3A_214 = arith.constant 0 : i32
    %eq3A_215 = vector.broadcast %eq3A_214 : i32 to vector<16xi32>
    %eq3A_216 = arith.cmpi eq, %iota3A, %eq3A_215 : vector<16xi32>
    %broadcast_in_dim3A_217 = vector.broadcast %reduce_sum3A_213 : f32 to vector<16xf32>
    %select_n3A_218 = arith.select %eq3A_216, %broadcast_in_dim3A_217, %broadcast_in_dim3A_3 : vector<16xi1>, vector<16xf32>
    %get3A_219 = arith.constant 16 : index
    %get3A_220 = tpu.vector_load %arg7[%get3A_219] {strides = array<i32>} : memref<240xf32, #tpu.memory_space<vmem>>, vector<16xf32>,
    %reduce_sum3A_221 = arith.constant true
    %reduce_sum3A_222 = vector.broadcast %reduce_sum3A_221 : i1 to vector<16xi1>
    %reduce_sum3A_223 = tpu.scan <sum>, %get3A_220 masked %reduce_sum3A_222 : vector<16xf32>, vector<16xi1> -> vector<16xf32>
    %reduce_sum3A_224 = vector.extract %reduce_sum3A_223[15] : f32 from vector<16xf32>
    %eq3A_225 = arith.constant 1 : i32
    %eq3A_226 = vector.broadcast %eq3A_225 : i32 to vector<16xi32>
    %eq3A_227 = arith.cmpi eq, %iota3A, %eq3A_226 : vector<16xi32>
    %broadcast_in_dim3A_228 = vector.broadcast %reduce_sum3A_224 : f32 to vector<16xf32>
    %select_n3A_229 = arith.select %eq3A_227, %broadcast_in_dim3A_228, %select_n3A_218 : vector<16xi1>, vector<16xf32>
    %get3A_230 = arith.constant 32 : index
    %get3A_231 = tpu.vector_load %arg7[%get3A_230] {strides = array<i32>} : memref<240xf32, #tpu.memory_space<vmem>>, vector<16xf32>,
    %reduce_sum3A_232 = arith.constant true
    %reduce_sum3A_233 = vector.broadcast %reduce_sum3A_232 : i1 to vector<16xi1>
    %reduce_sum3A_234 = tpu.scan <sum>, %get3A_231 masked %reduce_sum3A_233 : vector<16xf32>, vector<16xi1> -> vector<16xf32>
    %reduce_sum3A_235 = vector.extract %reduce_sum3A_234[15] : f32 from vector<16xf32>
    %eq3A_236 = arith.constant 2 : i32
    %eq3A_237 = vector.broadcast %eq3A_236 : i32 to vector<16xi32>
    %eq3A_238 = arith.cmpi eq, %iota3A, %eq3A_237 : vector<16xi32>
    %broadcast_in_dim3A_239 = vector.broadcast %reduce_sum3A_235 : f32 to vector<16xf32>
    %select_n3A_240 = arith.select %eq3A_238, %broadcast_in_dim3A_239, %select_n3A_229 : vector<16xi1>, vector<16xf32>
    %get3A_241 = arith.constant 48 : index
    %get3A_242 = tpu.vector_load %arg7[%get3A_241] {strides = array<i32>} : memref<240xf32, #tpu.memory_space<vmem>>, vector<16xf32>,
    %reduce_sum3A_243 = arith.constant true
    %reduce_sum3A_244 = vector.broadcast %reduce_sum3A_243 : i1 to vector<16xi1>
    %reduce_sum3A_245 = tpu.scan <sum>, %get3A_242 masked %reduce_sum3A_244 : vector<16xf32>, vector<16xi1> -> vector<16xf32>
    %reduce_sum3A_246 = vector.extract %reduce_sum3A_245[15] : f32 from vector<16xf32>
    %eq3A_247 = arith.constant 3 : i32
    %eq3A_248 = vector.broadcast %eq3A_247 : i32 to vector<16xi32>
    %eq3A_249 = arith.cmpi eq, %iota3A, %eq3A_248 : vector<16xi32>
    %broadcast_in_dim3A_250 = vector.broadcast %reduce_sum3A_246 : f32 to vector<16xf32>
    %select_n3A_251 = arith.select %eq3A_249, %broadcast_in_dim3A_250, %select_n3A_240 : vector<16xi1>, vector<16xf32>
    %get3A_252 = arith.constant 64 : index
    %get3A_253 = tpu.vector_load %arg7[%get3A_252] {strides = array<i32>} : memref<240xf32, #tpu.memory_space<vmem>>, vector<16xf32>,
    %reduce_sum3A_254 = arith.constant true
    %reduce_sum3A_255 = vector.broadcast %reduce_sum3A_254 : i1 to vector<16xi1>
    %reduce_sum3A_256 = tpu.scan <sum>, %get3A_253 masked %reduce_sum3A_255 : vector<16xf32>, vector<16xi1> -> vector<16xf32>
    %reduce_sum3A_257 = vector.extract %reduce_sum3A_256[15] : f32 from vector<16xf32>
    %eq3A_258 = arith.constant 4 : i32
    %eq3A_259 = vector.broadcast %eq3A_258 : i32 to vector<16xi32>
    %eq3A_260 = arith.cmpi eq, %iota3A, %eq3A_259 : vector<16xi32>
    %broadcast_in_dim3A_261 = vector.broadcast %reduce_sum3A_257 : f32 to vector<16xf32>
    %select_n3A_262 = arith.select %eq3A_260, %broadcast_in_dim3A_261, %select_n3A_251 : vector<16xi1>, vector<16xf32>
    %get3A_263 = arith.constant 80 : index
    %get3A_264 = tpu.vector_load %arg7[%get3A_263] {strides = array<i32>} : memref<240xf32, #tpu.memory_space<vmem>>, vector<16xf32>,
    %reduce_sum3A_265 = arith.constant true
    %reduce_sum3A_266 = vector.broadcast %reduce_sum3A_265 : i1 to vector<16xi1>
    %reduce_sum3A_267 = tpu.scan <sum>, %get3A_264 masked %reduce_sum3A_266 : vector<16xf32>, vector<16xi1> -> vector<16xf32>
    %reduce_sum3A_268 = vector.extract %reduce_sum3A_267[15] : f32 from vector<16xf32>
    %eq3A_269 = arith.constant 5 : i32
    %eq3A_270 = vector.broadcast %eq3A_269 : i32 to vector<16xi32>
    %eq3A_271 = arith.cmpi eq, %iota3A, %eq3A_270 : vector<16xi32>
    %broadcast_in_dim3A_272 = vector.broadcast %reduce_sum3A_268 : f32 to vector<16xf32>
    %select_n3A_273 = arith.select %eq3A_271, %broadcast_in_dim3A_272, %select_n3A_262 : vector<16xi1>, vector<16xf32>
    %get3A_274 = arith.constant 96 : index
    %get3A_275 = tpu.vector_load %arg7[%get3A_274] {strides = array<i32>} : memref<240xf32, #tpu.memory_space<vmem>>, vector<16xf32>,
    %reduce_sum3A_276 = arith.constant true
    %reduce_sum3A_277 = vector.broadcast %reduce_sum3A_276 : i1 to vector<16xi1>
    %reduce_sum3A_278 = tpu.scan <sum>, %get3A_275 masked %reduce_sum3A_277 : vector<16xf32>, vector<16xi1> -> vector<16xf32>
    %reduce_sum3A_279 = vector.extract %reduce_sum3A_278[15] : f32 from vector<16xf32>
    %eq3A_280 = arith.constant 6 : i32
    %eq3A_281 = vector.broadcast %eq3A_280 : i32 to vector<16xi32>
    %eq3A_282 = arith.cmpi eq, %iota3A, %eq3A_281 : vector<16xi32>
    %broadcast_in_dim3A_283 = vector.broadcast %reduce_sum3A_279 : f32 to vector<16xf32>
    %select_n3A_284 = arith.select %eq3A_282, %broadcast_in_dim3A_283, %select_n3A_273 : vector<16xi1>, vector<16xf32>
    %get3A_285 = arith.constant 112 : index
    %get3A_286 = tpu.vector_load %arg7[%get3A_285] {strides = array<i32>} : memref<240xf32, #tpu.memory_space<vmem>>, vector<16xf32>,
    %reduce_sum3A_287 = arith.constant true
    %reduce_sum3A_288 = vector.broadcast %reduce_sum3A_287 : i1 to vector<16xi1>
    %reduce_sum3A_289 = tpu.scan <sum>, %get3A_286 masked %reduce_sum3A_288 : vector<16xf32>, vector<16xi1> -> vector<16xf32>
    %reduce_sum3A_290 = vector.extract %reduce_sum3A_289[15] : f32 from vector<16xf32>
    %eq3A_291 = arith.constant 7 : i32
    %eq3A_292 = vector.broadcast %eq3A_291 : i32 to vector<16xi32>
    %eq3A_293 = arith.cmpi eq, %iota3A, %eq3A_292 : vector<16xi32>
    %broadcast_in_dim3A_294 = vector.broadcast %reduce_sum3A_290 : f32 to vector<16xf32>
    %select_n3A_295 = arith.select %eq3A_293, %broadcast_in_dim3A_294, %select_n3A_284 : vector<16xi1>, vector<16xf32>
    %get3A_296 = arith.constant 128 : index
    %get3A_297 = tpu.vector_load %arg7[%get3A_296] {strides = array<i32>} : memref<240xf32, #tpu.memory_space<vmem>>, vector<16xf32>,
    %reduce_sum3A_298 = arith.constant true
    %reduce_sum3A_299 = vector.broadcast %reduce_sum3A_298 : i1 to vector<16xi1>
    %reduce_sum3A_300 = tpu.scan <sum>, %get3A_297 masked %reduce_sum3A_299 : vector<16xf32>, vector<16xi1> -> vector<16xf32>
    %reduce_sum3A_301 = vector.extract %reduce_sum3A_300[15] : f32 from vector<16xf32>
    %eq3A_302 = arith.constant 8 : i32
    %eq3A_303 = vector.broadcast %eq3A_302 : i32 to vector<16xi32>
    %eq3A_304 = arith.cmpi eq, %iota3A, %eq3A_303 : vector<16xi32>
    %broadcast_in_dim3A_305 = vector.broadcast %reduce_sum3A_301 : f32 to vector<16xf32>
    %select_n3A_306 = arith.select %eq3A_304, %broadcast_in_dim3A_305, %select_n3A_295 : vector<16xi1>, vector<16xf32>
    %get3A_307 = arith.constant 144 : index
    %get3A_308 = tpu.vector_load %arg7[%get3A_307] {strides = array<i32>} : memref<240xf32, #tpu.memory_space<vmem>>, vector<16xf32>,
    %reduce_sum3A_309 = arith.constant true
    %reduce_sum3A_310 = vector.broadcast %reduce_sum3A_309 : i1 to vector<16xi1>
    %reduce_sum3A_311 = tpu.scan <sum>, %get3A_308 masked %reduce_sum3A_310 : vector<16xf32>, vector<16xi1> -> vector<16xf32>
    %reduce_sum3A_312 = vector.extract %reduce_sum3A_311[15] : f32 from vector<16xf32>
    %eq3A_313 = arith.constant 9 : i32
    %eq3A_314 = vector.broadcast %eq3A_313 : i32 to vector<16xi32>
    %eq3A_315 = arith.cmpi eq, %iota3A, %eq3A_314 : vector<16xi32>
    %broadcast_in_dim3A_316 = vector.broadcast %reduce_sum3A_312 : f32 to vector<16xf32>
    %select_n3A_317 = arith.select %eq3A_315, %broadcast_in_dim3A_316, %select_n3A_306 : vector<16xi1>, vector<16xf32>
    %get3A_318 = arith.constant 160 : index
    %get3A_319 = tpu.vector_load %arg7[%get3A_318] {strides = array<i32>} : memref<240xf32, #tpu.memory_space<vmem>>, vector<16xf32>,
    %reduce_sum3A_320 = arith.constant true
    %reduce_sum3A_321 = vector.broadcast %reduce_sum3A_320 : i1 to vector<16xi1>
    %reduce_sum3A_322 = tpu.scan <sum>, %get3A_319 masked %reduce_sum3A_321 : vector<16xf32>, vector<16xi1> -> vector<16xf32>
    %reduce_sum3A_323 = vector.extract %reduce_sum3A_322[15] : f32 from vector<16xf32>
    %eq3A_324 = arith.constant 10 : i32
    %eq3A_325 = vector.broadcast %eq3A_324 : i32 to vector<16xi32>
    %eq3A_326 = arith.cmpi eq, %iota3A, %eq3A_325 : vector<16xi32>
    %broadcast_in_dim3A_327 = vector.broadcast %reduce_sum3A_323 : f32 to vector<16xf32>
    %select_n3A_328 = arith.select %eq3A_326, %broadcast_in_dim3A_327, %select_n3A_317 : vector<16xi1>, vector<16xf32>
    %get3A_329 = arith.constant 176 : index
    %get3A_330 = tpu.vector_load %arg7[%get3A_329] {strides = array<i32>} : memref<240xf32, #tpu.memory_space<vmem>>, vector<16xf32>,
    %reduce_sum3A_331 = arith.constant true
    %reduce_sum3A_332 = vector.broadcast %reduce_sum3A_331 : i1 to vector<16xi1>
    %reduce_sum3A_333 = tpu.scan <sum>, %get3A_330 masked %reduce_sum3A_332 : vector<16xf32>, vector<16xi1> -> vector<16xf32>
    %reduce_sum3A_334 = vector.extract %reduce_sum3A_333[15] : f32 from vector<16xf32>
    %eq3A_335 = arith.constant 11 : i32
    %eq3A_336 = vector.broadcast %eq3A_335 : i32 to vector<16xi32>
    %eq3A_337 = arith.cmpi eq, %iota3A, %eq3A_336 : vector<16xi32>
    %broadcast_in_dim3A_338 = vector.broadcast %reduce_sum3A_334 : f32 to vector<16xf32>
    %select_n3A_339 = arith.select %eq3A_337, %broadcast_in_dim3A_338, %select_n3A_328 : vector<16xi1>, vector<16xf32>
    %get3A_340 = arith.constant 192 : index
    %get3A_341 = tpu.vector_load %arg7[%get3A_340] {strides = array<i32>} : memref<240xf32, #tpu.memory_space<vmem>>, vector<16xf32>,
    %reduce_sum3A_342 = arith.constant true
    %reduce_sum3A_343 = vector.broadcast %reduce_sum3A_342 : i1 to vector<16xi1>
    %reduce_sum3A_344 = tpu.scan <sum>, %get3A_341 masked %reduce_sum3A_343 : vector<16xf32>, vector<16xi1> -> vector<16xf32>
    %reduce_sum3A_345 = vector.extract %reduce_sum3A_344[15] : f32 from vector<16xf32>
    %eq3A_346 = arith.constant 12 : i32
    %eq3A_347 = vector.broadcast %eq3A_346 : i32 to vector<16xi32>
    %eq3A_348 = arith.cmpi eq, %iota3A, %eq3A_347 : vector<16xi32>
    %broadcast_in_dim3A_349 = vector.broadcast %reduce_sum3A_345 : f32 to vector<16xf32>
    %select_n3A_350 = arith.select %eq3A_348, %broadcast_in_dim3A_349, %select_n3A_339 : vector<16xi1>, vector<16xf32>
    %get3A_351 = arith.constant 208 : index
    %get3A_352 = tpu.vector_load %arg7[%get3A_351] {strides = array<i32>} : memref<240xf32, #tpu.memory_space<vmem>>, vector<16xf32>,
    %reduce_sum3A_353 = arith.constant true
    %reduce_sum3A_354 = vector.broadcast %reduce_sum3A_353 : i1 to vector<16xi1>
    %reduce_sum3A_355 = tpu.scan <sum>, %get3A_352 masked %reduce_sum3A_354 : vector<16xf32>, vector<16xi1> -> vector<16xf32>
    %reduce_sum3A_356 = vector.extract %reduce_sum3A_355[15] : f32 from vector<16xf32>
    %eq3A_357 = arith.constant 13 : i32
    %eq3A_358 = vector.broadcast %eq3A_357 : i32 to vector<16xi32>
    %eq3A_359 = arith.cmpi eq, %iota3A, %eq3A_358 : vector<16xi32>
    %broadcast_in_dim3A_360 = vector.broadcast %reduce_sum3A_356 : f32 to vector<16xf32>
    %select_n3A_361 = arith.select %eq3A_359, %broadcast_in_dim3A_360, %select_n3A_350 : vector<16xi1>, vector<16xf32>
    %get3A_362 = arith.constant 224 : index
    %get3A_363 = tpu.vector_load %arg7[%get3A_362] {strides = array<i32>} : memref<240xf32, #tpu.memory_space<vmem>>, vector<16xf32>,
    %reduce_sum3A_364 = arith.constant true
    %reduce_sum3A_365 = vector.broadcast %reduce_sum3A_364 : i1 to vector<16xi1>
    %reduce_sum3A_366 = tpu.scan <sum>, %get3A_363 masked %reduce_sum3A_365 : vector<16xf32>, vector<16xi1> -> vector<16xf32>
    %reduce_sum3A_367 = vector.extract %reduce_sum3A_366[15] : f32 from vector<16xf32>
    %eq3A_368 = arith.constant 14 : i32
    %eq3A_369 = vector.broadcast %eq3A_368 : i32 to vector<16xi32>
    %eq3A_370 = arith.cmpi eq, %iota3A, %eq3A_369 : vector<16xi32>
    %broadcast_in_dim3A_371 = vector.broadcast %reduce_sum3A_367 : f32 to vector<16xf32>
    %select_n3A_372 = arith.select %eq3A_370, %broadcast_in_dim3A_371, %select_n3A_361 : vector<16xi1>, vector<16xf32>
    %swap3A_373 = arith.constant 0 : index
    %swap3A_374 = tpu.vector_load %arg10[%swap3A_373] {strides = array<i32>} : memref<16xf32, #tpu.memory_space<vmem>>, vector<16xf32>,
    tpu.vector_store %arg10[%swap3A_373], %select_n3A_372 {strides = array<i32>} : memref<16xf32, #tpu.memory_space<vmem>>, vector<16xf32>,
    %run_scoped3A = arith.constant 0 : i32
    "tpu.region"() ({
      %run_scoped3A_711 = tpu.sem_alloc : memref<!tpu.dma_semaphore, #tpu.memory_space<semaphore_mem>>
      %dma_start3A_712 = arith.constant 0 : i32
      %dma_start3A_713 = tpu.memref_slice %arg4[%run_scoped3A, %add3A, %dma_start3A_712] : memref<3x32x16xf32, #tpu.memory_space<hbm>> -> memref<1x1x16xf32, #tpu.memory_space<hbm>>
      %dma_start3A_714 = tpu.memref_squeeze %dma_start3A_713 : memref<1x1x16xf32, #tpu.memory_space<hbm>> -> memref<16xf32, #tpu.memory_space<hbm>>
      %dma_start3A_715 = arith.constant 0 : i32
      %dma_start3A_716 = tpu.memref_slice %arg4[%run_scoped3A, %add3A, %dma_start3A_715] : memref<3x32x16xf32, #tpu.memory_space<hbm>> -> memref<1x1x16xf32, #tpu.memory_space<hbm>>
      %dma_start3A_717 = tpu.memref_squeeze %dma_start3A_716 : memref<1x1x16xf32, #tpu.memory_space<hbm>> -> memref<16xf32, #tpu.memory_space<hbm>>
      tpu.enqueue_dma source(%arg10 : memref<16xf32, #tpu.memory_space<vmem>>) target(%dma_start3A_717 : memref<16xf32, #tpu.memory_space<hbm>>) target_semaphore(%run_scoped3A_711 : memref<!tpu.dma_semaphore, #tpu.memory_space<semaphore_mem>>)
      %dma_wait3A = arith.constant 0 : i32
      %dma_wait3A_718 = tpu.memref_slice %arg4[%run_scoped3A, %add3A, %dma_wait3A] : memref<3x32x16xf32, #tpu.memory_space<hbm>> -> memref<1x1x16xf32, #tpu.memory_space<hbm>>
      %dma_wait3A_719 = tpu.memref_squeeze %dma_wait3A_718 : memref<1x1x16xf32, #tpu.memory_space<hbm>> -> memref<16xf32, #tpu.memory_space<hbm>>
      %dma_wait3A_720 = arith.constant 0 : i32
      %dma_wait3A_721 = tpu.memref_slice %arg4[%run_scoped3A, %add3A, %dma_wait3A_720] : memref<3x32x16xf32, #tpu.memory_space<hbm>> -> memref<1x1x16xf32, #tpu.memory_space<hbm>>
      %dma_wait3A_722 = tpu.memref_squeeze %dma_wait3A_721 : memref<1x1x16xf32, #tpu.memory_space<hbm>> -> memref<16xf32, #tpu.memory_space<hbm>>
      tpu.wait_dma2 semaphore(%run_scoped3A_711 : memref<!tpu.dma_semaphore, #tpu.memory_space<semaphore_mem>>) src(%arg10 : memref<16xf32, #tpu.memory_space<vmem>>) dst(%dma_wait3A_722 : memref<16xf32, #tpu.memory_space<hbm>>)
      tpu.yield
    }) : () -> ()
    %get3A_375 = arith.constant 0 : index
    %get3A_376 = tpu.vector_load %arg8[%get3A_375] {strides = array<i32>} : memref<240xf32, #tpu.memory_space<vmem>>, vector<16xf32>,
    %reduce_sum3A_377 = arith.constant true
    %reduce_sum3A_378 = vector.broadcast %reduce_sum3A_377 : i1 to vector<16xi1>
    %reduce_sum3A_379 = tpu.scan <sum>, %get3A_376 masked %reduce_sum3A_378 : vector<16xf32>, vector<16xi1> -> vector<16xf32>
    %reduce_sum3A_380 = vector.extract %reduce_sum3A_379[15] : f32 from vector<16xf32>
    %eq3A_381 = arith.constant 0 : i32
    %eq3A_382 = vector.broadcast %eq3A_381 : i32 to vector<16xi32>
    %eq3A_383 = arith.cmpi eq, %iota3A, %eq3A_382 : vector<16xi32>
    %broadcast_in_dim3A_384 = vector.broadcast %reduce_sum3A_380 : f32 to vector<16xf32>
    %select_n3A_385 = arith.select %eq3A_383, %broadcast_in_dim3A_384, %broadcast_in_dim3A_3 : vector<16xi1>, vector<16xf32>
    %get3A_386 = arith.constant 16 : index
    %get3A_387 = tpu.vector_load %arg8[%get3A_386] {strides = array<i32>} : memref<240xf32, #tpu.memory_space<vmem>>, vector<16xf32>,
    %reduce_sum3A_388 = arith.constant true
    %reduce_sum3A_389 = vector.broadcast %reduce_sum3A_388 : i1 to vector<16xi1>
    %reduce_sum3A_390 = tpu.scan <sum>, %get3A_387 masked %reduce_sum3A_389 : vector<16xf32>, vector<16xi1> -> vector<16xf32>
    %reduce_sum3A_391 = vector.extract %reduce_sum3A_390[15] : f32 from vector<16xf32>
    %eq3A_392 = arith.constant 1 : i32
    %eq3A_393 = vector.broadcast %eq3A_392 : i32 to vector<16xi32>
    %eq3A_394 = arith.cmpi eq, %iota3A, %eq3A_393 : vector<16xi32>
    %broadcast_in_dim3A_395 = vector.broadcast %reduce_sum3A_391 : f32 to vector<16xf32>
    %select_n3A_396 = arith.select %eq3A_394, %broadcast_in_dim3A_395, %select_n3A_385 : vector<16xi1>, vector<16xf32>
    %get3A_397 = arith.constant 32 : index
    %get3A_398 = tpu.vector_load %arg8[%get3A_397] {strides = array<i32>} : memref<240xf32, #tpu.memory_space<vmem>>, vector<16xf32>,
    %reduce_sum3A_399 = arith.constant true
    %reduce_sum3A_400 = vector.broadcast %reduce_sum3A_399 : i1 to vector<16xi1>
    %reduce_sum3A_401 = tpu.scan <sum>, %get3A_398 masked %reduce_sum3A_400 : vector<16xf32>, vector<16xi1> -> vector<16xf32>
    %reduce_sum3A_402 = vector.extract %reduce_sum3A_401[15] : f32 from vector<16xf32>
    %eq3A_403 = arith.constant 2 : i32
    %eq3A_404 = vector.broadcast %eq3A_403 : i32 to vector<16xi32>
    %eq3A_405 = arith.cmpi eq, %iota3A, %eq3A_404 : vector<16xi32>
    %broadcast_in_dim3A_406 = vector.broadcast %reduce_sum3A_402 : f32 to vector<16xf32>
    %select_n3A_407 = arith.select %eq3A_405, %broadcast_in_dim3A_406, %select_n3A_396 : vector<16xi1>, vector<16xf32>
    %get3A_408 = arith.constant 48 : index
    %get3A_409 = tpu.vector_load %arg8[%get3A_408] {strides = array<i32>} : memref<240xf32, #tpu.memory_space<vmem>>, vector<16xf32>,
    %reduce_sum3A_410 = arith.constant true
    %reduce_sum3A_411 = vector.broadcast %reduce_sum3A_410 : i1 to vector<16xi1>
    %reduce_sum3A_412 = tpu.scan <sum>, %get3A_409 masked %reduce_sum3A_411 : vector<16xf32>, vector<16xi1> -> vector<16xf32>
    %reduce_sum3A_413 = vector.extract %reduce_sum3A_412[15] : f32 from vector<16xf32>
    %eq3A_414 = arith.constant 3 : i32
    %eq3A_415 = vector.broadcast %eq3A_414 : i32 to vector<16xi32>
    %eq3A_416 = arith.cmpi eq, %iota3A, %eq3A_415 : vector<16xi32>
    %broadcast_in_dim3A_417 = vector.broadcast %reduce_sum3A_413 : f32 to vector<16xf32>
    %select_n3A_418 = arith.select %eq3A_416, %broadcast_in_dim3A_417, %select_n3A_407 : vector<16xi1>, vector<16xf32>
    %get3A_419 = arith.constant 64 : index
    %get3A_420 = tpu.vector_load %arg8[%get3A_419] {strides = array<i32>} : memref<240xf32, #tpu.memory_space<vmem>>, vector<16xf32>,
    %reduce_sum3A_421 = arith.constant true
    %reduce_sum3A_422 = vector.broadcast %reduce_sum3A_421 : i1 to vector<16xi1>
    %reduce_sum3A_423 = tpu.scan <sum>, %get3A_420 masked %reduce_sum3A_422 : vector<16xf32>, vector<16xi1> -> vector<16xf32>
    %reduce_sum3A_424 = vector.extract %reduce_sum3A_423[15] : f32 from vector<16xf32>
    %eq3A_425 = arith.constant 4 : i32
    %eq3A_426 = vector.broadcast %eq3A_425 : i32 to vector<16xi32>
    %eq3A_427 = arith.cmpi eq, %iota3A, %eq3A_426 : vector<16xi32>
    %broadcast_in_dim3A_428 = vector.broadcast %reduce_sum3A_424 : f32 to vector<16xf32>
    %select_n3A_429 = arith.select %eq3A_427, %broadcast_in_dim3A_428, %select_n3A_418 : vector<16xi1>, vector<16xf32>
    %get3A_430 = arith.constant 80 : index
    %get3A_431 = tpu.vector_load %arg8[%get3A_430] {strides = array<i32>} : memref<240xf32, #tpu.memory_space<vmem>>, vector<16xf32>,
    %reduce_sum3A_432 = arith.constant true
    %reduce_sum3A_433 = vector.broadcast %reduce_sum3A_432 : i1 to vector<16xi1>
    %reduce_sum3A_434 = tpu.scan <sum>, %get3A_431 masked %reduce_sum3A_433 : vector<16xf32>, vector<16xi1> -> vector<16xf32>
    %reduce_sum3A_435 = vector.extract %reduce_sum3A_434[15] : f32 from vector<16xf32>
    %eq3A_436 = arith.constant 5 : i32
    %eq3A_437 = vector.broadcast %eq3A_436 : i32 to vector<16xi32>
    %eq3A_438 = arith.cmpi eq, %iota3A, %eq3A_437 : vector<16xi32>
    %broadcast_in_dim3A_439 = vector.broadcast %reduce_sum3A_435 : f32 to vector<16xf32>
    %select_n3A_440 = arith.select %eq3A_438, %broadcast_in_dim3A_439, %select_n3A_429 : vector<16xi1>, vector<16xf32>
    %get3A_441 = arith.constant 96 : index
    %get3A_442 = tpu.vector_load %arg8[%get3A_441] {strides = array<i32>} : memref<240xf32, #tpu.memory_space<vmem>>, vector<16xf32>,
    %reduce_sum3A_443 = arith.constant true
    %reduce_sum3A_444 = vector.broadcast %reduce_sum3A_443 : i1 to vector<16xi1>
    %reduce_sum3A_445 = tpu.scan <sum>, %get3A_442 masked %reduce_sum3A_444 : vector<16xf32>, vector<16xi1> -> vector<16xf32>
    %reduce_sum3A_446 = vector.extract %reduce_sum3A_445[15] : f32 from vector<16xf32>
    %eq3A_447 = arith.constant 6 : i32
    %eq3A_448 = vector.broadcast %eq3A_447 : i32 to vector<16xi32>
    %eq3A_449 = arith.cmpi eq, %iota3A, %eq3A_448 : vector<16xi32>
    %broadcast_in_dim3A_450 = vector.broadcast %reduce_sum3A_446 : f32 to vector<16xf32>
    %select_n3A_451 = arith.select %eq3A_449, %broadcast_in_dim3A_450, %select_n3A_440 : vector<16xi1>, vector<16xf32>
    %get3A_452 = arith.constant 112 : index
    %get3A_453 = tpu.vector_load %arg8[%get3A_452] {strides = array<i32>} : memref<240xf32, #tpu.memory_space<vmem>>, vector<16xf32>,
    %reduce_sum3A_454 = arith.constant true
    %reduce_sum3A_455 = vector.broadcast %reduce_sum3A_454 : i1 to vector<16xi1>
    %reduce_sum3A_456 = tpu.scan <sum>, %get3A_453 masked %reduce_sum3A_455 : vector<16xf32>, vector<16xi1> -> vector<16xf32>
    %reduce_sum3A_457 = vector.extract %reduce_sum3A_456[15] : f32 from vector<16xf32>
    %eq3A_458 = arith.constant 7 : i32
    %eq3A_459 = vector.broadcast %eq3A_458 : i32 to vector<16xi32>
    %eq3A_460 = arith.cmpi eq, %iota3A, %eq3A_459 : vector<16xi32>
    %broadcast_in_dim3A_461 = vector.broadcast %reduce_sum3A_457 : f32 to vector<16xf32>
    %select_n3A_462 = arith.select %eq3A_460, %broadcast_in_dim3A_461, %select_n3A_451 : vector<16xi1>, vector<16xf32>
    %get3A_463 = arith.constant 128 : index
    %get3A_464 = tpu.vector_load %arg8[%get3A_463] {strides = array<i32>} : memref<240xf32, #tpu.memory_space<vmem>>, vector<16xf32>,
    %reduce_sum3A_465 = arith.constant true
    %reduce_sum3A_466 = vector.broadcast %reduce_sum3A_465 : i1 to vector<16xi1>
    %reduce_sum3A_467 = tpu.scan <sum>, %get3A_464 masked %reduce_sum3A_466 : vector<16xf32>, vector<16xi1> -> vector<16xf32>
    %reduce_sum3A_468 = vector.extract %reduce_sum3A_467[15] : f32 from vector<16xf32>
    %eq3A_469 = arith.constant 8 : i32
    %eq3A_470 = vector.broadcast %eq3A_469 : i32 to vector<16xi32>
    %eq3A_471 = arith.cmpi eq, %iota3A, %eq3A_470 : vector<16xi32>
    %broadcast_in_dim3A_472 = vector.broadcast %reduce_sum3A_468 : f32 to vector<16xf32>
    %select_n3A_473 = arith.select %eq3A_471, %broadcast_in_dim3A_472, %select_n3A_462 : vector<16xi1>, vector<16xf32>
    %get3A_474 = arith.constant 144 : index
    %get3A_475 = tpu.vector_load %arg8[%get3A_474] {strides = array<i32>} : memref<240xf32, #tpu.memory_space<vmem>>, vector<16xf32>,
    %reduce_sum3A_476 = arith.constant true
    %reduce_sum3A_477 = vector.broadcast %reduce_sum3A_476 : i1 to vector<16xi1>
    %reduce_sum3A_478 = tpu.scan <sum>, %get3A_475 masked %reduce_sum3A_477 : vector<16xf32>, vector<16xi1> -> vector<16xf32>
    %reduce_sum3A_479 = vector.extract %reduce_sum3A_478[15] : f32 from vector<16xf32>
    %eq3A_480 = arith.constant 9 : i32
    %eq3A_481 = vector.broadcast %eq3A_480 : i32 to vector<16xi32>
    %eq3A_482 = arith.cmpi eq, %iota3A, %eq3A_481 : vector<16xi32>
    %broadcast_in_dim3A_483 = vector.broadcast %reduce_sum3A_479 : f32 to vector<16xf32>
    %select_n3A_484 = arith.select %eq3A_482, %broadcast_in_dim3A_483, %select_n3A_473 : vector<16xi1>, vector<16xf32>
    %get3A_485 = arith.constant 160 : index
    %get3A_486 = tpu.vector_load %arg8[%get3A_485] {strides = array<i32>} : memref<240xf32, #tpu.memory_space<vmem>>, vector<16xf32>,
    %reduce_sum3A_487 = arith.constant true
    %reduce_sum3A_488 = vector.broadcast %reduce_sum3A_487 : i1 to vector<16xi1>
    %reduce_sum3A_489 = tpu.scan <sum>, %get3A_486 masked %reduce_sum3A_488 : vector<16xf32>, vector<16xi1> -> vector<16xf32>
    %reduce_sum3A_490 = vector.extract %reduce_sum3A_489[15] : f32 from vector<16xf32>
    %eq3A_491 = arith.constant 10 : i32
    %eq3A_492 = vector.broadcast %eq3A_491 : i32 to vector<16xi32>
    %eq3A_493 = arith.cmpi eq, %iota3A, %eq3A_492 : vector<16xi32>
    %broadcast_in_dim3A_494 = vector.broadcast %reduce_sum3A_490 : f32 to vector<16xf32>
    %select_n3A_495 = arith.select %eq3A_493, %broadcast_in_dim3A_494, %select_n3A_484 : vector<16xi1>, vector<16xf32>
    %get3A_496 = arith.constant 176 : index
    %get3A_497 = tpu.vector_load %arg8[%get3A_496] {strides = array<i32>} : memref<240xf32, #tpu.memory_space<vmem>>, vector<16xf32>,
    %reduce_sum3A_498 = arith.constant true
    %reduce_sum3A_499 = vector.broadcast %reduce_sum3A_498 : i1 to vector<16xi1>
    %reduce_sum3A_500 = tpu.scan <sum>, %get3A_497 masked %reduce_sum3A_499 : vector<16xf32>, vector<16xi1> -> vector<16xf32>
    %reduce_sum3A_501 = vector.extract %reduce_sum3A_500[15] : f32 from vector<16xf32>
    %eq3A_502 = arith.constant 11 : i32
    %eq3A_503 = vector.broadcast %eq3A_502 : i32 to vector<16xi32>
    %eq3A_504 = arith.cmpi eq, %iota3A, %eq3A_503 : vector<16xi32>
    %broadcast_in_dim3A_505 = vector.broadcast %reduce_sum3A_501 : f32 to vector<16xf32>
    %select_n3A_506 = arith.select %eq3A_504, %broadcast_in_dim3A_505, %select_n3A_495 : vector<16xi1>, vector<16xf32>
    %get3A_507 = arith.constant 192 : index
    %get3A_508 = tpu.vector_load %arg8[%get3A_507] {strides = array<i32>} : memref<240xf32, #tpu.memory_space<vmem>>, vector<16xf32>,
    %reduce_sum3A_509 = arith.constant true
    %reduce_sum3A_510 = vector.broadcast %reduce_sum3A_509 : i1 to vector<16xi1>
    %reduce_sum3A_511 = tpu.scan <sum>, %get3A_508 masked %reduce_sum3A_510 : vector<16xf32>, vector<16xi1> -> vector<16xf32>
    %reduce_sum3A_512 = vector.extract %reduce_sum3A_511[15] : f32 from vector<16xf32>
    %eq3A_513 = arith.constant 12 : i32
    %eq3A_514 = vector.broadcast %eq3A_513 : i32 to vector<16xi32>
    %eq3A_515 = arith.cmpi eq, %iota3A, %eq3A_514 : vector<16xi32>
    %broadcast_in_dim3A_516 = vector.broadcast %reduce_sum3A_512 : f32 to vector<16xf32>
    %select_n3A_517 = arith.select %eq3A_515, %broadcast_in_dim3A_516, %select_n3A_506 : vector<16xi1>, vector<16xf32>
    %get3A_518 = arith.constant 208 : index
    %get3A_519 = tpu.vector_load %arg8[%get3A_518] {strides = array<i32>} : memref<240xf32, #tpu.memory_space<vmem>>, vector<16xf32>,
    %reduce_sum3A_520 = arith.constant true
    %reduce_sum3A_521 = vector.broadcast %reduce_sum3A_520 : i1 to vector<16xi1>
    %reduce_sum3A_522 = tpu.scan <sum>, %get3A_519 masked %reduce_sum3A_521 : vector<16xf32>, vector<16xi1> -> vector<16xf32>
    %reduce_sum3A_523 = vector.extract %reduce_sum3A_522[15] : f32 from vector<16xf32>
    %eq3A_524 = arith.constant 13 : i32
    %eq3A_525 = vector.broadcast %eq3A_524 : i32 to vector<16xi32>
    %eq3A_526 = arith.cmpi eq, %iota3A, %eq3A_525 : vector<16xi32>
    %broadcast_in_dim3A_527 = vector.broadcast %reduce_sum3A_523 : f32 to vector<16xf32>
    %select_n3A_528 = arith.select %eq3A_526, %broadcast_in_dim3A_527, %select_n3A_517 : vector<16xi1>, vector<16xf32>
    %get3A_529 = arith.constant 224 : index
    %get3A_530 = tpu.vector_load %arg8[%get3A_529] {strides = array<i32>} : memref<240xf32, #tpu.memory_space<vmem>>, vector<16xf32>,
    %reduce_sum3A_531 = arith.constant true
    %reduce_sum3A_532 = vector.broadcast %reduce_sum3A_531 : i1 to vector<16xi1>
    %reduce_sum3A_533 = tpu.scan <sum>, %get3A_530 masked %reduce_sum3A_532 : vector<16xf32>, vector<16xi1> -> vector<16xf32>
    %reduce_sum3A_534 = vector.extract %reduce_sum3A_533[15] : f32 from vector<16xf32>
    %eq3A_535 = arith.constant 14 : i32
    %eq3A_536 = vector.broadcast %eq3A_535 : i32 to vector<16xi32>
    %eq3A_537 = arith.cmpi eq, %iota3A, %eq3A_536 : vector<16xi32>
    %broadcast_in_dim3A_538 = vector.broadcast %reduce_sum3A_534 : f32 to vector<16xf32>
    %select_n3A_539 = arith.select %eq3A_537, %broadcast_in_dim3A_538, %select_n3A_528 : vector<16xi1>, vector<16xf32>
    %swap3A_540 = arith.constant 0 : index
    %swap3A_541 = tpu.vector_load %arg10[%swap3A_540] {strides = array<i32>} : memref<16xf32, #tpu.memory_space<vmem>>, vector<16xf32>,
    tpu.vector_store %arg10[%swap3A_540], %select_n3A_539 {strides = array<i32>} : memref<16xf32, #tpu.memory_space<vmem>>, vector<16xf32>,
    %run_scoped3A_542 = arith.constant 1 : i32
    "tpu.region"() ({
      %run_scoped3A_711 = tpu.sem_alloc : memref<!tpu.dma_semaphore, #tpu.memory_space<semaphore_mem>>
      %dma_start3A_712 = arith.constant 0 : i32
      %dma_start3A_713 = tpu.memref_slice %arg4[%run_scoped3A_542, %add3A, %dma_start3A_712] : memref<3x32x16xf32, #tpu.memory_space<hbm>> -> memref<1x1x16xf32, #tpu.memory_space<hbm>>
      %dma_start3A_714 = tpu.memref_squeeze %dma_start3A_713 : memref<1x1x16xf32, #tpu.memory_space<hbm>> -> memref<16xf32, #tpu.memory_space<hbm>>
      %dma_start3A_715 = arith.constant 0 : i32
      %dma_start3A_716 = tpu.memref_slice %arg4[%run_scoped3A_542, %add3A, %dma_start3A_715] : memref<3x32x16xf32, #tpu.memory_space<hbm>> -> memref<1x1x16xf32, #tpu.memory_space<hbm>>
      %dma_start3A_717 = tpu.memref_squeeze %dma_start3A_716 : memref<1x1x16xf32, #tpu.memory_space<hbm>> -> memref<16xf32, #tpu.memory_space<hbm>>
      tpu.enqueue_dma source(%arg10 : memref<16xf32, #tpu.memory_space<vmem>>) target(%dma_start3A_717 : memref<16xf32, #tpu.memory_space<hbm>>) target_semaphore(%run_scoped3A_711 : memref<!tpu.dma_semaphore, #tpu.memory_space<semaphore_mem>>)
      %dma_wait3A = arith.constant 0 : i32
      %dma_wait3A_718 = tpu.memref_slice %arg4[%run_scoped3A_542, %add3A, %dma_wait3A] : memref<3x32x16xf32, #tpu.memory_space<hbm>> -> memref<1x1x16xf32, #tpu.memory_space<hbm>>
      %dma_wait3A_719 = tpu.memref_squeeze %dma_wait3A_718 : memref<1x1x16xf32, #tpu.memory_space<hbm>> -> memref<16xf32, #tpu.memory_space<hbm>>
      %dma_wait3A_720 = arith.constant 0 : i32
      %dma_wait3A_721 = tpu.memref_slice %arg4[%run_scoped3A_542, %add3A, %dma_wait3A_720] : memref<3x32x16xf32, #tpu.memory_space<hbm>> -> memref<1x1x16xf32, #tpu.memory_space<hbm>>
      %dma_wait3A_722 = tpu.memref_squeeze %dma_wait3A_721 : memref<1x1x16xf32, #tpu.memory_space<hbm>> -> memref<16xf32, #tpu.memory_space<hbm>>
      tpu.wait_dma2 semaphore(%run_scoped3A_711 : memref<!tpu.dma_semaphore, #tpu.memory_space<semaphore_mem>>) src(%arg10 : memref<16xf32, #tpu.memory_space<vmem>>) dst(%dma_wait3A_722 : memref<16xf32, #tpu.memory_space<hbm>>)
      tpu.yield
    }) : () -> ()
    %get3A_543 = arith.constant 0 : index
    %get3A_544 = tpu.vector_load %arg9[%get3A_543] {strides = array<i32>} : memref<240xf32, #tpu.memory_space<vmem>>, vector<16xf32>,
    %reduce_sum3A_545 = arith.constant true
    %reduce_sum3A_546 = vector.broadcast %reduce_sum3A_545 : i1 to vector<16xi1>
    %reduce_sum3A_547 = tpu.scan <sum>, %get3A_544 masked %reduce_sum3A_546 : vector<16xf32>, vector<16xi1> -> vector<16xf32>
    %reduce_sum3A_548 = vector.extract %reduce_sum3A_547[15] : f32 from vector<16xf32>
    %eq3A_549 = arith.constant 0 : i32
    %eq3A_550 = vector.broadcast %eq3A_549 : i32 to vector<16xi32>
    %eq3A_551 = arith.cmpi eq, %iota3A, %eq3A_550 : vector<16xi32>
    %broadcast_in_dim3A_552 = vector.broadcast %reduce_sum3A_548 : f32 to vector<16xf32>
    %select_n3A_553 = arith.select %eq3A_551, %broadcast_in_dim3A_552, %broadcast_in_dim3A_3 : vector<16xi1>, vector<16xf32>
    %get3A_554 = arith.constant 16 : index
    %get3A_555 = tpu.vector_load %arg9[%get3A_554] {strides = array<i32>} : memref<240xf32, #tpu.memory_space<vmem>>, vector<16xf32>,
    %reduce_sum3A_556 = arith.constant true
    %reduce_sum3A_557 = vector.broadcast %reduce_sum3A_556 : i1 to vector<16xi1>
    %reduce_sum3A_558 = tpu.scan <sum>, %get3A_555 masked %reduce_sum3A_557 : vector<16xf32>, vector<16xi1> -> vector<16xf32>
    %reduce_sum3A_559 = vector.extract %reduce_sum3A_558[15] : f32 from vector<16xf32>
    %eq3A_560 = arith.constant 1 : i32
    %eq3A_561 = vector.broadcast %eq3A_560 : i32 to vector<16xi32>
    %eq3A_562 = arith.cmpi eq, %iota3A, %eq3A_561 : vector<16xi32>
    %broadcast_in_dim3A_563 = vector.broadcast %reduce_sum3A_559 : f32 to vector<16xf32>
    %select_n3A_564 = arith.select %eq3A_562, %broadcast_in_dim3A_563, %select_n3A_553 : vector<16xi1>, vector<16xf32>
    %get3A_565 = arith.constant 32 : index
    %get3A_566 = tpu.vector_load %arg9[%get3A_565] {strides = array<i32>} : memref<240xf32, #tpu.memory_space<vmem>>, vector<16xf32>,
    %reduce_sum3A_567 = arith.constant true
    %reduce_sum3A_568 = vector.broadcast %reduce_sum3A_567 : i1 to vector<16xi1>
    %reduce_sum3A_569 = tpu.scan <sum>, %get3A_566 masked %reduce_sum3A_568 : vector<16xf32>, vector<16xi1> -> vector<16xf32>
    %reduce_sum3A_570 = vector.extract %reduce_sum3A_569[15] : f32 from vector<16xf32>
    %eq3A_571 = arith.constant 2 : i32
    %eq3A_572 = vector.broadcast %eq3A_571 : i32 to vector<16xi32>
    %eq3A_573 = arith.cmpi eq, %iota3A, %eq3A_572 : vector<16xi32>
    %broadcast_in_dim3A_574 = vector.broadcast %reduce_sum3A_570 : f32 to vector<16xf32>
    %select_n3A_575 = arith.select %eq3A_573, %broadcast_in_dim3A_574, %select_n3A_564 : vector<16xi1>, vector<16xf32>
    %get3A_576 = arith.constant 48 : index
    %get3A_577 = tpu.vector_load %arg9[%get3A_576] {strides = array<i32>} : memref<240xf32, #tpu.memory_space<vmem>>, vector<16xf32>,
    %reduce_sum3A_578 = arith.constant true
    %reduce_sum3A_579 = vector.broadcast %reduce_sum3A_578 : i1 to vector<16xi1>
    %reduce_sum3A_580 = tpu.scan <sum>, %get3A_577 masked %reduce_sum3A_579 : vector<16xf32>, vector<16xi1> -> vector<16xf32>
    %reduce_sum3A_581 = vector.extract %reduce_sum3A_580[15] : f32 from vector<16xf32>
    %eq3A_582 = arith.constant 3 : i32
    %eq3A_583 = vector.broadcast %eq3A_582 : i32 to vector<16xi32>
    %eq3A_584 = arith.cmpi eq, %iota3A, %eq3A_583 : vector<16xi32>
    %broadcast_in_dim3A_585 = vector.broadcast %reduce_sum3A_581 : f32 to vector<16xf32>
    %select_n3A_586 = arith.select %eq3A_584, %broadcast_in_dim3A_585, %select_n3A_575 : vector<16xi1>, vector<16xf32>
    %get3A_587 = arith.constant 64 : index
    %get3A_588 = tpu.vector_load %arg9[%get3A_587] {strides = array<i32>} : memref<240xf32, #tpu.memory_space<vmem>>, vector<16xf32>,
    %reduce_sum3A_589 = arith.constant true
    %reduce_sum3A_590 = vector.broadcast %reduce_sum3A_589 : i1 to vector<16xi1>
    %reduce_sum3A_591 = tpu.scan <sum>, %get3A_588 masked %reduce_sum3A_590 : vector<16xf32>, vector<16xi1> -> vector<16xf32>
    %reduce_sum3A_592 = vector.extract %reduce_sum3A_591[15] : f32 from vector<16xf32>
    %eq3A_593 = arith.constant 4 : i32
    %eq3A_594 = vector.broadcast %eq3A_593 : i32 to vector<16xi32>
    %eq3A_595 = arith.cmpi eq, %iota3A, %eq3A_594 : vector<16xi32>
    %broadcast_in_dim3A_596 = vector.broadcast %reduce_sum3A_592 : f32 to vector<16xf32>
    %select_n3A_597 = arith.select %eq3A_595, %broadcast_in_dim3A_596, %select_n3A_586 : vector<16xi1>, vector<16xf32>
    %get3A_598 = arith.constant 80 : index
    %get3A_599 = tpu.vector_load %arg9[%get3A_598] {strides = array<i32>} : memref<240xf32, #tpu.memory_space<vmem>>, vector<16xf32>,
    %reduce_sum3A_600 = arith.constant true
    %reduce_sum3A_601 = vector.broadcast %reduce_sum3A_600 : i1 to vector<16xi1>
    %reduce_sum3A_602 = tpu.scan <sum>, %get3A_599 masked %reduce_sum3A_601 : vector<16xf32>, vector<16xi1> -> vector<16xf32>
    %reduce_sum3A_603 = vector.extract %reduce_sum3A_602[15] : f32 from vector<16xf32>
    %eq3A_604 = arith.constant 5 : i32
    %eq3A_605 = vector.broadcast %eq3A_604 : i32 to vector<16xi32>
    %eq3A_606 = arith.cmpi eq, %iota3A, %eq3A_605 : vector<16xi32>
    %broadcast_in_dim3A_607 = vector.broadcast %reduce_sum3A_603 : f32 to vector<16xf32>
    %select_n3A_608 = arith.select %eq3A_606, %broadcast_in_dim3A_607, %select_n3A_597 : vector<16xi1>, vector<16xf32>
    %get3A_609 = arith.constant 96 : index
    %get3A_610 = tpu.vector_load %arg9[%get3A_609] {strides = array<i32>} : memref<240xf32, #tpu.memory_space<vmem>>, vector<16xf32>,
    %reduce_sum3A_611 = arith.constant true
    %reduce_sum3A_612 = vector.broadcast %reduce_sum3A_611 : i1 to vector<16xi1>
    %reduce_sum3A_613 = tpu.scan <sum>, %get3A_610 masked %reduce_sum3A_612 : vector<16xf32>, vector<16xi1> -> vector<16xf32>
    %reduce_sum3A_614 = vector.extract %reduce_sum3A_613[15] : f32 from vector<16xf32>
    %eq3A_615 = arith.constant 6 : i32
    %eq3A_616 = vector.broadcast %eq3A_615 : i32 to vector<16xi32>
    %eq3A_617 = arith.cmpi eq, %iota3A, %eq3A_616 : vector<16xi32>
    %broadcast_in_dim3A_618 = vector.broadcast %reduce_sum3A_614 : f32 to vector<16xf32>
    %select_n3A_619 = arith.select %eq3A_617, %broadcast_in_dim3A_618, %select_n3A_608 : vector<16xi1>, vector<16xf32>
    %get3A_620 = arith.constant 112 : index
    %get3A_621 = tpu.vector_load %arg9[%get3A_620] {strides = array<i32>} : memref<240xf32, #tpu.memory_space<vmem>>, vector<16xf32>,
    %reduce_sum3A_622 = arith.constant true
    %reduce_sum3A_623 = vector.broadcast %reduce_sum3A_622 : i1 to vector<16xi1>
    %reduce_sum3A_624 = tpu.scan <sum>, %get3A_621 masked %reduce_sum3A_623 : vector<16xf32>, vector<16xi1> -> vector<16xf32>
    %reduce_sum3A_625 = vector.extract %reduce_sum3A_624[15] : f32 from vector<16xf32>
    %eq3A_626 = arith.constant 7 : i32
    %eq3A_627 = vector.broadcast %eq3A_626 : i32 to vector<16xi32>
    %eq3A_628 = arith.cmpi eq, %iota3A, %eq3A_627 : vector<16xi32>
    %broadcast_in_dim3A_629 = vector.broadcast %reduce_sum3A_625 : f32 to vector<16xf32>
    %select_n3A_630 = arith.select %eq3A_628, %broadcast_in_dim3A_629, %select_n3A_619 : vector<16xi1>, vector<16xf32>
    %get3A_631 = arith.constant 128 : index
    %get3A_632 = tpu.vector_load %arg9[%get3A_631] {strides = array<i32>} : memref<240xf32, #tpu.memory_space<vmem>>, vector<16xf32>,
    %reduce_sum3A_633 = arith.constant true
    %reduce_sum3A_634 = vector.broadcast %reduce_sum3A_633 : i1 to vector<16xi1>
    %reduce_sum3A_635 = tpu.scan <sum>, %get3A_632 masked %reduce_sum3A_634 : vector<16xf32>, vector<16xi1> -> vector<16xf32>
    %reduce_sum3A_636 = vector.extract %reduce_sum3A_635[15] : f32 from vector<16xf32>
    %eq3A_637 = arith.constant 8 : i32
    %eq3A_638 = vector.broadcast %eq3A_637 : i32 to vector<16xi32>
    %eq3A_639 = arith.cmpi eq, %iota3A, %eq3A_638 : vector<16xi32>
    %broadcast_in_dim3A_640 = vector.broadcast %reduce_sum3A_636 : f32 to vector<16xf32>
    %select_n3A_641 = arith.select %eq3A_639, %broadcast_in_dim3A_640, %select_n3A_630 : vector<16xi1>, vector<16xf32>
    %get3A_642 = arith.constant 144 : index
    %get3A_643 = tpu.vector_load %arg9[%get3A_642] {strides = array<i32>} : memref<240xf32, #tpu.memory_space<vmem>>, vector<16xf32>,
    %reduce_sum3A_644 = arith.constant true
    %reduce_sum3A_645 = vector.broadcast %reduce_sum3A_644 : i1 to vector<16xi1>
    %reduce_sum3A_646 = tpu.scan <sum>, %get3A_643 masked %reduce_sum3A_645 : vector<16xf32>, vector<16xi1> -> vector<16xf32>
    %reduce_sum3A_647 = vector.extract %reduce_sum3A_646[15] : f32 from vector<16xf32>
    %eq3A_648 = arith.constant 9 : i32
    %eq3A_649 = vector.broadcast %eq3A_648 : i32 to vector<16xi32>
    %eq3A_650 = arith.cmpi eq, %iota3A, %eq3A_649 : vector<16xi32>
    %broadcast_in_dim3A_651 = vector.broadcast %reduce_sum3A_647 : f32 to vector<16xf32>
    %select_n3A_652 = arith.select %eq3A_650, %broadcast_in_dim3A_651, %select_n3A_641 : vector<16xi1>, vector<16xf32>
    %get3A_653 = arith.constant 160 : index
    %get3A_654 = tpu.vector_load %arg9[%get3A_653] {strides = array<i32>} : memref<240xf32, #tpu.memory_space<vmem>>, vector<16xf32>,
    %reduce_sum3A_655 = arith.constant true
    %reduce_sum3A_656 = vector.broadcast %reduce_sum3A_655 : i1 to vector<16xi1>
    %reduce_sum3A_657 = tpu.scan <sum>, %get3A_654 masked %reduce_sum3A_656 : vector<16xf32>, vector<16xi1> -> vector<16xf32>
    %reduce_sum3A_658 = vector.extract %reduce_sum3A_657[15] : f32 from vector<16xf32>
    %eq3A_659 = arith.constant 10 : i32
    %eq3A_660 = vector.broadcast %eq3A_659 : i32 to vector<16xi32>
    %eq3A_661 = arith.cmpi eq, %iota3A, %eq3A_660 : vector<16xi32>
    %broadcast_in_dim3A_662 = vector.broadcast %reduce_sum3A_658 : f32 to vector<16xf32>
    %select_n3A_663 = arith.select %eq3A_661, %broadcast_in_dim3A_662, %select_n3A_652 : vector<16xi1>, vector<16xf32>
    %get3A_664 = arith.constant 176 : index
    %get3A_665 = tpu.vector_load %arg9[%get3A_664] {strides = array<i32>} : memref<240xf32, #tpu.memory_space<vmem>>, vector<16xf32>,
    %reduce_sum3A_666 = arith.constant true
    %reduce_sum3A_667 = vector.broadcast %reduce_sum3A_666 : i1 to vector<16xi1>
    %reduce_sum3A_668 = tpu.scan <sum>, %get3A_665 masked %reduce_sum3A_667 : vector<16xf32>, vector<16xi1> -> vector<16xf32>
    %reduce_sum3A_669 = vector.extract %reduce_sum3A_668[15] : f32 from vector<16xf32>
    %eq3A_670 = arith.constant 11 : i32
    %eq3A_671 = vector.broadcast %eq3A_670 : i32 to vector<16xi32>
    %eq3A_672 = arith.cmpi eq, %iota3A, %eq3A_671 : vector<16xi32>
    %broadcast_in_dim3A_673 = vector.broadcast %reduce_sum3A_669 : f32 to vector<16xf32>
    %select_n3A_674 = arith.select %eq3A_672, %broadcast_in_dim3A_673, %select_n3A_663 : vector<16xi1>, vector<16xf32>
    %get3A_675 = arith.constant 192 : index
    %get3A_676 = tpu.vector_load %arg9[%get3A_675] {strides = array<i32>} : memref<240xf32, #tpu.memory_space<vmem>>, vector<16xf32>,
    %reduce_sum3A_677 = arith.constant true
    %reduce_sum3A_678 = vector.broadcast %reduce_sum3A_677 : i1 to vector<16xi1>
    %reduce_sum3A_679 = tpu.scan <sum>, %get3A_676 masked %reduce_sum3A_678 : vector<16xf32>, vector<16xi1> -> vector<16xf32>
    %reduce_sum3A_680 = vector.extract %reduce_sum3A_679[15] : f32 from vector<16xf32>
    %eq3A_681 = arith.constant 12 : i32
    %eq3A_682 = vector.broadcast %eq3A_681 : i32 to vector<16xi32>
    %eq3A_683 = arith.cmpi eq, %iota3A, %eq3A_682 : vector<16xi32>
    %broadcast_in_dim3A_684 = vector.broadcast %reduce_sum3A_680 : f32 to vector<16xf32>
    %select_n3A_685 = arith.select %eq3A_683, %broadcast_in_dim3A_684, %select_n3A_674 : vector<16xi1>, vector<16xf32>
    %get3A_686 = arith.constant 208 : index
    %get3A_687 = tpu.vector_load %arg9[%get3A_686] {strides = array<i32>} : memref<240xf32, #tpu.memory_space<vmem>>, vector<16xf32>,
    %reduce_sum3A_688 = arith.constant true
    %reduce_sum3A_689 = vector.broadcast %reduce_sum3A_688 : i1 to vector<16xi1>
    %reduce_sum3A_690 = tpu.scan <sum>, %get3A_687 masked %reduce_sum3A_689 : vector<16xf32>, vector<16xi1> -> vector<16xf32>
    %reduce_sum3A_691 = vector.extract %reduce_sum3A_690[15] : f32 from vector<16xf32>
    %eq3A_692 = arith.constant 13 : i32
    %eq3A_693 = vector.broadcast %eq3A_692 : i32 to vector<16xi32>
    %eq3A_694 = arith.cmpi eq, %iota3A, %eq3A_693 : vector<16xi32>
    %broadcast_in_dim3A_695 = vector.broadcast %reduce_sum3A_691 : f32 to vector<16xf32>
    %select_n3A_696 = arith.select %eq3A_694, %broadcast_in_dim3A_695, %select_n3A_685 : vector<16xi1>, vector<16xf32>
    %get3A_697 = arith.constant 224 : index
    %get3A_698 = tpu.vector_load %arg9[%get3A_697] {strides = array<i32>} : memref<240xf32, #tpu.memory_space<vmem>>, vector<16xf32>,
    %reduce_sum3A_699 = arith.constant true
    %reduce_sum3A_700 = vector.broadcast %reduce_sum3A_699 : i1 to vector<16xi1>
    %reduce_sum3A_701 = tpu.scan <sum>, %get3A_698 masked %reduce_sum3A_700 : vector<16xf32>, vector<16xi1> -> vector<16xf32>
    %reduce_sum3A_702 = vector.extract %reduce_sum3A_701[15] : f32 from vector<16xf32>
    %eq3A_703 = arith.constant 14 : i32
    %eq3A_704 = vector.broadcast %eq3A_703 : i32 to vector<16xi32>
    %eq3A_705 = arith.cmpi eq, %iota3A, %eq3A_704 : vector<16xi32>
    %broadcast_in_dim3A_706 = vector.broadcast %reduce_sum3A_702 : f32 to vector<16xf32>
    %select_n3A_707 = arith.select %eq3A_705, %broadcast_in_dim3A_706, %select_n3A_696 : vector<16xi1>, vector<16xf32>
    %swap3A_708 = arith.constant 0 : index
    %swap3A_709 = tpu.vector_load %arg10[%swap3A_708] {strides = array<i32>} : memref<16xf32, #tpu.memory_space<vmem>>, vector<16xf32>,
    tpu.vector_store %arg10[%swap3A_708], %select_n3A_707 {strides = array<i32>} : memref<16xf32, #tpu.memory_space<vmem>>, vector<16xf32>,
    %run_scoped3A_710 = arith.constant 2 : i32
    "tpu.region"() ({
      %run_scoped3A_711 = tpu.sem_alloc : memref<!tpu.dma_semaphore, #tpu.memory_space<semaphore_mem>>
      %dma_start3A_712 = arith.constant 0 : i32
      %dma_start3A_713 = tpu.memref_slice %arg4[%run_scoped3A_710, %add3A, %dma_start3A_712] : memref<3x32x16xf32, #tpu.memory_space<hbm>> -> memref<1x1x16xf32, #tpu.memory_space<hbm>>
      %dma_start3A_714 = tpu.memref_squeeze %dma_start3A_713 : memref<1x1x16xf32, #tpu.memory_space<hbm>> -> memref<16xf32, #tpu.memory_space<hbm>>
      %dma_start3A_715 = arith.constant 0 : i32
      %dma_start3A_716 = tpu.memref_slice %arg4[%run_scoped3A_710, %add3A, %dma_start3A_715] : memref<3x32x16xf32, #tpu.memory_space<hbm>> -> memref<1x1x16xf32, #tpu.memory_space<hbm>>
      %dma_start3A_717 = tpu.memref_squeeze %dma_start3A_716 : memref<1x1x16xf32, #tpu.memory_space<hbm>> -> memref<16xf32, #tpu.memory_space<hbm>>
      tpu.enqueue_dma source(%arg10 : memref<16xf32, #tpu.memory_space<vmem>>) target(%dma_start3A_717 : memref<16xf32, #tpu.memory_space<hbm>>) target_semaphore(%run_scoped3A_711 : memref<!tpu.dma_semaphore, #tpu.memory_space<semaphore_mem>>)
      %dma_wait3A = arith.constant 0 : i32
      %dma_wait3A_718 = tpu.memref_slice %arg4[%run_scoped3A_710, %add3A, %dma_wait3A] : memref<3x32x16xf32, #tpu.memory_space<hbm>> -> memref<1x1x16xf32, #tpu.memory_space<hbm>>
      %dma_wait3A_719 = tpu.memref_squeeze %dma_wait3A_718 : memref<1x1x16xf32, #tpu.memory_space<hbm>> -> memref<16xf32, #tpu.memory_space<hbm>>
      %dma_wait3A_720 = arith.constant 0 : i32
      %dma_wait3A_721 = tpu.memref_slice %arg4[%run_scoped3A_710, %add3A, %dma_wait3A_720] : memref<3x32x16xf32, #tpu.memory_space<hbm>> -> memref<1x1x16xf32, #tpu.memory_space<hbm>>
      %dma_wait3A_722 = tpu.memref_squeeze %dma_wait3A_721 : memref<1x1x16xf32, #tpu.memory_space<hbm>> -> memref<16xf32, #tpu.memory_space<hbm>>
      tpu.wait_dma2 semaphore(%run_scoped3A_711 : memref<!tpu.dma_semaphore, #tpu.memory_space<semaphore_mem>>) src(%arg10 : memref<16xf32, #tpu.memory_space<vmem>>) dst(%dma_wait3A_722 : memref<16xf32, #tpu.memory_space<hbm>>)
      tpu.yield
    }) : () -> ()
    return
  }
}

module attributes {stable_mosaic.version = 14 : i64} {
  func.func @body(%arg0: memref<3x32x16xf32, #tpu.memory_space<vmem>>, %arg1: memref<3x16xf32, #tpu.memory_space<vmem>>, %arg2: memref<1x1xf32, #tpu.memory_space<vmem>>) attributes {dimension_semantics = [], scalar_prefetch = 0 : i64, scratch_operands = 0 : i64, tpu.core_type = #tpu.core_type<tc>} {
    %get3A = arith.constant 0 : index
    %get3A_0 = arith.constant 0 : index
    %get3A_1 = arith.constant 0 : index
    %get3A_2 = vector.load %arg0[%get3A, %get3A_0, %get3A_1] : memref<3x32x16xf32, #tpu.memory_space<vmem>>, vector<3x32x16xf32>
    %reduce_sum3A = arith.constant dense<0.000000e+00> : vector<3x16xf32>
    %reduce_sum3A_3 = vector.multi_reduction <add>, %get3A_2, %reduce_sum3A [1] : vector<3x32x16xf32> to vector<3x16xf32>
    %get3A_4 = arith.constant 0 : index
    %get3A_5 = arith.constant 0 : index
    %get3A_6 = vector.load %arg1[%get3A_4, %get3A_5] : memref<3x16xf32, #tpu.memory_space<vmem>>, vector<3x16xf32>
    %add3A = arith.addf %reduce_sum3A_3, %get3A_6 : vector<3x16xf32>
    %slice3A = vector.extract_strided_slice %add3A {offsets = [0, 0], sizes = [1, 16], strides = [1, 1]} : vector<3x16xf32> to vector<1x16xf32>
    %squeeze3A = vector.shape_cast %slice3A : vector<1x16xf32> to vector<16xf32>
    %slice3A_7 = vector.extract_strided_slice %add3A {offsets = [1, 0], sizes = [1, 16], strides = [1, 1]} : vector<3x16xf32> to vector<1x16xf32>
    %squeeze3A_8 = vector.shape_cast %slice3A_7 : vector<1x16xf32> to vector<16xf32>
    %slice3A_9 = vector.extract_strided_slice %add3A {offsets = [2, 0], sizes = [1, 16], strides = [1, 1]} : vector<3x16xf32> to vector<1x16xf32>
    %squeeze3A_10 = vector.shape_cast %slice3A_9 : vector<1x16xf32> to vector<16xf32>
    %mul3A = arith.constant 4.76837158E-7 : f32
    %mul3A_11 = vector.broadcast %mul3A : f32 to vector<16xf32>
    %mul3A_12 = arith.mulf %squeeze3A, %mul3A_11 : vector<16xf32>
    %max3A = arith.constant 1.000000e+00 : f32
    %max3A_13 = vector.broadcast %max3A : f32 to vector<16xf32>
    %max3A_14 = arith.maximumf %squeeze3A, %max3A_13 : vector<16xf32>
    %div3A = arith.divf %squeeze3A_10, %max3A_14 : vector<16xf32>
    %div3A_15 = arith.divf %squeeze3A_8, %max3A_14 : vector<16xf32>
    %sub3A = arith.subf %div3A, %div3A_15 : vector<16xf32>
    %abs3A = math.absf %sub3A : vector<16xf32>
    %mul3A_16 = arith.mulf %abs3A, %mul3A_12 : vector<16xf32>
    %reduce_sum3A_17 = vector.shape_cast %mul3A_16 : vector<16xf32> to vector<1x16xf32>
    %reduce_sum3A_18 = arith.constant dense<0.000000e+00> : vector<1xf32>
    %reduce_sum3A_19 = vector.multi_reduction <add>, %reduce_sum3A_17, %reduce_sum3A_18 [1] : vector<1x16xf32> to vector<1xf32>
    %reduce_sum3A_20 = vector.shape_cast %reduce_sum3A_19 : vector<1xf32> to vector<1x1xf32>
    %reduce_sum3A_21 = vector.extract %reduce_sum3A_20[0, 0] : f32 from vector<1x1xf32>
    %broadcast_in_dim3A = vector.broadcast %reduce_sum3A_21 : f32 to vector<1x1xf32>
    %swap3A = arith.constant 0 : index
    %swap3A_22 = arith.constant 0 : index
    %swap3A_23 = vector.load %arg2[%swap3A, %swap3A_22] : memref<1x1xf32, #tpu.memory_space<vmem>>, vector<1x1xf32>
    tpu.vector_store %arg2[%swap3A, %swap3A_22], %broadcast_in_dim3A {strides = array<i32>} : memref<1x1xf32, #tpu.memory_space<vmem>>, vector<1x1xf32>,
    return
  }
}

module attributes {stable_mosaic.version = 14 : i64} {
  func.func @body(%arg0: i32, %arg1: memref<1x14x128x512xf32, #tpu.memory_space<vmem>>, %arg2: memref<1x14x128x512xf32, #tpu.memory_space<vmem>>, %arg3: memref<3x16xf32, #tpu.memory_space<vmem>>) attributes {dimension_semantics = [#tpu.dimension_semantics<arbitrary>], iteration_bounds = array<i64: 16>, scalar_prefetch = 0 : i64, scratch_operands = 0 : i64, tpu.core_type = #tpu.core_type<tc>, window_params = [{transform_indices = @transform_0, window_bounds = array<i64: 1, 14, 128, 512>}, {transform_indices = @transform_1, window_bounds = array<i64: 1, 14, 128, 512>}, {pipeline_mode = #tpu.pipeline_mode<synchronous>, transform_indices = @transform_2, window_bounds = array<i64: 3, 16>}]} {
    %eq3A = arith.constant 0 : i32
    %eq3A_0 = arith.cmpi eq, %arg0, %eq3A : i32
    %convert_element_type3A = arith.extui %eq3A_0 : i1 to i32
    %cond3A = arith.constant 0 : i32
    %cond3A_1 = arith.cmpi ne, %convert_element_type3A, %cond3A : i32
    scf.if %cond3A_1 {
      %broadcast_in_dim3A_645 = arith.constant 0.000000e+00 : f32
      %broadcast_in_dim3A_646 = vector.broadcast %broadcast_in_dim3A_645 : f32 to vector<3x16xf32>
      %swap3A_647 = arith.constant 0 : index
      %swap3A_648 = arith.constant 0 : index
      %swap3A_649 = vector.load %arg3[%swap3A_647, %swap3A_648] : memref<3x16xf32, #tpu.memory_space<vmem>>, vector<3x16xf32>
      tpu.vector_store %arg3[%swap3A_647, %swap3A_648], %broadcast_in_dim3A_646 {strides = array<i32>} : memref<3x16xf32, #tpu.memory_space<vmem>>, vector<3x16xf32>,
    } else {
    }
    %get3A = arith.constant 0 : index
    %get3A_2 = arith.constant 0 : index
    %get3A_3 = arith.constant 0 : index
    %get3A_4 = arith.constant 0 : index
    %get3A_5 = vector.load %arg1[%get3A, %get3A_2, %get3A_3, %get3A_4] : memref<1x14x128x512xf32, #tpu.memory_space<vmem>>, vector<1x14x128x512xf32>
    %get3A_6 = vector.shape_cast %get3A_5 : vector<1x14x128x512xf32> to vector<14x128x512xf32>
    %get3A_7 = arith.constant 0 : index
    %get3A_8 = arith.constant 0 : index
    %get3A_9 = arith.constant 0 : index
    %get3A_10 = arith.constant 0 : index
    %get3A_11 = vector.load %arg2[%get3A_7, %get3A_8, %get3A_9, %get3A_10] : memref<1x14x128x512xf32, #tpu.memory_space<vmem>>, vector<1x14x128x512xf32>
    %get3A_12 = vector.shape_cast %get3A_11 : vector<1x14x128x512xf32> to vector<14x128x512xf32>
    %reduce_max3A = arith.constant dense<0xFF800000> : vector<128x512xf32>
    %reduce_max3A_13 = vector.multi_reduction <maximumf>, %get3A_6, %reduce_max3A [0] : vector<14x128x512xf32> to vector<128x512xf32>
    %exp3A = math.exp %get3A_6 : vector<14x128x512xf32>
    %reduce_sum3A = arith.constant dense<0.000000e+00> : vector<128x512xf32>
    %reduce_sum3A_14 = vector.multi_reduction <add>, %exp3A, %reduce_sum3A [0] : vector<14x128x512xf32> to vector<128x512xf32>
    %exp3A_15 = math.exp %reduce_max3A_13 : vector<128x512xf32>
    %div3A = arith.divf %exp3A_15, %reduce_sum3A_14 : vector<128x512xf32>
    %reduce_max3A_16 = arith.constant dense<0xFF800000> : vector<128x512xf32>
    %reduce_max3A_17 = vector.multi_reduction <maximumf>, %get3A_12, %reduce_max3A_16 [0] : vector<14x128x512xf32> to vector<128x512xf32>
    %broadcast_in_dim3A = vector.shape_cast %reduce_max3A_17 : vector<128x512xf32> to vector<1x128x512xf32>
    %eq3A_18 = vector.broadcast %broadcast_in_dim3A : vector<1x128x512xf32> to vector<14x128x512xf32>
    %eq3A_19 = arith.cmpf oeq, %get3A_12, %eq3A_18 : vector<14x128x512xf32>
    %broadcast_in_dim3A_20 = vector.shape_cast %reduce_max3A_13 : vector<128x512xf32> to vector<1x128x512xf32>
    %eq3A_21 = vector.broadcast %broadcast_in_dim3A_20 : vector<1x128x512xf32> to vector<14x128x512xf32>
    %eq3A_22 = arith.cmpf oeq, %get3A_6, %eq3A_21 : vector<14x128x512xf32>
    %and3A = arith.andi %eq3A_19, %eq3A_22 : vector<14x128x512xi1>
    %reduce_or3A = arith.constant 1.000000e+00 : f32
    %reduce_or3A_23 = arith.constant 0.000000e+00 : f32
    %reduce_or3A_24 = vector.broadcast %reduce_or3A : f32 to vector<14x128x512xf32>
    %reduce_or3A_25 = vector.broadcast %reduce_or3A_23 : f32 to vector<14x128x512xf32>
    %reduce_or3A_26 = arith.select %and3A, %reduce_or3A_24, %reduce_or3A_25 : vector<14x128x512xi1>, vector<14x128x512xf32>
    %reduce_or3A_27 = arith.constant dense<0xFF800000> : vector<128x512xf32>
    %reduce_or3A_28 = vector.multi_reduction <maximumf>, %reduce_or3A_26, %reduce_or3A_27 [0] : vector<14x128x512xf32> to vector<128x512xf32>
    %reduce_or3A_29 = arith.constant 0.000000e+00 : f32
    %reduce_or3A_30 = vector.broadcast %reduce_or3A_29 : f32 to vector<128x512xf32>
    %reduce_or3A_31 = arith.cmpf ogt, %reduce_or3A_28, %reduce_or3A_30 : vector<128x512xf32>
    %convert_element_type3A_32 = arith.extui %reduce_or3A_31 : vector<128x512xi1> to vector<128x512xi32>
    %convert_element_type3A_33 = arith.sitofp %convert_element_type3A_32 : vector<128x512xi32> to vector<128x512xf32>
    %mul3A = arith.constant 1.500000e+01 : f32
    %mul3A_34 = vector.broadcast %mul3A : f32 to vector<128x512xf32>
    %mul3A_35 = arith.mulf %div3A, %mul3A_34 : vector<128x512xf32>
    %convert_element_type3A_36 = arith.fptosi %mul3A_35 : vector<128x512xf32> to vector<128x512xi32>
    %min3A = arith.constant 14 : i32
    %min3A_37 = vector.broadcast %min3A : i32 to vector<128x512xi32>
    %min3A_38 = arith.minsi %convert_element_type3A_36, %min3A_37 : vector<128x512xi32>
    %iota3A = tpu.iota {dimensions = array<i32: 0>} : vector<3x16xi32>
    %iota3A_39 = tpu.iota {dimensions = array<i32: 1>} : vector<3x16xi32>
    %broadcast_in_dim3A_40 = arith.constant 0.000000e+00 : f32
    %broadcast_in_dim3A_41 = vector.broadcast %broadcast_in_dim3A_40 : f32 to vector<3x16xf32>
    %eq3A_42 = arith.constant 0 : i32
    %eq3A_43 = vector.broadcast %eq3A_42 : i32 to vector<128x512xi32>
    %eq3A_44 = arith.cmpi eq, %min3A_38, %eq3A_43 : vector<128x512xi32>
    %convert_element_type3A_45 = arith.extui %eq3A_44 : vector<128x512xi1> to vector<128x512xi32>
    %convert_element_type3A_46 = arith.sitofp %convert_element_type3A_45 : vector<128x512xi32> to vector<128x512xf32>
    %reduce_sum3A_47 = vector.shape_cast %convert_element_type3A_46 : vector<128x512xf32> to vector<1x128x512xf32>
    %reduce_sum3A_48 = arith.constant dense<0.000000e+00> : vector<1xf32>
    %reduce_sum3A_49 = vector.multi_reduction <add>, %reduce_sum3A_47, %reduce_sum3A_48 [1, 2] : vector<1x128x512xf32> to vector<1xf32>
    %reduce_sum3A_50 = vector.shape_cast %reduce_sum3A_49 : vector<1xf32> to vector<1x1x1xf32>
    %reduce_sum3A_51 = vector.extract %reduce_sum3A_50[0, 0, 0] : f32 from vector<1x1x1xf32>
    %mul3A_52 = arith.mulf %div3A, %convert_element_type3A_46 : vector<128x512xf32>
    %reduce_sum3A_53 = vector.shape_cast %mul3A_52 : vector<128x512xf32> to vector<1x128x512xf32>
    %reduce_sum3A_54 = arith.constant dense<0.000000e+00> : vector<1xf32>
    %reduce_sum3A_55 = vector.multi_reduction <add>, %reduce_sum3A_53, %reduce_sum3A_54 [1, 2] : vector<1x128x512xf32> to vector<1xf32>
    %reduce_sum3A_56 = vector.shape_cast %reduce_sum3A_55 : vector<1xf32> to vector<1x1x1xf32>
    %reduce_sum3A_57 = vector.extract %reduce_sum3A_56[0, 0, 0] : f32 from vector<1x1x1xf32>
    %mul3A_58 = arith.mulf %convert_element_type3A_33, %convert_element_type3A_46 : vector<128x512xf32>
    %reduce_sum3A_59 = vector.shape_cast %mul3A_58 : vector<128x512xf32> to vector<1x128x512xf32>
    %reduce_sum3A_60 = arith.constant dense<0.000000e+00> : vector<1xf32>
    %reduce_sum3A_61 = vector.multi_reduction <add>, %reduce_sum3A_59, %reduce_sum3A_60 [1, 2] : vector<1x128x512xf32> to vector<1xf32>
    %reduce_sum3A_62 = vector.shape_cast %reduce_sum3A_61 : vector<1xf32> to vector<1x1x1xf32>
    %reduce_sum3A_63 = vector.extract %reduce_sum3A_62[0, 0, 0] : f32 from vector<1x1x1xf32>
    %eq3A_64 = arith.constant 0 : i32
    %eq3A_65 = vector.broadcast %eq3A_64 : i32 to vector<3x16xi32>
    %eq3A_66 = arith.cmpi eq, %iota3A, %eq3A_65 : vector<3x16xi32>
    %eq3A_67 = arith.constant 1 : i32
    %eq3A_68 = vector.broadcast %eq3A_67 : i32 to vector<3x16xi32>
    %eq3A_69 = arith.cmpi eq, %iota3A, %eq3A_68 : vector<3x16xi32>
    %broadcast_in_dim3A_70 = vector.broadcast %reduce_sum3A_57 : f32 to vector<3x16xf32>
    %broadcast_in_dim3A_71 = vector.broadcast %reduce_sum3A_63 : f32 to vector<3x16xf32>
    %select_n3A = arith.select %eq3A_69, %broadcast_in_dim3A_70, %broadcast_in_dim3A_71 : vector<3x16xi1>, vector<3x16xf32>
    %broadcast_in_dim3A_72 = vector.broadcast %reduce_sum3A_51 : f32 to vector<3x16xf32>
    %select_n3A_73 = arith.select %eq3A_66, %broadcast_in_dim3A_72, %select_n3A : vector<3x16xi1>, vector<3x16xf32>
    %eq3A_74 = arith.constant 0 : i32
    %eq3A_75 = vector.broadcast %eq3A_74 : i32 to vector<3x16xi32>
    %eq3A_76 = arith.cmpi eq, %iota3A_39, %eq3A_75 : vector<3x16xi32>
    %jit3A = arith.constant 0.000000e+00 : f32
    %broadcast_in_dim3A_77 = vector.broadcast %jit3A : f32 to vector<3x16xf32>
    %select_n3A_78 = arith.select %eq3A_76, %select_n3A_73, %broadcast_in_dim3A_77 : vector<3x16xi1>, vector<3x16xf32>
    %add3A = arith.addf %broadcast_in_dim3A_41, %select_n3A_78 : vector<3x16xf32>
    %eq3A_79 = arith.constant 1 : i32
    %eq3A_80 = vector.broadcast %eq3A_79 : i32 to vector<128x512xi32>
    %eq3A_81 = arith.cmpi eq, %min3A_38, %eq3A_80 : vector<128x512xi32>
    %convert_element_type3A_82 = arith.extui %eq3A_81 : vector<128x512xi1> to vector<128x512xi32>
    %convert_element_type3A_83 = arith.sitofp %convert_element_type3A_82 : vector<128x512xi32> to vector<128x512xf32>
    %reduce_sum3A_84 = vector.shape_cast %convert_element_type3A_83 : vector<128x512xf32> to vector<1x128x512xf32>
    %reduce_sum3A_85 = arith.constant dense<0.000000e+00> : vector<1xf32>
    %reduce_sum3A_86 = vector.multi_reduction <add>, %reduce_sum3A_84, %reduce_sum3A_85 [1, 2] : vector<1x128x512xf32> to vector<1xf32>
    %reduce_sum3A_87 = vector.shape_cast %reduce_sum3A_86 : vector<1xf32> to vector<1x1x1xf32>
    %reduce_sum3A_88 = vector.extract %reduce_sum3A_87[0, 0, 0] : f32 from vector<1x1x1xf32>
    %mul3A_89 = arith.mulf %div3A, %convert_element_type3A_83 : vector<128x512xf32>
    %reduce_sum3A_90 = vector.shape_cast %mul3A_89 : vector<128x512xf32> to vector<1x128x512xf32>
    %reduce_sum3A_91 = arith.constant dense<0.000000e+00> : vector<1xf32>
    %reduce_sum3A_92 = vector.multi_reduction <add>, %reduce_sum3A_90, %reduce_sum3A_91 [1, 2] : vector<1x128x512xf32> to vector<1xf32>
    %reduce_sum3A_93 = vector.shape_cast %reduce_sum3A_92 : vector<1xf32> to vector<1x1x1xf32>
    %reduce_sum3A_94 = vector.extract %reduce_sum3A_93[0, 0, 0] : f32 from vector<1x1x1xf32>
    %mul3A_95 = arith.mulf %convert_element_type3A_33, %convert_element_type3A_83 : vector<128x512xf32>
    %reduce_sum3A_96 = vector.shape_cast %mul3A_95 : vector<128x512xf32> to vector<1x128x512xf32>
    %reduce_sum3A_97 = arith.constant dense<0.000000e+00> : vector<1xf32>
    %reduce_sum3A_98 = vector.multi_reduction <add>, %reduce_sum3A_96, %reduce_sum3A_97 [1, 2] : vector<1x128x512xf32> to vector<1xf32>
    %reduce_sum3A_99 = vector.shape_cast %reduce_sum3A_98 : vector<1xf32> to vector<1x1x1xf32>
    %reduce_sum3A_100 = vector.extract %reduce_sum3A_99[0, 0, 0] : f32 from vector<1x1x1xf32>
    %eq3A_101 = arith.constant 0 : i32
    %eq3A_102 = vector.broadcast %eq3A_101 : i32 to vector<3x16xi32>
    %eq3A_103 = arith.cmpi eq, %iota3A, %eq3A_102 : vector<3x16xi32>
    %eq3A_104 = arith.constant 1 : i32
    %eq3A_105 = vector.broadcast %eq3A_104 : i32 to vector<3x16xi32>
    %eq3A_106 = arith.cmpi eq, %iota3A, %eq3A_105 : vector<3x16xi32>
    %broadcast_in_dim3A_107 = vector.broadcast %reduce_sum3A_94 : f32 to vector<3x16xf32>
    %broadcast_in_dim3A_108 = vector.broadcast %reduce_sum3A_100 : f32 to vector<3x16xf32>
    %select_n3A_109 = arith.select %eq3A_106, %broadcast_in_dim3A_107, %broadcast_in_dim3A_108 : vector<3x16xi1>, vector<3x16xf32>
    %broadcast_in_dim3A_110 = vector.broadcast %reduce_sum3A_88 : f32 to vector<3x16xf32>
    %select_n3A_111 = arith.select %eq3A_103, %broadcast_in_dim3A_110, %select_n3A_109 : vector<3x16xi1>, vector<3x16xf32>
    %eq3A_112 = arith.constant 1 : i32
    %eq3A_113 = vector.broadcast %eq3A_112 : i32 to vector<3x16xi32>
    %eq3A_114 = arith.cmpi eq, %iota3A_39, %eq3A_113 : vector<3x16xi32>
    %jit3A_115 = arith.constant 0.000000e+00 : f32
    %broadcast_in_dim3A_116 = vector.broadcast %jit3A_115 : f32 to vector<3x16xf32>
    %select_n3A_117 = arith.select %eq3A_114, %select_n3A_111, %broadcast_in_dim3A_116 : vector<3x16xi1>, vector<3x16xf32>
    %add3A_118 = arith.addf %add3A, %select_n3A_117 : vector<3x16xf32>
    %eq3A_119 = arith.constant 2 : i32
    %eq3A_120 = vector.broadcast %eq3A_119 : i32 to vector<128x512xi32>
    %eq3A_121 = arith.cmpi eq, %min3A_38, %eq3A_120 : vector<128x512xi32>
    %convert_element_type3A_122 = arith.extui %eq3A_121 : vector<128x512xi1> to vector<128x512xi32>
    %convert_element_type3A_123 = arith.sitofp %convert_element_type3A_122 : vector<128x512xi32> to vector<128x512xf32>
    %reduce_sum3A_124 = vector.shape_cast %convert_element_type3A_123 : vector<128x512xf32> to vector<1x128x512xf32>
    %reduce_sum3A_125 = arith.constant dense<0.000000e+00> : vector<1xf32>
    %reduce_sum3A_126 = vector.multi_reduction <add>, %reduce_sum3A_124, %reduce_sum3A_125 [1, 2] : vector<1x128x512xf32> to vector<1xf32>
    %reduce_sum3A_127 = vector.shape_cast %reduce_sum3A_126 : vector<1xf32> to vector<1x1x1xf32>
    %reduce_sum3A_128 = vector.extract %reduce_sum3A_127[0, 0, 0] : f32 from vector<1x1x1xf32>
    %mul3A_129 = arith.mulf %div3A, %convert_element_type3A_123 : vector<128x512xf32>
    %reduce_sum3A_130 = vector.shape_cast %mul3A_129 : vector<128x512xf32> to vector<1x128x512xf32>
    %reduce_sum3A_131 = arith.constant dense<0.000000e+00> : vector<1xf32>
    %reduce_sum3A_132 = vector.multi_reduction <add>, %reduce_sum3A_130, %reduce_sum3A_131 [1, 2] : vector<1x128x512xf32> to vector<1xf32>
    %reduce_sum3A_133 = vector.shape_cast %reduce_sum3A_132 : vector<1xf32> to vector<1x1x1xf32>
    %reduce_sum3A_134 = vector.extract %reduce_sum3A_133[0, 0, 0] : f32 from vector<1x1x1xf32>
    %mul3A_135 = arith.mulf %convert_element_type3A_33, %convert_element_type3A_123 : vector<128x512xf32>
    %reduce_sum3A_136 = vector.shape_cast %mul3A_135 : vector<128x512xf32> to vector<1x128x512xf32>
    %reduce_sum3A_137 = arith.constant dense<0.000000e+00> : vector<1xf32>
    %reduce_sum3A_138 = vector.multi_reduction <add>, %reduce_sum3A_136, %reduce_sum3A_137 [1, 2] : vector<1x128x512xf32> to vector<1xf32>
    %reduce_sum3A_139 = vector.shape_cast %reduce_sum3A_138 : vector<1xf32> to vector<1x1x1xf32>
    %reduce_sum3A_140 = vector.extract %reduce_sum3A_139[0, 0, 0] : f32 from vector<1x1x1xf32>
    %eq3A_141 = arith.constant 0 : i32
    %eq3A_142 = vector.broadcast %eq3A_141 : i32 to vector<3x16xi32>
    %eq3A_143 = arith.cmpi eq, %iota3A, %eq3A_142 : vector<3x16xi32>
    %eq3A_144 = arith.constant 1 : i32
    %eq3A_145 = vector.broadcast %eq3A_144 : i32 to vector<3x16xi32>
    %eq3A_146 = arith.cmpi eq, %iota3A, %eq3A_145 : vector<3x16xi32>
    %broadcast_in_dim3A_147 = vector.broadcast %reduce_sum3A_134 : f32 to vector<3x16xf32>
    %broadcast_in_dim3A_148 = vector.broadcast %reduce_sum3A_140 : f32 to vector<3x16xf32>
    %select_n3A_149 = arith.select %eq3A_146, %broadcast_in_dim3A_147, %broadcast_in_dim3A_148 : vector<3x16xi1>, vector<3x16xf32>
    %broadcast_in_dim3A_150 = vector.broadcast %reduce_sum3A_128 : f32 to vector<3x16xf32>
    %select_n3A_151 = arith.select %eq3A_143, %broadcast_in_dim3A_150, %select_n3A_149 : vector<3x16xi1>, vector<3x16xf32>
    %eq3A_152 = arith.constant 2 : i32
    %eq3A_153 = vector.broadcast %eq3A_152 : i32 to vector<3x16xi32>
    %eq3A_154 = arith.cmpi eq, %iota3A_39, %eq3A_153 : vector<3x16xi32>
    %jit3A_155 = arith.constant 0.000000e+00 : f32
    %broadcast_in_dim3A_156 = vector.broadcast %jit3A_155 : f32 to vector<3x16xf32>
    %select_n3A_157 = arith.select %eq3A_154, %select_n3A_151, %broadcast_in_dim3A_156 : vector<3x16xi1>, vector<3x16xf32>
    %add3A_158 = arith.addf %add3A_118, %select_n3A_157 : vector<3x16xf32>
    %eq3A_159 = arith.constant 3 : i32
    %eq3A_160 = vector.broadcast %eq3A_159 : i32 to vector<128x512xi32>
    %eq3A_161 = arith.cmpi eq, %min3A_38, %eq3A_160 : vector<128x512xi32>
    %convert_element_type3A_162 = arith.extui %eq3A_161 : vector<128x512xi1> to vector<128x512xi32>
    %convert_element_type3A_163 = arith.sitofp %convert_element_type3A_162 : vector<128x512xi32> to vector<128x512xf32>
    %reduce_sum3A_164 = vector.shape_cast %convert_element_type3A_163 : vector<128x512xf32> to vector<1x128x512xf32>
    %reduce_sum3A_165 = arith.constant dense<0.000000e+00> : vector<1xf32>
    %reduce_sum3A_166 = vector.multi_reduction <add>, %reduce_sum3A_164, %reduce_sum3A_165 [1, 2] : vector<1x128x512xf32> to vector<1xf32>
    %reduce_sum3A_167 = vector.shape_cast %reduce_sum3A_166 : vector<1xf32> to vector<1x1x1xf32>
    %reduce_sum3A_168 = vector.extract %reduce_sum3A_167[0, 0, 0] : f32 from vector<1x1x1xf32>
    %mul3A_169 = arith.mulf %div3A, %convert_element_type3A_163 : vector<128x512xf32>
    %reduce_sum3A_170 = vector.shape_cast %mul3A_169 : vector<128x512xf32> to vector<1x128x512xf32>
    %reduce_sum3A_171 = arith.constant dense<0.000000e+00> : vector<1xf32>
    %reduce_sum3A_172 = vector.multi_reduction <add>, %reduce_sum3A_170, %reduce_sum3A_171 [1, 2] : vector<1x128x512xf32> to vector<1xf32>
    %reduce_sum3A_173 = vector.shape_cast %reduce_sum3A_172 : vector<1xf32> to vector<1x1x1xf32>
    %reduce_sum3A_174 = vector.extract %reduce_sum3A_173[0, 0, 0] : f32 from vector<1x1x1xf32>
    %mul3A_175 = arith.mulf %convert_element_type3A_33, %convert_element_type3A_163 : vector<128x512xf32>
    %reduce_sum3A_176 = vector.shape_cast %mul3A_175 : vector<128x512xf32> to vector<1x128x512xf32>
    %reduce_sum3A_177 = arith.constant dense<0.000000e+00> : vector<1xf32>
    %reduce_sum3A_178 = vector.multi_reduction <add>, %reduce_sum3A_176, %reduce_sum3A_177 [1, 2] : vector<1x128x512xf32> to vector<1xf32>
    %reduce_sum3A_179 = vector.shape_cast %reduce_sum3A_178 : vector<1xf32> to vector<1x1x1xf32>
    %reduce_sum3A_180 = vector.extract %reduce_sum3A_179[0, 0, 0] : f32 from vector<1x1x1xf32>
    %eq3A_181 = arith.constant 0 : i32
    %eq3A_182 = vector.broadcast %eq3A_181 : i32 to vector<3x16xi32>
    %eq3A_183 = arith.cmpi eq, %iota3A, %eq3A_182 : vector<3x16xi32>
    %eq3A_184 = arith.constant 1 : i32
    %eq3A_185 = vector.broadcast %eq3A_184 : i32 to vector<3x16xi32>
    %eq3A_186 = arith.cmpi eq, %iota3A, %eq3A_185 : vector<3x16xi32>
    %broadcast_in_dim3A_187 = vector.broadcast %reduce_sum3A_174 : f32 to vector<3x16xf32>
    %broadcast_in_dim3A_188 = vector.broadcast %reduce_sum3A_180 : f32 to vector<3x16xf32>
    %select_n3A_189 = arith.select %eq3A_186, %broadcast_in_dim3A_187, %broadcast_in_dim3A_188 : vector<3x16xi1>, vector<3x16xf32>
    %broadcast_in_dim3A_190 = vector.broadcast %reduce_sum3A_168 : f32 to vector<3x16xf32>
    %select_n3A_191 = arith.select %eq3A_183, %broadcast_in_dim3A_190, %select_n3A_189 : vector<3x16xi1>, vector<3x16xf32>
    %eq3A_192 = arith.constant 3 : i32
    %eq3A_193 = vector.broadcast %eq3A_192 : i32 to vector<3x16xi32>
    %eq3A_194 = arith.cmpi eq, %iota3A_39, %eq3A_193 : vector<3x16xi32>
    %jit3A_195 = arith.constant 0.000000e+00 : f32
    %broadcast_in_dim3A_196 = vector.broadcast %jit3A_195 : f32 to vector<3x16xf32>
    %select_n3A_197 = arith.select %eq3A_194, %select_n3A_191, %broadcast_in_dim3A_196 : vector<3x16xi1>, vector<3x16xf32>
    %add3A_198 = arith.addf %add3A_158, %select_n3A_197 : vector<3x16xf32>
    %eq3A_199 = arith.constant 4 : i32
    %eq3A_200 = vector.broadcast %eq3A_199 : i32 to vector<128x512xi32>
    %eq3A_201 = arith.cmpi eq, %min3A_38, %eq3A_200 : vector<128x512xi32>
    %convert_element_type3A_202 = arith.extui %eq3A_201 : vector<128x512xi1> to vector<128x512xi32>
    %convert_element_type3A_203 = arith.sitofp %convert_element_type3A_202 : vector<128x512xi32> to vector<128x512xf32>
    %reduce_sum3A_204 = vector.shape_cast %convert_element_type3A_203 : vector<128x512xf32> to vector<1x128x512xf32>
    %reduce_sum3A_205 = arith.constant dense<0.000000e+00> : vector<1xf32>
    %reduce_sum3A_206 = vector.multi_reduction <add>, %reduce_sum3A_204, %reduce_sum3A_205 [1, 2] : vector<1x128x512xf32> to vector<1xf32>
    %reduce_sum3A_207 = vector.shape_cast %reduce_sum3A_206 : vector<1xf32> to vector<1x1x1xf32>
    %reduce_sum3A_208 = vector.extract %reduce_sum3A_207[0, 0, 0] : f32 from vector<1x1x1xf32>
    %mul3A_209 = arith.mulf %div3A, %convert_element_type3A_203 : vector<128x512xf32>
    %reduce_sum3A_210 = vector.shape_cast %mul3A_209 : vector<128x512xf32> to vector<1x128x512xf32>
    %reduce_sum3A_211 = arith.constant dense<0.000000e+00> : vector<1xf32>
    %reduce_sum3A_212 = vector.multi_reduction <add>, %reduce_sum3A_210, %reduce_sum3A_211 [1, 2] : vector<1x128x512xf32> to vector<1xf32>
    %reduce_sum3A_213 = vector.shape_cast %reduce_sum3A_212 : vector<1xf32> to vector<1x1x1xf32>
    %reduce_sum3A_214 = vector.extract %reduce_sum3A_213[0, 0, 0] : f32 from vector<1x1x1xf32>
    %mul3A_215 = arith.mulf %convert_element_type3A_33, %convert_element_type3A_203 : vector<128x512xf32>
    %reduce_sum3A_216 = vector.shape_cast %mul3A_215 : vector<128x512xf32> to vector<1x128x512xf32>
    %reduce_sum3A_217 = arith.constant dense<0.000000e+00> : vector<1xf32>
    %reduce_sum3A_218 = vector.multi_reduction <add>, %reduce_sum3A_216, %reduce_sum3A_217 [1, 2] : vector<1x128x512xf32> to vector<1xf32>
    %reduce_sum3A_219 = vector.shape_cast %reduce_sum3A_218 : vector<1xf32> to vector<1x1x1xf32>
    %reduce_sum3A_220 = vector.extract %reduce_sum3A_219[0, 0, 0] : f32 from vector<1x1x1xf32>
    %eq3A_221 = arith.constant 0 : i32
    %eq3A_222 = vector.broadcast %eq3A_221 : i32 to vector<3x16xi32>
    %eq3A_223 = arith.cmpi eq, %iota3A, %eq3A_222 : vector<3x16xi32>
    %eq3A_224 = arith.constant 1 : i32
    %eq3A_225 = vector.broadcast %eq3A_224 : i32 to vector<3x16xi32>
    %eq3A_226 = arith.cmpi eq, %iota3A, %eq3A_225 : vector<3x16xi32>
    %broadcast_in_dim3A_227 = vector.broadcast %reduce_sum3A_214 : f32 to vector<3x16xf32>
    %broadcast_in_dim3A_228 = vector.broadcast %reduce_sum3A_220 : f32 to vector<3x16xf32>
    %select_n3A_229 = arith.select %eq3A_226, %broadcast_in_dim3A_227, %broadcast_in_dim3A_228 : vector<3x16xi1>, vector<3x16xf32>
    %broadcast_in_dim3A_230 = vector.broadcast %reduce_sum3A_208 : f32 to vector<3x16xf32>
    %select_n3A_231 = arith.select %eq3A_223, %broadcast_in_dim3A_230, %select_n3A_229 : vector<3x16xi1>, vector<3x16xf32>
    %eq3A_232 = arith.constant 4 : i32
    %eq3A_233 = vector.broadcast %eq3A_232 : i32 to vector<3x16xi32>
    %eq3A_234 = arith.cmpi eq, %iota3A_39, %eq3A_233 : vector<3x16xi32>
    %jit3A_235 = arith.constant 0.000000e+00 : f32
    %broadcast_in_dim3A_236 = vector.broadcast %jit3A_235 : f32 to vector<3x16xf32>
    %select_n3A_237 = arith.select %eq3A_234, %select_n3A_231, %broadcast_in_dim3A_236 : vector<3x16xi1>, vector<3x16xf32>
    %add3A_238 = arith.addf %add3A_198, %select_n3A_237 : vector<3x16xf32>
    %eq3A_239 = arith.constant 5 : i32
    %eq3A_240 = vector.broadcast %eq3A_239 : i32 to vector<128x512xi32>
    %eq3A_241 = arith.cmpi eq, %min3A_38, %eq3A_240 : vector<128x512xi32>
    %convert_element_type3A_242 = arith.extui %eq3A_241 : vector<128x512xi1> to vector<128x512xi32>
    %convert_element_type3A_243 = arith.sitofp %convert_element_type3A_242 : vector<128x512xi32> to vector<128x512xf32>
    %reduce_sum3A_244 = vector.shape_cast %convert_element_type3A_243 : vector<128x512xf32> to vector<1x128x512xf32>
    %reduce_sum3A_245 = arith.constant dense<0.000000e+00> : vector<1xf32>
    %reduce_sum3A_246 = vector.multi_reduction <add>, %reduce_sum3A_244, %reduce_sum3A_245 [1, 2] : vector<1x128x512xf32> to vector<1xf32>
    %reduce_sum3A_247 = vector.shape_cast %reduce_sum3A_246 : vector<1xf32> to vector<1x1x1xf32>
    %reduce_sum3A_248 = vector.extract %reduce_sum3A_247[0, 0, 0] : f32 from vector<1x1x1xf32>
    %mul3A_249 = arith.mulf %div3A, %convert_element_type3A_243 : vector<128x512xf32>
    %reduce_sum3A_250 = vector.shape_cast %mul3A_249 : vector<128x512xf32> to vector<1x128x512xf32>
    %reduce_sum3A_251 = arith.constant dense<0.000000e+00> : vector<1xf32>
    %reduce_sum3A_252 = vector.multi_reduction <add>, %reduce_sum3A_250, %reduce_sum3A_251 [1, 2] : vector<1x128x512xf32> to vector<1xf32>
    %reduce_sum3A_253 = vector.shape_cast %reduce_sum3A_252 : vector<1xf32> to vector<1x1x1xf32>
    %reduce_sum3A_254 = vector.extract %reduce_sum3A_253[0, 0, 0] : f32 from vector<1x1x1xf32>
    %mul3A_255 = arith.mulf %convert_element_type3A_33, %convert_element_type3A_243 : vector<128x512xf32>
    %reduce_sum3A_256 = vector.shape_cast %mul3A_255 : vector<128x512xf32> to vector<1x128x512xf32>
    %reduce_sum3A_257 = arith.constant dense<0.000000e+00> : vector<1xf32>
    %reduce_sum3A_258 = vector.multi_reduction <add>, %reduce_sum3A_256, %reduce_sum3A_257 [1, 2] : vector<1x128x512xf32> to vector<1xf32>
    %reduce_sum3A_259 = vector.shape_cast %reduce_sum3A_258 : vector<1xf32> to vector<1x1x1xf32>
    %reduce_sum3A_260 = vector.extract %reduce_sum3A_259[0, 0, 0] : f32 from vector<1x1x1xf32>
    %eq3A_261 = arith.constant 0 : i32
    %eq3A_262 = vector.broadcast %eq3A_261 : i32 to vector<3x16xi32>
    %eq3A_263 = arith.cmpi eq, %iota3A, %eq3A_262 : vector<3x16xi32>
    %eq3A_264 = arith.constant 1 : i32
    %eq3A_265 = vector.broadcast %eq3A_264 : i32 to vector<3x16xi32>
    %eq3A_266 = arith.cmpi eq, %iota3A, %eq3A_265 : vector<3x16xi32>
    %broadcast_in_dim3A_267 = vector.broadcast %reduce_sum3A_254 : f32 to vector<3x16xf32>
    %broadcast_in_dim3A_268 = vector.broadcast %reduce_sum3A_260 : f32 to vector<3x16xf32>
    %select_n3A_269 = arith.select %eq3A_266, %broadcast_in_dim3A_267, %broadcast_in_dim3A_268 : vector<3x16xi1>, vector<3x16xf32>
    %broadcast_in_dim3A_270 = vector.broadcast %reduce_sum3A_248 : f32 to vector<3x16xf32>
    %select_n3A_271 = arith.select %eq3A_263, %broadcast_in_dim3A_270, %select_n3A_269 : vector<3x16xi1>, vector<3x16xf32>
    %eq3A_272 = arith.constant 5 : i32
    %eq3A_273 = vector.broadcast %eq3A_272 : i32 to vector<3x16xi32>
    %eq3A_274 = arith.cmpi eq, %iota3A_39, %eq3A_273 : vector<3x16xi32>
    %jit3A_275 = arith.constant 0.000000e+00 : f32
    %broadcast_in_dim3A_276 = vector.broadcast %jit3A_275 : f32 to vector<3x16xf32>
    %select_n3A_277 = arith.select %eq3A_274, %select_n3A_271, %broadcast_in_dim3A_276 : vector<3x16xi1>, vector<3x16xf32>
    %add3A_278 = arith.addf %add3A_238, %select_n3A_277 : vector<3x16xf32>
    %eq3A_279 = arith.constant 6 : i32
    %eq3A_280 = vector.broadcast %eq3A_279 : i32 to vector<128x512xi32>
    %eq3A_281 = arith.cmpi eq, %min3A_38, %eq3A_280 : vector<128x512xi32>
    %convert_element_type3A_282 = arith.extui %eq3A_281 : vector<128x512xi1> to vector<128x512xi32>
    %convert_element_type3A_283 = arith.sitofp %convert_element_type3A_282 : vector<128x512xi32> to vector<128x512xf32>
    %reduce_sum3A_284 = vector.shape_cast %convert_element_type3A_283 : vector<128x512xf32> to vector<1x128x512xf32>
    %reduce_sum3A_285 = arith.constant dense<0.000000e+00> : vector<1xf32>
    %reduce_sum3A_286 = vector.multi_reduction <add>, %reduce_sum3A_284, %reduce_sum3A_285 [1, 2] : vector<1x128x512xf32> to vector<1xf32>
    %reduce_sum3A_287 = vector.shape_cast %reduce_sum3A_286 : vector<1xf32> to vector<1x1x1xf32>
    %reduce_sum3A_288 = vector.extract %reduce_sum3A_287[0, 0, 0] : f32 from vector<1x1x1xf32>
    %mul3A_289 = arith.mulf %div3A, %convert_element_type3A_283 : vector<128x512xf32>
    %reduce_sum3A_290 = vector.shape_cast %mul3A_289 : vector<128x512xf32> to vector<1x128x512xf32>
    %reduce_sum3A_291 = arith.constant dense<0.000000e+00> : vector<1xf32>
    %reduce_sum3A_292 = vector.multi_reduction <add>, %reduce_sum3A_290, %reduce_sum3A_291 [1, 2] : vector<1x128x512xf32> to vector<1xf32>
    %reduce_sum3A_293 = vector.shape_cast %reduce_sum3A_292 : vector<1xf32> to vector<1x1x1xf32>
    %reduce_sum3A_294 = vector.extract %reduce_sum3A_293[0, 0, 0] : f32 from vector<1x1x1xf32>
    %mul3A_295 = arith.mulf %convert_element_type3A_33, %convert_element_type3A_283 : vector<128x512xf32>
    %reduce_sum3A_296 = vector.shape_cast %mul3A_295 : vector<128x512xf32> to vector<1x128x512xf32>
    %reduce_sum3A_297 = arith.constant dense<0.000000e+00> : vector<1xf32>
    %reduce_sum3A_298 = vector.multi_reduction <add>, %reduce_sum3A_296, %reduce_sum3A_297 [1, 2] : vector<1x128x512xf32> to vector<1xf32>
    %reduce_sum3A_299 = vector.shape_cast %reduce_sum3A_298 : vector<1xf32> to vector<1x1x1xf32>
    %reduce_sum3A_300 = vector.extract %reduce_sum3A_299[0, 0, 0] : f32 from vector<1x1x1xf32>
    %eq3A_301 = arith.constant 0 : i32
    %eq3A_302 = vector.broadcast %eq3A_301 : i32 to vector<3x16xi32>
    %eq3A_303 = arith.cmpi eq, %iota3A, %eq3A_302 : vector<3x16xi32>
    %eq3A_304 = arith.constant 1 : i32
    %eq3A_305 = vector.broadcast %eq3A_304 : i32 to vector<3x16xi32>
    %eq3A_306 = arith.cmpi eq, %iota3A, %eq3A_305 : vector<3x16xi32>
    %broadcast_in_dim3A_307 = vector.broadcast %reduce_sum3A_294 : f32 to vector<3x16xf32>
    %broadcast_in_dim3A_308 = vector.broadcast %reduce_sum3A_300 : f32 to vector<3x16xf32>
    %select_n3A_309 = arith.select %eq3A_306, %broadcast_in_dim3A_307, %broadcast_in_dim3A_308 : vector<3x16xi1>, vector<3x16xf32>
    %broadcast_in_dim3A_310 = vector.broadcast %reduce_sum3A_288 : f32 to vector<3x16xf32>
    %select_n3A_311 = arith.select %eq3A_303, %broadcast_in_dim3A_310, %select_n3A_309 : vector<3x16xi1>, vector<3x16xf32>
    %eq3A_312 = arith.constant 6 : i32
    %eq3A_313 = vector.broadcast %eq3A_312 : i32 to vector<3x16xi32>
    %eq3A_314 = arith.cmpi eq, %iota3A_39, %eq3A_313 : vector<3x16xi32>
    %jit3A_315 = arith.constant 0.000000e+00 : f32
    %broadcast_in_dim3A_316 = vector.broadcast %jit3A_315 : f32 to vector<3x16xf32>
    %select_n3A_317 = arith.select %eq3A_314, %select_n3A_311, %broadcast_in_dim3A_316 : vector<3x16xi1>, vector<3x16xf32>
    %add3A_318 = arith.addf %add3A_278, %select_n3A_317 : vector<3x16xf32>
    %eq3A_319 = arith.constant 7 : i32
    %eq3A_320 = vector.broadcast %eq3A_319 : i32 to vector<128x512xi32>
    %eq3A_321 = arith.cmpi eq, %min3A_38, %eq3A_320 : vector<128x512xi32>
    %convert_element_type3A_322 = arith.extui %eq3A_321 : vector<128x512xi1> to vector<128x512xi32>
    %convert_element_type3A_323 = arith.sitofp %convert_element_type3A_322 : vector<128x512xi32> to vector<128x512xf32>
    %reduce_sum3A_324 = vector.shape_cast %convert_element_type3A_323 : vector<128x512xf32> to vector<1x128x512xf32>
    %reduce_sum3A_325 = arith.constant dense<0.000000e+00> : vector<1xf32>
    %reduce_sum3A_326 = vector.multi_reduction <add>, %reduce_sum3A_324, %reduce_sum3A_325 [1, 2] : vector<1x128x512xf32> to vector<1xf32>
    %reduce_sum3A_327 = vector.shape_cast %reduce_sum3A_326 : vector<1xf32> to vector<1x1x1xf32>
    %reduce_sum3A_328 = vector.extract %reduce_sum3A_327[0, 0, 0] : f32 from vector<1x1x1xf32>
    %mul3A_329 = arith.mulf %div3A, %convert_element_type3A_323 : vector<128x512xf32>
    %reduce_sum3A_330 = vector.shape_cast %mul3A_329 : vector<128x512xf32> to vector<1x128x512xf32>
    %reduce_sum3A_331 = arith.constant dense<0.000000e+00> : vector<1xf32>
    %reduce_sum3A_332 = vector.multi_reduction <add>, %reduce_sum3A_330, %reduce_sum3A_331 [1, 2] : vector<1x128x512xf32> to vector<1xf32>
    %reduce_sum3A_333 = vector.shape_cast %reduce_sum3A_332 : vector<1xf32> to vector<1x1x1xf32>
    %reduce_sum3A_334 = vector.extract %reduce_sum3A_333[0, 0, 0] : f32 from vector<1x1x1xf32>
    %mul3A_335 = arith.mulf %convert_element_type3A_33, %convert_element_type3A_323 : vector<128x512xf32>
    %reduce_sum3A_336 = vector.shape_cast %mul3A_335 : vector<128x512xf32> to vector<1x128x512xf32>
    %reduce_sum3A_337 = arith.constant dense<0.000000e+00> : vector<1xf32>
    %reduce_sum3A_338 = vector.multi_reduction <add>, %reduce_sum3A_336, %reduce_sum3A_337 [1, 2] : vector<1x128x512xf32> to vector<1xf32>
    %reduce_sum3A_339 = vector.shape_cast %reduce_sum3A_338 : vector<1xf32> to vector<1x1x1xf32>
    %reduce_sum3A_340 = vector.extract %reduce_sum3A_339[0, 0, 0] : f32 from vector<1x1x1xf32>
    %eq3A_341 = arith.constant 0 : i32
    %eq3A_342 = vector.broadcast %eq3A_341 : i32 to vector<3x16xi32>
    %eq3A_343 = arith.cmpi eq, %iota3A, %eq3A_342 : vector<3x16xi32>
    %eq3A_344 = arith.constant 1 : i32
    %eq3A_345 = vector.broadcast %eq3A_344 : i32 to vector<3x16xi32>
    %eq3A_346 = arith.cmpi eq, %iota3A, %eq3A_345 : vector<3x16xi32>
    %broadcast_in_dim3A_347 = vector.broadcast %reduce_sum3A_334 : f32 to vector<3x16xf32>
    %broadcast_in_dim3A_348 = vector.broadcast %reduce_sum3A_340 : f32 to vector<3x16xf32>
    %select_n3A_349 = arith.select %eq3A_346, %broadcast_in_dim3A_347, %broadcast_in_dim3A_348 : vector<3x16xi1>, vector<3x16xf32>
    %broadcast_in_dim3A_350 = vector.broadcast %reduce_sum3A_328 : f32 to vector<3x16xf32>
    %select_n3A_351 = arith.select %eq3A_343, %broadcast_in_dim3A_350, %select_n3A_349 : vector<3x16xi1>, vector<3x16xf32>
    %eq3A_352 = arith.constant 7 : i32
    %eq3A_353 = vector.broadcast %eq3A_352 : i32 to vector<3x16xi32>
    %eq3A_354 = arith.cmpi eq, %iota3A_39, %eq3A_353 : vector<3x16xi32>
    %jit3A_355 = arith.constant 0.000000e+00 : f32
    %broadcast_in_dim3A_356 = vector.broadcast %jit3A_355 : f32 to vector<3x16xf32>
    %select_n3A_357 = arith.select %eq3A_354, %select_n3A_351, %broadcast_in_dim3A_356 : vector<3x16xi1>, vector<3x16xf32>
    %add3A_358 = arith.addf %add3A_318, %select_n3A_357 : vector<3x16xf32>
    %eq3A_359 = arith.constant 8 : i32
    %eq3A_360 = vector.broadcast %eq3A_359 : i32 to vector<128x512xi32>
    %eq3A_361 = arith.cmpi eq, %min3A_38, %eq3A_360 : vector<128x512xi32>
    %convert_element_type3A_362 = arith.extui %eq3A_361 : vector<128x512xi1> to vector<128x512xi32>
    %convert_element_type3A_363 = arith.sitofp %convert_element_type3A_362 : vector<128x512xi32> to vector<128x512xf32>
    %reduce_sum3A_364 = vector.shape_cast %convert_element_type3A_363 : vector<128x512xf32> to vector<1x128x512xf32>
    %reduce_sum3A_365 = arith.constant dense<0.000000e+00> : vector<1xf32>
    %reduce_sum3A_366 = vector.multi_reduction <add>, %reduce_sum3A_364, %reduce_sum3A_365 [1, 2] : vector<1x128x512xf32> to vector<1xf32>
    %reduce_sum3A_367 = vector.shape_cast %reduce_sum3A_366 : vector<1xf32> to vector<1x1x1xf32>
    %reduce_sum3A_368 = vector.extract %reduce_sum3A_367[0, 0, 0] : f32 from vector<1x1x1xf32>
    %mul3A_369 = arith.mulf %div3A, %convert_element_type3A_363 : vector<128x512xf32>
    %reduce_sum3A_370 = vector.shape_cast %mul3A_369 : vector<128x512xf32> to vector<1x128x512xf32>
    %reduce_sum3A_371 = arith.constant dense<0.000000e+00> : vector<1xf32>
    %reduce_sum3A_372 = vector.multi_reduction <add>, %reduce_sum3A_370, %reduce_sum3A_371 [1, 2] : vector<1x128x512xf32> to vector<1xf32>
    %reduce_sum3A_373 = vector.shape_cast %reduce_sum3A_372 : vector<1xf32> to vector<1x1x1xf32>
    %reduce_sum3A_374 = vector.extract %reduce_sum3A_373[0, 0, 0] : f32 from vector<1x1x1xf32>
    %mul3A_375 = arith.mulf %convert_element_type3A_33, %convert_element_type3A_363 : vector<128x512xf32>
    %reduce_sum3A_376 = vector.shape_cast %mul3A_375 : vector<128x512xf32> to vector<1x128x512xf32>
    %reduce_sum3A_377 = arith.constant dense<0.000000e+00> : vector<1xf32>
    %reduce_sum3A_378 = vector.multi_reduction <add>, %reduce_sum3A_376, %reduce_sum3A_377 [1, 2] : vector<1x128x512xf32> to vector<1xf32>
    %reduce_sum3A_379 = vector.shape_cast %reduce_sum3A_378 : vector<1xf32> to vector<1x1x1xf32>
    %reduce_sum3A_380 = vector.extract %reduce_sum3A_379[0, 0, 0] : f32 from vector<1x1x1xf32>
    %eq3A_381 = arith.constant 0 : i32
    %eq3A_382 = vector.broadcast %eq3A_381 : i32 to vector<3x16xi32>
    %eq3A_383 = arith.cmpi eq, %iota3A, %eq3A_382 : vector<3x16xi32>
    %eq3A_384 = arith.constant 1 : i32
    %eq3A_385 = vector.broadcast %eq3A_384 : i32 to vector<3x16xi32>
    %eq3A_386 = arith.cmpi eq, %iota3A, %eq3A_385 : vector<3x16xi32>
    %broadcast_in_dim3A_387 = vector.broadcast %reduce_sum3A_374 : f32 to vector<3x16xf32>
    %broadcast_in_dim3A_388 = vector.broadcast %reduce_sum3A_380 : f32 to vector<3x16xf32>
    %select_n3A_389 = arith.select %eq3A_386, %broadcast_in_dim3A_387, %broadcast_in_dim3A_388 : vector<3x16xi1>, vector<3x16xf32>
    %broadcast_in_dim3A_390 = vector.broadcast %reduce_sum3A_368 : f32 to vector<3x16xf32>
    %select_n3A_391 = arith.select %eq3A_383, %broadcast_in_dim3A_390, %select_n3A_389 : vector<3x16xi1>, vector<3x16xf32>
    %eq3A_392 = arith.constant 8 : i32
    %eq3A_393 = vector.broadcast %eq3A_392 : i32 to vector<3x16xi32>
    %eq3A_394 = arith.cmpi eq, %iota3A_39, %eq3A_393 : vector<3x16xi32>
    %jit3A_395 = arith.constant 0.000000e+00 : f32
    %broadcast_in_dim3A_396 = vector.broadcast %jit3A_395 : f32 to vector<3x16xf32>
    %select_n3A_397 = arith.select %eq3A_394, %select_n3A_391, %broadcast_in_dim3A_396 : vector<3x16xi1>, vector<3x16xf32>
    %add3A_398 = arith.addf %add3A_358, %select_n3A_397 : vector<3x16xf32>
    %eq3A_399 = arith.constant 9 : i32
    %eq3A_400 = vector.broadcast %eq3A_399 : i32 to vector<128x512xi32>
    %eq3A_401 = arith.cmpi eq, %min3A_38, %eq3A_400 : vector<128x512xi32>
    %convert_element_type3A_402 = arith.extui %eq3A_401 : vector<128x512xi1> to vector<128x512xi32>
    %convert_element_type3A_403 = arith.sitofp %convert_element_type3A_402 : vector<128x512xi32> to vector<128x512xf32>
    %reduce_sum3A_404 = vector.shape_cast %convert_element_type3A_403 : vector<128x512xf32> to vector<1x128x512xf32>
    %reduce_sum3A_405 = arith.constant dense<0.000000e+00> : vector<1xf32>
    %reduce_sum3A_406 = vector.multi_reduction <add>, %reduce_sum3A_404, %reduce_sum3A_405 [1, 2] : vector<1x128x512xf32> to vector<1xf32>
    %reduce_sum3A_407 = vector.shape_cast %reduce_sum3A_406 : vector<1xf32> to vector<1x1x1xf32>
    %reduce_sum3A_408 = vector.extract %reduce_sum3A_407[0, 0, 0] : f32 from vector<1x1x1xf32>
    %mul3A_409 = arith.mulf %div3A, %convert_element_type3A_403 : vector<128x512xf32>
    %reduce_sum3A_410 = vector.shape_cast %mul3A_409 : vector<128x512xf32> to vector<1x128x512xf32>
    %reduce_sum3A_411 = arith.constant dense<0.000000e+00> : vector<1xf32>
    %reduce_sum3A_412 = vector.multi_reduction <add>, %reduce_sum3A_410, %reduce_sum3A_411 [1, 2] : vector<1x128x512xf32> to vector<1xf32>
    %reduce_sum3A_413 = vector.shape_cast %reduce_sum3A_412 : vector<1xf32> to vector<1x1x1xf32>
    %reduce_sum3A_414 = vector.extract %reduce_sum3A_413[0, 0, 0] : f32 from vector<1x1x1xf32>
    %mul3A_415 = arith.mulf %convert_element_type3A_33, %convert_element_type3A_403 : vector<128x512xf32>
    %reduce_sum3A_416 = vector.shape_cast %mul3A_415 : vector<128x512xf32> to vector<1x128x512xf32>
    %reduce_sum3A_417 = arith.constant dense<0.000000e+00> : vector<1xf32>
    %reduce_sum3A_418 = vector.multi_reduction <add>, %reduce_sum3A_416, %reduce_sum3A_417 [1, 2] : vector<1x128x512xf32> to vector<1xf32>
    %reduce_sum3A_419 = vector.shape_cast %reduce_sum3A_418 : vector<1xf32> to vector<1x1x1xf32>
    %reduce_sum3A_420 = vector.extract %reduce_sum3A_419[0, 0, 0] : f32 from vector<1x1x1xf32>
    %eq3A_421 = arith.constant 0 : i32
    %eq3A_422 = vector.broadcast %eq3A_421 : i32 to vector<3x16xi32>
    %eq3A_423 = arith.cmpi eq, %iota3A, %eq3A_422 : vector<3x16xi32>
    %eq3A_424 = arith.constant 1 : i32
    %eq3A_425 = vector.broadcast %eq3A_424 : i32 to vector<3x16xi32>
    %eq3A_426 = arith.cmpi eq, %iota3A, %eq3A_425 : vector<3x16xi32>
    %broadcast_in_dim3A_427 = vector.broadcast %reduce_sum3A_414 : f32 to vector<3x16xf32>
    %broadcast_in_dim3A_428 = vector.broadcast %reduce_sum3A_420 : f32 to vector<3x16xf32>
    %select_n3A_429 = arith.select %eq3A_426, %broadcast_in_dim3A_427, %broadcast_in_dim3A_428 : vector<3x16xi1>, vector<3x16xf32>
    %broadcast_in_dim3A_430 = vector.broadcast %reduce_sum3A_408 : f32 to vector<3x16xf32>
    %select_n3A_431 = arith.select %eq3A_423, %broadcast_in_dim3A_430, %select_n3A_429 : vector<3x16xi1>, vector<3x16xf32>
    %eq3A_432 = arith.constant 9 : i32
    %eq3A_433 = vector.broadcast %eq3A_432 : i32 to vector<3x16xi32>
    %eq3A_434 = arith.cmpi eq, %iota3A_39, %eq3A_433 : vector<3x16xi32>
    %jit3A_435 = arith.constant 0.000000e+00 : f32
    %broadcast_in_dim3A_436 = vector.broadcast %jit3A_435 : f32 to vector<3x16xf32>
    %select_n3A_437 = arith.select %eq3A_434, %select_n3A_431, %broadcast_in_dim3A_436 : vector<3x16xi1>, vector<3x16xf32>
    %add3A_438 = arith.addf %add3A_398, %select_n3A_437 : vector<3x16xf32>
    %eq3A_439 = arith.constant 10 : i32
    %eq3A_440 = vector.broadcast %eq3A_439 : i32 to vector<128x512xi32>
    %eq3A_441 = arith.cmpi eq, %min3A_38, %eq3A_440 : vector<128x512xi32>
    %convert_element_type3A_442 = arith.extui %eq3A_441 : vector<128x512xi1> to vector<128x512xi32>
    %convert_element_type3A_443 = arith.sitofp %convert_element_type3A_442 : vector<128x512xi32> to vector<128x512xf32>
    %reduce_sum3A_444 = vector.shape_cast %convert_element_type3A_443 : vector<128x512xf32> to vector<1x128x512xf32>
    %reduce_sum3A_445 = arith.constant dense<0.000000e+00> : vector<1xf32>
    %reduce_sum3A_446 = vector.multi_reduction <add>, %reduce_sum3A_444, %reduce_sum3A_445 [1, 2] : vector<1x128x512xf32> to vector<1xf32>
    %reduce_sum3A_447 = vector.shape_cast %reduce_sum3A_446 : vector<1xf32> to vector<1x1x1xf32>
    %reduce_sum3A_448 = vector.extract %reduce_sum3A_447[0, 0, 0] : f32 from vector<1x1x1xf32>
    %mul3A_449 = arith.mulf %div3A, %convert_element_type3A_443 : vector<128x512xf32>
    %reduce_sum3A_450 = vector.shape_cast %mul3A_449 : vector<128x512xf32> to vector<1x128x512xf32>
    %reduce_sum3A_451 = arith.constant dense<0.000000e+00> : vector<1xf32>
    %reduce_sum3A_452 = vector.multi_reduction <add>, %reduce_sum3A_450, %reduce_sum3A_451 [1, 2] : vector<1x128x512xf32> to vector<1xf32>
    %reduce_sum3A_453 = vector.shape_cast %reduce_sum3A_452 : vector<1xf32> to vector<1x1x1xf32>
    %reduce_sum3A_454 = vector.extract %reduce_sum3A_453[0, 0, 0] : f32 from vector<1x1x1xf32>
    %mul3A_455 = arith.mulf %convert_element_type3A_33, %convert_element_type3A_443 : vector<128x512xf32>
    %reduce_sum3A_456 = vector.shape_cast %mul3A_455 : vector<128x512xf32> to vector<1x128x512xf32>
    %reduce_sum3A_457 = arith.constant dense<0.000000e+00> : vector<1xf32>
    %reduce_sum3A_458 = vector.multi_reduction <add>, %reduce_sum3A_456, %reduce_sum3A_457 [1, 2] : vector<1x128x512xf32> to vector<1xf32>
    %reduce_sum3A_459 = vector.shape_cast %reduce_sum3A_458 : vector<1xf32> to vector<1x1x1xf32>
    %reduce_sum3A_460 = vector.extract %reduce_sum3A_459[0, 0, 0] : f32 from vector<1x1x1xf32>
    %eq3A_461 = arith.constant 0 : i32
    %eq3A_462 = vector.broadcast %eq3A_461 : i32 to vector<3x16xi32>
    %eq3A_463 = arith.cmpi eq, %iota3A, %eq3A_462 : vector<3x16xi32>
    %eq3A_464 = arith.constant 1 : i32
    %eq3A_465 = vector.broadcast %eq3A_464 : i32 to vector<3x16xi32>
    %eq3A_466 = arith.cmpi eq, %iota3A, %eq3A_465 : vector<3x16xi32>
    %broadcast_in_dim3A_467 = vector.broadcast %reduce_sum3A_454 : f32 to vector<3x16xf32>
    %broadcast_in_dim3A_468 = vector.broadcast %reduce_sum3A_460 : f32 to vector<3x16xf32>
    %select_n3A_469 = arith.select %eq3A_466, %broadcast_in_dim3A_467, %broadcast_in_dim3A_468 : vector<3x16xi1>, vector<3x16xf32>
    %broadcast_in_dim3A_470 = vector.broadcast %reduce_sum3A_448 : f32 to vector<3x16xf32>
    %select_n3A_471 = arith.select %eq3A_463, %broadcast_in_dim3A_470, %select_n3A_469 : vector<3x16xi1>, vector<3x16xf32>
    %eq3A_472 = arith.constant 10 : i32
    %eq3A_473 = vector.broadcast %eq3A_472 : i32 to vector<3x16xi32>
    %eq3A_474 = arith.cmpi eq, %iota3A_39, %eq3A_473 : vector<3x16xi32>
    %jit3A_475 = arith.constant 0.000000e+00 : f32
    %broadcast_in_dim3A_476 = vector.broadcast %jit3A_475 : f32 to vector<3x16xf32>
    %select_n3A_477 = arith.select %eq3A_474, %select_n3A_471, %broadcast_in_dim3A_476 : vector<3x16xi1>, vector<3x16xf32>
    %add3A_478 = arith.addf %add3A_438, %select_n3A_477 : vector<3x16xf32>
    %eq3A_479 = arith.constant 11 : i32
    %eq3A_480 = vector.broadcast %eq3A_479 : i32 to vector<128x512xi32>
    %eq3A_481 = arith.cmpi eq, %min3A_38, %eq3A_480 : vector<128x512xi32>
    %convert_element_type3A_482 = arith.extui %eq3A_481 : vector<128x512xi1> to vector<128x512xi32>
    %convert_element_type3A_483 = arith.sitofp %convert_element_type3A_482 : vector<128x512xi32> to vector<128x512xf32>
    %reduce_sum3A_484 = vector.shape_cast %convert_element_type3A_483 : vector<128x512xf32> to vector<1x128x512xf32>
    %reduce_sum3A_485 = arith.constant dense<0.000000e+00> : vector<1xf32>
    %reduce_sum3A_486 = vector.multi_reduction <add>, %reduce_sum3A_484, %reduce_sum3A_485 [1, 2] : vector<1x128x512xf32> to vector<1xf32>
    %reduce_sum3A_487 = vector.shape_cast %reduce_sum3A_486 : vector<1xf32> to vector<1x1x1xf32>
    %reduce_sum3A_488 = vector.extract %reduce_sum3A_487[0, 0, 0] : f32 from vector<1x1x1xf32>
    %mul3A_489 = arith.mulf %div3A, %convert_element_type3A_483 : vector<128x512xf32>
    %reduce_sum3A_490 = vector.shape_cast %mul3A_489 : vector<128x512xf32> to vector<1x128x512xf32>
    %reduce_sum3A_491 = arith.constant dense<0.000000e+00> : vector<1xf32>
    %reduce_sum3A_492 = vector.multi_reduction <add>, %reduce_sum3A_490, %reduce_sum3A_491 [1, 2] : vector<1x128x512xf32> to vector<1xf32>
    %reduce_sum3A_493 = vector.shape_cast %reduce_sum3A_492 : vector<1xf32> to vector<1x1x1xf32>
    %reduce_sum3A_494 = vector.extract %reduce_sum3A_493[0, 0, 0] : f32 from vector<1x1x1xf32>
    %mul3A_495 = arith.mulf %convert_element_type3A_33, %convert_element_type3A_483 : vector<128x512xf32>
    %reduce_sum3A_496 = vector.shape_cast %mul3A_495 : vector<128x512xf32> to vector<1x128x512xf32>
    %reduce_sum3A_497 = arith.constant dense<0.000000e+00> : vector<1xf32>
    %reduce_sum3A_498 = vector.multi_reduction <add>, %reduce_sum3A_496, %reduce_sum3A_497 [1, 2] : vector<1x128x512xf32> to vector<1xf32>
    %reduce_sum3A_499 = vector.shape_cast %reduce_sum3A_498 : vector<1xf32> to vector<1x1x1xf32>
    %reduce_sum3A_500 = vector.extract %reduce_sum3A_499[0, 0, 0] : f32 from vector<1x1x1xf32>
    %eq3A_501 = arith.constant 0 : i32
    %eq3A_502 = vector.broadcast %eq3A_501 : i32 to vector<3x16xi32>
    %eq3A_503 = arith.cmpi eq, %iota3A, %eq3A_502 : vector<3x16xi32>
    %eq3A_504 = arith.constant 1 : i32
    %eq3A_505 = vector.broadcast %eq3A_504 : i32 to vector<3x16xi32>
    %eq3A_506 = arith.cmpi eq, %iota3A, %eq3A_505 : vector<3x16xi32>
    %broadcast_in_dim3A_507 = vector.broadcast %reduce_sum3A_494 : f32 to vector<3x16xf32>
    %broadcast_in_dim3A_508 = vector.broadcast %reduce_sum3A_500 : f32 to vector<3x16xf32>
    %select_n3A_509 = arith.select %eq3A_506, %broadcast_in_dim3A_507, %broadcast_in_dim3A_508 : vector<3x16xi1>, vector<3x16xf32>
    %broadcast_in_dim3A_510 = vector.broadcast %reduce_sum3A_488 : f32 to vector<3x16xf32>
    %select_n3A_511 = arith.select %eq3A_503, %broadcast_in_dim3A_510, %select_n3A_509 : vector<3x16xi1>, vector<3x16xf32>
    %eq3A_512 = arith.constant 11 : i32
    %eq3A_513 = vector.broadcast %eq3A_512 : i32 to vector<3x16xi32>
    %eq3A_514 = arith.cmpi eq, %iota3A_39, %eq3A_513 : vector<3x16xi32>
    %jit3A_515 = arith.constant 0.000000e+00 : f32
    %broadcast_in_dim3A_516 = vector.broadcast %jit3A_515 : f32 to vector<3x16xf32>
    %select_n3A_517 = arith.select %eq3A_514, %select_n3A_511, %broadcast_in_dim3A_516 : vector<3x16xi1>, vector<3x16xf32>
    %add3A_518 = arith.addf %add3A_478, %select_n3A_517 : vector<3x16xf32>
    %eq3A_519 = arith.constant 12 : i32
    %eq3A_520 = vector.broadcast %eq3A_519 : i32 to vector<128x512xi32>
    %eq3A_521 = arith.cmpi eq, %min3A_38, %eq3A_520 : vector<128x512xi32>
    %convert_element_type3A_522 = arith.extui %eq3A_521 : vector<128x512xi1> to vector<128x512xi32>
    %convert_element_type3A_523 = arith.sitofp %convert_element_type3A_522 : vector<128x512xi32> to vector<128x512xf32>
    %reduce_sum3A_524 = vector.shape_cast %convert_element_type3A_523 : vector<128x512xf32> to vector<1x128x512xf32>
    %reduce_sum3A_525 = arith.constant dense<0.000000e+00> : vector<1xf32>
    %reduce_sum3A_526 = vector.multi_reduction <add>, %reduce_sum3A_524, %reduce_sum3A_525 [1, 2] : vector<1x128x512xf32> to vector<1xf32>
    %reduce_sum3A_527 = vector.shape_cast %reduce_sum3A_526 : vector<1xf32> to vector<1x1x1xf32>
    %reduce_sum3A_528 = vector.extract %reduce_sum3A_527[0, 0, 0] : f32 from vector<1x1x1xf32>
    %mul3A_529 = arith.mulf %div3A, %convert_element_type3A_523 : vector<128x512xf32>
    %reduce_sum3A_530 = vector.shape_cast %mul3A_529 : vector<128x512xf32> to vector<1x128x512xf32>
    %reduce_sum3A_531 = arith.constant dense<0.000000e+00> : vector<1xf32>
    %reduce_sum3A_532 = vector.multi_reduction <add>, %reduce_sum3A_530, %reduce_sum3A_531 [1, 2] : vector<1x128x512xf32> to vector<1xf32>
    %reduce_sum3A_533 = vector.shape_cast %reduce_sum3A_532 : vector<1xf32> to vector<1x1x1xf32>
    %reduce_sum3A_534 = vector.extract %reduce_sum3A_533[0, 0, 0] : f32 from vector<1x1x1xf32>
    %mul3A_535 = arith.mulf %convert_element_type3A_33, %convert_element_type3A_523 : vector<128x512xf32>
    %reduce_sum3A_536 = vector.shape_cast %mul3A_535 : vector<128x512xf32> to vector<1x128x512xf32>
    %reduce_sum3A_537 = arith.constant dense<0.000000e+00> : vector<1xf32>
    %reduce_sum3A_538 = vector.multi_reduction <add>, %reduce_sum3A_536, %reduce_sum3A_537 [1, 2] : vector<1x128x512xf32> to vector<1xf32>
    %reduce_sum3A_539 = vector.shape_cast %reduce_sum3A_538 : vector<1xf32> to vector<1x1x1xf32>
    %reduce_sum3A_540 = vector.extract %reduce_sum3A_539[0, 0, 0] : f32 from vector<1x1x1xf32>
    %eq3A_541 = arith.constant 0 : i32
    %eq3A_542 = vector.broadcast %eq3A_541 : i32 to vector<3x16xi32>
    %eq3A_543 = arith.cmpi eq, %iota3A, %eq3A_542 : vector<3x16xi32>
    %eq3A_544 = arith.constant 1 : i32
    %eq3A_545 = vector.broadcast %eq3A_544 : i32 to vector<3x16xi32>
    %eq3A_546 = arith.cmpi eq, %iota3A, %eq3A_545 : vector<3x16xi32>
    %broadcast_in_dim3A_547 = vector.broadcast %reduce_sum3A_534 : f32 to vector<3x16xf32>
    %broadcast_in_dim3A_548 = vector.broadcast %reduce_sum3A_540 : f32 to vector<3x16xf32>
    %select_n3A_549 = arith.select %eq3A_546, %broadcast_in_dim3A_547, %broadcast_in_dim3A_548 : vector<3x16xi1>, vector<3x16xf32>
    %broadcast_in_dim3A_550 = vector.broadcast %reduce_sum3A_528 : f32 to vector<3x16xf32>
    %select_n3A_551 = arith.select %eq3A_543, %broadcast_in_dim3A_550, %select_n3A_549 : vector<3x16xi1>, vector<3x16xf32>
    %eq3A_552 = arith.constant 12 : i32
    %eq3A_553 = vector.broadcast %eq3A_552 : i32 to vector<3x16xi32>
    %eq3A_554 = arith.cmpi eq, %iota3A_39, %eq3A_553 : vector<3x16xi32>
    %jit3A_555 = arith.constant 0.000000e+00 : f32
    %broadcast_in_dim3A_556 = vector.broadcast %jit3A_555 : f32 to vector<3x16xf32>
    %select_n3A_557 = arith.select %eq3A_554, %select_n3A_551, %broadcast_in_dim3A_556 : vector<3x16xi1>, vector<3x16xf32>
    %add3A_558 = arith.addf %add3A_518, %select_n3A_557 : vector<3x16xf32>
    %eq3A_559 = arith.constant 13 : i32
    %eq3A_560 = vector.broadcast %eq3A_559 : i32 to vector<128x512xi32>
    %eq3A_561 = arith.cmpi eq, %min3A_38, %eq3A_560 : vector<128x512xi32>
    %convert_element_type3A_562 = arith.extui %eq3A_561 : vector<128x512xi1> to vector<128x512xi32>
    %convert_element_type3A_563 = arith.sitofp %convert_element_type3A_562 : vector<128x512xi32> to vector<128x512xf32>
    %reduce_sum3A_564 = vector.shape_cast %convert_element_type3A_563 : vector<128x512xf32> to vector<1x128x512xf32>
    %reduce_sum3A_565 = arith.constant dense<0.000000e+00> : vector<1xf32>
    %reduce_sum3A_566 = vector.multi_reduction <add>, %reduce_sum3A_564, %reduce_sum3A_565 [1, 2] : vector<1x128x512xf32> to vector<1xf32>
    %reduce_sum3A_567 = vector.shape_cast %reduce_sum3A_566 : vector<1xf32> to vector<1x1x1xf32>
    %reduce_sum3A_568 = vector.extract %reduce_sum3A_567[0, 0, 0] : f32 from vector<1x1x1xf32>
    %mul3A_569 = arith.mulf %div3A, %convert_element_type3A_563 : vector<128x512xf32>
    %reduce_sum3A_570 = vector.shape_cast %mul3A_569 : vector<128x512xf32> to vector<1x128x512xf32>
    %reduce_sum3A_571 = arith.constant dense<0.000000e+00> : vector<1xf32>
    %reduce_sum3A_572 = vector.multi_reduction <add>, %reduce_sum3A_570, %reduce_sum3A_571 [1, 2] : vector<1x128x512xf32> to vector<1xf32>
    %reduce_sum3A_573 = vector.shape_cast %reduce_sum3A_572 : vector<1xf32> to vector<1x1x1xf32>
    %reduce_sum3A_574 = vector.extract %reduce_sum3A_573[0, 0, 0] : f32 from vector<1x1x1xf32>
    %mul3A_575 = arith.mulf %convert_element_type3A_33, %convert_element_type3A_563 : vector<128x512xf32>
    %reduce_sum3A_576 = vector.shape_cast %mul3A_575 : vector<128x512xf32> to vector<1x128x512xf32>
    %reduce_sum3A_577 = arith.constant dense<0.000000e+00> : vector<1xf32>
    %reduce_sum3A_578 = vector.multi_reduction <add>, %reduce_sum3A_576, %reduce_sum3A_577 [1, 2] : vector<1x128x512xf32> to vector<1xf32>
    %reduce_sum3A_579 = vector.shape_cast %reduce_sum3A_578 : vector<1xf32> to vector<1x1x1xf32>
    %reduce_sum3A_580 = vector.extract %reduce_sum3A_579[0, 0, 0] : f32 from vector<1x1x1xf32>
    %eq3A_581 = arith.constant 0 : i32
    %eq3A_582 = vector.broadcast %eq3A_581 : i32 to vector<3x16xi32>
    %eq3A_583 = arith.cmpi eq, %iota3A, %eq3A_582 : vector<3x16xi32>
    %eq3A_584 = arith.constant 1 : i32
    %eq3A_585 = vector.broadcast %eq3A_584 : i32 to vector<3x16xi32>
    %eq3A_586 = arith.cmpi eq, %iota3A, %eq3A_585 : vector<3x16xi32>
    %broadcast_in_dim3A_587 = vector.broadcast %reduce_sum3A_574 : f32 to vector<3x16xf32>
    %broadcast_in_dim3A_588 = vector.broadcast %reduce_sum3A_580 : f32 to vector<3x16xf32>
    %select_n3A_589 = arith.select %eq3A_586, %broadcast_in_dim3A_587, %broadcast_in_dim3A_588 : vector<3x16xi1>, vector<3x16xf32>
    %broadcast_in_dim3A_590 = vector.broadcast %reduce_sum3A_568 : f32 to vector<3x16xf32>
    %select_n3A_591 = arith.select %eq3A_583, %broadcast_in_dim3A_590, %select_n3A_589 : vector<3x16xi1>, vector<3x16xf32>
    %eq3A_592 = arith.constant 13 : i32
    %eq3A_593 = vector.broadcast %eq3A_592 : i32 to vector<3x16xi32>
    %eq3A_594 = arith.cmpi eq, %iota3A_39, %eq3A_593 : vector<3x16xi32>
    %jit3A_595 = arith.constant 0.000000e+00 : f32
    %broadcast_in_dim3A_596 = vector.broadcast %jit3A_595 : f32 to vector<3x16xf32>
    %select_n3A_597 = arith.select %eq3A_594, %select_n3A_591, %broadcast_in_dim3A_596 : vector<3x16xi1>, vector<3x16xf32>
    %add3A_598 = arith.addf %add3A_558, %select_n3A_597 : vector<3x16xf32>
    %eq3A_599 = arith.constant 14 : i32
    %eq3A_600 = vector.broadcast %eq3A_599 : i32 to vector<128x512xi32>
    %eq3A_601 = arith.cmpi eq, %min3A_38, %eq3A_600 : vector<128x512xi32>
    %convert_element_type3A_602 = arith.extui %eq3A_601 : vector<128x512xi1> to vector<128x512xi32>
    %convert_element_type3A_603 = arith.sitofp %convert_element_type3A_602 : vector<128x512xi32> to vector<128x512xf32>
    %reduce_sum3A_604 = vector.shape_cast %convert_element_type3A_603 : vector<128x512xf32> to vector<1x128x512xf32>
    %reduce_sum3A_605 = arith.constant dense<0.000000e+00> : vector<1xf32>
    %reduce_sum3A_606 = vector.multi_reduction <add>, %reduce_sum3A_604, %reduce_sum3A_605 [1, 2] : vector<1x128x512xf32> to vector<1xf32>
    %reduce_sum3A_607 = vector.shape_cast %reduce_sum3A_606 : vector<1xf32> to vector<1x1x1xf32>
    %reduce_sum3A_608 = vector.extract %reduce_sum3A_607[0, 0, 0] : f32 from vector<1x1x1xf32>
    %mul3A_609 = arith.mulf %div3A, %convert_element_type3A_603 : vector<128x512xf32>
    %reduce_sum3A_610 = vector.shape_cast %mul3A_609 : vector<128x512xf32> to vector<1x128x512xf32>
    %reduce_sum3A_611 = arith.constant dense<0.000000e+00> : vector<1xf32>
    %reduce_sum3A_612 = vector.multi_reduction <add>, %reduce_sum3A_610, %reduce_sum3A_611 [1, 2] : vector<1x128x512xf32> to vector<1xf32>
    %reduce_sum3A_613 = vector.shape_cast %reduce_sum3A_612 : vector<1xf32> to vector<1x1x1xf32>
    %reduce_sum3A_614 = vector.extract %reduce_sum3A_613[0, 0, 0] : f32 from vector<1x1x1xf32>
    %mul3A_615 = arith.mulf %convert_element_type3A_33, %convert_element_type3A_603 : vector<128x512xf32>
    %reduce_sum3A_616 = vector.shape_cast %mul3A_615 : vector<128x512xf32> to vector<1x128x512xf32>
    %reduce_sum3A_617 = arith.constant dense<0.000000e+00> : vector<1xf32>
    %reduce_sum3A_618 = vector.multi_reduction <add>, %reduce_sum3A_616, %reduce_sum3A_617 [1, 2] : vector<1x128x512xf32> to vector<1xf32>
    %reduce_sum3A_619 = vector.shape_cast %reduce_sum3A_618 : vector<1xf32> to vector<1x1x1xf32>
    %reduce_sum3A_620 = vector.extract %reduce_sum3A_619[0, 0, 0] : f32 from vector<1x1x1xf32>
    %eq3A_621 = arith.constant 0 : i32
    %eq3A_622 = vector.broadcast %eq3A_621 : i32 to vector<3x16xi32>
    %eq3A_623 = arith.cmpi eq, %iota3A, %eq3A_622 : vector<3x16xi32>
    %eq3A_624 = arith.constant 1 : i32
    %eq3A_625 = vector.broadcast %eq3A_624 : i32 to vector<3x16xi32>
    %eq3A_626 = arith.cmpi eq, %iota3A, %eq3A_625 : vector<3x16xi32>
    %broadcast_in_dim3A_627 = vector.broadcast %reduce_sum3A_614 : f32 to vector<3x16xf32>
    %broadcast_in_dim3A_628 = vector.broadcast %reduce_sum3A_620 : f32 to vector<3x16xf32>
    %select_n3A_629 = arith.select %eq3A_626, %broadcast_in_dim3A_627, %broadcast_in_dim3A_628 : vector<3x16xi1>, vector<3x16xf32>
    %broadcast_in_dim3A_630 = vector.broadcast %reduce_sum3A_608 : f32 to vector<3x16xf32>
    %select_n3A_631 = arith.select %eq3A_623, %broadcast_in_dim3A_630, %select_n3A_629 : vector<3x16xi1>, vector<3x16xf32>
    %eq3A_632 = arith.constant 14 : i32
    %eq3A_633 = vector.broadcast %eq3A_632 : i32 to vector<3x16xi32>
    %eq3A_634 = arith.cmpi eq, %iota3A_39, %eq3A_633 : vector<3x16xi32>
    %jit3A_635 = arith.constant 0.000000e+00 : f32
    %broadcast_in_dim3A_636 = vector.broadcast %jit3A_635 : f32 to vector<3x16xf32>
    %select_n3A_637 = arith.select %eq3A_634, %select_n3A_631, %broadcast_in_dim3A_636 : vector<3x16xi1>, vector<3x16xf32>
    %add3A_638 = arith.addf %add3A_598, %select_n3A_637 : vector<3x16xf32>
    %get3A_639 = arith.constant 0 : index
    %get3A_640 = arith.constant 0 : index
    %get3A_641 = vector.load %arg3[%get3A_639, %get3A_640] : memref<3x16xf32, #tpu.memory_space<vmem>>, vector<3x16xf32>
    %add3A_642 = arith.addf %get3A_641, %add3A_638 : vector<3x16xf32>
    %swap3A = arith.constant 0 : index
    %swap3A_643 = arith.constant 0 : index
    %swap3A_644 = vector.load %arg3[%swap3A, %swap3A_643] : memref<3x16xf32, #tpu.memory_space<vmem>>, vector<3x16xf32>
    tpu.vector_store %arg3[%swap3A, %swap3A_643], %add3A_642 {strides = array<i32>} : memref<3x16xf32, #tpu.memory_space<vmem>>, vector<3x16xf32>,
    return
  }
  func.func @transform_0(%arg0: i32) -> (i32, i32, i32, i32) {
    %add3A = arith.constant 16 : i32
    %add3A_0 = arith.addi %add3A, %arg0 : i32
    %jit3A = arith.constant 4 : i32
    %div3A = arith.divsi %add3A_0, %jit3A : i32
    %sign3A = arith.constant 0 : i32
    %sign3A_1 = arith.cmpi sgt, %add3A_0, %sign3A : i32
    %sign3A_2 = arith.extui %sign3A_1 : i1 to i32
    %sign3A_3 = arith.constant 0 : i32
    %sign3A_4 = arith.cmpi slt, %add3A_0, %sign3A_3 : i32
    %sign3A_5 = arith.extui %sign3A_4 : i1 to i32
    %sign3A_6 = arith.subi %sign3A_2, %sign3A_5 : i32
    %sign3A_7 = arith.constant 0 : i32
    %sign3A_8 = arith.cmpi sgt, %jit3A, %sign3A_7 : i32
    %sign3A_9 = arith.extui %sign3A_8 : i1 to i32
    %sign3A_10 = arith.constant 0 : i32
    %sign3A_11 = arith.cmpi slt, %jit3A, %sign3A_10 : i32
    %sign3A_12 = arith.extui %sign3A_11 : i1 to i32
    %sign3A_13 = arith.subi %sign3A_9, %sign3A_12 : i32
    %ne3A = arith.cmpi ne, %sign3A_6, %sign3A_13 : i32
    %rem3A = arith.remsi %add3A_0, %jit3A : i32
    %ne3A_14 = arith.constant 0 : i32
    %ne3A_15 = arith.cmpi ne, %rem3A, %ne3A_14 : i32
    %and3A = arith.andi %ne3A, %ne3A_15 : i1
    %sub3A = arith.constant 1 : i32
    %sub3A_16 = arith.subi %div3A, %sub3A : i32
    %select_n3A = arith.select %and3A, %sub3A_16, %div3A : i32
    %add3A_17 = arith.constant 16 : i32
    %add3A_18 = arith.addi %add3A_17, %arg0 : i32
    %jit3A_19 = arith.constant 4 : i32
    %eq3A = arith.constant 0 : i32
    %eq3A_20 = arith.cmpi eq, %jit3A_19, %eq3A : i32
    %jit3A_21 = arith.constant 1 : i32
    %select_n3A_22 = arith.select %eq3A_20, %jit3A_21, %jit3A_19 : i32
    %rem3A_23 = arith.remsi %add3A_18, %select_n3A_22 : i32
    %ne3A_24 = arith.constant 0 : i32
    %ne3A_25 = arith.cmpi ne, %rem3A_23, %ne3A_24 : i32
    %lt3A = arith.constant 0 : i32
    %lt3A_26 = arith.cmpi slt, %rem3A_23, %lt3A : i32
    %lt3A_27 = arith.constant 0 : i32
    %lt3A_28 = arith.cmpi slt, %select_n3A_22, %lt3A_27 : i32
    %ne3A_29 = arith.xori %lt3A_26, %lt3A_28 : i1
    %and3A_30 = arith.andi %ne3A_29, %ne3A_25 : i1
    %add3A_31 = arith.addi %rem3A_23, %select_n3A_22 : i32
    %select_n3A_32 = arith.select %and3A_30, %add3A_31, %rem3A_23 : i32
    %c0_i32 = arith.constant 0 : i32
    %c0_i32_33 = arith.constant 0 : i32
    %c0_i32_34 = arith.constant 0 : i32
    return %select_n3A, %c0_i32, %select_n3A_32, %c0_i32_33 : i32, i32, i32, i32
  }
  func.func @transform_1(%arg0: i32) -> (i32, i32, i32, i32) {
    %add3A = arith.constant 16 : i32
    %add3A_0 = arith.addi %add3A, %arg0 : i32
    %jit3A = arith.constant 4 : i32
    %div3A = arith.divsi %add3A_0, %jit3A : i32
    %sign3A = arith.constant 0 : i32
    %sign3A_1 = arith.cmpi sgt, %add3A_0, %sign3A : i32
    %sign3A_2 = arith.extui %sign3A_1 : i1 to i32
    %sign3A_3 = arith.constant 0 : i32
    %sign3A_4 = arith.cmpi slt, %add3A_0, %sign3A_3 : i32
    %sign3A_5 = arith.extui %sign3A_4 : i1 to i32
    %sign3A_6 = arith.subi %sign3A_2, %sign3A_5 : i32
    %sign3A_7 = arith.constant 0 : i32
    %sign3A_8 = arith.cmpi sgt, %jit3A, %sign3A_7 : i32
    %sign3A_9 = arith.extui %sign3A_8 : i1 to i32
    %sign3A_10 = arith.constant 0 : i32
    %sign3A_11 = arith.cmpi slt, %jit3A, %sign3A_10 : i32
    %sign3A_12 = arith.extui %sign3A_11 : i1 to i32
    %sign3A_13 = arith.subi %sign3A_9, %sign3A_12 : i32
    %ne3A = arith.cmpi ne, %sign3A_6, %sign3A_13 : i32
    %rem3A = arith.remsi %add3A_0, %jit3A : i32
    %ne3A_14 = arith.constant 0 : i32
    %ne3A_15 = arith.cmpi ne, %rem3A, %ne3A_14 : i32
    %and3A = arith.andi %ne3A, %ne3A_15 : i1
    %sub3A = arith.constant 1 : i32
    %sub3A_16 = arith.subi %div3A, %sub3A : i32
    %select_n3A = arith.select %and3A, %sub3A_16, %div3A : i32
    %add3A_17 = arith.constant 16 : i32
    %add3A_18 = arith.addi %add3A_17, %arg0 : i32
    %jit3A_19 = arith.constant 4 : i32
    %eq3A = arith.constant 0 : i32
    %eq3A_20 = arith.cmpi eq, %jit3A_19, %eq3A : i32
    %jit3A_21 = arith.constant 1 : i32
    %select_n3A_22 = arith.select %eq3A_20, %jit3A_21, %jit3A_19 : i32
    %rem3A_23 = arith.remsi %add3A_18, %select_n3A_22 : i32
    %ne3A_24 = arith.constant 0 : i32
    %ne3A_25 = arith.cmpi ne, %rem3A_23, %ne3A_24 : i32
    %lt3A = arith.constant 0 : i32
    %lt3A_26 = arith.cmpi slt, %rem3A_23, %lt3A : i32
    %lt3A_27 = arith.constant 0 : i32
    %lt3A_28 = arith.cmpi slt, %select_n3A_22, %lt3A_27 : i32
    %ne3A_29 = arith.xori %lt3A_26, %lt3A_28 : i1
    %and3A_30 = arith.andi %ne3A_29, %ne3A_25 : i1
    %add3A_31 = arith.addi %rem3A_23, %select_n3A_22 : i32
    %select_n3A_32 = arith.select %and3A_30, %add3A_31, %rem3A_23 : i32
    %c0_i32 = arith.constant 0 : i32
    %c0_i32_33 = arith.constant 0 : i32
    %c0_i32_34 = arith.constant 0 : i32
    return %select_n3A, %c0_i32, %select_n3A_32, %c0_i32_33 : i32, i32, i32, i32
  }
  func.func @transform_2(%arg0: i32) -> (i32, i32) {
    %c0_i32 = arith.constant 0 : i32
    %c0_i32_0 = arith.constant 0 : i32
    %c0_i32_1 = arith.constant 0 : i32
    return %c0_i32, %c0_i32_0 : i32, i32
  }
}

</mosaic_0001>

<sc_bundles>
// kernel: kernel.5.cloned.1.call-start
scs
__scs_entry_jumppad:
0x0: {  	(pc) =	sbr.rel $0x88, $3  }
0x1: {  	(tag) =	ssettag $0x0;
	lr =	simm.s32 $0x1  }
0x2: {  	[smem:$0x3F9F] =	sst lr;
	_ =	strace $0xD0000000  }
0x3: {  	_ = 	snop  }
0x4: {  	_ = 	snop  }
0x5: {  	_ = 	snop  }
0x6: {  	_ = 	snop  }
0x7: {  	_ = 	snop  }
__scs_overlays_trampoline_lowered:
0x8: {  	[smem:$0x3FAE] =	sst s0  }
0x9: {  	[smem:$0x3FAF] =	sst s1  }
0xa: {  	[smem:$0x3FB0] =	sst s2  }
0xb: {  	[smem:$0x3FB1] =	sst s3  }
0xc: {  	[smem:$0x3FB2] =	sst s4  }
0xd: {  	[smem:$0x3FB3] =	sst s5  }
0xe: {  	[smem:$0x3FB4] =	sst s6  }
0xf: {  	[smem:$0x3FB5] =	sst s7  }
0x10: {  	[smem:$0x3FB6] =	sst s8  }
0x11: {  	[smem:$0x3FB7] =	sst s9;
	s0 =	simm.s32 @!p0 $0x0  }
0x12: {  	s1 =	sld [smem:$0x3F9D];
	s0 =	simm.s32 @p0 $0x1  }
0x13: {  	[smem:$0x3FB8] =	sst s0;
	s0 =	simm.s32 @!p1 $0x0  }
0x14: {  	s2 =	sld [smem:$0x3F9C];
	s0 =	simm.s32 @p1 $0x1  }
0x15: {  	[smem:$0x3FB9] =	sst s0;
	s0 =	simm.s32 @!p2 $0x0  }
0x16: {  	s3 =	sld [smem:$0x3FDB];
	s0 =	simm.s32 @p2 $0x1  }
0x17: {  	s4 =	simm.s32 $0x1BF5;
	[smem:$0x3FBB] =	sst s0  }
0x18: {  	s0 =	sld [smem:$0x3F9E];
	_ =	swait.ge [sflag:s4], $0x0  }
0x19: {  	s7 =	sld [smem:$0x3F9F]  }
0x1a: {  	s8 =	sadd.s32 $0xFFFFE003, lr  }
0x1b: {  	s9 =	sadd.s32 $0xFFFFFEF7, lr;
	s5 =	simm.s32 $0xFFFFFFFF;
	p2 =	slt.u32 s8, $0xFFFFF086  }
0x1c: {  	p1 =	slt.u32 s9, $0xF7A;
	s5 =	simm.s32 @!p2 $0x0  }
0x1d: {  	s5 =	simm.s32 @p1 $0x1;
	p0 =	seq.s32 s7, s2  }
0x1e: {  	s7 =	smul.u32 @!p0 $0xF7A, s2;
	p2 =	seq.s32 @!p0 s5, $0x0  }
0x1f: {  	s9 =	smul.u32 $0xF7A, s1;
	s8 =	simm.s32 @!p0 $0x1BF5;
	p2 =	por !p2, p0  }
0x20: {  	[sflag:s8] =	ssyncset.s32 @!p0 $0xFFFFF086;
	s6 =	sadd.s32 @!p0 s3, s7;
	s7 =	simm.s32 @!p0 $0x108  }
0x21: {  	s3 =	sadd.s32 s3, s9;
	s6 =	sadd.s32 @!p0 $0x88, s6;
	s7 =	simm.s32 @p2 $0x1082  }
0x22: {  	[simem:s7], [sflag:s8] =	dma.local @!p0 [hbm:s6], $0xF7A  }
0x23: {  	s9 =	sor.u32 $0xD0000000, s2;
	s6 =	simm.s32 $0x108;
	_ =	swait.ge @!p0 [sflag:s8], $0x0  }
0x24: {  	s3 =	sadd.s32 $0x88, s3;
	s6 =	simm.s32 @!p1 $0x1082;
	[sflag:s4] =	ssyncset.s32 $0xFFFFF086  }
0x25: {  	[simem:s6], [sflag:s4] =	dma.local [hbm:s3], $0xF7A  }
0x26: {  	[smem:$0x3F9F] =	sst s1;
	(tag) =	ssettag s2;
	_ =	strace s9  }
0x27: {  	s1 =	sld [smem:$0x3FAF]  }
0x28: {  	s2 =	sld [smem:$0x3FB0]  }
0x29: {  	s4 =	sld [smem:$0x3FB2]  }
0x2a: {  	p0 =	seq.s32 s5, $0x0;
	s5 =	sld [smem:$0x3FB3]  }
0x2b: {  	s6 =	sld [smem:$0x3FB4]  }
0x2c: {  	s7 =	sld [smem:$0x3FB5]  }
0x2d: {  	s3 =	simm.s32 $0x108;
	s8 =	sld [smem:$0x3FB6]  }
0x2e: {  	s3 =	simm.s32 @!p0 $0x1082;
	s9 =	sld [smem:$0x3FB7]  }
0x2f: {  	lr =	sadd.s32 s0, s3;
	s0 =	sld [smem:$0x3FAE]  }
0x30: {  	s3 =	sld [smem:$0x3FB1]  }
0x31: {  	[smem:$0x3FBA] =	sst s10  }
0x32: {  	s10 =	sld [smem:$0x3FB8];
	_ =	sdelay $0x3  }
0x33: {  	p0 =	seq.s32 s10, $0x1;
	s10 =	sld [smem:$0x3FBA];
	_ =	sdelay $0x3  }
0x34: {  	[smem:$0x3FBA] =	sst s10  }
0x35: {  	s10 =	sld [smem:$0x3FB9];
	_ =	sdelay $0x3  }
0x36: {  	p1 =	seq.s32 s10, $0x1;
	s10 =	sld [smem:$0x3FBA];
	_ =	sdelay $0x3  }
0x37: {  	[smem:$0x3FBA] =	sst s10  }
0x38: {  	s10 =	sld [smem:$0x3FBB]  }
0x39: {  	_ = 	snop;
	(pc) =	sbr.ind lr, $3  }
0x3a: {  	_ = 	snop  }
0x3b: {  	_ = 	snop  }
0x3c: {  	p2 =	seq.s32 s10, $0x1;
	s10 =	sld [smem:$0x3FBA]  }
0x3d: {  	_ =	shalt  }
0x3e: {  	_ =	shalt  }
0x3f: {  	_ =	shalt  }
0x40: {  	_ =	shalt  }
0x41: {  	_ =	shalt  }
0x42: {  	_ =	shalt  }
0x43: {  	_ =	shalt  }
0x44: {  	_ =	shalt  }
0x45: {  	_ =	shalt  }
0x46: {  	_ =	shalt  }
0x47: {  	_ =	shalt  }
0x48: {  	_ =	shalt  }
0x49: {  	_ =	shalt  }
0x4a: {  	_ =	shalt  }
0x4b: {  	_ =	shalt  }
0x4c: {  	_ =	shalt  }
0x4d: {  	_ =	shalt  }
0x4e: {  	_ =	shalt  }
0x4f: {  	_ =	shalt  }
0x50: {  	_ =	shalt  }
0x51: {  	_ =	shalt  }
0x52: {  	_ =	shalt  }
0x53: {  	_ =	shalt  }
0x54: {  	_ =	shalt  }
0x55: {  	_ =	shalt  }
0x56: {  	_ =	shalt  }
0x57: {  	_ =	shalt  }
0x58: {  	_ =	shalt  }
0x59: {  	_ =	shalt  }
0x5a: {  	_ =	shalt  }
0x5b: {  	_ =	shalt  }
0x5c: {  	_ =	shalt  }
0x5d: {  	_ =	shalt  }
0x5e: {  	_ =	shalt  }
0x5f: {  	_ =	shalt  }
0x60: {  	_ =	shalt  }
0x61: {  	_ =	shalt  }
0x62: {  	_ =	shalt  }
0x63: {  	_ =	shalt  }
0x64: {  	_ =	shalt  }
0x65: {  	_ =	shalt  }
0x66: {  	_ =	shalt  }
0x67: {  	_ =	shalt  }
0x68: {  	_ =	shalt  }
0x69: {  	_ =	shalt  }
0x6a: {  	_ =	shalt  }
0x6b: {  	_ =	shalt  }
0x6c: {  	_ =	shalt  }
0x6d: {  	_ =	shalt  }
0x6e: {  	_ =	shalt  }
0x6f: {  	_ =	shalt  }
0x70: {  	_ =	shalt  }
0x71: {  	_ =	shalt  }
0x72: {  	_ =	shalt  }
0x73: {  	_ =	shalt  }
0x74: {  	_ =	shalt  }
0x75: {  	_ =	shalt  }
0x76: {  	_ =	shalt  }
0x77: {  	_ =	shalt  }
0x78: {  	_ =	shalt  }
0x79: {  	_ =	shalt  }
0x7a: {  	_ =	shalt  }
0x7b: {  	_ =	shalt  }
0x7c: {  	_ =	shalt  }
0x7d: {  	_ =	shalt  }
0x7e: {  	_ =	shalt  }
0x7f: {  	_ =	shalt  }
0x80: {  	_ =	shalt  }
0x81: {  	_ =	shalt  }
0x82: {  	_ =	shalt  }
0x83: {  	_ =	shalt  }
0x84: {  	_ =	shalt  }
0x85: {  	_ =	shalt  }
0x86: {  	_ =	shalt  }
0x87: {  	_ =	shalt  }
.Lfunc_end0:
.L_simem_size_0:
called_computation_lowered:
.L_overlay_start_0:
0x88: {  	s2 =	sld [smem:$0x3FD9]  }
0x89: {  	s3 =	sld [smem:$0x3FFE];
	_ =	sdelay $0x1  }
0x8a: {  	s1 =	srdreg.scid  }
0x8b: {  	s0 =	sand.u32 $0x1, s1  }
0x8c: {  	s17 =	sshll.u32 s0, $0xA;
	s2 =	sadd.s32 s3, s2  }
0x8d: {  	s2 =	sadd.s32 s2, s17  }
0x8e: {  	[smem:$0x3FC6] =	sst s2  }
0x8f: {  	_ = 	snop  }
0x90: {  	s2 =	sld [smem:$0x3FC9]  }
0x91: {  	s18 =	sld [smem:$0x3FC8];
	(tm) =	ssettm $0x1  }
0x92: {  	s4 =	sld [smem:$0x3FFB];
	_ =	sdelay $0x3  }
0x93: {  	_ =	strace s4  }
0x94: {  	s4 =	sld [smem:$0x3FFC];
	_ =	sdelay $0x3  }
0x95: {  	_ =	strace s4  }
0x96: {  	s4 =	sld [smem:$0x3FFD];
	_ =	sdelay $0x3  }
0x97: {  	_ =	strace s4  }
0x98: {  	_ =	strace $0x8FFFFFFF  }
0x99: {  	s19 =	sld [smem:$0x3FDB];
	_ =	sdelay $0x1  }
0x9a: {  	s5 =	simm.s32 $_scs_section_size  }
0x9b: {  	s6 =	simm.s32 $_size__tile_overlayer_lowered;
	s7 =	simm.s32 $_tile_overlayer_lowered  }
0x9c: {  	s22 =	simm.s32 $0x1BFF;
	s21 =	sshll.u32 s7, $0x1;
	s4 =	sadd.s32 s5, s19  }
0x9d: {  	s8 =	simm.s32 $0x0;
	s20 =	sshll.u32 s6, $0x1;
	s6 =	sadd.s32 s21, s4  }
0x9e: {  	[timem:s8], [sflag:s22] =	dma.local [hbm:s6], s20  }
0x9f: {  	_ =	swait.ge [sflag:s22], s20  }
0xa0: {  	s5 =	ssub.s32 $0x0, s20;
	[sflag:s22] =	ssyncset.done $0x0  }
0xa1: {  	[sflag:s22] =	ssyncadd.s32 s5;
	_ =	sdelay $0x1  }
0xa2: {  	s23 =	simm.s32 $0x1B8B  }
0xa3: {  	_ =	swait.ge [sflag:s23], $0x1  }
0xa4: {  	[sflag:s23] =	ssyncset.done $0x0  }
0xa5: {  	s25 =	simm.s32 $0x1B8E;
	s24 =	sld [smem:$0x3FFE];
	[sflag:s23] =	ssyncadd.s32 $0xFFFFFFFF  }
0xa6: {  	s26 =	simm.s32 $execute0_lowered;
	[smem:$0x3FD2] =	sst s25  }
0xa7: {  	s6 =	sshll.u32 s26, $0x1;
	_ =	strace $0x80000046;
	[dreg:$0x1] =	wrdreg $0xFFFFFFFF  }
0xa8: {  	s28 =	simm.s32 $_size_execute0_lowered;
	s4 =	sadd.s32 s4, s6;
	[dreg:$0x0] =	wrdreg $0x0  }
0xa9: {  	s6 =	sshll.u32 s28, $0x1;
	[dreg:$0x2] =	wrdreg s4  }
0xaa: {  	[dreg:$0x3] =	wrdreg s6  }
0xab: {  	[dreg:$0x4] =	wrdreg $0xC0  }
0xac: {  	_ =	task [dreg:s8], $0x5FFFF  }
0xad: {  	[dreg:$0x1] =	wrdreg $0xFFFFFFFF  }
0xae: {  	[dreg:$0x0] =	wrdreg $0x60  }
0xaf: {  	[dreg:$0x2] =	wrdreg s2  }
0xb0: {  	[dreg:$0x3] =	wrdreg s18  }
0xb1: {  	[dreg:$0x4] =	wrdreg s24  }
0xb2: {  	[dreg:$0x5] =	wrdreg $0x9  }
0xb3: {  	_ =	task.clear_ibuf [dreg:s8], $0x6FFFF;
	_ =	strace $0x90000046  }
0xb4: {  	s29 =	simm.s32 $0x9;
	_ =	strace $0x80000048  }
0xb5: {  	_ =	swait.ge [sflag:s29], $0x1  }
0xb6: {  	[sflag:s29] =	ssyncadd.s32 $0xFFFFFFFF  }
0xb7: {  	_ =	strace $0x90000048  }
0xb8: {  	_ =	sfence  }
0xb9: {  	s30 =	sld [smem:$0x0];
	_ =	sdelay $0x2  }
0xba: {  	s31 =	sshll.u32 s1, $0xD;
	s1 =	sshrl.u32 s1, $0x2  }
0xbb: {  	s3 =	sand.u32 $0x4000, s31;
	s1 =	sadd.s32 s1, s30  }
0xbc: {  	s0 =	sor.u32 s3, s0;
	s1 =	sshll.u32 s1, $0x11  }
0xbd: {  	s0 =	sor.u32 s1, s0  }
0xbe: {  	s0 =	sadd.s32 $0x8F2B, s0  }
0xbf: {  	[sflag:s0] =	ssyncadd.remote.s32 $0x1  }
0xc0: {  	_ =	sfence.sel $0xFFFF  }
0xc1: {  	[dreg:$0x0] =	wrdreg $0xFFFFFFFF;
	(pc) =	sbr.abs _section_cstart, $3  }
0xc2: {  	[dreg:$0x1] =	wrdreg $0xFFFFFFFF  }
0xc3: {  	_ =	task.clear_ibuf [dreg:s8], $0x2FFFF;
	_ =	strace $0x9FFFFFFF  }
0xc4: {  	(tm) =	ssettm $0x7FFFFFFF  }
0xc5: {  	_ =	shalt  }
tec
execute0_lowered:
.L_overlay_start_1:
0x0: {  	(tag) =	ssettag $0x1  }
0x1: {  	s2 =	rddreg [dreg:$0x0]  }
0x2: {  	s3 =	rddreg [dreg:$0x1]  }
0x3: {  	s0 =	rddreg [dreg:$0x2];
	s4 =	srdreg.scid  }
0x4: {  	s1 =	stileid.u32;
	s14 =	simm.s32 $0x400;
	s15 =	simm.s32 $0x40000  }
0x5: {  	s16 =	simm.s32 $0x7000;
	s17 =	simm.s32 $0x3800;
	s18 =	simm.s32 $0xA800  }
0x6: {  	s19 =	simm.s32 $0x1;
	s20 =	simm.s32 $0xE000;
	s21 =	simm.s32 $0xE100  }
0x7: {  	s22 =	simm.s32 $0xE200;
	s23 =	simm.s32 $0x2;
	s24 =	simm.s32 $0xE300  }
0x8: {  	s25 =	simm.s32 $0x3;
	s26 =	simm.s32 $0x0;
	s6 =	sand.u32 $0x1, s4  }
0x9: {  	s5 =	sshll.u32 s1, $0x1;
	s4 =	simm.s32 $0x0;
	s31 =	sshrl.u32 s1, $0x2  }
0xa: {  	s7 =	sor.u32 s6, s5;
	[smem:$0x7FF] =	sst s4;
	s5 =	smul.u32 $0x380000, s31  }
0xb: {  	s6 =	ssub.s32 $0x2, s6;
	s8 =	sshll.u32 s7, $0xF;
	_ =	strace $0x80000047  }
0xc: {  	s9 =	sshll.u32 s7, $0x4;
	s10 =	sshrl.u32 s6, $0x1;
	s8 =	sand.u32 $0x38000, s8  }
0xd: {  	s0 =	sadd.s32 s9, s0;
	s13 =	ssub.s32 s6, s10;
	s6 =	sshll.u32 s7, $0x5  }
0xe: {  	s8 =	sor.u32 s5, s8;
	s9 =	sor.u32 $0x2, s6;
	s10 =	sadd.s32 $0x600, s0  }
0xf: {  	v54 =	vimm.f32 $0.0e+00;
	v55 =	vimm.f32 $1.000000000e+00;
	vm10 =	vcmask $0x2B3C;
	s11 =	sadd.s32 $0x800, s0;
	s12 =	sadd.s32 $0xA00, s0;
	s8 =	sshrl.u32 s8, $0x3  }
0x10: {  	vm11 =	vcmask $0x2F3C;
	vm12 =	vcmask $0x333C;
	vm13 =	vcmask $0x373C;
	s13 =	smax.u32 s13, $0x1;
	s7 =	sadd.s32 s2, s8;
	s8 =	sadd.s32 s3, s8  }
.LBB2_1:
0x11: {  	[tilespmem:$0xE000] =	vst v54  }
0x12: {  	[tilespmem:$0xE100] =	vst v54  }
0x13: {  	[tilespmem:$0xE200] =	vst v54  }
0x14: {  	[tilespmem:$0xE010] =	vst v54  }
0x15: {  	[tilespmem:$0xE110] =	vst v54  }
0x16: {  	[tilespmem:$0xE210] =	vst v54  }
0x17: {  	[tilespmem:$0xE020] =	vst v54  }
0x18: {  	[tilespmem:$0xE120] =	vst v54  }
0x19: {  	[tilespmem:$0xE220] =	vst v54  }
0x1a: {  	[tilespmem:$0xE030] =	vst v54  }
0x1b: {  	[tilespmem:$0xE130] =	vst v54  }
0x1c: {  	[tilespmem:$0xE230] =	vst v54  }
0x1d: {  	[tilespmem:$0xE040] =	vst v54  }
0x1e: {  	[tilespmem:$0xE140] =	vst v54  }
0x1f: {  	[tilespmem:$0xE240] =	vst v54  }
0x20: {  	[tilespmem:$0xE050] =	vst v54  }
0x21: {  	[tilespmem:$0xE150] =	vst v54  }
0x22: {  	[tilespmem:$0xE250] =	vst v54  }
0x23: {  	[tilespmem:$0xE060] =	vst v54  }
0x24: {  	[tilespmem:$0xE160] =	vst v54  }
0x25: {  	[tilespmem:$0xE260] =	vst v54  }
0x26: {  	[tilespmem:$0xE070] =	vst v54  }
0x27: {  	[tilespmem:$0xE170] =	vst v54  }
0x28: {  	[tilespmem:$0xE270] =	vst v54  }
0x29: {  	[tilespmem:$0xE080] =	vst v54  }
0x2a: {  	[tilespmem:$0xE180] =	vst v54  }
0x2b: {  	[tilespmem:$0xE280] =	vst v54  }
0x2c: {  	[tilespmem:$0xE090] =	vst v54  }
0x2d: {  	[tilespmem:$0xE190] =	vst v54  }
0x2e: {  	[tilespmem:$0xE290] =	vst v54  }
0x2f: {  	[tilespmem:$0xE0A0] =	vst v54  }
0x30: {  	[tilespmem:$0xE1A0] =	vst v54  }
0x31: {  	[tilespmem:$0xE2A0] =	vst v54  }
0x32: {  	[tilespmem:$0xE0B0] =	vst v54  }
0x33: {  	[tilespmem:$0xE1B0] =	vst v54  }
0x34: {  	[tilespmem:$0xE2B0] =	vst v54  }
0x35: {  	[tilespmem:$0xE0C0] =	vst v54  }
0x36: {  	[tilespmem:$0xE1C0] =	vst v54  }
0x37: {  	[tilespmem:$0xE2C0] =	vst v54  }
0x38: {  	[tilespmem:$0xE0D0] =	vst v54  }
0x39: {  	[tilespmem:$0xE1D0] =	vst v54  }
0x3a: {  	[tilespmem:$0xE2D0] =	vst v54  }
0x3b: {  	[tilespmem:$0xE0E0] =	vst v54  }
0x3c: {  	[tilespmem:$0xE1E0] =	vst v54  }
0x3d: {  	[tilespmem:$0xE2E0] =	vst v54  }
0x3e: {  	[tilespmem:s4], [sflag:$0x1] =	stream.strided.gather [hbm4b:s7+s14], $0x3800, s15, s14, $0x38;
	[tilespmem:$0xE380] =	vst v63  }
0x3f: {  	s28 =	simm.s32 $0x0  }
0x40: {  	[tilespmem:s16], [sflag:$0x1] =	stream.strided.gather [hbm4b:s8+s14], $0x3800, s15, s14, $0x38;
	[tilespmem:$0xE380] =	vst v63  }
.LBB2_2:
0x41: {  	s29 =	sshll.u32 s28, $0x1  }
0x42: {  	s0 =	sadd.s32 s6, s29  }
0x43: {  	s30 =	sshll.u32 s28, $0xB;
	s0 =	sshll.u32 s0, $0xA  }
0x44: {  	s30 =	sand.u32 $0x800, s30;
	s0 =	sand.u32 $0x3F000, s0  }
0x45: {  	s0 =	sor.u32 s0, s30  }
0x46: {  	s0 =	sor.u32 s5, s0  }
0x47: {  	s0 =	sshrl.u32 s0, $0x3  }
0x48: {  	s0 =	sor.u32 $0x80, s0  }
0x49: {  	s30 =	sadd.s32 s2, s0  }
0x4a: {  	[tilespmem:s17], [sflag:$0x2] =	stream.strided.gather [hbm4b:s30+s14], $0x3800, s15, s14, $0x38;
	[tilespmem:$0xE380] =	vst v63  }
0x4b: {  	s0 =	sadd.s32 s3, s0  }
0x4c: {  	[tilespmem:s18], [sflag:$0x2] =	stream.strided.gather [hbm4b:s0+s14], $0x3800, s15, s14, $0x38;
	[tilespmem:$0xE380] =	vst v63  }
0x4d: {  	_ =	swait.ge [sflag:s19], $0x3800  }
0x4e: {  	[sflag:s19] =	ssyncset.done $0x0  }
0x4f: {  	[sflag:s19] =	ssyncadd.s32 $0xFFFFC800  }
0x50: {  	_ =	swait.ge [sflag:s19], $0x3800  }
0x51: {  	[sflag:s19] =	ssyncset.done $0x0  }
0x52: {  	s30 =	simm.s32 $0x1C00;
	[sflag:s19] =	ssyncadd.s32 $0xFFFFC800  }
0x53: {  	v27 =	vld [tilespmem:s30+$0x1410]  }
0x54: {  	v20 =	vld [tilespmem:s30+$0xFFFFE410]  }
0x55: {  	v23 =	vld [tilespmem:s30+$0xFFFFE810]  }
0x56: {  	v26 =	vld [tilespmem:s30+$0x410]  }
0x57: {  	v28 =	vld [tilespmem:s30+$0x810]  }
0x58: {  	v18 =	vld [tilespmem:s30+$0xFFFFEC10]  }
0x59: {  	v21 =	vld [tilespmem:s30+$0xFFFFF010]  }
0x5a: {  	v22 =	vld [tilespmem:s30+$0xFFFFF410];
	v3 =	vmul.f32 $1.442695020e+00, v27;
	v4 =	vmul.f32 $1.442695020e+00, v20  }
0x5b: {  	v24 =	vld [tilespmem:s30+$0xFFFFF810];
	v5 =	vmul.f32 $1.442695020e+00, v23;
	v6 =	vmul.f32 $1.442695020e+00, v26  }
0x5c: {  	v19 =	vld [tilespmem:s30+$0xFFFFFC10];
	v7 =	vmul.f32 $1.442695020e+00, v28;
	(erf) = vpow2.f32 v3  }
0x5d: {  	v25 =	vld [tilespmem:s30+$0x10];
	v3 =	vmul.f32 $1.442695020e+00, v18;
	(erf) = vpow2.f32 v4  }
0x5e: {  	v4 =	vmul.f32 $1.442695020e+00, v21;
	(erf) = vpow2.f32 v5  }
0x5f: {  	v29 =	vld [tilespmem:s30+$0xC10];
	v5 =	vmul.f32 $1.442695020e+00, v22;
	(erf) = vpow2.f32 v3  }
0x60: {  	v30 =	vld [tilespmem:s30+$0x1010];
	v3 =	vmul.f32 $1.442695020e+00, v24;
	(erf) = vpow2.f32 v4  }
0x61: {  	v31 =	vld [tilespmem:s30+$0x1810];
	v4 =	vmul.f32 $1.442695020e+00, v19;
	(erf) = vpow2.f32 v5  }
0x62: {  	v9 =	vld [tilespmem:s30+$0x0];
	v38 =	vmax.f32 v20, v23;
	v5 =	vmul.f32 $1.442695020e+00, v25;
	(erf) = vpow2.f32 v3  }
0x63: {  	s1 =	simm.s32 $0x8C00;
	v14 =	vld [tilespmem:s30+$0x1000];
	v42 =	vmax.f32 v22, v24;
	v43 =	vmax.f32 v19, v25;
	(erf) = vpow2.f32 v4  }
0x64: {  	v41 =	vmax.f32 v18, v21;
	v53 =	vmax.f32 v42, v43;
	v42 =	vld [tilespmem:s1+$0x1410];
	(erf) = vpow2.f32 v5  }
0x65: {  	v50 =	vmax.f32 v38, v41;
	v38 =	vld [tilespmem:s1+$0x1810];
	v5 =	vmul.f32 $1.442695020e+00, v29;
	(erf) = vpow2.f32 v6;
	v15 =	vpop (erf)  }
0x66: {  	v8 =	vmul.f32 $1.442695020e+00, v30;
	v3 =	vld [tilespmem:s30+$0xFFFFE800];
	v13 =	vpop (erf);
	(erf) = vpow2.f32 v7  }
0x67: {  	v4 =	vld [tilespmem:s30+$0xFFFFEC00];
	v16 =	vpop (erf);
	(erf) = vpow2.f32 v5  }
0x68: {  	v6 =	vld [tilespmem:s30+$0xFFFFF000];
	v7 =	vmul.f32 $1.442695020e+00, v31;
	v17 =	vpop (erf);
	(erf) = vpow2.f32 v8  }
0x69: {  	v0 =	vlaneseq.u32;
	v43 =	vld [tilespmem:s1+$0xFFFFEC10];
	v32 =	vpop (erf)  }
0x6a: {  	v45 =	vmax.f32 v26, v28;
	v47 =	vmax.f32 v29, v30;
	v5 =	vld [tilespmem:s30+$0xFFFFF400];
	(erf) = vpow2.f32 v7;
	v33 =	vpop (erf)  }
0x6b: {  	v39 =	vmax.f32 v27, v31;
	v62 =	vmul.f32 $1.442695020e+00, v9;
	v57 =	vmax.f32 v45, v47;
	v8 =	vld [tilespmem:s30+$0xFFFFF800];
	v34 =	vpop (erf)  }
0x6c: {  	vm0 =	vgt.f32 v38, v42;
	v10 =	vmul.f32 $1.442695020e+00, v3;
	v46 =	vadd.f32 v16, v13;
	v13 =	vld [tilespmem:s30+$0x1400];
	v35 =	vpop (erf)  }
0x6d: {  	v47 =	vld [tilespmem:s1+$0xFFFFF810];
	v27 =	vsel vm0, v31, v27;
	v11 =	vmul.f32 $1.442695020e+00, v4;
	v12 =	vmul.f32 $1.442695020e+00, v6;
	v37 =	vpop (erf)  }
0x6e: {  	v7 =	vld [tilespmem:s30+$0xFFFFFC00];
	v32 =	vadd.f32 v32, v17;
	v63 =	vmax.f32 v4, v6;
	(erf) = vpow2.f32 v10;
	v40 =	vpop (erf)  }
0x6f: {  	v17 =	vld [tilespmem:s30+$0xFFFFE400];
	v36 =	vmul.f32 $1.442695020e+00, v5;
	(erf) = vpow2.f32 v11;
	v33 =	vadd.f32 v34, v33;
	v44 =	vpop (erf)  }
0x70: {  	v10 =	vld [tilespmem:s30+$0x400];
	v56 =	vadd.f32 v32, v46;
	v32 =	vmax.f32 v57, v39;
	(erf) = vpow2.f32 v12;
	v16 =	vpop (erf)  }
0x71: {  	v39 =	vld [tilespmem:s1+$0xFFFFE410];
	v59 =	vmul.f32 $1.442695020e+00, v8;
	v31 =	vmul.f32 $1.442695020e+00, v13;
	v48 =	vadd.f32 v37, v35;
	v49 =	vpop (erf)  }
0x72: {  	v46 =	vld [tilespmem:s1+$0xFFFFF010];
	v37 =	vmax.f32 v50, v53;
	v51 =	vadd.f32 v44, v40;
	v35 =	vadd.f32 v49, v16  }
0x73: {  	v60 =	vmul.f32 $1.442695020e+00, v7;
	v32 =	vmax.f32 v37, v32;
	v37 =	vld [tilespmem:s1+$0xFFFFE810];
	v33 =	vadd.f32 v48, v33;
	v52 =	vpop (erf)  }
0x74: {  	v12 =	vld [tilespmem:s30+$0xC00];
	(erf) = vpow2.f32 v36;
	v15 =	vadd.f32 v52, v15;
	v58 =	vadd.f32 v35, v51  }
0x75: {  	v11 =	vld [tilespmem:s30+$0x800];
	v53 =	vmul.f32 $1.442695020e+00, v17;
	v50 =	vmax.f32 v17, v3;
	v61 =	vmul.f32 $1.442695020e+00, v32  }
0x76: {  	v48 =	vmul.f32 $1.442695020e+00, v10;
	v33 =	vadd.f32 v33, v56;
	v49 =	vld [tilespmem:s1+$0xFFFFF410];
	v15 =	vadd.f32 v15, v58  }
0x77: {  	vm2 =	vgt.f32 v46, v43;
	v16 =	vld [tilespmem:s30+$0x1800];
	(erf) = vpow2.f32 v61;
	v56 =	vmax.f32 v5, v8;
	v41 =	vpop (erf)  }
0x78: {  	v34 =	vld [tilespmem:s1+$0x10];
	v18 =	vsel vm2, v21, v18;
	vm1 =	vgt.f32 v37, v39;
	v52 =	vpop (erf);
	v15 =	vadd.f32 v15, v33  }
0x79: {  	v51 =	vld [tilespmem:s1+$0xFFFFFC10];
	v20 =	vsel vm1, v23, v20;
	v37 =	vsel vm1, v37, v39;
	v57 =	vpop (erf);
	v58 =	vmul.f32 $1.442695020e+00, v12  }
0x7a: {  	v61 =	vld [tilespmem:s1+$0x410];
	v44 =	vadd.f32 v57, v52;
	v52 =	vmax.f32 v7, v9;
	(erf) = vrcp.f32 v15  }
0x7b: {  	vm3 =	vgt.f32 v47, v49;
	v33 =	vmax.f32 v50, v63;
	v63 =	vld [tilespmem:s1+$0x810];
	(erf) = vpow2.f32 v53  }
0x7c: {  	v35 =	vld [tilespmem:s1+$0xFFFFE800];
	v40 =	vmax.f32 v56, v52;
	v56 =	vmax.f32 v13, v16;
	(erf) = vpow2.f32 v59  }
0x7d: {  	v23 =	vld [tilespmem:s1+$0xFFFFE400];
	v21 =	vsel vm3, v24, v22;
	v24 =	vmul.f32 $1.442695020e+00, v16;
	(erf) = vpow2.f32 v60  }
0x7e: {  	vm4 =	vgt.f32 v34, v51;
	v15 =	vmul.f32 $1.442695020e+00, v11;
	(erf) = vpow2.f32 v62  }
0x7f: {  	v19 =	vsel vm4, v25, v19;
	v59 =	vmul.f32 $1.442695020e+00, v14;
	(erf) = vpow2.f32 v48  }
0x80: {  	v53 =	vld [tilespmem:s1+$0xC10];
	v60 =	vmax.f32 v10, v11;
	vm5 =	vgt.f32 v63, v61;
	(erf) = vpow2.f32 v15  }
0x81: {  	v62 =	vmax.f32 v12, v14;
	v25 =	vsel vm5, v28, v26;
	(erf) = vpow2.f32 v58;
	v58 =	vld [tilespmem:s1+$0x1010]  }
0x82: {  	v22 =	vpop (erf);
	v36 =	vsel vm5, v63, v61;
	vm5 =	vgt.f32 v35, v23;
	v50 =	vmax.f32 v60, v62  }
0x83: {  	v26 =	vpop (erf);
	v15 =	vmax.f32 v33, v40;
	v57 =	vmax.f32 v50, v56;
	(erf) = vpow2.f32 v59  }
0x84: {  	v15 =	vmax.f32 v15, v57;
	v33 =	vpop (erf);
	(erf) = vpow2.f32 v31;
	v31 =	vsel vm2, v46, v43;
	v43 =	vld [tilespmem:s1+$0xFFFFF400]  }
0x85: {  	v34 =	vsel vm4, v34, v51;
	v17 =	vsel vm5, v3, v17;
	v39 =	vmul.f32 $1.442695020e+00, v15;
	v46 =	vld [tilespmem:s1+$0xFFFFF800];
	v59 =	vpop (erf)  }
0x86: {  	v52 =	vld [tilespmem:s1+$0x400];
	(erf) = vpow2.f32 v24;
	v24 =	vsel vm3, v47, v49;
	v60 =	vpop (erf);
	vm6 =	vgt.f32 v58, v53  }
0x87: {  	v48 =	vld [tilespmem:s1+$0xFFFFFC00];
	v61 =	vpop (erf);
	v28 =	vsel vm6, v30, v29;
	v30 =	vsel vm0, v38, v42;
	vm0 =	vgt.f32 v31, v37  }
0x88: {  	v56 =	vld [tilespmem:s1+$0xC00];
	v40 =	vsel vm6, v58, v53;
	v62 =	vpop (erf);
	v31 =	vsel vm0, v31, v37;
	v18 =	vsel vm0, v18, v20  }
0x89: {  	v29 =	vld [tilespmem:s1+$0xFFFFEC00];
	vm0 =	vgt.f32 v34, v24;
	vm1 =	vgt.f32 v40, v36;
	v63 =	vpop (erf);
	(erf) = vpow2.f32 v39  }
0x8a: {  	v38 =	vld [tilespmem:s1+$0xFFFFF000];
	vm3 =	vgt.f32 v46, v43;
	v24 =	vsel vm0, v34, v24;
	v36 =	vsel vm1, v40, v36  }
0x8b: {  	v53 =	vld [tilespmem:s1+$0x800];
	v19 =	vsel vm0, v19, v21;
	v21 =	vpop (erf);
	v25 =	vsel vm1, v28, v25;
	v8 =	vsel vm3, v8, v5  }
0x8c: {  	v58 =	vld [tilespmem:s1+$0x1000];
	vm0 =	vgt.f32 v24, v31;
	vm1 =	vgt.f32 v30, v36;
	v21 =	vadd.f32 v21, v63  }
0x8d: {  	v20 =	vld [tilespmem:s1+$0x0];
	v28 =	vpop (erf);
	v24 =	vsel vm0, v24, v31;
	v30 =	vsel vm1, v30, v36;
	v31 =	vadd.f32 v41, v59  }
0x8e: {  	v57 =	vpop (erf);
	v18 =	vsel vm0, v19, v18;
	v19 =	vadd.f32 v60, v22;
	v22 =	vadd.f32 v62, v61  }
0x8f: {  	v59 =	vld [tilespmem:s1+$0x1400];
	v25 =	vsel vm1, v27, v25;
	v61 =	vsel vm3, v46, v43;
	v27 =	vadd.f32 v57, v28  }
0x90: {  	v60 =	vld [tilespmem:s1+$0x1800];
	s1 =	simm.s32 $0x1C20;
	vm0 =	vgt.f32 v30, v24;
	vm4 =	vgt.f32 v38, v29;
	vm1 =	vgt.f32 v53, v52  }
0x91: {  	vm2 =	vgt.f32 v58, v56;
	v34 =	vld [tilespmem:s1+$0x1810];
	v24 =	vadd.f32 v44, v31;
	v19 =	vadd.f32 v22, v19  }
0x92: {  	v25 =	vsel vm0, v25, v18;
	v31 =	vld [tilespmem:s1+$0x1410];
	v18 =	vmul.f32 v33, v26;
	vm0 =	vgt.f32 v20, v48  }
0x93: {  	v28 =	vpop (erf);
	v33 =	vld [tilespmem:s1+$0xFFFFE810];
	v63 =	vsel vm1, v53, v52;
	v36 =	vsel vm2, v58, v56;
	v6 =	vsel vm4, v6, v4  }
0x94: {  	v4 =	vld [tilespmem:s1+$0xFFFFEC00];
	v21 =	vadd.f32 v27, v21;
	vm14 =	veq.f32 v25, v32;
	v27 =	vsel vm4, v38, v29;
	v22 =	vpop (erf)  }
0x95: {  	v32 =	vld [tilespmem:s1+$0xFFFFE410];
	v62 =	vsel vm0, v20, v48;
	vm8 =	vgt.f32 v36, v63;
	v22 =	vadd.f32 v22, v28  }
0x96: {  	v25 =	vld [tilespmem:s1+$0xFFFFF810];
	v7 =	vsel vm0, v9, v7;
	v9 =	vsel vm1, v11, v10;
	v10 =	vsel vm2, v14, v12  }
0x97: {  	v20 =	vld [tilespmem:s1+$0x10];
	v19 =	vadd.f32 v19, v24;
	vm7 =	vgt.f32 v62, v61;
	v21 =	vadd.f32 v22, v21  }
0x98: {  	v24 =	vld [tilespmem:s1+$0xFFFFEC10];
	v36 =	vsel vm8, v36, v63;
	vm15 =	vgt.f32 v60, v59;
	v57 =	vmul.f32 $1.442695020e+00, v34  }
0x99: {  	v28 =	vld [tilespmem:s1+$0xFFFFF010];
	v29 =	vmul.f32 $1.442695020e+00, v33;
	v42 =	vmul.f32 $1.442695020e+00, v4;
	v19 =	vadd.f32 v21, v19  }
0x9a: {  	v22 =	vld [tilespmem:s1+$0xFFFFF410];
	v26 =	vmul.f32 $1.442695020e+00, v32;
	v21 =	vsel vm5, v35, v23;
	v23 =	vmul.f32 $1.442695020e+00, v31  }
0x9b: {  	v7 =	vsel vm7, v7, v8;
	v47 =	vmul.f32 $1.442695020e+00, v25;
	(erf) = vrcp.f32 v19  }
0x9c: {  	v37 =	vsel vm15, v60, v59;
	v49 =	vmul.f32 $1.442695020e+00, v20;
	v19 =	vld [tilespmem:s1+$0xFFFFFC10];
	(erf) = vpow2.f32 v23  }
0x9d: {  	v3 =	vld [tilespmem:s1+$0xFFFFE800];
	v16 =	vsel vm15, v16, v13;
	v30 =	vmul.f32 $1.442695020e+00, v24;
	(erf) = vpow2.f32 v26  }
0x9e: {  	vm4 =	vgt.f32 v37, v36;
	v45 =	vmul.f32 $1.442695020e+00, v28;
	v23 =	vld [tilespmem:s1+$0x410];
	(erf) = vpow2.f32 v29  }
0x9f: {  	v63 =	vmax.f32 v32, v33;
	v46 =	vmul.f32 $1.442695020e+00, v22;
	v26 =	vld [tilespmem:s1+$0x810];
	(erf) = vpow2.f32 v30  }
0xa0: {  	v35 =	vsel vm7, v62, v61;
	vm6 =	vgt.f32 v27, v21;
	v29 =	vld [tilespmem:s1+$0xC10];
	(erf) = vpow2.f32 v45  }
0xa1: {  	v50 =	vsel vm6, v27, v21;
	v30 =	vld [tilespmem:s1+$0x1010];
	v48 =	vmul.f32 $1.442695020e+00, v19;
	(erf) = vpow2.f32 v46  }
0xa2: {  	v5 =	vld [tilespmem:s1+$0xFFFFF000];
	v11 =	vsel vm6, v6, v17;
	v17 =	vsel vm4, v37, v36;
	(erf) = vpow2.f32 v47  }
0xa3: {  	v8 =	vld [tilespmem:s1+$0xFFFFFC00];
	v36 =	vsel vm8, v10, v9;
	v21 =	vpop (erf);
	v51 =	vmul.f32 $1.442695020e+00, v23;
	(erf) = vpow2.f32 v48  }
0xa4: {  	v6 =	vld [tilespmem:s1+$0xFFFFF400];
	vm5 =	vgt.f32 v35, v50;
	v52 =	vmul.f32 $1.442695020e+00, v26;
	v27 =	vpop (erf);
	(erf) = vpow2.f32 v49  }
0xa5: {  	v38 =	vsel vm5, v7, v11;
	v7 =	vld [tilespmem:s1+$0xFFFFF800];
	v53 =	vmul.f32 $1.442695020e+00, v29;
	(erf) = vpow2.f32 v51;
	v40 =	vpop (erf)  }
0xa6: {  	v10 =	vld [tilespmem:s1+$0x400];
	v14 =	vsel vm5, v35, v50;
	v56 =	vmul.f32 $1.442695020e+00, v30;
	v43 =	vpop (erf);
	(erf) = vpow2.f32 v52  }
0xa7: {  	v16 =	vsel vm4, v16, v36;
	vm0 =	vgt.f32 v17, v14;
	v58 =	vpop (erf);
	(erf) = vpow2.f32 v53  }
0xa8: {  	v9 =	vmul.f32 $1.442695020e+00, v3;
	v16 =	vsel vm0, v16, v38;
	v59 =	vpop (erf);
	(erf) = vpow2.f32 v56  }
0xa9: {  	v14 =	vmul.f32 $1.442695020e+00, v5;
	vm15 =	veq.f32 v16, v15;
	v15 =	vmul.f32 $1.442695020e+00, v8;
	v60 =	vpop (erf)  }
0xaa: {  	v16 =	vmax.f32 v4, v5;
	v50 =	vmax.f32 v6, v7;
	(erf) = vpow2.f32 v57;
	v12 =	vpop (erf)  }
0xab: {  	v51 =	vmul.f32 $1.442695020e+00, v10;
	v52 =	vmax.f32 v24, v28;
	v53 =	vmax.f32 v22, v25;
	v61 =	vpop (erf)  }
0xac: {  	s30 =	simm.s32 $0x8C20;
	v11 =	vld [tilespmem:s1+$0x800];
	v43 =	vadd.f32 v58, v43;
	v57 =	vmax.f32 v19, v20;
	v39 =	vadd.f32 v60, v59;
	v62 =	vpop (erf)  }
0xad: {  	v48 =	vld [tilespmem:s30+$0x1410];
	v47 =	vmax.f32 v53, v57;
	v53 =	vmul.f32 $1.442695020e+00, v6;
	(erf) = vpow2.f32 v9;
	v13 =	vpop (erf)  }
0xae: {  	v12 =	vadd.f32 v61, v12;
	v61 =	vmax.f32 v63, v52;
	v39 =	vadd.f32 v39, v43;
	v43 =	vld [tilespmem:s30+$0x1810];
	v17 =	vpop (erf)  }
0xaf: {  	v52 =	vmax.f32 v29, v30;
	v59 =	vadd.f32 v13, v62;
	v13 =	vld [tilespmem:s1+$0xFFFFE400];
	v62 =	vmax.f32 v23, v26;
	v56 =	vpop (erf)  }
0xb0: {  	v9 =	vld [tilespmem:s1+$0x0];
	v57 =	vmax.f32 v61, v47;
	v61 =	vmul.f32 $1.442695020e+00, v7;
	v45 =	vmax.f32 v62, v52;
	v58 =	vpop (erf)  }
0xb1: {  	v35 =	vld [tilespmem:s30+$0xFFFFE410];
	v17 =	vadd.f32 v56, v17;
	v12 =	vadd.f32 v59, v12;
	(erf) = vpow2.f32 v42;
	v60 =	vpop (erf)  }
0xb2: {  	v56 =	vmax.f32 v31, v34;
	v59 =	vld [tilespmem:s30+$0xFFFFE810];
	(erf) = vpow2.f32 v14;
	v37 =	vadd.f32 v60, v58  }
0xb3: {  	vm0 =	vgt.f32 v43, v48;
	v63 =	vpop (erf);
	v58 =	vmax.f32 v45, v56;
	v12 =	vadd.f32 v12, v39;
	v39 =	vld [tilespmem:s30+$0xFFFFEC10]  }
0xb4: {  	v60 =	vld [tilespmem:s30+$0xFFFFF010];
	v40 =	vadd.f32 v63, v40;
	v56 =	vmax.f32 v13, v3;
	v17 =	vadd.f32 v37, v17  }
0xb5: {  	v37 =	vmax.f32 v57, v58;
	v47 =	vmax.f32 v56, v16;
	v16 =	vmax.f32 v8, v9;
	v57 =	vld [tilespmem:s30+$0xC10]  }
0xb6: {  	(erf) = vpow2.f32 v53;
	v42 =	vmax.f32 v50, v16;
	v16 =	vld [tilespmem:s30+$0x1010];
	v17 =	vadd.f32 v40, v17  }
0xb7: {  	v49 =	vld [tilespmem:s30+$0x10];
	v53 =	vmul.f32 $1.442695020e+00, v11;
	v31 =	vsel vm0, v34, v31;
	v14 =	vmul.f32 $1.442695020e+00, v37  }
0xb8: {  	v52 =	vld [tilespmem:s30+$0x410];
	v62 =	vmul.f32 $1.442695020e+00, v13;
	v63 =	vmul.f32 $1.442695020e+00, v9;
	v12 =	vadd.f32 v17, v12  }
0xb9: {  	v58 =	vsel vm0, v43, v48;
	vm1 =	vgt.f32 v59, v35;
	(erf) = vpow2.f32 v14;
	v14 =	vld [tilespmem:s30+$0xFFFFF810]  }
0xba: {  	v32 =	vsel vm1, v33, v32;
	v59 =	vsel vm1, v59, v35;
	v17 =	vld [tilespmem:s30+$0xFFFFF410];
	(erf) = vrcp.f32 v12  }
0xbb: {  	vm6 =	vgt.f32 v60, v39;
	v12 =	vld [tilespmem:s30+$0xFFFFFC10];
	vm1 =	vgt.f32 v16, v57;
	(erf) = vpow2.f32 v62  }
0xbc: {  	v60 =	vsel vm6, v60, v39;
	v62 =	vsel vm1, v16, v57;
	v16 =	vld [tilespmem:s1+$0x1000];
	(erf) = vpow2.f32 v61  }
0xbd: {  	v47 =	vmax.f32 v47, v42;
	vm5 =	vgt.f32 v60, v59;
	(erf) = vpow2.f32 v15;
	v15 =	vld [tilespmem:s30+$0x810]  }
0xbe: {  	v24 =	vsel vm6, v28, v24;
	v34 =	vsel vm5, v60, v59;
	v61 =	vmul.f32 $1.500000000e+01, v18  }
0xbf: {  	v24 =	vsel vm5, v24, v32;
	vm8 =	vgt.f32 v14, v17;
	(erf) = vpow2.f32 v63  }
0xc0: {  	v17 =	vsel vm8, v14, v17;
	v14 =	vld [tilespmem:s1+$0xC00];
	v36 =	vtrunc.f32 v61;
	v22 =	vsel vm8, v25, v22  }
0xc1: {  	(erf) = vpow2.f32 v51;
	vm0 =	vgt.f32 v49, v12;
	v36 =	vcvt.f32.s32 v36  }
0xc2: {  	v12 =	vsel vm0, v49, v12;
	v25 =	vmul.f32 $1.442695020e+00, v16;
	vm2 =	vgt.f32 v15, v52  }
0xc3: {  	v63 =	vpop (erf);
	v19 =	vsel vm0, v20, v19;
	vm4 =	vgt.f32 v12, v17;
	v15 =	vsel vm2, v15, v52  }
0xc4: {  	v28 =	vpop (erf);
	v12 =	vsel vm4, v12, v17;
	v19 =	vsel vm4, v19, v22;
	v22 =	vld [tilespmem:s30+$0xFFFFE800];
	vm3 =	vgt.f32 v62, v15  }
0xc5: {  	v44 =	vpop (erf);
	v43 =	vmul.f32 $1.442695020e+00, v14;
	v20 =	vsel vm2, v26, v23;
	v26 =	vld [tilespmem:s30+$0xFFFFE400];
	v17 =	vsel vm3, v62, v15  }
0xc6: {  	(erf) = vpow2.f32 v53;
	v28 =	vadd.f32 v44, v28;
	v15 =	vld [tilespmem:s1+$0x1400];
	vm6 =	vgt.f32 v58, v17  }
0xc7: {  	v45 =	vpop (erf);
	vm0 =	vlt.s32 v36, $0xE;
	(erf) = vpow2.f32 v43;
	v33 =	vsel vm6, v58, v17;
	v17 =	vld [tilespmem:s1+$0x1800]  }
0xc8: {  	v60 =	vnsel vm0, $0xE, v36;
	v23 =	vsel vm1, v30, v29;
	(erf) = vpow2.f32 v25;
	v25 =	vpop (erf)  }
0xc9: {  	vm7 =	vgt.f32 v12, v34;
	v46 =	vmax.f32 v14, v16;
	v20 =	vsel vm3, v23, v20;
	v49 =	vpop (erf)  }
0xca: {  	v12 =	vsel vm7, v12, v34;
	v19 =	vsel vm7, v19, v24;
	v31 =	vsel vm6, v31, v20;
	v29 =	vpop (erf)  }
0xcb: {  	vm8 =	vgt.f32 v33, v12;
	v12 =	vmax.f32 v10, v11;
	v52 =	vmul.f32 v49, v25;
	v23 =	vpop (erf)  }
0xcc: {  	v56 =	vld [tilespmem:s30+$0xFFFFFC00];
	vm2 =	vgt.f32 v22, v26;
	v12 =	vmax.f32 v12, v46;
	v24 =	vpop (erf);
	v30 =	vmax.f32 v15, v17  }
0xcd: {  	v59 =	vld [tilespmem:s30+$0x800];
	v19 =	vsel vm8, v31, v19;
	v29 =	vadd.f32 v63, v29;
	v31 =	vpop (erf);
	v12 =	vmax.f32 v12, v30  }
0xce: {  	v51 =	vld [tilespmem:s30+$0xFFFFF000];
	v48 =	vmul.f32 $1.442695020e+00, v15;
	v20 =	vmax.f32 v47, v12;
	v12 =	vmul.f32 v27, v21;
	v27 =	vpop (erf)  }
0xcf: {  	v53 =	vld [tilespmem:s30+$0xFFFFF800];
	vm8 =	veq.f32 v19, v37;
	v23 =	vadd.f32 v23, v45;
	v58 =	vmul.f32 $1.500000000e+01, v52;
	v25 =	vpop (erf)  }
0xd0: {  	v19 =	vld [tilespmem:s30+$0xFFFFF400];
	v28 =	vadd.f32 v28, v29;
	v50 =	vmul.f32 $1.442695020e+00, v17;
	v24 =	vadd.f32 v31, v24;
	v57 =	vpop (erf)  }
0xd1: {  	v30 =	vld [tilespmem:s30+$0xFFFFEC00];
	(erf) = vpow2.f32 v48;
	v21 =	vmul.f32 $1.442695020e+00, v20;
	v25 =	vadd.f32 v25, v27;
	v27 =	vpop (erf)  }
0xd2: {  	v31 =	vld [tilespmem:s30+$0x0];
	v29 =	vtrunc.f32 v58;
	(erf) = vpow2.f32 v50;
	v27 =	vadd.f32 v27, v57  }
0xd3: {  	v29 =	vcvt.f32.s32 v29;
	v24 =	vadd.f32 v24, v23;
	(erf) = vpow2.f32 v21;
	v21 =	vld [tilespmem:s30+$0x400]  }
0xd4: {  	v33 =	vshll.u32 v60, $0x4;
	v22 =	vsel vm2, v22, v26;
	v23 =	vadd.f32 v27, v25;
	v27 =	vld [tilespmem:s30+$0xC00]  }
0xd5: {  	vm0 =	vlt.s32 v29, $0xE;
	v25 =	vadd.f32 v24, v28;
	v24 =	vld [tilespmem:s30+$0x1000];
	v28 =	vor.u32 v0, v33  }
0xd6: {  	vm1 =	vgt.f32 v53, v19;
	v26 =	vnsel vm0, $0xE, v29;
	vm0 =	vgt.f32 v51, v30  }
0xd7: {  	v62 =	vld [tilespmem:s30+$0x1800];
	v19 =	vsel vm1, v53, v19;
	v26 =	vshll.u32 v26, $0x4;
	v29 =	vsel vm0, v51, v30  }
0xd8: {  	vm4 =	vgt.f32 v31, v56;
	v61 =	vor.u32 v0, v26;
	v30 =	vld [tilespmem:s30+$0x1400];
	vm7 =	vgt.f32 v29, v22  }
0xd9: {  	v31 =	vsel vm4, v31, v56;
	v26 =	vsel vm7, v29, v22;
	vm3 =	vgt.f32 v59, v21  }
0xda: {  	v21 =	vsel vm3, v59, v21;
	v63 =	vpop (erf);
	vm5 =	vgt.f32 v24, v27;
	[tilespmem:v28+s20+$0x0] =	vst.idx.add.f32.msk $0xffff, v55  }
0xdb: {  	v27 =	vsel vm5, v24, v27;
	v24 =	vpop (erf);
	[tilespmem:v28+s21+$0x0] =	vst.idx.add.f32.msk $0xffff, v18;
	v18 =	vsel vm14, $0x3F800000, v54;
	vm14 =	vgt.f32 v31, v19  }
0xdc: {  	v24 =	vadd.f32 v24, v63;
	[tilespmem:v28+s22+$0x0] =	vst.idx.add.f32.msk $0xffff, v18;
	v18 =	vmul.f32 $1.500000000e+01, v12;
	vm6 =	vgt.f32 v27, v21  }
0xdd: {  	[tilespmem:v61+s20+$0x0] =	vst.idx.add.f32.msk $0xffff, v55;
	v29 =	vsel vm14, v31, v19;
	v19 =	vsel vm15, $0x3F800000, v54;
	vm15 =	vgt.f32 v62, v30  }
0xde: {  	[tilespmem:v61+s21+$0x0] =	vst.idx.add.f32.msk $0xffff, v52;
	v27 =	vsel vm6, v27, v21;
	v21 =	vsel vm8, $0x3F800000, v54;
	v18 =	vtrunc.f32 v18  }
0xdf: {  	s31 =	simm.s32 $0x2;
	s0 =	simm.s32 $0x1C40;
	v28 =	vpop (erf);
	v30 =	vsel vm15, v62, v30;
	vm8 =	vgt.f32 v29, v26;
	[tilespmem:v61+s22+$0x0] =	vst.idx.add.f32.msk $0xffff, v21;
	v32 =	vcvt.f32.s32 v18  }
.LBB2_3:
0xe0: {  	v22 =	vld [tilespmem:s0+$0x1410];
	v21 =	vadd.f32 v24, v23;
	v3 =	vsel vm2, v3, v13  }
0xe1: {  	vm2 =	vgt.f32 v30, v27;
	v23 =	vld [tilespmem:s0+$0xFFFFE410];
	v4 =	vsel vm0, v5, v4;
	v5 =	vsel vm1, v7, v6  }
0xe2: {  	v6 =	vsel vm4, v9, v8;
	v24 =	vld [tilespmem:s0+$0xFFFFE810];
	v8 =	vsel vm3, v11, v10;
	v9 =	vsel vm5, v16, v14  }
0xe3: {  	v3 =	vsel vm7, v4, v3;
	v4 =	vsel vm8, v29, v26;
	v7 =	vadd.f32 v21, v25;
	v25 =	vld [tilespmem:s0+$0xFFFFEC10]  }
0xe4: {  	v10 =	vsel vm2, v30, v27;
	v26 =	vld [tilespmem:s0+$0xFFFFF010];
	v5 =	vsel vm14, v6, v5;
	v6 =	vsel vm6, v9, v8  }
0xe5: {  	v27 =	vld [tilespmem:s0+$0xFFFFF410];
	v8 =	vsel vm15, v17, v15;
	(erf) = vrcp.f32 v7;
	v7 =	vmul.f32 $1.442695020e+00, v22  }
0xe6: {  	vm0 =	vlt.s32 v32, $0xE;
	v29 =	vld [tilespmem:s0+$0xFFFFF810];
	v3 =	vsel vm8, v5, v3;
	v9 =	vmul.f32 $1.442695020e+00, v23  }
0xe7: {  	v30 =	vld [tilespmem:s0+$0xFFFFFC10];
	vm1 =	vgt.f32 v10, v4;
	v4 =	vmul.f32 $1.442695020e+00, v24;
	(erf) = vpow2.f32 v7  }
0xe8: {  	v31 =	vld [tilespmem:s0+$0x10];
	v5 =	vsel vm2, v8, v6;
	v6 =	vmul.f32 $1.442695020e+00, v25;
	(erf) = vpow2.f32 v9  }
0xe9: {  	v0 =	vmovc v19;
	v8 =	vmul.f32 $1.442695020e+00, v26;
	v7 =	vnsel vm0, $0xE, v32;
	v32 =	vld [tilespmem:s0+$0x410];
	(erf) = vpow2.f32 v4  }
0xea: {  	v33 =	vld [tilespmem:s0+$0x810];
	[tilespmem:$0x1FFF0] =	vst v0;
	v0 =	vlaneseq.u32;
	v4 =	vmul.f32 $1.442695020e+00, v27;
	(erf) = vpow2.f32 v6  }
0xeb: {  	v34 =	vld [tilespmem:s0+$0xC10];
	v3 =	vsel vm1, v5, v3;
	v6 =	vmul.f32 $1.442695020e+00, v29;
	(erf) = vpow2.f32 v8  }
0xec: {  	v35 =	vld [tilespmem:s0+$0x1010];
	v5 =	vshll.u32 v7, $0x4;
	v7 =	vmul.f32 $1.442695020e+00, v30;
	(erf) = vpow2.f32 v4  }
0xed: {  	v36 =	vld [tilespmem:s0+$0x1810];
	v21 =	vor.u32 v0, v5;
	v5 =	vmul.f32 $1.442695020e+00, v31;
	(erf) = vpow2.f32 v6  }
0xee: {  	v18 =	vld [tilespmem:s0+$0xFFFFE800];
	vm0 =	veq.f32 v3, v20;
	v20 =	vpop (erf);
	v6 =	vmul.f32 $1.442695020e+00, v32;
	(erf) = vpow2.f32 v7  }
0xef: {  	v7 =	vmul.f32 $1.442695020e+00, v33;
	(erf) = vpow2.f32 v5  }
0xf0: {  	v8 =	vmul.f32 $1.442695020e+00, v34;
	(erf) = vpow2.f32 v6;
	v37 =	vpop (erf)  }
0xf1: {  	v14 =	vld [tilespmem:s0+$0xC00];
	v9 =	vmul.f32 $1.442695020e+00, v35;
	v38 =	vpop (erf);
	(erf) = vpow2.f32 v7  }
0xf2: {  	v10 =	vmul.f32 $1.442695020e+00, v36;
	v4 =	vld [tilespmem:s0+$0xFFFFEC00];
	v39 =	vpop (erf);
	(erf) = vpow2.f32 v8  }
0xf3: {  	v11 =	vmul.f32 $1.442695020e+00, v18;
	v5 =	vld [tilespmem:s0+$0xFFFFF000];
	v40 =	vpop (erf);
	(erf) = vpow2.f32 v9  }
0xf4: {  	v51 =	vmax.f32 v23, v24;
	v52 =	vmax.f32 v22, v36;
	v60 =	vmax.f32 v34, v35;
	v6 =	vld [tilespmem:s0+$0xFFFFF400];
	v41 =	vpop (erf)  }
0xf5: {  	v55 =	vmax.f32 v27, v29;
	v56 =	vmax.f32 v30, v31;
	v7 =	vld [tilespmem:s0+$0xFFFFF800];
	(erf) = vpow2.f32 v10;
	v43 =	vpop (erf)  }
0xf6: {  	v16 =	vld [tilespmem:s0+$0x1000];
	v63 =	vmax.f32 v25, v26;
	v19 =	vsel vm0, $0x3F800000, v54;
	v58 =	vmax.f32 v32, v33;
	v44 =	vpop (erf)  }
0xf7: {  	s30 =	sadd.s32 $0x20, s30;
	v60 =	vmax.f32 v58, v60;
	v28 =	vmul.f32 v20, v28;
	v13 =	vmul.f32 $1.442695020e+00, v4;
	v8 =	vld [tilespmem:s0+$0xFFFFFC00];
	v47 =	vpop (erf)  }
0xf8: {  	v58 =	vld [tilespmem:s30+$0xFFFFF010];
	v38 =	vadd.f32 v39, v38;
	v15 =	vmul.f32 $1.442695020e+00, v5;
	(erf) = vpow2.f32 v11;
	v49 =	vpop (erf)  }
0xf9: {  	v9 =	vld [tilespmem:s0+$0x0];
	v42 =	vmax.f32 v4, v5;
	v17 =	vmul.f32 $1.442695020e+00, v6;
	(erf) = vpow2.f32 v13;
	v53 =	vpop (erf)  }
0xfa: {  	v11 =	vld [tilespmem:s0+$0x800];
	v39 =	vadd.f32 v41, v40;
	v45 =	vmax.f32 v6, v7;
	(erf) = vpow2.f32 v15;
	v57 =	vpop (erf)  }
0xfb: {  	v46 =	vmul.f32 $1.442695020e+00, v7;
	v13 =	vld [tilespmem:s0+$0xFFFFE400];
	v0 =	vadd.f32 v44, v43;
	(erf) = vpow2.f32 v17;
	v59 =	vpop (erf)  }
0xfc: {  	v48 =	vmul.f32 $1.442695020e+00, v8;
	v15 =	vld [tilespmem:s0+$0x1400];
	v38 =	vadd.f32 v39, v38;
	v61 =	vadd.f32 v49, v47;
	v62 =	vpop (erf)  }
0xfd: {  	v43 =	vld [tilespmem:s30+$0xFFFFEC10];
	v49 =	vmax.f32 v51, v63;
	v63 =	vadd.f32 v57, v53;
	v40 =	vadd.f32 v62, v59  }
0xfe: {  	v54 =	vld [tilespmem:s30+$0xFFFFE810];
	v39 =	vmax.f32 v60, v52;
	v50 =	vmul.f32 $1.442695020e+00, v9;
	v61 =	vadd.f32 v61, v0;
	v57 =	vpop (erf)  }
0xff: {  	v51 =	vld [tilespmem:s30+$0xFFFFE410];
	v59 =	vmax.f32 v55, v56;
	v47 =	vadd.f32 v57, v37;
	v0 =	vadd.f32 v40, v63  }
0x100: {  	v10 =	vld [tilespmem:s0+$0x400];
	v44 =	vmul.f32 $1.442695020e+00, v13;
	v41 =	vadd.f32 v61, v38;
	v49 =	vmax.f32 v49, v59  }
0x101: {  	v56 =	vmul.f32 $1.442695020e+00, v11;
	v37 =	vpop (erf);
	v39 =	vmax.f32 v49, v39;
	v47 =	vadd.f32 v47, v0  }
0x102: {  	v17 =	vld [tilespmem:s0+$0x1800];
	vm1 =	vgt.f32 v58, v43;
	v61 =	vmul.f32 $1.442695020e+00, v15;
	v62 =	vpop (erf);
	v52 =	vmul.f32 $1.442695020e+00, v39  }
0x103: {  	v43 =	vsel vm1, v58, v43;
	v57 =	vmul.f32 $1.442695020e+00, v14;
	v63 =	vpop (erf);
	v41 =	vadd.f32 v47, v41  }
0x104: {  	v59 =	vmul.f32 $1.442695020e+00, v16;
	vm0 =	vgt.f32 v54, v51;
	v40 =	vpop (erf);
	(erf) = vpow2.f32 v52  }
0x105: {  	v49 =	vmul.f32 $1.442695020e+00, v10;
	v51 =	vsel vm0, v54, v51;
	(erf) = vrcp.f32 v41  }
0x106: {  	v60 =	vld [tilespmem:s30+$0xFFFFF410];
	v23 =	vsel vm0, v24, v23;
	v24 =	vsel vm1, v26, v25;
	vm0 =	vgt.f32 v43, v51  }
0x107: {  	v53 =	vld [tilespmem:s30+$0x1410];
	v38 =	vadd.f32 v63, v62;
	v63 =	vmul.f32 $1.442695020e+00, v17;
	v43 =	vsel vm0, v43, v51  }
0x108: {  	v55 =	vld [tilespmem:s30+$0x1810];
	v23 =	vsel vm0, v24, v23;
	v52 =	vmax.f32 v8, v9;
	(erf) = vpow2.f32 v44  }
0x109: {  	v62 =	vld [tilespmem:s30+$0xFFFFF810];
	v47 =	vmax.f32 v13, v18;
	v45 =	vmax.f32 v45, v52;
	(erf) = vpow2.f32 v46  }
0x10a: {  	v0 =	vld [tilespmem:s30+$0xFFFFFC10];
	v52 =	vmax.f32 v15, v17;
	v42 =	vmax.f32 v47, v42;
	(erf) = vpow2.f32 v48  }
0x10b: {  	v47 =	vld [tilespmem:s30+$0x10];
	v41 =	vmax.f32 v10, v11;
	v44 =	vmax.f32 v14, v16;
	(erf) = vpow2.f32 v50  }
0x10c: {  	v42 =	vmax.f32 v42, v45;
	v45 =	vld [tilespmem:s30+$0x810];
	v41 =	vmax.f32 v41, v44;
	(erf) = vpow2.f32 v49  }
0x10d: {  	vm5 =	vgt.f32 v55, v53;
	v44 =	vld [tilespmem:s30+$0x410];
	v41 =	vmax.f32 v41, v52;
	(erf) = vpow2.f32 v56;
	v52 =	vpop (erf)  }
0x10e: {  	v22 =	vsel vm5, v36, v22;
	vm2 =	vgt.f32 v62, v60;
	(erf) = vpow2.f32 v57;
	v57 =	vpop (erf)  }
0x10f: {  	v46 =	vld [tilespmem:s30+$0xC10];
	v27 =	vsel vm2, v29, v27;
	v58 =	vsel vm2, v62, v60;
	v52 =	vmul.f32 v57, v52  }
0x110: {  	v20 =	vmax.f32 v42, v41;
	v42 =	vld [tilespmem:s30+$0x1010];
	vm3 =	vgt.f32 v47, v0;
	(erf) = vpow2.f32 v59  }
0x111: {  	v3 =	vmovc v12;
	v49 =	vmul.f32 $1.442695020e+00, v20;
	v0 =	vsel vm3, v47, v0;
	v25 =	vmul.f32 $1.500000000e+01, v52  }
0x112: {  	v29 =	vsel vm3, v31, v30;
	vm2 =	vgt.f32 v0, v58;
	vm6 =	vgt.f32 v45, v44;
	v57 =	vpop (erf)  }
0x113: {  	v1 =	vld [tilespmem:s30+$0xFFFFF400];
	v0 =	vsel vm2, v0, v58;
	v58 =	vlaneseq.u32;
	v36 =	vpop (erf);
	v25 =	vtrunc.f32 v25  }
0x114: {  	v2 =	vld [tilespmem:s30+$0xFFFFF800];
	v27 =	vsel vm2, v29, v27;
	v30 =	vsel vm6, v33, v32;
	v26 =	vpop (erf);
	v25 =	vcvt.f32.s32 v25  }
0x115: {  	v12 =	vld [tilespmem:s30+$0xFFFFFC00];
	v44 =	vsel vm6, v45, v44;
	vm0 =	vgt.f32 v0, v43;
	vm4 =	vgt.f32 v42, v46;
	v31 =	vpop (erf)  }
0x116: {  	v48 =	vld [tilespmem:s30+$0xFFFFE400];
	v33 =	vsel vm4, v35, v34;
	v42 =	vsel vm4, v42, v46;
	v35 =	vpop (erf);
	vm1 =	vlt.s32 v25, $0xE  }
0x117: {  	v50 =	vld [tilespmem:s30+$0xFFFFE800];
	v0 =	vsel vm0, v0, v43;
	vm3 =	vgt.f32 v42, v44;
	v54 =	vpop (erf);
	v25 =	vnsel vm1, $0xE, v25  }
0x118: {  	v51 =	vld [tilespmem:s30+$0x1800];
	v34 =	vsel vm5, v55, v53;
	v45 =	vpop (erf);
	v24 =	vshll.u32 v25, $0x4;
	v25 =	vsel vm3, v42, v44  }
0x119: {  	v60 =	vld [tilespmem:s30+$0x1000];
	v23 =	vsel vm0, v27, v23;
	v46 =	vpop (erf);
	(erf) = vpow2.f32 v61;
	vm1 =	vgt.f32 v34, v25  }
0x11a: {  	v56 =	vld [tilespmem:s30+$0xFFFFEC00];
	v29 =	vsel vm3, v33, v30;
	(erf) = vpow2.f32 v63;
	v25 =	vsel vm1, v34, v25  }
0x11b: {  	v59 =	vld [tilespmem:s30+$0xFFFFF000];
	v24 =	vor.u32 v58, v24;
	v22 =	vsel vm1, v22, v29;
	vm0 =	vgt.f32 v25, v0  }
0x11c: {  	v62 =	vld [tilespmem:s30+$0x1400];
	vm2 =	vgt.f32 v50, v48;
	v0 =	vadd.f32 v37, v57;
	v22 =	vsel vm0, v22, v23  }
0x11d: {  	v47 =	vld [tilespmem:s30+$0xC00];
	v23 =	vadd.f32 v36, v40;
	vm0 =	veq.f32 v22, v39;
	v22 =	vadd.f32 v31, v26  }
0x11e: {  	v32 =	vld [tilespmem:s30+$0x0];
	v27 =	vadd.f32 v46, v45;
	v57 =	vimm.f32 $1.000000000e+00;
	v25 =	vadd.f32 v54, v35  }
0x11f: {  	v53 =	vld [tilespmem:s30+$0x400];
	v54 =	vimm.f32 $0.0e+00;
	v0 =	vadd.f32 v38, v0;
	v22 =	vadd.f32 v22, v23  }
0x120: {  	(erf) = vpow2.f32 v49;
	[tilespmem:v24+s20+$0x0] =	vst.idx.add.f32.msk $0xffff, v57;
	v26 =	vsel vm0, $0x3F800000, v54;
	vm0 =	vgt.f32 v59, v56  }
0x121: {  	v55 =	vld [tilespmem:s30+$0x800];
	v23 =	vadd.f32 v27, v25;
	v25 =	vadd.f32 v22, v0;
	v0 =	vsel vm2, v50, v48  }
0x122: {  	[tilespmem:v24+s21+$0x0] =	vst.idx.add.f32.msk $0xffff, v52;
	v22 =	vsel vm0, v59, v56  }
0x123: {  	vm15 =	vgt.f32 v51, v62;
	[tilespmem:v24+s22+$0x0] =	vst.idx.add.f32.msk $0xffff, v26;
	v24 =	vpop (erf);
	vm7 =	vgt.f32 v22, v0  }
0x124: {  	s31 =	sadd.s32 $0x2, s31;
	vm5 =	vgt.f32 v60, v47;
	v30 =	vsel vm15, v51, v62;
	v26 =	vsel vm7, v22, v0;
	v0 =	vpop (erf)  }
0x125: {  	p0 =	slt.u32 s31, $0x3E;
	vm4 =	vgt.f32 v32, v12;
	vm1 =	vgt.f32 v2, v1;
	v24 =	vadd.f32 v0, v24;
	v0 =	vld [tilespmem:$0x1FFF0]  }
.Ltmp0:
0x126: {  	vm3 =	vgt.f32 v55, v53;
	v1 =	vsel vm1, v2, v1;
	v2 =	vsel vm4, v32, v12;
	(pc) =	sbr.rel @p0 .LBB2_3-.Ltmp0, $4  }
0x127: {  	v41 =	vmul.f32 $1.500000000e+01, v28;
	v12 =	vsel vm3, v55, v53;
	[tilespmem:v21+s20+$0x0] =	vst.idx.add.f32.msk $0xffff, v57;
	v27 =	vsel vm5, v60, v47  }
0x128: {  	vm14 =	vgt.f32 v2, v1;
	[tilespmem:v21+s21+$0x0] =	vst.idx.add.f32.msk $0xffff, v3;
	vm6 =	vgt.f32 v27, v12  }
0x129: {  	v3 =	vmovc v18;
	v29 =	vsel vm14, v2, v1;
	v27 =	vsel vm6, v27, v12;
	v22 =	vtrunc.f32 v41  }
0x12a: {  	s0 =	sadd.s32 $0x20, s0;
	v12 =	vmov v28;
	vm8 =	vgt.f32 v29, v26;
	v32 =	vcvt.f32.s32 v22;
	v28 =	vpop (erf);
	[tilespmem:v21+s22+$0x0] =	vst.idx.add.f32.msk $0xffff, v0  }
0x12b: {  	v0 =	vadd.f32 v24, v23;
	_ =	sdelay $0x1  }
0x12c: {  	v0 =	vadd.f32 v0, v25;
	_ =	sdelay $0x1  }
0x12d: {  	(erf) = vrcp.f32 v0;
	_ =	sdelay $0x8  }
0x12e: {  	v0 =	vpop (erf)  }
0x12f: {  	v0 =	vmul.f32 v0, v28;
	_ =	sdelay $0x1  }
0x130: {  	v1 =	vmul.f32 $1.500000000e+01, v0;
	_ =	sdelay $0x1  }
0x131: {  	vm9 =	vlt.s32 v32, $0xE;
	v1 =	vtrunc.f32 v1  }
0x132: {  	v3 =	vsel vm2, v3, v13;
	v2 =	vnsel vm9, $0xE, v32;
	v1 =	vcvt.f32.s32 v1  }
0x133: {  	vm2 =	vgt.f32 v30, v27;
	v53 =	vlaneseq.u32;
	v2 =	vshll.u32 v2, $0x4  }
0x134: {  	v4 =	vsel vm0, v5, v4;
	v2 =	vor.u32 v53, v2;
	vm0 =	vlt.s32 v1, $0xE  }
0x135: {  	v5 =	vsel vm1, v7, v6;
	v6 =	vsel vm4, v9, v8;
	v1 =	vnsel vm0, $0xE, v1  }
0x136: {  	v7 =	vsel vm3, v11, v10;
	v8 =	vsel vm5, v16, v14;
	v1 =	vshll.u32 v1, $0x4  }
0x137: {  	p0 =	seq.s32 s28, $0xF;
	v3 =	vsel vm7, v4, v3;
	v4 =	vsel vm8, v29, v26;
	v1 =	vor.u32 v53, v1  }
0x138: {  	s0 =	sadd.s32 @!p0 s29, s9;
	v9 =	vsel vm2, v30, v27;
	v5 =	vsel vm14, v6, v5;
	v6 =	vsel vm6, v8, v7  }
0x139: {  	v7 =	vsel vm15, v17, v15;
	s29 =	sshrl.u32 @!p0 s0, $0x8;
	v3 =	vsel vm8, v5, v3;
	[tilespmem:v2+s20+$0x0] =	vst.idx.add.f32.msk $0xffff, v57  }
0x13a: {  	s0 =	sshll.u32 @!p0 s0, $0xA;
	s29 =	smul.u32 @!p0 $0x380000, s29;
	[tilespmem:v2+s21+$0x0] =	vst.idx.add.f32.msk $0xffff, v12;
	vm0 =	vgt.f32 v9, v4;
	v4 =	vsel vm2, v7, v6  }
0x13b: {  	s0 =	sand.u32 @!p0 $0x3F800, s0;
	[tilespmem:v2+s22+$0x0] =	vst.idx.add.f32.msk $0xffff, v19;
	v3 =	vsel vm0, v4, v3  }
0x13c: {  	s0 =	sor.u32 @!p0 s0, s29;
	vm0 =	veq.f32 v3, v20;
	[tilespmem:v1+s20+$0x0] =	vst.idx.add.f32.msk $0xffff, v57  }
0x13d: {  	s30 =	simm.s32 @!p0 $0x400;
	s0 =	sshrl.u32 @!p0 s0, $0x3;
	v2 =	vsel vm0, $0x3F800000, v54;
	[tilespmem:v1+s21+$0x0] =	vst.idx.add.f32.msk $0xffff, v0  }
0x13e: {  	s31 =	simm.s32 @!p0 $0x40000;
	s1 =	simm.s32 @!p0 $0x0;
	s29 =	sadd.s32 @!p0 s2, s0;
	[tilespmem:v1+s22+$0x0] =	vst.idx.add.f32.msk $0xffff, v2  }
0x13f: {  	[tilespmem:s1], [sflag:$0x1] =	stream.strided.gather @!p0 [hbm4b:s29+s30], $0x3800, s31, s30, $0x38;
	[tilespmem:$0xE380] =	vst v63  }
0x140: {  	s0 =	sadd.s32 @!p0 s3, s0;
	s1 =	simm.s32 @!p0 $0x7000  }
0x141: {  	[tilespmem:s1], [sflag:$0x1] =	stream.strided.gather @!p0 [hbm4b:s0+s30], $0x3800, s31, s30, $0x38;
	[tilespmem:$0xE380] =	vst v63  }
0x142: {  	_ =	swait.ge [sflag:s23], $0x3800  }
0x143: {  	[sflag:s23] =	ssyncset.done $0x0  }
0x144: {  	[sflag:s23] =	ssyncadd.s32 $0xFFFFC800  }
0x145: {  	_ =	swait.ge [sflag:s23], $0x3800  }
0x146: {  	[sflag:s23] =	ssyncset.done $0x0  }
0x147: {  	s30 =	simm.s32 $0x0;
	[sflag:s23] =	ssyncadd.s32 $0xFFFFC800  }
0x148: {  	v7 =	vld [tilespmem:s30+$0x6810]  }
0x149: {  	v15 =	vld [tilespmem:s30+$0x3810]  }
0x14a: {  	v19 =	vld [tilespmem:s30+$0x3C10]  }
0x14b: {  	v20 =	vld [tilespmem:s30+$0x4010]  }
0x14c: {  	v22 =	vld [tilespmem:s30+$0x4410]  }
0x14d: {  	v21 =	vld [tilespmem:s30+$0x4810];
	v0 =	vmul.f32 $1.442695020e+00, v7  }
0x14e: {  	v23 =	vld [tilespmem:s30+$0x4C10];
	v1 =	vmul.f32 $1.442695020e+00, v15  }
0x14f: {  	v24 =	vld [tilespmem:s30+$0x5010];
	v2 =	vmul.f32 $1.442695020e+00, v19;
	(erf) = vpow2.f32 v0  }
0x150: {  	v26 =	vld [tilespmem:s30+$0x5810];
	v0 =	vmul.f32 $1.442695020e+00, v20;
	(erf) = vpow2.f32 v1  }
0x151: {  	v25 =	vld [tilespmem:s30+$0x5410];
	v1 =	vmul.f32 $1.442695020e+00, v22;
	(erf) = vpow2.f32 v2  }
0x152: {  	v27 =	vld [tilespmem:s30+$0x5C10];
	v2 =	vmul.f32 $1.442695020e+00, v21;
	(erf) = vpow2.f32 v0  }
0x153: {  	v28 =	vld [tilespmem:s30+$0x6010];
	v0 =	vmul.f32 $1.442695020e+00, v23;
	(erf) = vpow2.f32 v1  }
0x154: {  	v30 =	vld [tilespmem:s30+$0x6410];
	v1 =	vmul.f32 $1.442695020e+00, v24;
	(erf) = vpow2.f32 v2  }
0x155: {  	v31 =	vld [tilespmem:s30+$0x6C10];
	(erf) = vpow2.f32 v0;
	v0 =	vmul.f32 $1.442695020e+00, v26  }
0x156: {  	v6 =	vld [tilespmem:s30+$0x3800];
	v2 =	vmul.f32 $1.442695020e+00, v25  }
0x157: {  	v9 =	vld [tilespmem:s30+$0x4400];
	(erf) = vpow2.f32 v1  }
0x158: {  	v10 =	vld [tilespmem:s30+$0x4C00];
	v4 =	vmul.f32 $1.442695020e+00, v27;
	(erf) = vpow2.f32 v2  }
0x159: {  	v11 =	vld [tilespmem:s30+$0x5000];
	v2 =	vmul.f32 $1.442695020e+00, v28;
	(erf) = vpow2.f32 v0;
	v0 =	vpop (erf)  }
0x15a: {  	v5 =	vmul.f32 $1.442695020e+00, v30;
	v18 =	vpop (erf);
	(erf) = vpow2.f32 v4  }
0x15b: {  	v3 =	vld [tilespmem:s30+$0x4000];
	v29 =	vpop (erf);
	(erf) = vpow2.f32 v2;
	v2 =	vmul.f32 $1.442695020e+00, v6  }
0x15c: {  	v13 =	vld [tilespmem:s30+$0x5400];
	v8 =	vmul.f32 $1.442695020e+00, v31;
	v17 =	vmul.f32 $1.442695020e+00, v9  }
0x15d: {  	v38 =	vmul.f32 $1.442695020e+00, v10;
	v1 =	vld [tilespmem:s30+$0x3C00];
	v55 =	vpop (erf);
	(erf) = vpow2.f32 v5  }
0x15e: {  	v12 =	vld [tilespmem:s30+$0x5800];
	v40 =	vmul.f32 $1.442695020e+00, v11;
	v33 =	vpop (erf);
	(erf) = vpow2.f32 v8  }
0x15f: {  	v14 =	vld [tilespmem:s30+$0x5C00];
	v41 =	vmax.f32 v15, v19;
	v42 =	vmax.f32 v7, v31;
	(erf) = vpow2.f32 v2;
	v2 =	vpop (erf)  }
0x160: {  	v50 =	vld [tilespmem:s30+$0xB410];
	v44 =	vmax.f32 v20, v22;
	v45 =	vmax.f32 v21, v23;
	v46 =	vmax.f32 v24, v25;
	v34 =	vpop (erf)  }
0x161: {  	v48 =	vmax.f32 v26, v27;
	v41 =	vmax.f32 v41, v44;
	v44 =	vld [tilespmem:s30+$0xD810];
	v45 =	vmax.f32 v45, v46;
	v36 =	vpop (erf)  }
0x162: {  	v49 =	vmax.f32 v28, v30;
	v46 =	vld [tilespmem:s30+$0xA810];
	v41 =	vmax.f32 v41, v45;
	v5 =	vmul.f32 $1.442695020e+00, v1;
	v39 =	vpop (erf)  }
0x163: {  	v45 =	vld [tilespmem:s30+$0xAC10];
	v18 =	vadd.f32 v29, v18;
	v8 =	vmul.f32 $1.442695020e+00, v3;
	v29 =	vadd.f32 v33, v55;
	v43 =	vpop (erf)  }
0x164: {  	v4 =	vld [tilespmem:s30+$0x4800];
	v16 =	vmax.f32 v6, v1;
	(erf) = vpow2.f32 v5;
	v5 =	vmax.f32 v3, v9;
	v47 =	vpop (erf)  }
0x165: {  	v33 =	vld [tilespmem:s30+$0xA800];
	(erf) = vpow2.f32 v8;
	v37 =	vmax.f32 v16, v5;
	v18 =	vadd.f32 v29, v18;
	v56 =	vpop (erf)  }
0x166: {  	v16 =	vld [tilespmem:s30+$0x6000];
	v29 =	vmax.f32 v48, v49;
	v2 =	vadd.f32 v34, v2;
	v58 =	vadd.f32 v39, v36;
	v59 =	vpop (erf)  }
0x167: {  	(erf) = vpow2.f32 v17;
	v17 =	vld [tilespmem:s30+$0x6400];
	v43 =	vadd.f32 v47, v43;
	v32 =	vadd.f32 v59, v56  }
0x168: {  	v63 =	vmul.f32 $1.442695020e+00, v12;
	v29 =	vmax.f32 v29, v42;
	v39 =	vld [tilespmem:s30+$0xAC00];
	v2 =	vadd.f32 v58, v2;
	v60 =	vpop (erf)  }
0x169: {  	v41 =	vmax.f32 v41, v29;
	v36 =	vld [tilespmem:s30+$0xDC10];
	v0 =	vadd.f32 v60, v0;
	v32 =	vadd.f32 v32, v43  }
0x16a: {  	v51 =	vmax.f32 v11, v13;
	v35 =	vmul.f32 $1.442695020e+00, v4;
	v8 =	vld [tilespmem:s30+$0x6C00];
	v52 =	vmul.f32 $1.442695020e+00, v41  }
0x16b: {  	v5 =	vld [tilespmem:s30+$0x6800];
	v42 =	vmul.f32 $1.442695020e+00, v14;
	v2 =	vadd.f32 v2, v18;
	v0 =	vadd.f32 v0, v32  }
0x16c: {  	v47 =	vld [tilespmem:s30+$0xB010];
	v58 =	vmax.f32 v16, v17;
	v18 =	vmax.f32 v4, v10;
	(erf) = vpow2.f32 v52  }
0x16d: {  	v56 =	vmul.f32 $1.442695020e+00, v17;
	v52 =	vld [tilespmem:s30+$0xC010];
	v61 =	vpop (erf);
	v18 =	vmax.f32 v18, v51;
	v0 =	vadd.f32 v0, v2  }
0x16e: {  	v59 =	vld [tilespmem:s30+$0xC410];
	vm0 =	vgt.f32 v39, v33;
	vm2 =	vgt.f32 v36, v44;
	v43 =	vmul.f32 $1.442695020e+00, v13;
	v62 =	vpop (erf)  }
0x16f: {  	v60 =	vld [tilespmem:s30+$0xC810];
	v18 =	vmax.f32 v37, v18;
	v37 =	vmul.f32 $1.442695020e+00, v8;
	v29 =	vpop (erf);
	(erf) = vrcp.f32 v0  }
0x170: {  	v33 =	vsel vm0, v39, v33;
	v34 =	vadd.f32 v62, v61;
	v62 =	vld [tilespmem:s30+$0xCC10];
	v55 =	vpop (erf);
	(erf) = vpow2.f32 v35  }
0x171: {  	v49 =	vld [tilespmem:s30+$0xB810];
	v61 =	vmax.f32 v5, v8;
	v29 =	vadd.f32 v55, v29;
	(erf) = vpow2.f32 v38  }
0x172: {  	vm1 =	vgt.f32 v50, v47;
	v2 =	vmul.f32 $1.442695020e+00, v16;
	v0 =	vld [tilespmem:s30+$0xBC10];
	(erf) = vpow2.f32 v40  }
0x173: {  	v55 =	vld [tilespmem:s30+$0xD410];
	v34 =	vadd.f32 v29, v34;
	v29 =	vmax.f32 v12, v14;
	(erf) = vpow2.f32 v43  }
0x174: {  	vm4 =	vgt.f32 v59, v52;
	v29 =	vmax.f32 v29, v58;
	(erf) = vpow2.f32 v63;
	v63 =	vld [tilespmem:s30+$0xD010]  }
0x175: {  	vm5 =	vgt.f32 v62, v60;
	v35 =	vmul.f32 $1.442695020e+00, v5;
	v29 =	vmax.f32 v29, v61  }
0x176: {  	v18 =	vmax.f32 v18, v29;
	v29 =	vsel vm0, v1, v6;
	(erf) = vpow2.f32 v42  }
0x177: {  	vm0 =	vgt.f32 v45, v46;
	vm3 =	vgt.f32 v0, v49;
	(erf) = vpow2.f32 v2;
	v2 =	vpop (erf)  }
0x178: {  	v1 =	vmul.f32 $1.442695020e+00, v18;
	v0 =	vsel vm3, v0, v49;
	(erf) = vpow2.f32 v56;
	v6 =	vpop (erf)  }
0x179: {  	v6 =	vmul.f32 v6, v2;
	vm6 =	vgt.f32 v55, v63;
	v2 =	vsel vm2, v31, v7  }
0x17a: {  	v56 =	vld [tilespmem:s30+$0xB800];
	v7 =	vsel vm0, v19, v15;
	v15 =	vsel vm1, v22, v20;
	v20 =	vsel vm3, v23, v21  }
0x17b: {  	v21 =	vsel vm4, v25, v24;
	v22 =	vsel vm5, v27, v26;
	v24 =	vsel vm2, v36, v44;
	v26 =	vld [tilespmem:s30+$0xB000]  }
0x17c: {  	v25 =	vsel vm0, v45, v46;
	v27 =	vsel vm1, v50, v47;
	v23 =	vsel vm6, v30, v28;
	v28 =	vld [tilespmem:s30+$0xB400]  }
0x17d: {  	v30 =	vsel vm4, v59, v52;
	vm0 =	vgt.f32 v27, v25;
	v59 =	vld [tilespmem:s30+$0xBC00];
	v19 =	vmul.f32 $1.500000000e+01, v6  }
0x17e: {  	v31 =	vsel vm5, v62, v60;
	vm2 =	vgt.f32 v30, v0;
	v25 =	vsel vm0, v27, v25;
	v27 =	vld [tilespmem:s30+$0xC000]  }
0x17f: {  	v32 =	vsel vm6, v55, v63;
	v0 =	vsel vm2, v30, v0;
	v30 =	vld [tilespmem:s30+$0xC400];
	v19 =	vtrunc.f32 v19  }
0x180: {  	vm3 =	vgt.f32 v32, v31;
	v20 =	vsel vm2, v21, v20;
	v21 =	vld [tilespmem:s30+$0xC800];
	v19 =	vcvt.f32.s32 v19  }
0x181: {  	(erf) = vpow2.f32 v35;
	v15 =	vsel vm0, v15, v7;
	v22 =	vsel vm3, v23, v22;
	v23 =	vld [tilespmem:s30+$0xCC00]  }
0x182: {  	v31 =	vsel vm3, v32, v31;
	vm0 =	vgt.f32 v0, v25;
	vm1 =	vlt.s32 v19, $0xE  }
0x183: {  	v58 =	vpop (erf);
	v0 =	vsel vm0, v0, v25;
	vm7 =	vgt.f32 v28, v26;
	v19 =	vnsel vm1, $0xE, v19  }
0x184: {  	v60 =	vpop (erf);
	v15 =	vsel vm0, v20, v15;
	vm8 =	vgt.f32 v59, v56;
	v9 =	vsel vm7, v9, v3  }
0x185: {  	v40 =	vld [tilespmem:s30+$0xDC00];
	v61 =	vpop (erf);
	v10 =	vsel vm8, v10, v4;
	vm1 =	vgt.f32 v24, v31;
	vm14 =	vgt.f32 v30, v27  }
0x186: {  	v25 =	vld [tilespmem:s30+$0xD000];
	vm6 =	vgt.f32 v23, v21;
	v7 =	vshll.u32 v19, $0x4;
	v24 =	vsel vm1, v24, v31;
	v19 =	vpop (erf)  }
0x187: {  	v2 =	vsel vm1, v2, v22;
	v31 =	vld [tilespmem:s30+$0xD800];
	v11 =	vsel vm14, v13, v11;
	v12 =	vsel vm6, v14, v12;
	v62 =	vpop (erf)  }
0x188: {  	vm0 =	vgt.f32 v24, v0;
	v0 =	vadd.f32 v60, v58;
	v24 =	vld [tilespmem:s30+$0xD400];
	v63 =	vpop (erf);
	(erf) = vpow2.f32 v37  }
0x189: {  	s31 =	simm.s32 $0x20;
	v2 =	vsel vm0, v2, v15;
	v15 =	vadd.f32 v19, v61;
	v20 =	vpop (erf);
	(erf) = vpow2.f32 v1  }
0x18a: {  	v1 =	vsel vm7, v28, v26;
	v26 =	vsel vm14, v30, v27;
	v27 =	vsel vm6, v23, v21;
	v21 =	vld [tilespmem:s31+$0x4010];
	v22 =	vpop (erf)  }
0x18b: {  	v7 =	vor.u32 v53, v7;
	v19 =	vadd.f32 v63, v62;
	v23 =	vld [tilespmem:s31+$0x4410];
	v20 =	vadd.f32 v22, v20  }
0x18c: {  	vm15 =	veq.f32 v2, v41;
	v0 =	vadd.f32 v15, v0;
	v15 =	vsel vm8, v59, v56;
	v22 =	vld [tilespmem:s31+$0x3C10]  }
0x18d: {  	vm0 =	vgt.f32 v40, v31;
	vm4 =	vgt.f32 v24, v25;
	v2 =	vadd.f32 v20, v19;
	v19 =	vld [tilespmem:s31+$0x6810]  }
0x18e: {  	vm2 =	vgt.f32 v1, v33;
	vm3 =	vgt.f32 v26, v15;
	v42 =	vsel vm0, v40, v31;
	v20 =	vld [tilespmem:s31+$0x3810]  }
0x18f: {  	v5 =	vsel vm0, v8, v5;
	v0 =	vadd.f32 v0, v34;
	v28 =	vsel vm4, v24, v25;
	v24 =	vld [tilespmem:s31+$0x4810]  }
0x190: {  	v1 =	vsel vm2, v1, v33;
	v36 =	vsel vm3, v26, v15;
	v25 =	vld [tilespmem:s31+$0x4C10];
	v14 =	vsel vm4, v17, v16  }
0x191: {  	v26 =	vld [tilespmem:s31+$0x5010];
	v9 =	vsel vm2, v9, v29;
	vm1 =	vgt.f32 v28, v27;
	v45 =	vmul.f32 $1.442695020e+00, v21  }
0x192: {  	v33 =	vld [tilespmem:s31+$0x6C10];
	vm5 =	vgt.f32 v36, v1;
	v46 =	vmul.f32 $1.442695020e+00, v23;
	v30 =	vmul.f32 $1.442695020e+00, v19  }
0x193: {  	v34 =	vld [tilespmem:s31+$0x3800];
	v15 =	vpop (erf);
	v43 =	vsel vm1, v28, v27;
	v44 =	vmul.f32 $1.442695020e+00, v22;
	v31 =	vmul.f32 $1.442695020e+00, v20  }
0x194: {  	v35 =	vld [tilespmem:s31+$0x3C00];
	v1 =	vsel vm5, v36, v1;
	v3 =	vmul.f32 $1.442695020e+00, v24;
	v27 =	vpop (erf);
	(erf) = vpow2.f32 v30  }
0x195: {  	v47 =	vmul.f32 $1.442695020e+00, v25;
	v15 =	vadd.f32 v27, v15;
	v27 =	vld [tilespmem:s31+$0x5410];
	(erf) = vpow2.f32 v31  }
0x196: {  	v28 =	vld [tilespmem:s31+$0x5810];
	v12 =	vsel vm1, v14, v12;
	v4 =	vmul.f32 $1.442695020e+00, v26;
	(erf) = vpow2.f32 v44  }
0x197: {  	vm7 =	vgt.f32 v42, v43;
	v49 =	vmul.f32 $1.442695020e+00, v33;
	v30 =	vld [tilespmem:s31+$0x5C10];
	(erf) = vpow2.f32 v45  }
0x198: {  	v48 =	vsel vm7, v42, v43;
	v14 =	vmul.f32 $1.442695020e+00, v34;
	v31 =	vld [tilespmem:s31+$0x6010];
	(erf) = vpow2.f32 v46  }
0x199: {  	v32 =	vld [tilespmem:s31+$0x6410];
	vm0 =	vgt.f32 v48, v1;
	v1 =	vmul.f32 $1.442695020e+00, v35;
	(erf) = vpow2.f32 v3  }
0x19a: {  	v11 =	vsel vm3, v11, v10;
	v3 =	vmul.f32 $1.442695020e+00, v27;
	(erf) = vpow2.f32 v47  }
0x19b: {  	v9 =	vsel vm5, v11, v9;
	v13 =	vmul.f32 $1.442695020e+00, v28;
	(erf) = vpow2.f32 v4  }
0x19c: {  	v2 =	vadd.f32 v15, v2;
	v15 =	vpop (erf);
	v4 =	vmul.f32 $1.442695020e+00, v30;
	(erf) = vpow2.f32 v3  }
0x19d: {  	v62 =	vmax.f32 v21, v23;
	v46 =	vld [tilespmem:s31+$0xA810];
	v16 =	vmul.f32 $1.442695020e+00, v31;
	(erf) = vpow2.f32 v13;
	v39 =	vpop (erf)  }
0x19e: {  	v5 =	vsel vm7, v5, v12;
	v47 =	vld [tilespmem:s31+$0xAC10];
	v13 =	vmul.f32 $1.442695020e+00, v32;
	v17 =	vpop (erf);
	(erf) = vpow2.f32 v4  }
0x19f: {  	v63 =	vmax.f32 v24, v25;
	v29 =	vadd.f32 v2, v0;
	v3 =	vld [tilespmem:s31+$0x4000];
	v50 =	vpop (erf);
	(erf) = vpow2.f32 v16  }
0x1a0: {  	v10 =	vld [tilespmem:s31+$0x4800];
	v0 =	vsel vm0, v5, v9;
	v9 =	vmax.f32 v20, v22;
	v51 =	vpop (erf);
	(erf) = vpow2.f32 v13  }
0x1a1: {  	v36 =	vmax.f32 v19, v33;
	v52 =	vmax.f32 v26, v27;
	v43 =	vmax.f32 v9, v62;
	v4 =	vld [tilespmem:s31+$0x4400];
	v58 =	vpop (erf)  }
0x1a2: {  	vm14 =	veq.f32 v0, v18;
	v45 =	vld [tilespmem:s31+$0xB410];
	v44 =	vmax.f32 v63, v52;
	(erf) = vpow2.f32 v49;
	v8 =	vpop (erf)  }
0x1a3: {  	v56 =	vmax.f32 v28, v30;
	v38 =	vadd.f32 v50, v17;
	v50 =	vld [tilespmem:s31+$0xB010];
	(erf) = vpow2.f32 v14;
	v60 =	vpop (erf)  }
0x1a4: {  	vm1 =	vgt.f32 v47, v46;
	v59 =	vmul.f32 $1.442695020e+00, v3;
	v14 =	vld [tilespmem:s31+$0x5C00];
	(erf) = vpow2.f32 v1;
	v1 =	vpop (erf)  }
0x1a5: {  	v0 =	vld [tilespmem:s31+$0xAC00];
	v18 =	vmax.f32 v43, v44;
	v20 =	vsel vm1, v22, v20;
	v40 =	vadd.f32 v58, v51;
	v2 =	vpop (erf)  }
0x1a6: {  	v13 =	vld [tilespmem:s31+$0x4C00];
	v12 =	vmul.f32 $1.442695020e+00, v4;
	v62 =	vmax.f32 v3, v4;
	(erf) = vpow2.f32 v59;
	v61 =	vpop (erf)  }
0x1a7: {  	v16 =	vld [tilespmem:s31+$0x5400];
	v59 =	vmax.f32 v31, v32;
	v37 =	vadd.f32 v60, v8;
	v38 =	vadd.f32 v40, v38;
	v55 =	vpop (erf)  }
0x1a8: {  	v40 =	vld [tilespmem:s31+$0xA800];
	(erf) = vpow2.f32 v12;
	vm2 =	vgt.f32 v45, v50;
	v1 =	vadd.f32 v2, v1;
	v58 =	vpop (erf)  }
0x1a9: {  	v41 =	vld [tilespmem:s31+$0xD810];
	v21 =	vsel vm2, v23, v21;
	v49 =	vmul.f32 $1.442695020e+00, v14;
	v42 =	vadd.f32 v55, v61;
	v2 =	vpop (erf)  }
0x1aa: {  	v11 =	vld [tilespmem:s31+$0x5000];
	v61 =	vmax.f32 v56, v59;
	v1 =	vadd.f32 v1, v37;
	v2 =	vadd.f32 v2, v58  }
0x1ab: {  	v5 =	vld [tilespmem:s31+$0x5800];
	v55 =	vmul.f32 $1.442695020e+00, v10;
	v56 =	vmul.f32 $1.442695020e+00, v13;
	v36 =	vmax.f32 v61, v36;
	v60 =	vpop (erf)  }
0x1ac: {  	v17 =	vld [tilespmem:s31+$0x6400];
	v37 =	vmax.f32 v18, v36;
	v39 =	vadd.f32 v60, v39;
	v2 =	vadd.f32 v2, v42  }
0x1ad: {  	v12 =	vld [tilespmem:s31+$0x6000];
	v61 =	vmul.f32 $1.442695020e+00, v16;
	vm0 =	vgt.f32 v0, v40;
	v52 =	vmul.f32 $1.442695020e+00, v37  }
0x1ae: {  	v51 =	vld [tilespmem:s31+$0xB810];
	v1 =	vadd.f32 v1, v38;
	v18 =	vmax.f32 v34, v35;
	v63 =	vpop (erf);
	v2 =	vadd.f32 v39, v2  }
0x1af: {  	v0 =	vsel vm0, v0, v40;
	v35 =	vsel vm0, v35, v34;
	v58 =	vpop (erf);
	(erf) = vpow2.f32 v52;
	v52 =	vld [tilespmem:s31+$0xBC10]  }
0x1b0: {  	v60 =	vmax.f32 v10, v13;
	v59 =	vpop (erf);
	v38 =	vadd.f32 v58, v63;
	v39 =	vld [tilespmem:s31+$0xDC10];
	v1 =	vadd.f32 v2, v1  }
0x1b1: {  	[tilespmem:v7+s20+$0x0] =	vst.idx.add.f32.msk $0xffff, v57;
	v63 =	vmax.f32 v11, v16;
	v2 =	vmax.f32 v18, v62;
	v18 =	vmul.f32 $1.442695020e+00, v11;
	v62 =	vpop (erf)  }
0x1b2: {  	v9 =	vld [tilespmem:s31+$0x6C00];
	v36 =	vadd.f32 v62, v59;
	v59 =	vmul.f32 $1.442695020e+00, v12;
	(erf) = vrcp.f32 v1  }
0x1b3: {  	v8 =	vld [tilespmem:s31+$0x6800];
	v58 =	vmax.f32 v5, v14;
	v62 =	vmul.f32 $1.442695020e+00, v17;
	v1 =	vmul.f32 $1.442695020e+00, v5  }
0x1b4: {  	[tilespmem:v7+s21+$0x0] =	vst.idx.add.f32.msk $0xffff, v6;
	vm3 =	vgt.f32 v52, v51;
	(erf) = vpow2.f32 v55;
	v38 =	vadd.f32 v36, v38  }
0x1b5: {  	v42 =	vld [tilespmem:s31+$0xC010];
	v36 =	vsel vm15, $0x3F800000, v54;
	vm0 =	vgt.f32 v39, v41;
	(erf) = vpow2.f32 v56  }
0x1b6: {  	v24 =	vsel vm3, v25, v24;
	v56 =	vmax.f32 v60, v63;
	v60 =	vld [tilespmem:s31+$0xC410];
	(erf) = vpow2.f32 v18  }
0x1b7: {  	v63 =	vld [tilespmem:s31+$0xCC10];
	v18 =	vmax.f32 v12, v17;
	v2 =	vmax.f32 v2, v56;
	(erf) = vpow2.f32 v61  }
0x1b8: {  	v18 =	vmax.f32 v58, v18;
	v61 =	vld [tilespmem:s31+$0xC810];
	(erf) = vpow2.f32 v1;
	v1 =	vmax.f32 v8, v9  }
0x1b9: {  	v55 =	vld [tilespmem:s31+$0xD410];
	v19 =	vsel vm0, v33, v19;
	v33 =	vmul.f32 $1.442695020e+00, v9;
	v1 =	vmax.f32 v18, v1  }
0x1ba: {  	v58 =	vsel vm2, v45, v50;
	(erf) = vpow2.f32 v49;
	v18 =	vmax.f32 v2, v1;
	v1 =	vld [tilespmem:s31+$0xD010];
	v2 =	vpop (erf)  }
0x1bb: {  	v43 =	vld [tilespmem:s31+$0xB800];
	(erf) = vpow2.f32 v59;
	vm4 =	vgt.f32 v60, v42;
	v59 =	vsel vm3, v52, v51;
	v56 =	vpop (erf)  }
0x1bc: {  	[tilespmem:v7+s22+$0x0] =	vst.idx.add.f32.msk $0xffff, v36;
	(erf) = vpow2.f32 v62;
	v42 =	vsel vm4, v60, v42;
	v34 =	vmul.f32 v56, v2  }
0x1bd: {  	v40 =	vld [tilespmem:s31+$0xBC00];
	v25 =	vsel vm4, v27, v26;
	vm5 =	vgt.f32 v63, v61;
	vm2 =	vgt.f32 v42, v59  }
0x1be: {  	v52 =	vld [tilespmem:s31+$0xC400];
	v2 =	vmul.f32 $1.442695020e+00, v8;
	v26 =	vsel vm5, v30, v28;
	v23 =	vmul.f32 $1.500000000e+01, v34  }
0x1bf: {  	v28 =	vsel vm0, v39, v41;
	v60 =	vsel vm5, v63, v61;
	v56 =	vld [tilespmem:s31+$0xC800];
	vm6 =	vgt.f32 v55, v1  }
0x1c0: {  	v24 =	vsel vm2, v25, v24;
	v25 =	vld [tilespmem:s31+$0xCC00];
	v27 =	vsel vm6, v32, v31;
	v23 =	vtrunc.f32 v23  }
0x1c1: {  	v62 =	vld [tilespmem:s31+$0xC000];
	v31 =	vsel vm1, v47, v46;
	v1 =	vsel vm6, v55, v1;
	v23 =	vcvt.f32.s32 v23  }
0x1c2: {  	v30 =	vld [tilespmem:s31+$0xB000];
	v61 =	vpop (erf);
	(erf) = vpow2.f32 v2;
	vm0 =	vgt.f32 v58, v31;
	vm3 =	vgt.f32 v1, v60  }
0x1c3: {  	v39 =	vld [tilespmem:s31+$0xB400];
	v63 =	vpop (erf);
	v31 =	vsel vm0, v58, v31;
	v20 =	vsel vm0, v21, v20;
	vm1 =	vlt.s32 v23, $0xE  }
0x1c4: {  	v55 =	vpop (erf);
	v1 =	vsel vm3, v1, v60;
	v26 =	vsel vm3, v27, v26;
	v27 =	vld [tilespmem:s31+$0xD000];
	v23 =	vnsel vm1, $0xE, v23  }
0x1c5: {  	s29 =	simm.s32 $0x40;
	v58 =	vpop (erf);
	v60 =	vld [tilespmem:s31+$0xDC00];
	vm6 =	vgt.f32 v25, v56;
	vm1 =	vgt.f32 v28, v1;
	v21 =	vshll.u32 v23, $0x4  }
0x1c6: {  	v23 =	vsel vm2, v42, v59;
	v59 =	vpop (erf);
	v1 =	vsel vm1, v28, v1;
	(erf) = vpow2.f32 v33;
	v33 =	vld [tilespmem:s29+$0x3C10]  }
0x1c7: {  	vm0 =	vgt.f32 v23, v31;
	v28 =	vpop (erf);
	(erf) = vrcp.f32 v29;
	v29 =	vsel vm6, v25, v56;
	v25 =	vld [tilespmem:s29+$0x4810]  }
0x1c8: {  	v2 =	vadd.f32 v58, v55;
	v19 =	vsel vm1, v19, v26;
	v23 =	vsel vm0, v23, v31;
	v31 =	vld [tilespmem:s29+$0x3810]  }
0x1c9: {  	v20 =	vsel vm0, v24, v20;
	v24 =	vadd.f32 v63, v61;
	vm0 =	vgt.f32 v1, v23;
	v1 =	vld [tilespmem:s31+$0xD400]  }
0x1ca: {  	v22 =	vmul.f32 $1.442695020e+00, v18;
	v21 =	vor.u32 v53, v21;
	v19 =	vsel vm0, v19, v20;
	v20 =	vld [tilespmem:s31+$0xD800]  }
0x1cb: {  	vm7 =	vgt.f32 v52, v62;
	vm8 =	vgt.f32 v39, v30;
	v2 =	vadd.f32 v2, v24;
	v24 =	vld [tilespmem:s29+$0x4410]  }
0x1cc: {  	v14 =	vsel vm6, v14, v5;
	v23 =	vpop (erf);
	vm15 =	veq.f32 v19, v37;
	v19 =	vadd.f32 v28, v59;
	v28 =	vld [tilespmem:s29+$0x6810]  }
0x1cd: {  	vm0 =	vgt.f32 v40, v43;
	(erf) = vpow2.f32 v22;
	v22 =	vld [tilespmem:s29+$0x4010];
	v26 =	vpop (erf);
	v38 =	vadd.f32 v2, v38  }
0x1ce: {  	v37 =	vld [tilespmem:s29+$0x6C10];
	v2 =	vsel vm8, v39, v30;
	v49 =	vmul.f32 $1.442695020e+00, v25;
	v23 =	vadd.f32 v26, v23  }
0x1cf: {  	[tilespmem:v21+s20+$0x0] =	vst.idx.add.f32.msk $0xffff, v57;
	v26 =	vsel vm7, v52, v62;
	vm3 =	vgt.f32 v2, v0;
	v62 =	vmul.f32 $1.442695020e+00, v31  }
0x1d0: {  	[tilespmem:v21+s21+$0x0] =	vst.idx.add.f32.msk $0xffff, v34;
	vm5 =	vgt.f32 v1, v27;
	v0 =	vsel vm3, v2, v0;
	v2 =	vmul.f32 $1.442695020e+00, v33  }
0x1d1: {  	v5 =	vld [tilespmem:s29+$0x4400];
	v61 =	vadd.f32 v23, v19;
	v23 =	vsel vm0, v40, v43;
	v1 =	vsel vm5, v1, v27  }
0x1d2: {  	vm1 =	vgt.f32 v60, v20;
	v27 =	vld [tilespmem:s29+$0x4C10];
	vm4 =	vgt.f32 v26, v23;
	v30 =	vmul.f32 $1.442695020e+00, v28  }
0x1d3: {  	v19 =	vld [tilespmem:s29+$0x5010];
	vm2 =	vgt.f32 v1, v29;
	v48 =	vsel vm1, v60, v20;
	v20 =	vmul.f32 $1.442695020e+00, v24  }
0x1d4: {  	v56 =	vmul.f32 $1.442695020e+00, v37;
	v63 =	vsel vm4, v26, v23;
	v23 =	vld [tilespmem:s29+$0x5410];
	(erf) = vpow2.f32 v30  }
0x1d5: {  	v34 =	vsel vm1, v9, v8;
	v26 =	vld [tilespmem:s29+$0x5810];
	v30 =	vmul.f32 $1.442695020e+00, v22;
	(erf) = vpow2.f32 v62  }
0x1d6: {  	v9 =	vmul.f32 $1.442695020e+00, v5;
	v1 =	vsel vm2, v1, v29;
	v29 =	vld [tilespmem:s29+$0x5C10];
	(erf) = vpow2.f32 v2  }
0x1d7: {  	v11 =	vsel vm7, v16, v11;
	v50 =	vmul.f32 $1.442695020e+00, v27;
	(erf) = vpow2.f32 v30;
	v30 =	vld [tilespmem:s29+$0x6010]  }
0x1d8: {  	v32 =	vld [tilespmem:s29+$0x6410];
	v51 =	vsel vm8, v4, v3;
	v3 =	vmul.f32 $1.442695020e+00, v19;
	(erf) = vpow2.f32 v20  }
0x1d9: {  	v16 =	vld [tilespmem:s29+$0x3C00];
	v10 =	vsel vm0, v13, v10;
	v47 =	vpop (erf);
	v4 =	vmul.f32 $1.442695020e+00, v23;
	(erf) = vpow2.f32 v49  }
0x1da: {  	v7 =	vsel vm3, v51, v35;
	v2 =	vpop (erf);
	v13 =	vmul.f32 $1.442695020e+00, v26;
	v20 =	vld [tilespmem:s29+$0x3800];
	(erf) = vpow2.f32 v50  }
0x1db: {  	v12 =	vsel vm5, v17, v12;
	v41 =	vpop (erf);
	v52 =	vmul.f32 $1.442695020e+00, v29;
	(erf) = vpow2.f32 v3  }
0x1dc: {  	v60 =	vmax.f32 v31, v33;
	v3 =	vpop (erf);
	(erf) = vpow2.f32 v4;
	v55 =	vmul.f32 $1.442695020e+00, v30  }
0x1dd: {  	v40 =	vmax.f32 v28, v37;
	(erf) = vpow2.f32 v13;
	v46 =	vpop (erf);
	v13 =	vmul.f32 $1.442695020e+00, v32  }
0x1de: {  	v10 =	vsel vm4, v11, v10;
	v11 =	vmul.f32 $1.442695020e+00, v16;
	v42 =	vpop (erf);
	(erf) = vpow2.f32 v52  }
0x1df: {  	v36 =	vsel vm2, v12, v14;
	v6 =	vmul.f32 $1.442695020e+00, v20;
	v58 =	vpop (erf);
	(erf) = vpow2.f32 v55  }
0x1e0: {  	vm8 =	vgt.f32 v63, v0;
	vm0 =	vgt.f32 v48, v1;
	v17 =	vpop (erf);
	(erf) = vpow2.f32 v13  }
0x1e1: {  	v0 =	vsel vm8, v63, v0;
	v1 =	vsel vm0, v48, v1;
	v34 =	vsel vm0, v34, v36;
	v4 =	vld [tilespmem:s29+$0x4000];
	v13 =	vpop (erf)  }
0x1e2: {  	vm1 =	vgt.f32 v1, v0;
	v0 =	vsel vm8, v10, v7;
	(erf) = vpow2.f32 v56;
	v59 =	vpop (erf)  }
0x1e3: {  	v44 =	vld [tilespmem:s29+$0xB810];
	v2 =	vadd.f32 v2, v47;
	v0 =	vsel vm1, v34, v0;
	(erf) = vpow2.f32 v6;
	v6 =	vpop (erf)  }
0x1e4: {  	v8 =	vld [tilespmem:s29+$0x4C00];
	v62 =	vmax.f32 v22, v24;
	v63 =	vmax.f32 v25, v27;
	vm0 =	veq.f32 v0, v18;
	v14 =	vpop (erf)  }
0x1e5: {  	v36 =	vld [tilespmem:s29+$0xD810];
	v2 =	vadd.f32 v2, v61;
	v52 =	vmax.f32 v19, v23;
	v42 =	vadd.f32 v58, v42;
	v1 =	vpop (erf)  }
0x1e6: {  	v7 =	vld [tilespmem:s29+$0x4800];
	v58 =	vmax.f32 v30, v32;
	v12 =	vmul.f32 $1.442695020e+00, v4;
	v56 =	vmax.f32 v26, v29;
	v61 =	vpop (erf)  }
0x1e7: {  	v10 =	vld [tilespmem:s29+$0x5400];
	v17 =	vadd.f32 v13, v17;
	v47 =	vmax.f32 v56, v58;
	(erf) = vpow2.f32 v11;
	v55 =	vpop (erf)  }
0x1e8: {  	v0 =	vld [tilespmem:s29+$0xAC10];
	v48 =	vmax.f32 v47, v40;
	(erf) = vpow2.f32 v12;
	v6 =	vadd.f32 v6, v59;
	v13 =	vpop (erf)  }
0x1e9: {  	v11 =	vld [tilespmem:s29+$0x5800];
	v59 =	vmax.f32 v60, v62;
	v17 =	vadd.f32 v17, v42;
	v1 =	vadd.f32 v1, v14;
	v14 =	vpop (erf)  }
0x1ea: {  	v40 =	vld [tilespmem:s29+$0xDC10];
	v62 =	vmax.f32 v63, v52;
	v60 =	vadd.f32 v55, v61;
	v61 =	vadd.f32 v14, v13  }
0x1eb: {  	v12 =	vld [tilespmem:s29+$0x5C00];
	v52 =	vmul.f32 v41, v15;
	(erf) = vpow2.f32 v9;
	v1 =	vadd.f32 v1, v6;
	v14 =	vpop (erf)  }
0x1ec: {  	v15 =	vld [tilespmem:s29+$0xA810];
	v35 =	vmax.f32 v59, v62;
	v63 =	vadd.f32 v14, v46;
	v6 =	vadd.f32 v61, v60  }
0x1ed: {  	v18 =	vmul.f32 $1.442695020e+00, v7;
	v45 =	vmax.f32 v7, v8;
	v42 =	vld [tilespmem:s29+$0xB410];
	v35 =	vmax.f32 v35, v48  }
0x1ee: {  	v9 =	vld [tilespmem:s29+$0x5000];
	v50 =	vmul.f32 $1.442695020e+00, v35;
	v1 =	vadd.f32 v1, v17;
	v49 =	vadd.f32 v63, v6  }
0x1ef: {  	v51 =	vmax.f32 v4, v5;
	v59 =	vmul.f32 $1.442695020e+00, v10;
	v48 =	vld [tilespmem:s29+$0xBC10];
	v55 =	vmul.f32 $1.442695020e+00, v8  }
0x1f0: {  	vm2 =	vgt.f32 v40, v36;
	(erf) = vpow2.f32 v50;
	v13 =	vld [tilespmem:s29+$0x6000];
	v56 =	vpop (erf);
	v1 =	vadd.f32 v49, v1  }
0x1f1: {  	v62 =	vmul.f32 $1.442695020e+00, v12;
	vm1 =	vgt.f32 v0, v15;
	v17 =	vadd.f32 v2, v38;
	v14 =	vld [tilespmem:s29+$0x6400];
	v58 =	vpop (erf)  }
0x1f2: {  	v2 =	vmax.f32 v20, v16;
	v38 =	vld [tilespmem:s29+$0xB010];
	v34 =	vadd.f32 v58, v56;
	(erf) = vrcp.f32 v1  }
0x1f3: {  	v60 =	vpop (erf);
	v58 =	vld [tilespmem:s29+$0xC810];
	v1 =	vmax.f32 v2, v51;
	v2 =	vmul.f32 $1.442695020e+00, v9;
	(erf) = vpow2.f32 v18  }
0x1f4: {  	v0 =	vsel vm1, v0, v15;
	vm3 =	vgt.f32 v48, v44;
	v49 =	vld [tilespmem:s29+$0xC010];
	v18 =	vpop (erf);
	(erf) = vpow2.f32 v55  }
0x1f5: {  	v61 =	vmul.f32 $1.442695020e+00, v11;
	v18 =	vadd.f32 v18, v60;
	v55 =	vld [tilespmem:s29+$0xC410];
	(erf) = vpow2.f32 v2  }
0x1f6: {  	v44 =	vsel vm3, v48, v44;
	v60 =	vmax.f32 v13, v14;
	(erf) = vpow2.f32 v59;
	v59 =	vld [tilespmem:s29+$0xCC10]  }
0x1f7: {  	v34 =	vadd.f32 v18, v34;
	v18 =	vmax.f32 v11, v12;
	(erf) = vpow2.f32 v61;
	v61 =	vld [tilespmem:s29+$0xD010]  }
0x1f8: {  	v56 =	vmax.f32 v9, v10;
	v63 =	vmul.f32 $1.442695020e+00, v13;
	v47 =	vmax.f32 v18, v60;
	v18 =	vld [tilespmem:s29+$0xD410]  }
0x1f9: {  	v45 =	vmax.f32 v45, v56;
	(erf) = vpow2.f32 v62;
	v62 =	vsel vm15, $0x3F800000, v54  }
0x1fa: {  	v2 =	vmul.f32 $1.442695020e+00, v14;
	(erf) = vpow2.f32 v63;
	[tilespmem:v21+s22+$0x0] =	vst.idx.add.f32.msk $0xffff, v62;
	v21 =	vsel vm2, v37, v28  }
0x1fb: {  	v28 =	vsel vm1, v33, v31;
	v31 =	vsel vm2, v40, v36;
	vm2 =	vgt.f32 v42, v38  }
0x1fc: {  	vm1 =	vgt.f32 v55, v49;
	(erf) = vpow2.f32 v2;
	v42 =	vsel vm2, v42, v38  }
0x1fd: {  	v48 =	vsel vm1, v55, v49;
	vm4 =	vgt.f32 v59, v58;
	vm5 =	vgt.f32 v18, v61  }
0x1fe: {  	v22 =	vsel vm2, v24, v22;
	v49 =	vsel vm4, v59, v58;
	v51 =	vsel vm5, v18, v61  }
0x1ff: {  	v15 =	vld [tilespmem:s29+$0x6800];
	v63 =	vpop (erf);
	vm6 =	vgt.f32 v42, v0;
	vm7 =	vgt.f32 v48, v44;
	vm8 =	vgt.f32 v51, v49  }
0x200: {  	v2 =	vpop (erf);
	v0 =	vsel vm6, v42, v0;
	v55 =	vsel vm7, v48, v44;
	v56 =	vsel vm8, v51, v49  }
0x201: {  	v2 =	vmul.f32 v2, v63;
	vm2 =	vgt.f32 v55, v0;
	vm9 =	vgt.f32 v31, v56  }
0x202: {  	v24 =	vsel vm3, v27, v25;
	v18 =	vld [tilespmem:s29+$0x6C00];
	v0 =	vsel vm2, v55, v0;
	v25 =	vsel vm9, v31, v56  }
0x203: {  	v1 =	vmax.f32 v1, v45;
	v27 =	vld [tilespmem:s29+$0xA800];
	vm3 =	vgt.f32 v25, v0;
	v0 =	vmul.f32 $1.500000000e+01, v2  }
0x204: {  	v19 =	vsel vm1, v23, v19;
	v58 =	vmul.f32 $1.442695020e+00, v15;
	v59 =	vld [tilespmem:s29+$0xB000];
	v26 =	vsel vm4, v29, v26  }
0x205: {  	v29 =	vld [tilespmem:s29+$0xB400];
	v22 =	vsel vm6, v22, v28;
	v30 =	vsel vm5, v32, v30;
	v0 =	vtrunc.f32 v0  }
0x206: {  	v23 =	vpop (erf);
	v19 =	vsel vm7, v19, v24;
	v61 =	vld [tilespmem:s29+$0xB800];
	v24 =	vsel vm8, v30, v26;
	v0 =	vcvt.f32.s32 v0  }
0x207: {  	v60 =	vpop (erf);
	v22 =	vsel vm2, v19, v22;
	v21 =	vsel vm9, v21, v24;
	v31 =	vmax.f32 v15, v18;
	v25 =	vld [tilespmem:s29+$0xAC00]  }
0x208: {  	v26 =	vpop (erf);
	v30 =	vld [tilespmem:s29+$0xBC00];
	v31 =	vmax.f32 v47, v31;
	v21 =	vsel vm3, v21, v22;
	vm1 =	vlt.s32 v0, $0xE  }
0x209: {  	v23 =	vadd.f32 v60, v23;
	v24 =	vpop (erf);
	v19 =	vmax.f32 v1, v31;
	v1 =	vld [tilespmem:s29+$0xC000];
	v0 =	vnsel vm1, $0xE, v0  }
0x20a: {  	vm15 =	vgt.f32 v29, v59;
	v22 =	vpop (erf);
	v24 =	vadd.f32 v24, v26;
	v31 =	vld [tilespmem:s29+$0xC400];
	v0 =	vshll.u32 v0, $0x4  }
0x20b: {  	v62 =	vld [tilespmem:s29+$0xC800];
	v28 =	vmul.f32 $1.442695020e+00, v18;
	vm2 =	veq.f32 v21, v35;
	v21 =	vpop (erf);
	v0 =	vor.u32 v53, v0  }
0x20c: {  	v63 =	vld [tilespmem:s29+$0xD400];
	v23 =	vadd.f32 v24, v23;
	v26 =	vpop (erf);
	(erf) = vpow2.f32 v58;
	vm1 =	vgt.f32 v25, v27  }
0x20d: {  	v21 =	vadd.f32 v21, v22;
	v22 =	vpop (erf);
	(erf) = vpow2.f32 v28;
	v39 =	vsel vm1, v25, v27;
	v27 =	vld [tilespmem:s29+$0xCC00]  }
0x20e: {  	v22 =	vadd.f32 v22, v26;
	v26 =	vld [tilespmem:s29+$0xD000];
	v24 =	vsel vm1, v16, v20;
	v16 =	vmul.f32 $1.442695020e+00, v19  }
0x20f: {  	v20 =	vsel vm15, v29, v59;
	vm1 =	vgt.f32 v30, v61;
	vm4 =	vgt.f32 v31, v1  }
0x210: {  	(erf) = vrcp.f32 v17;
	v28 =	vadd.f32 v22, v21;
	v21 =	vadd.f32 v23, v34;
	[tilespmem:v0+s20+$0x0] =	vst.idx.add.f32.msk $0xffff, v57  }
0x211: {  	(erf) = vpow2.f32 v16;
	v34 =	vsel vm14, $0x3F800000, v54;
	[tilespmem:v0+s21+$0x0] =	vst.idx.add.f32.msk $0xffff, v2;
	v2 =	vsel vm2, $0x3F800000, v54  }
0x212: {  	v23 =	vsel vm1, v30, v61;
	v30 =	vsel vm4, v31, v1;
	[tilespmem:v0+s22+$0x0] =	vst.idx.add.f32.msk $0xffff, v2;
	v0 =	vmul.f32 $1.500000000e+01, v52  }
0x213: {  	v25 =	vld [tilespmem:s29+$0xD800];
	v31 =	vsel vm0, $0x3F800000, v54;
	vm3 =	vgt.f32 v63, v26;
	vm2 =	vgt.f32 v27, v62  }
0x214: {  	s0 =	simm.s32 $0x4;
	v29 =	vsel vm3, v63, v26;
	v26 =	vld [tilespmem:s29+$0xDC00];
	s29 =	simm.s32 $0x180;
	v27 =	vsel vm2, v27, v62;
	v37 =	vtrunc.f32 v0  }
.LBB2_5:
0x215: {  	s30 =	sshra.s32 s29, $0x2  }
0x216: {  	vm8 =	vgt.f32 v30, v23;
	v22 =	vld [tilespmem:s30+$0x6810]  }
0x217: {  	v1 =	vsel vm8, v30, v23;
	v23 =	vld [tilespmem:s30+$0x3810]  }
0x218: {  	v33 =	vld [tilespmem:s30+$0x5810]  }
0x219: {  	[tilespmem:$0x1FFB0] =	vst v34;
	v34 =	vld [tilespmem:s30+$0x5C10]  }
0x21a: {  	v35 =	vld [tilespmem:s30+$0x6010]  }
0x21b: {  	vm14 =	vgt.f32 v20, v39;
	vm7 =	vgt.f32 v29, v27;
	v36 =	vld [tilespmem:s30+$0x6410]  }
0x21c: {  	v59 =	vcvt.f32.s32 v37;
	v4 =	vsel vm15, v5, v4;
	v5 =	vsel vm1, v8, v7;
	v40 =	vld [tilespmem:s30+$0x3C00]  }
0x21d: {  	v7 =	vsel vm4, v10, v9;
	v9 =	vsel vm2, v12, v11;
	v10 =	vsel vm3, v14, v13;
	v38 =	vld [tilespmem:s30+$0x6C10];
	v2 =	vpop (erf)  }
0x21e: {  	v0 =	vsel vm14, v20, v39;
	v32 =	vsel vm7, v29, v27;
	vm6 =	vgt.f32 v26, v25;
	v20 =	vpop (erf)  }
0x21f: {  	[tilespmem:$0x1FFD0] =	vst v31;
	vm5 =	vgt.f32 v1, v0;
	v31 =	vsel vm6, v26, v25;
	v26 =	vld [tilespmem:s30+$0x4010];
	v2 =	vadd.f32 v20, v2  }
0x220: {  	vm1 =	vlt.s32 v59, $0xE;
	v25 =	vld [tilespmem:s30+$0x3C10];
	v0 =	vsel vm5, v1, v0;
	vm0 =	vgt.f32 v31, v32  }
0x221: {  	v1 =	vmul.f32 $1.442695020e+00, v23;
	v13 =	vmul.f32 $1.442695020e+00, v40;
	v2 =	vadd.f32 v2, v28  }
0x222: {  	v27 =	vld [tilespmem:s30+$0x4410];
	v51 =	vmax.f32 v22, v38;
	v57 =	vmax.f32 v33, v34;
	v63 =	vmax.f32 v35, v36;
	v8 =	vpop (erf)  }
0x223: {  	v6 =	vmul.f32 v8, v3;
	v3 =	vpop (erf);
	v8 =	vmul.f32 $1.442695020e+00, v22;
	v28 =	vld [tilespmem:s30+$0x4810];
	v2 =	vadd.f32 v2, v21  }
0x224: {  	v29 =	vld [tilespmem:s30+$0x4C10];
	v20 =	vimm.f32 $0.0e+00;
	v11 =	vmul.f32 $1.442695020e+00, v26;
	[tilespmem:$0x1FFE0] =	vst v3;
	v3 =	vmul.f32 $1.442695020e+00, v33  }
0x225: {  	v30 =	vld [tilespmem:s30+$0x5010];
	v50 =	vmax.f32 v23, v25;
	(erf) = vpow2.f32 v8;
	[tilespmem:$0x1FFA0] =	vst v2;
	v2 =	vmul.f32 $1.442695020e+00, v25  }
0x226: {  	v37 =	vmul.f32 $1.500000000e+01, v6;
	v8 =	vsel vm0, v31, v32;
	v32 =	vld [tilespmem:s30+$0x5410];
	(erf) = vpow2.f32 v1  }
0x227: {  	v1 =	vsel vm14, v4, v24;
	v4 =	vmul.f32 $1.442695020e+00, v27;
	(erf) = vpow2.f32 v2  }
0x228: {  	v2 =	vsel vm8, v7, v5;
	v5 =	vmul.f32 $1.442695020e+00, v28;
	(erf) = vpow2.f32 v11  }
0x229: {  	v7 =	vsel vm7, v10, v9;
	v9 =	vmul.f32 $1.442695020e+00, v29;
	(erf) = vpow2.f32 v4  }
0x22a: {  	v53 =	vmax.f32 v26, v27;
	v10 =	vmul.f32 $1.442695020e+00, v30;
	(erf) = vpow2.f32 v5  }
0x22b: {  	v50 =	vmax.f32 v50, v53;
	v5 =	vmul.f32 $1.442695020e+00, v32;
	(erf) = vpow2.f32 v9  }
0x22c: {  	vm2 =	vgt.f32 v8, v0;
	v8 =	vmul.f32 $1.442695020e+00, v35;
	(erf) = vpow2.f32 v10  }
0x22d: {  	v24 =	vld [tilespmem:s30+$0x3800];
	v1 =	vsel vm5, v2, v1;
	v2 =	vmul.f32 $1.442695020e+00, v34;
	(erf) = vpow2.f32 v5  }
0x22e: {  	v54 =	vmax.f32 v28, v29;
	v4 =	vsel vm6, v18, v15;
	v0 =	vpop (erf);
	(erf) = vpow2.f32 v3  }
0x22f: {  	v7 =	vsel vm0, v4, v7;
	v4 =	vld [tilespmem:s30+$0x4000];
	v10 =	vmul.f32 $1.442695020e+00, v36;
	v60 =	vpop (erf);
	(erf) = vpow2.f32 v2  }
0x230: {  	v55 =	vmax.f32 v30, v32;
	v9 =	vnsel vm1, $0xE, v59;
	v5 =	vld [tilespmem:s30+$0x4400];
	v41 =	vpop (erf);
	(erf) = vpow2.f32 v8  }
0x231: {  	v1 =	vsel vm2, v7, v1;
	v7 =	vld [tilespmem:s30+$0x4800];
	v2 =	vmul.f32 $1.442695020e+00, v38;
	v42 =	vpop (erf);
	(erf) = vpow2.f32 v10  }
0x232: {  	v12 =	vmul.f32 $1.442695020e+00, v24;
	v11 =	vshll.u32 v9, $0x4;
	vm0 =	veq.f32 v1, v19;
	v9 =	vld [tilespmem:s30+$0x5000];
	v19 =	vpop (erf)  }
0x233: {  	v58 =	vld [tilespmem:s30+$0xA800];
	v21 =	vlaneseq.u32;
	v54 =	vmax.f32 v54, v55;
	(erf) = vpow2.f32 v2;
	v43 =	vpop (erf)  }
0x234: {  	v31 =	vor.u32 v21, v11;
	v11 =	vld [tilespmem:s30+$0x5800];
	v3 =	vmul.f32 $1.442695020e+00, v4;
	(erf) = vpow2.f32 v12;
	v44 =	vpop (erf)  }
0x235: {  	v1 =	vmax.f32 v24, v40;
	v8 =	vld [tilespmem:s30+$0x4C00];
	v15 =	vmul.f32 $1.442695020e+00, v5;
	(erf) = vpow2.f32 v13;
	v2 =	vpop (erf)  }
0x236: {  	v53 =	vld [tilespmem:s30+$0xD810];
	v45 =	vmul.f32 $1.442695020e+00, v7;
	v14 =	vmax.f32 v4, v5;
	(erf) = vpow2.f32 v3;
	v48 =	vpop (erf)  }
0x237: {  	v10 =	vld [tilespmem:s30+$0x5400];
	v49 =	vmul.f32 $1.442695020e+00, v9;
	v1 =	vmax.f32 v1, v14;
	(erf) = vpow2.f32 v15;
	v61 =	vpop (erf)  }
0x238: {  	v19 =	vadd.f32 v19, v42;
	v42 =	vmax.f32 v57, v63;
	v43 =	vadd.f32 v44, v43;
	v44 =	vld [tilespmem:s30+$0xDC10];
	v56 =	vpop (erf)  }
0x239: {  	v12 =	vld [tilespmem:s30+$0x5C00];
	v63 =	vmax.f32 v50, v54;
	v54 =	vmul.f32 $1.442695020e+00, v11;
	v42 =	vmax.f32 v42, v51;
	v62 =	vpop (erf)  }
0x23a: {  	v13 =	vld [tilespmem:s30+$0x6000];
	v46 =	vmax.f32 v7, v8;
	v3 =	vadd.f32 v41, v60;
	v2 =	vadd.f32 v48, v2;
	v39 =	vpop (erf)  }
0x23b: {  	v17 =	vmovc v52;
	[tilespmem:$0x1FFC0] =	vst v6;
	v47 =	vmul.f32 $1.442695020e+00, v8;
	v48 =	vld [tilespmem:s30+$0xAC00];
	v6 =	vadd.f32 v56, v61;
	v41 =	vadd.f32 v39, v62  }
0x23c: {  	v52 =	vld [tilespmem:s30+$0xB010];
	v55 =	vmul.f32 $1.442695020e+00, v10;
	v3 =	vadd.f32 v19, v3;
	v2 =	vadd.f32 v2, v43;
	v59 =	vpop (erf)  }
0x23d: {  	v18 =	vld [tilespmem:s30+$0x6C00];
	vm5 =	vgt.f32 v44, v53;
	v0 =	vadd.f32 v59, v0;
	v60 =	vpop (erf);
	v61 =	vadd.f32 v41, v6  }
0x23e: {  	v14 =	vld [tilespmem:s30+$0x6400];
	v57 =	vmul.f32 $1.442695020e+00, v12;
	v2 =	vadd.f32 v2, v3;
	v22 =	vsel vm5, v38, v22;
	v62 =	vpop (erf)  }
0x23f: {  	v51 =	vld [tilespmem:s30+$0xAC10];
	v59 =	vmul.f32 $1.442695020e+00, v13;
	v41 =	vmax.f32 v63, v42;
	v50 =	vpop (erf);
	v0 =	vadd.f32 v0, v61  }
0x240: {  	v15 =	vld [tilespmem:s30+$0x6800];
	vm1 =	vgt.f32 v48, v58;
	v39 =	vadd.f32 v62, v60;
	v42 =	vmul.f32 $1.442695020e+00, v41;
	v19 =	vpop (erf)  }
0x241: {  	v60 =	vld [tilespmem:s30+$0xB410];
	v61 =	vmax.f32 v9, v10;
	v19 =	vadd.f32 v19, v50;
	v0 =	vadd.f32 v0, v2  }
0x242: {  	v63 =	vld [tilespmem:s30+$0xBC10];
	v24 =	vsel vm1, v40, v24;
	(erf) = vpow2.f32 v42;
	v46 =	vmax.f32 v46, v61  }
0x243: {  	v50 =	vld [tilespmem:s30+$0xB810];
	v2 =	vmul.f32 $1.442695020e+00, v14;
	v42 =	vadd.f32 v19, v39;
	(erf) = vrcp.f32 v0  }
0x244: {  	v56 =	vld [tilespmem:s30+$0xA810];
	v19 =	vmax.f32 v11, v12;
	v39 =	vmax.f32 v13, v14;
	(erf) = vpow2.f32 v45  }
0x245: {  	v1 =	vmax.f32 v1, v46;
	v46 =	vld [tilespmem:s30+$0xCC10];
	v19 =	vmax.f32 v19, v39;
	(erf) = vpow2.f32 v47  }
0x246: {  	v0 =	vld [tilespmem:s30+$0xC010];
	v39 =	vsel vm1, v48, v58;
	vm1 =	vgt.f32 v60, v52;
	(erf) = vpow2.f32 v49  }
0x247: {  	v45 =	vld [tilespmem:s30+$0xC410];
	v27 =	vsel vm1, v27, v26;
	v52 =	vsel vm1, v60, v52;
	(erf) = vpow2.f32 v55  }
0x248: {  	v47 =	vld [tilespmem:s30+$0xC810];
	vm2 =	vgt.f32 v63, v50;
	v49 =	vmax.f32 v15, v18;
	(erf) = vpow2.f32 v54  }
0x249: {  	v28 =	vsel vm2, v29, v28;
	v50 =	vsel vm2, v63, v50;
	(erf) = vpow2.f32 v57  }
0x24a: {  	v19 =	vmax.f32 v19, v49;
	v49 =	vld [tilespmem:s30+$0xD010];
	v55 =	vsel vm0, $0x3F800000, v20;
	(erf) = vpow2.f32 v59  }
0x24b: {  	vm0 =	vgt.f32 v51, v56;
	v19 =	vmax.f32 v1, v19;
	v1 =	vld [tilespmem:s30+$0xD410];
	(erf) = vpow2.f32 v2;
	v2 =	vpop (erf)  }
0x24c: {  	v23 =	vsel vm0, v25, v23;
	v51 =	vsel vm0, v51, v56;
	vm3 =	vgt.f32 v45, v0;
	v61 =	vpop (erf)  }
0x24d: {  	vm0 =	vgt.f32 v52, v51;
	vm6 =	vgt.f32 v46, v47;
	v2 =	vmul.f32 v61, v2  }
0x24e: {  	v29 =	vsel vm3, v32, v30;
	v0 =	vsel vm3, v45, v0;
	v51 =	vsel vm0, v52, v51  }
0x24f: {  	v16 =	vld [tilespmem:s30+$0xC800];
	v23 =	vsel vm0, v27, v23;
	v30 =	vsel vm6, v34, v33;
	v25 =	vmul.f32 $1.500000000e+01, v2  }
0x250: {  	v3 =	vld [tilespmem:s30+$0xC400];
	v45 =	vsel vm6, v46, v47;
	vm2 =	vgt.f32 v0, v50;
	vm4 =	vgt.f32 v1, v49  }
0x251: {  	v48 =	vld [tilespmem:s30+$0xB000];
	v0 =	vsel vm2, v0, v50;
	v34 =	vsel vm4, v36, v35;
	v25 =	vtrunc.f32 v25  }
0x252: {  	v60 =	vld [tilespmem:s30+$0xD400];
	v58 =	vpop (erf);
	v35 =	vsel vm5, v44, v53;
	v1 =	vsel vm4, v1, v49;
	v53 =	vcvt.f32.s32 v25  }
0x253: {  	v26 =	vld [tilespmem:s30+$0xDC00];
	v28 =	vsel vm2, v29, v28;
	vm0 =	vgt.f32 v0, v51;
	v38 =	vpop (erf);
	vm3 =	vgt.f32 v1, v45  }
0x254: {  	v54 =	vld [tilespmem:s30+$0xB400];
	v0 =	vsel vm0, v0, v51;
	v6 =	vpop (erf);
	v1 =	vsel vm3, v1, v45;
	vm1 =	vlt.s32 v53, $0xE  }
0x255: {  	v57 =	vld [tilespmem:s30+$0xB800];
	v23 =	vsel vm0, v28, v23;
	v32 =	vpop (erf);
	v63 =	vnsel vm1, $0xE, v53;
	vm1 =	vgt.f32 v35, v1  }
0x256: {  	v59 =	vld [tilespmem:s30+$0xBC00];
	v29 =	vsel vm3, v34, v30;
	v36 =	vpop (erf);
	v6 =	vadd.f32 v32, v6;
	v1 =	vsel vm1, v35, v1  }
0x257: {  	v33 =	vld [tilespmem:s30+$0xCC00];
	v56 =	vpop (erf);
	v27 =	vshll.u32 v63, $0x4;
	vm0 =	vgt.f32 v1, v0;
	v0 =	vadd.f32 v38, v58  }
0x258: {  	v61 =	vld [tilespmem:s30+$0xC000];
	v46 =	vpop (erf);
	v22 =	vsel vm1, v22, v29;
	v27 =	vor.u32 v21, v27  }
0x259: {  	v44 =	vld [tilespmem:s30+$0xD000];
	v47 =	vpop (erf);
	v1 =	vsel vm0, v22, v23;
	v0 =	vadd.f32 v6, v0  }
0x25a: {  	v25 =	vld [tilespmem:s30+$0xD800];
	v22 =	vadd.f32 v47, v46;
	vm0 =	veq.f32 v1, v41;
	v1 =	vadd.f32 v56, v36  }
0x25b: {  	v21 =	vadd.f32 v0, v42;
	v0 =	vld [tilespmem:$0x1FFC0]  }
0x25c: {  	v63 =	vimm.f32 $1.000000000e+00;
	v28 =	vadd.f32 v22, v1;
	v1 =	vld [tilespmem:$0x1FFB0]  }
0x25d: {  	[tilespmem:v27+s20+$0x0] =	vst.idx.add.f32.msk $0xffff, v63  }
0x25e: {  	[tilespmem:v27+s21+$0x0] =	vst.idx.add.f32.msk $0xffff, v2  }
0x25f: {  	s0 =	sadd.s32 $0x2, s0;
	v37 =	vtrunc.f32 v37;
	v62 =	vmul.f32 $1.442695020e+00, v15;
	v2 =	vld [tilespmem:$0x1FFA0]  }
0x260: {  	p0 =	slt.u32 s0, $0x3E;
	v43 =	vmul.f32 $1.442695020e+00, v18;
	v40 =	vmul.f32 $1.442695020e+00, v19;
	vm4 =	vgt.f32 v3, v61;
	v52 =	vmovc v0;
	v0 =	vld [tilespmem:$0x1FFD0]  }
.Ltmp1:
0x261: {  	vm15 =	vgt.f32 v54, v48;
	v30 =	vsel vm4, v3, v61;
	v3 =	vld [tilespmem:$0x1FFE0];
	(erf) = vpow2.f32 v62;
	(pc) =	sbr.rel @p0 .LBB2_5-.Ltmp1, $4  }
0x262: {  	vm2 =	vgt.f32 v33, v16;
	vm3 =	vgt.f32 v60, v44;
	(erf) = vpow2.f32 v43;
	[tilespmem:v31+s20+$0x0] =	vst.idx.add.f32.msk $0xffff, v63  }
0x263: {  	vm1 =	vgt.f32 v59, v57;
	v29 =	vsel vm3, v60, v44;
	[tilespmem:v31+s21+$0x0] =	vst.idx.add.f32.msk $0xffff, v17;
	v23 =	vsel vm0, $0x3F800000, v20  }
0x264: {  	v20 =	vsel vm15, v54, v48;
	[tilespmem:v27+s22+$0x0] =	vst.idx.add.f32.msk $0xffff, v23;
	v23 =	vsel vm1, v59, v57;
	(erf) = vrcp.f32 v2  }
0x265: {  	s29 =	sadd.s32 $0x80, s29;
	v17 =	vimm.f32 $0.0e+00;
	v27 =	vsel vm2, v33, v16;
	[tilespmem:v31+s22+$0x0] =	vst.idx.add.f32.msk $0xffff, v1;
	v31 =	vmovc v55;
	(erf) = vpow2.f32 v40;
	v34 =	vmovc v0  }
0x266: {  	_ =	sdelay $0x3  }
0x267: {  	v0 =	vpop (erf)  }
0x268: {  	v1 =	vpop (erf)  }
0x269: {  	v0 =	vadd.f32 v1, v0;
	_ =	sdelay $0x1  }
0x26a: {  	v0 =	vadd.f32 v0, v28;
	_ =	sdelay $0x1  }
0x26b: {  	v0 =	vadd.f32 v0, v21;
	_ =	sdelay $0x1  }
0x26c: {  	(erf) = vrcp.f32 v0;
	_ =	sdelay $0x5  }
0x26d: {  	v49 =	vpop (erf)  }
0x26e: {  	vm6 =	vgt.f32 v20, v39;
	vm0 =	vgt.f32 v30, v23;
	v0 =	vmul.f32 v49, v3  }
0x26f: {  	vm5 =	vgt.f32 v29, v27;
	v51 =	vcvt.f32.s32 v37;
	vm7 =	vgt.f32 v26, v25;
	v50 =	vpop (erf)  }
0x270: {  	v56 =	vlaneseq.u32;
	v4 =	vsel vm15, v5, v4;
	v6 =	vmul.f32 $1.500000000e+01, v0;
	v16 =	vpop (erf)  }
0x271: {  	v5 =	vsel vm1, v8, v7;
	v7 =	vsel vm4, v10, v9;
	v1 =	vmul.f32 v16, v50  }
0x272: {  	v8 =	vsel vm2, v12, v11;
	vm8 =	vlt.s32 v51, $0xE;
	v6 =	vtrunc.f32 v6  }
0x273: {  	v3 =	vnsel vm8, $0xE, v51;
	v6 =	vcvt.f32.s32 v6;
	v55 =	vmul.f32 $1.500000000e+01, v1  }
0x274: {  	v57 =	vsel vm3, v14, v13;
	v60 =	vimm.f32 $1.000000000e+00;
	v3 =	vshll.u32 v3, $0x4  }
0x275: {  	v3 =	vor.u32 v56, v3;
	vm9 =	vlt.s32 v6, $0xE;
	v21 =	vtrunc.f32 v55  }
0x276: {  	v2 =	vsel vm6, v20, v39;
	v6 =	vnsel vm9, $0xE, v6;
	v21 =	vcvt.f32.s32 v21  }
0x277: {  	v53 =	vsel vm0, v30, v23;
	v54 =	vsel vm7, v26, v25;
	v6 =	vshll.u32 v6, $0x4  }
0x278: {  	v22 =	vsel vm5, v29, v27;
	v6 =	vor.u32 v56, v6;
	vm4 =	vlt.s32 v21, $0xE  }
0x279: {  	v4 =	vsel vm6, v4, v24;
	v5 =	vsel vm0, v7, v5;
	v58 =	vnsel vm4, $0xE, v21  }
0x27a: {  	v7 =	vsel vm5, v57, v8;
	v61 =	vsel vm7, v18, v15;
	[tilespmem:v3+s20+$0x0] =	vst.idx.add.f32.msk $0xffff, v60;
	v10 =	vshll.u32 v58, $0x4  }
0x27b: {  	vm8 =	vgt.f32 v53, v2;
	[tilespmem:v3+s21+$0x0] =	vst.idx.add.f32.msk $0xffff, v52;
	v10 =	vor.u32 v56, v10  }
0x27c: {  	s28 =	sadd.s32 $0x1, s28;
	v2 =	vsel vm8, v53, v2;
	vm9 =	vgt.f32 v54, v22;
	[tilespmem:v3+s22+$0x0] =	vst.idx.add.f32.msk $0xffff, v34  }
0x27d: {  	p0 =	sne.s32 s28, $0x10;
	v62 =	vsel vm8, v5, v4;
	v59 =	vsel vm9, v54, v22;
	[tilespmem:v6+s20+$0x0] =	vst.idx.add.f32.msk $0xffff, v60  }
.Ltmp2:
0x27e: {  	v3 =	vsel vm9, v61, v7;
	vm7 =	vgt.f32 v59, v2;
	[tilespmem:v6+s21+$0x0] =	vst.idx.add.f32.msk $0xffff, v0;
	(pc) =	sbr.rel @p0 .LBB2_2-.Ltmp2, $4  }
0x27f: {  	v63 =	vsel vm7, v3, v62;
	[tilespmem:v6+s22+$0x0] =	vst.idx.add.f32.msk $0xffff, v31  }
0x280: {  	vm0 =	veq.f32 v63, v19;
	[tilespmem:v10+s20+$0x0] =	vst.idx.add.f32.msk $0xffff, v60  }
0x281: {  	v0 =	vsel vm0, $0x3F800000, v17;
	[tilespmem:v10+s21+$0x0] =	vst.idx.add.f32.msk $0xffff, v1  }
0x282: {  	v54 =	vimm.f32 $0.0e+00;
	v55 =	vimm.f32 $1.000000000e+00;
	v6 =	vlaneseq.u32;
	[tilespmem:v10+s22+$0x0] =	vst.idx.add.f32.msk $0xffff, v0  }
0x283: {  	v0 =	vld [tilespmem:$0xE000]  }
0x284: {  	v1 =	vld [tilespmem:$0xE010]  }
0x285: {  	v2 =	vld [tilespmem:$0xE020]  }
0x286: {  	v3 =	vld [tilespmem:$0xE030]  }
0x287: {  	v4 =	vld [tilespmem:$0xE040]  }
0x288: {  	v46 =	vld [tilespmem:$0xE050];
	(xrf2) =	vadd.scan.msk.f32 $0xffff, v0  }
0x289: {  	v47 =	vld [tilespmem:$0xE060];
	(xrf2) =	vadd.scan.msk.f32 $0xffff, v1  }
0x28a: {  	v48 =	vld [tilespmem:$0xE070];
	(xrf2) =	vadd.scan.msk.f32 $0xffff, v2  }
0x28b: {  	v49 =	vld [tilespmem:$0xE080];
	(xrf2) =	vadd.scan.msk.f32 $0xffff, v3  }
0x28c: {  	v50 =	vld [tilespmem:$0xE090];
	(xrf2) =	vadd.scan.msk.f32 $0xffff, v4  }
0x28d: {  	v51 =	vld [tilespmem:$0xE0A0];
	(xrf2) =	vadd.scan.msk.f32 $0xffff, v46  }
0x28e: {  	v52 =	vld [tilespmem:$0xE0B0];
	(xrf2) =	vadd.scan.msk.f32 $0xffff, v47  }
0x28f: {  	v53 =	vld [tilespmem:$0xE0C0];
	(xrf2) =	vadd.scan.msk.f32 $0xffff, v48  }
0x290: {  	v56 =	vld [tilespmem:$0xE0D0];
	(xrf2) =	vadd.scan.msk.f32 $0xffff, v49  }
0x291: {  	v57 =	vld [tilespmem:$0xE0E0];
	(xrf2) =	vadd.scan.msk.f32 $0xffff, v50  }
0x292: {  	v5, _, _ =	vpop (xrf2);
	(xrf2) =	vadd.scan.msk.f32 $0xffff, v51  }
0x293: {  	v58 =	vbroadcast v5, $0xF;
	v59, _, _ =	vpop (xrf2);
	(xrf2) =	vadd.scan.msk.f32 $0xffff, v52  }
0x294: {  	vm14 =	veq.s32 v6, $0xF;
	v60 =	vbroadcast v59, $0xF;
	v61, _, _ =	vpop (xrf2);
	(xrf2) =	vadd.scan.msk.f32 $0xffff, v53  }
0x295: {  	vm0 =	vcmask $0x704;
	v0 =	vsel vm14, $0x0, v58;
	v62 =	vbroadcast v61, $0xF;
	v63, _, _ =	vpop (xrf2);
	(xrf2) =	vadd.scan.msk.f32 $0xffff, v56  }
0x296: {  	vm1 =	vcmask $0x73C;
	v0 =	vsel vm0, v60, v0;
	v6 =	vbroadcast v63, $0xF;
	v7, _, _ =	vpop (xrf2);
	(xrf2) =	vadd.scan.msk.f32 $0xffff, v57  }
0x297: {  	vm2 =	vcmask $0xB3C;
	v0 =	vsel vm1, v0, v62;
	v8 =	vbroadcast v7, $0xF;
	v9, _, _ =	vpop (xrf2)  }
0x298: {  	vm3 =	vcmask $0xF3C;
	v0 =	vsel vm2, v0, v6;
	v10 =	vbroadcast v9, $0xF;
	v11, _, _ =	vpop (xrf2)  }
0x299: {  	vm4 =	vcmask $0x133C;
	v0 =	vsel vm3, v0, v8;
	v12 =	vbroadcast v11, $0xF;
	v13, _, _ =	vpop (xrf2)  }
0x29a: {  	vm5 =	vcmask $0x173C;
	v0 =	vsel vm4, v0, v10;
	v14 =	vbroadcast v13, $0xF;
	v15, _, _ =	vpop (xrf2)  }
0x29b: {  	vm6 =	vcmask $0x1B3C;
	v0 =	vsel vm5, v0, v12;
	v16 =	vbroadcast v15, $0xF;
	v17, _, _ =	vpop (xrf2)  }
0x29c: {  	vm7 =	vcmask $0x1F3C;
	v0 =	vsel vm6, v0, v14;
	v18 =	vbroadcast v17, $0xF;
	v19, _, _ =	vpop (xrf2)  }
0x29d: {  	vm8 =	vcmask $0x233C;
	v0 =	vsel vm7, v0, v16;
	v20 =	vbroadcast v19, $0xF;
	v21, _, _ =	vpop (xrf2)  }
0x29e: {  	vm9 =	vcmask $0x273C;
	v0 =	vsel vm8, v0, v18;
	v22 =	vbroadcast v21, $0xF;
	v23, _, _ =	vpop (xrf2)  }
0x29f: {  	v0 =	vsel vm9, v0, v20;
	v24 =	vbroadcast v23, $0xF;
	v25, _, _ =	vpop (xrf2)  }
0x2a0: {  	v0 =	vsel vm10, v0, v22;
	v26 =	vbroadcast v25, $0xF;
	v27, _, _ =	vpop (xrf2)  }
0x2a1: {  	v0 =	vsel vm11, v0, v24;
	v28 =	vbroadcast v27, $0xF  }
0x2a2: {  	v0 =	vsel vm12, v0, v26  }
0x2a3: {  	v0 =	vsel vm13, v0, v28  }
0x2a4: {  	[tilespmem:$0xE300] =	vst v0  }
0x2a5: {  	[hbm4b:s10+s4] =	stream.linear.scatter [tilespmem:s24], [sflag:$0x3], $0x80, $0x38;
	[tilespmem:$0xE380] =	vst v63  }
0x2a6: {  	_ =	swait.ge [sflag:s25], $0x80  }
0x2a7: {  	[sflag:s25] =	ssyncset.done $0x0  }
0x2a8: {  	[sflag:s25] =	ssyncadd.s32 $0xFFFFFF80  }
0x2a9: {  	v29 =	vld [tilespmem:$0xE100]  }
0x2aa: {  	v30 =	vld [tilespmem:$0xE110]  }
0x2ab: {  	v31 =	vld [tilespmem:$0xE120]  }
0x2ac: {  	v32 =	vld [tilespmem:$0xE130]  }
0x2ad: {  	v33 =	vld [tilespmem:$0xE140]  }
0x2ae: {  	v34 =	vld [tilespmem:$0xE150];
	(xrf2) =	vadd.scan.msk.f32 $0xffff, v29  }
0x2af: {  	v35 =	vld [tilespmem:$0xE160];
	(xrf2) =	vadd.scan.msk.f32 $0xffff, v30  }
0x2b0: {  	v36 =	vld [tilespmem:$0xE170];
	(xrf2) =	vadd.scan.msk.f32 $0xffff, v31  }
0x2b1: {  	v37 =	vld [tilespmem:$0xE180];
	(xrf2) =	vadd.scan.msk.f32 $0xffff, v32  }
0x2b2: {  	v38 =	vld [tilespmem:$0xE190];
	(xrf2) =	vadd.scan.msk.f32 $0xffff, v33  }
0x2b3: {  	v39 =	vld [tilespmem:$0xE1A0];
	(xrf2) =	vadd.scan.msk.f32 $0xffff, v34  }
0x2b4: {  	v40 =	vld [tilespmem:$0xE1B0];
	(xrf2) =	vadd.scan.msk.f32 $0xffff, v35  }
0x2b5: {  	v41 =	vld [tilespmem:$0xE1C0];
	(xrf2) =	vadd.scan.msk.f32 $0xffff, v36  }
0x2b6: {  	v42 =	vld [tilespmem:$0xE1D0];
	(xrf2) =	vadd.scan.msk.f32 $0xffff, v37  }
0x2b7: {  	v43 =	vld [tilespmem:$0xE1E0];
	(xrf2) =	vadd.scan.msk.f32 $0xffff, v38  }
0x2b8: {  	v44, _, _ =	vpop (xrf2);
	(xrf2) =	vadd.scan.msk.f32 $0xffff, v39  }
0x2b9: {  	v45 =	vbroadcast v44, $0xF;
	v46, _, _ =	vpop (xrf2);
	(xrf2) =	vadd.scan.msk.f32 $0xffff, v40  }
0x2ba: {  	v47 =	vbroadcast v46, $0xF;
	v48, _, _ =	vpop (xrf2);
	(xrf2) =	vadd.scan.msk.f32 $0xffff, v41  }
0x2bb: {  	v0 =	vsel vm14, $0x0, v45;
	v49 =	vbroadcast v48, $0xF;
	v50, _, _ =	vpop (xrf2);
	(xrf2) =	vadd.scan.msk.f32 $0xffff, v42  }
0x2bc: {  	v0 =	vsel vm0, v47, v0;
	v51 =	vbroadcast v50, $0xF;
	v52, _, _ =	vpop (xrf2);
	(xrf2) =	vadd.scan.msk.f32 $0xffff, v43  }
0x2bd: {  	v0 =	vsel vm1, v0, v49;
	v53 =	vbroadcast v52, $0xF;
	v56, _, _ =	vpop (xrf2)  }
0x2be: {  	v0 =	vsel vm2, v0, v51;
	v57 =	vbroadcast v56, $0xF;
	v58, _, _ =	vpop (xrf2)  }
0x2bf: {  	v0 =	vsel vm3, v0, v53;
	v59 =	vbroadcast v58, $0xF;
	v60, _, _ =	vpop (xrf2)  }
0x2c0: {  	v0 =	vsel vm4, v0, v57;
	v61 =	vbroadcast v60, $0xF;
	v62, _, _ =	vpop (xrf2)  }
0x2c1: {  	v0 =	vsel vm5, v0, v59;
	v63 =	vbroadcast v62, $0xF;
	v6, _, _ =	vpop (xrf2)  }
0x2c2: {  	v0 =	vsel vm6, v0, v61;
	v7 =	vbroadcast v6, $0xF;
	v8, _, _ =	vpop (xrf2)  }
0x2c3: {  	v0 =	vsel vm7, v0, v63;
	v9 =	vbroadcast v8, $0xF;
	v10, _, _ =	vpop (xrf2)  }
0x2c4: {  	v0 =	vsel vm8, v0, v7;
	v11 =	vbroadcast v10, $0xF;
	v12, _, _ =	vpop (xrf2)  }
0x2c5: {  	v0 =	vsel vm9, v0, v9;
	v13 =	vbroadcast v12, $0xF;
	v14, _, _ =	vpop (xrf2)  }
0x2c6: {  	v0 =	vsel vm10, v0, v11;
	v15 =	vbroadcast v14, $0xF;
	v16, _, _ =	vpop (xrf2)  }
0x2c7: {  	v0 =	vsel vm11, v0, v13;
	v17 =	vbroadcast v16, $0xF  }
0x2c8: {  	v0 =	vsel vm12, v0, v15  }
0x2c9: {  	v0 =	vsel vm13, v0, v17  }
0x2ca: {  	[tilespmem:$0xE300] =	vst v0  }
0x2cb: {  	[hbm4b:s11+s4] =	stream.linear.scatter [tilespmem:s24], [sflag:$0x3], $0x80, $0x38;
	[tilespmem:$0xE380] =	vst v63  }
0x2cc: {  	_ =	swait.ge [sflag:s25], $0x80  }
0x2cd: {  	[sflag:s25] =	ssyncset.done $0x0  }
0x2ce: {  	[sflag:s25] =	ssyncadd.s32 $0xFFFFFF80  }
0x2cf: {  	v18 =	vld [tilespmem:$0xE200]  }
0x2d0: {  	v19 =	vld [tilespmem:$0xE210]  }
0x2d1: {  	v20 =	vld [tilespmem:$0xE220]  }
0x2d2: {  	v21 =	vld [tilespmem:$0xE230]  }
0x2d3: {  	v22 =	vld [tilespmem:$0xE240]  }
0x2d4: {  	v23 =	vld [tilespmem:$0xE250];
	(xrf2) =	vadd.scan.msk.f32 $0xffff, v18  }
0x2d5: {  	v24 =	vld [tilespmem:$0xE260];
	(xrf2) =	vadd.scan.msk.f32 $0xffff, v19  }
0x2d6: {  	v25 =	vld [tilespmem:$0xE270];
	(xrf2) =	vadd.scan.msk.f32 $0xffff, v20  }
0x2d7: {  	v26 =	vld [tilespmem:$0xE280];
	(xrf2) =	vadd.scan.msk.f32 $0xffff, v21  }
0x2d8: {  	v27 =	vld [tilespmem:$0xE290];
	(xrf2) =	vadd.scan.msk.f32 $0xffff, v22  }
0x2d9: {  	v28 =	vld [tilespmem:$0xE2A0];
	(xrf2) =	vadd.scan.msk.f32 $0xffff, v23  }
0x2da: {  	v29 =	vld [tilespmem:$0xE2B0];
	(xrf2) =	vadd.scan.msk.f32 $0xffff, v24  }
0x2db: {  	v30 =	vld [tilespmem:$0xE2C0];
	(xrf2) =	vadd.scan.msk.f32 $0xffff, v25  }
0x2dc: {  	v31 =	vld [tilespmem:$0xE2D0];
	(xrf2) =	vadd.scan.msk.f32 $0xffff, v26  }
0x2dd: {  	v32 =	vld [tilespmem:$0xE2E0];
	(xrf2) =	vadd.scan.msk.f32 $0xffff, v27  }
0x2de: {  	v33, _, _ =	vpop (xrf2);
	(xrf2) =	vadd.scan.msk.f32 $0xffff, v28  }
0x2df: {  	v34 =	vbroadcast v33, $0xF;
	v35, _, _ =	vpop (xrf2);
	(xrf2) =	vadd.scan.msk.f32 $0xffff, v29  }
0x2e0: {  	v36 =	vbroadcast v35, $0xF;
	v37, _, _ =	vpop (xrf2);
	(xrf2) =	vadd.scan.msk.f32 $0xffff, v30  }
0x2e1: {  	v38, _, _ =	vpop (xrf2);
	(xrf2) =	vadd.scan.msk.f32 $0xffff, v31;
	v0 =	vsel vm14, $0x0, v34;
	v39 =	vbroadcast v37, $0xF  }
0x2e2: {  	v0 =	vsel vm0, v36, v0;
	v40 =	vbroadcast v38, $0xF;
	v41, _, _ =	vpop (xrf2);
	(xrf2) =	vadd.scan.msk.f32 $0xffff, v32  }
0x2e3: {  	v42, _, _ =	vpop (xrf2);
	v0 =	vsel vm1, v0, v39;
	v2 =	vbroadcast v41, $0xF  }
0x2e4: {  	v43, _, _ =	vpop (xrf2);
	v0 =	vsel vm2, v0, v40;
	v44 =	vbroadcast v42, $0xF  }
0x2e5: {  	v45, _, _ =	vpop (xrf2);
	v0 =	vsel vm3, v0, v2;
	v46 =	vbroadcast v43, $0xF  }
0x2e6: {  	v47, _, _ =	vpop (xrf2);
	v0 =	vsel vm4, v0, v44;
	v48 =	vbroadcast v45, $0xF  }
0x2e7: {  	v49, _, _ =	vpop (xrf2);
	v0 =	vsel vm5, v0, v46;
	v50 =	vbroadcast v47, $0xF  }
0x2e8: {  	v51, _, _ =	vpop (xrf2);
	v0 =	vsel vm6, v0, v48;
	v52 =	vbroadcast v49, $0xF  }
0x2e9: {  	v53, _, _ =	vpop (xrf2);
	v0 =	vsel vm7, v0, v50;
	v56 =	vbroadcast v51, $0xF  }
0x2ea: {  	v57, _, _ =	vpop (xrf2);
	v0 =	vsel vm8, v0, v52;
	v58 =	vbroadcast v53, $0xF  }
0x2eb: {  	v59, _, _ =	vpop (xrf2);
	v0 =	vsel vm9, v0, v56;
	v60 =	vbroadcast v57, $0xF  }
0x2ec: {  	v0 =	vsel vm10, v0, v58;
	v61 =	vbroadcast v59, $0xF;
	v62, _, _ =	vpop (xrf2)  }
0x2ed: {  	v0 =	vsel vm11, v0, v60;
	v63 =	vbroadcast v62, $0xF  }
0x2ee: {  	s26 =	sadd.s32 $0x1, s26;
	v0 =	vsel vm12, v0, v61  }
0x2ef: {  	p0 =	sne.s32 s26, s13;
	v0 =	vsel vm13, v0, v63  }
.Ltmp3:
0x2f0: {  	[tilespmem:$0xE300] =	vst v0;
	(pc) =	sbr.rel @p0 .LBB2_1-.Ltmp3, $4  }
0x2f1: {  	[hbm4b:s12+s4] =	stream.linear.scatter [tilespmem:s24], [sflag:$0x3], $0x80, $0x38;
	[tilespmem:$0xE380] =	vst v63  }
0x2f2: {  	_ =	swait.ge [sflag:s25], $0x80  }
0x2f3: {  	[sflag:s25] =	ssyncset.done $0x0  }
0x2f4: {  	[sflag:s25] =	ssyncadd.s32 $0xFFFFFF80  }
0x2f5: {  	_ =	sfence.sel $0x180000  }
0x2f6: {  	[bflag:$0x0] =	sbarrier.arrive $0xFFFF  }
0x2f7: {  	_ =	strace $0x90000047  }
0x2f8: {  	s0 =	stileid.u32;
	[bflag:$0x2] =	sbarrier.arrive $0xFFFF  }
0x2f9: {  	p0 =	sne.s32 s0, $0x0;
	s0 =	rddreg [dreg:$0x3]  }
0x2fa: {  	s0 =	sadd.s32 @!p0 $0x100000, s0  }
0x2fb: {  	[sflag:s0] =	ssyncadd.tile.s32 @!p0 $0x1;
	_ =	shalt  }
.Lfunc_end2:
_tile_overlayer_lowered:
.L_overlay_start_2:
0x2fc: {  	(tag) =	ssettag $0x2  }
0x2fd: {  	s0 =	rddreg [dreg:$0x0];
	s2 =	stileid.u32  }
0x2fe: {  	s1 =	rddreg [dreg:$0x1];
	p0 =	sne.s32 s2, $0x0  }
0x2ff: {  	s3 =	rddreg [dreg:$0x2];
	[bflag:$0x3] =	sbarrier.arrive $0xFFFF;
	s2 =	simm.s32 @!p0 $0x1C03  }
0x300: {  	[timem:s3], [sflag:s2] =	dma.local @!p0 [hbm:s0], s1  }
0x301: {  	s0 =	simm.s32 @!p0 $0x3  }
0x302: {  	_ =	swait.ge @!p0 [sflag:s0], s1  }
0x303: {  	s1 =	ssub.s32 @!p0 $0x0, s1;
	[sflag:s0] =	ssyncset.done @!p0 $0x0  }
0x304: {  	[sflag:s0] =	ssyncadd.s32 @!p0 s1  }
0x305: {  	[bflag:$0x3] =	sbarrier.arrive $0xFFFF  }
0x306: {  	_ =	shalt  }

</sc_bundles>
